<compile_context>
chip_gen: v7x
topology: tpu7x:2x2x1
jax: 0.10.2.dev20260603
libtpu: 0.0.44.dev20260713+nightly
codegen_flags: <defaults>
</compile_context>

<pallas_src>
import jax
import jax.numpy as jnp
from jax import lax
from jax.experimental import pallas as pl
from jax.experimental.pallas import tpu as pltpu
from jax.experimental.pallas import tpu_sc as plsc

N = 10000
NNZ = 320000
D = 128
NC = 2
NT = 16
L = 16

NPAD = 10112
R = 10240
RT = R // NT
CW = 128
CH = 80
SB = 8
NSLAB = CH // SB
PT = CH * CW
TOT = NC * NT * PT
TOTCH = TOT // CW
NBUF = 2
CH0 = CH
CH1 = 2 * CH - CH0
NS0 = CH0 // SB
NS1 = CH1 // SB
KC = RT // 128
ZR = 16
DUMMY = N

_MESH = plsc.VectorSubcoreMesh(core_axis_name="c", subcore_axis_name="s")



def _inv(cnt):
    return jnp.where(cnt > 0.0, 1.0 / cnt, 0.0)


def _mm1_body(x_ref, w_ref, o_ref):
    o_ref[...] = jnp.dot(x_ref[...], w_ref[...],
                         preferred_element_type=jnp.float32)


def _mm1(xp, w):
    return pl.pallas_call(
        _mm1_body,
        out_shape=jax.ShapeDtypeStruct((NPAD, D), jnp.float32),
    )(xp, w)


def _combine_body(p_ref, cnt_ref, o_ref):
    scale = _inv(cnt_ref[0] + cnt_ref[1])
    o_ref[...] = scale * (p_ref[0] + p_ref[1])


def _combine(pacc, cnt2):
    return pl.pallas_call(
        _combine_body,
        out_shape=jax.ShapeDtypeStruct((NPAD, D), jnp.float32),
    )(pacc, cnt2)


def _mid_body(p_ref, cnt_ref, b_ref, w_ref, o_ref):
    scale = _inv(cnt_ref[0] + cnt_ref[1])
    h = scale * (p_ref[0] + p_ref[1]) + b_ref[...]
    h = jnp.maximum(h, 0.0)
    o_ref[...] = jnp.dot(h, w_ref[...], preferred_element_type=jnp.float32)


def _mid(pacc, cnt2, b, w):
    return pl.pallas_call(
        _mid_body,
        out_shape=jax.ShapeDtypeStruct((NPAD, D), jnp.float32),
    )(pacc, cnt2, b, w)


def _final_body(p_ref, cnt_ref, b_ref, o_ref):
    scale = _inv(cnt_ref[0] + cnt_ref[1])
    o_ref[...] = scale * (p_ref[0] + p_ref[1]) + b_ref[...]


def _final(pacc, cnt2, b):
    return pl.pallas_call(
        _final_body,
        out_shape=jax.ShapeDtypeStruct((NPAD, D), jnp.float32),
    )(pacc, cnt2, b)



@pl.kernel(
    out_type=(jax.ShapeDtypeStruct((NC, R), jnp.float32),
              jax.ShapeDtypeStruct((NC, R), jnp.float32)),
    mesh=_MESH,
    scratch_types=[
        pltpu.VMEM_SHARED((R,), jnp.float32),
        pltpu.VMEM_SHARED((R,), jnp.float32),
        pltpu.VMEM((1, SB, CW), jnp.int32),
        pltpu.VMEM((1, SB, CW), jnp.int32),
        pltpu.VMEM((CW,), jnp.float32),
        pltpu.VMEM((RT,), jnp.float32),
    ],
)
def _sc_counts(nidxh, eidxh, dcnt_h, bcnt_h,
               dcnt, bcnt, ign, ise, ones, zcnt):
    c = lax.axis_index("c")
    s = lax.axis_index("s")
    r0 = s * RT
    cb = (c * NT + s) * CH
    zf = jnp.zeros((L,), jnp.float32)
    one = jnp.ones((L,), jnp.float32)
    for q in range(CW // L):
        ones[pl.ds(q * L, L)] = one

    def zc(j, carry):
        zcnt[pl.ds(j * L, L)] = zf
        return carry
    lax.fori_loop(0, RT // L, zc, 0)
    pltpu.sync_copy(zcnt, dcnt.at[pl.ds(r0, RT)])
    pltpu.sync_copy(zcnt, bcnt.at[pl.ds(r0, RT)])
    plsc.subcore_barrier()

    def outer(q, carry):
        pltpu.sync_copy(nidxh.at[pl.ds(cb + q * SB, SB)], ign.at[0])
        pltpu.sync_copy(eidxh.at[pl.ds(cb + q * SB, SB)], ise.at[0])

        def cj(j, c2):
            pltpu.sync_copy(ones, dcnt.at[ign.at[0, j]], add=True)
            pltpu.sync_copy(ones, bcnt.at[ise.at[0, j]], add=True)
            return c2
        lax.fori_loop(0, SB, cj, 0)
        return carry
    lax.fori_loop(0, NSLAB, outer, 0)
    plsc.subcore_barrier()

    pltpu.sync_copy(dcnt.at[pl.ds(r0, RT)], dcnt_h.at[c, pl.ds(r0, RT)])
    pltpu.sync_copy(bcnt.at[pl.ds(r0, RT)], bcnt_h.at[c, pl.ds(r0, RT)])


def _make_sc_pass():
    scratch = [
        pltpu.VMEM_SHARED((R, D), jnp.float32),
        pltpu.VMEM((2, SB, CW), jnp.int32),
        pltpu.VMEM((2, SB, CW), jnp.int32),
        pltpu.VMEM((NBUF, CW, D), jnp.float32),
        pltpu.VMEM((ZR, D), jnp.float32),
        pltpu.SemaphoreType.DMA,
        pltpu.SemaphoreType.DMA,
        pltpu.SemaphoreType.DMA,
        pltpu.SemaphoreType.DMA,
        pltpu.SemaphoreType.DMA,
        pltpu.SemaphoreType.DMA,
        pltpu.SemaphoreType.DMA,
        pltpu.SemaphoreType.DMA,
        pltpu.SemaphoreType.DMA,
        pltpu.SemaphoreType.DMA,
    ]

    def body(src_h, gidxh, sidxh, out_h,
             acc, ign, ise, gring, zbuf,
             gs0, gs1, gs2, gs3, sem2, sem3, ss0, ss1, ss2, ss3):
        GS = (gs0, gs1, gs2, gs3)
        SS = (ss0, ss1, ss2, ss3)
        c = lax.axis_index("c")
        s = lax.axis_index("s")
        r0 = s * RT
        cb = (c * NT + s) * CH
        nslab = NSLAB
        zf = jnp.zeros((L,), jnp.float32)

        def zb(j, carry):
            for q in range(D // L):
                zbuf[j, pl.ds(q * L, L)] = zf
            return carry
        lax.fori_loop(0, ZR, zb, 0)

        def zero_acc(j, carry):
            pltpu.sync_copy(zbuf, acc.at[pl.ds(r0 + j * ZR, ZR)])
            return carry
        lax.fori_loop(0, RT // ZR, zero_acc, 0)
        plsc.subcore_barrier()

        pltpu.sync_copy(gidxh.at[pl.ds(cb, SB)], ign.at[0])
        pltpu.sync_copy(sidxh.at[pl.ds(cb, SB)], ise.at[0])
        pltpu.async_copy(src_h.at[ign.at[0, 0]], gring.at[0], GS[0])

        def outer(q, carry):
            pq = q % 2
            pn = (q + 1) % 2

            def step(b, j):
                bn = (b + 1) % NBUF
                gb = gring.at[b]
                gbn = gring.at[bn]
                pltpu.make_async_copy(src_h.at[ign.at[pq, j]],
                                      gb, GS[b]).wait()

                @pl.when(jnp.logical_and(j == NBUF - 1, q + 1 < nslab))
                def _():
                    pltpu.async_copy(gidxh.at[pl.ds(cb + (q + 1) * SB, SB)],
                                     ign.at[pn], sem2)
                    pltpu.async_copy(sidxh.at[pl.ds(cb + (q + 1) * SB, SB)],
                                     ise.at[pn], sem3)

                @pl.when(j + 1 < SB)
                def _():
                    @pl.when(jnp.logical_or(q > 0, j >= NBUF - 1))
                    def _():
                        pltpu.make_async_copy(
                            gbn, acc.at[ise.at[pq, j]], SS[bn]).wait()
                    pltpu.async_copy(src_h.at[ign.at[pq, j + 1]],
                                     gbn, GS[bn])

                @pl.when(jnp.logical_and(j + 1 == SB, q + 1 < nslab))
                def _():
                    pltpu.make_async_copy(
                        gbn, acc.at[ise.at[pq, j]], SS[bn]).wait()
                    pltpu.make_async_copy(
                        gidxh.at[pl.ds(cb + (q + 1) * SB, SB)],
                        ign.at[pn], sem2).wait()
                    pltpu.make_async_copy(
                        sidxh.at[pl.ds(cb + (q + 1) * SB, SB)],
                        ise.at[pn], sem3).wait()
                    pltpu.async_copy(src_h.at[ign.at[pn, 0]], gbn, GS[bn])

                pltpu.async_copy(gb, acc.at[ise.at[pq, j]], SS[b], add=True)

            def inner(j, c2):
                for b in range(NBUF):
                    @pl.when(j % NBUF == b)
                    def _(b=b):
                        step(b, j)
                return c2
            lax.fori_loop(0, SB, inner, 0)
            return carry
        lax.fori_loop(0, nslab, outer, 0)

        for b in range(NBUF):
            pltpu.make_async_copy(gring.at[b], acc.at[ise.at[0, SB - 1 - b]],
                                  SS[b]).wait()
        plsc.subcore_barrier()

        for k in range(KC):
            start = r0 + k * 128

            @pl.when(start < NPAD)
            def _():
                pltpu.sync_copy(acc.at[pl.ds(start, 128)],
                                out_h.at[c, pl.ds(start, 128)])

    return pl.kernel(
        body,
        out_type=jax.ShapeDtypeStruct((NC, NPAD, D), jnp.float32),
        mesh=_MESH,
        scratch_types=scratch,
    )


_sc_pass = _make_sc_pass()


@jax.jit
def kernel(x, edge_index, W1, b1, W2, b2):
    x = x.astype(jnp.float32)
    ei = edge_index.astype(jnp.int32)
    pad = jnp.full((TOT,), DUMMY, jnp.int32)
    nidx = pad.at[:NNZ].set(ei[0]).reshape(TOTCH, CW)
    eidx = pad.at[:NNZ].set(ei[1]).reshape(TOTCH, CW)
    xpad = jnp.zeros((NPAD, D), jnp.float32).at[:N].set(x)
    b1r = jnp.broadcast_to(b1.astype(jnp.float32), (1, D))
    b2r = jnp.broadcast_to(b2.astype(jnp.float32), (1, D))

    dcnt, bcnt = _sc_counts(nidx, eidx)
    dcnt2 = dcnt[:, :NPAD]
    bcnt2 = bcnt[:, :NPAD]
    dc = dcnt2.reshape(NC, NPAD, 1)
    bc = bcnt2.reshape(NC, NPAD, 1)

    xw1 = _mm1(xpad, W1.astype(jnp.float32))
    p1 = _sc_pass(xw1, nidx, eidx)
    ef1 = _combine(p1, bc)
    p2 = _sc_pass(ef1, eidx, nidx)
    xw2 = _mid(p2, dc, b1r, W2.astype(jnp.float32))
    p3 = _sc_pass(xw2, nidx, eidx)
    ef2 = _combine(p3, bc)
    p4 = _sc_pass(ef2, eidx, nidx)
    out = _final(p4, dc, b2r)
    return out[:N]

# --- scband reference (transcript-rebuilt; emitter-appended) ---
"""Pipeline reference for scband-hyper-gcn-15556371546534 (READ-ONLY COPY).

The authoritative reference and input builder live on the scoring server;
editing this copy changes nothing except your own understanding.
"""

import jax, jax.numpy as jnp
import numpy as np

NUM_NODES = 10000
NUM_HYPEREDGES = 10000
NUM_INCIDENCE = 320000
D_IN = 128
D_HID = 128
D_OUT = 128


def setup_inputs(seed: int = 0) -> dict:
    key = jax.random.key(seed)
    k1, k2, k3, k4, k5, k6 = jax.random.split(key, 6)
    x = jax.random.normal(k1, (NUM_NODES, D_IN), dtype=jnp.float32)
    edge_index = jax.random.randint(k2, (2, NUM_INCIDENCE), 0, NUM_HYPEREDGES, dtype=jnp.int64)
    # Glorot-ish init for the two HypergraphConv linear layers
    W1 = jax.random.normal(k3, (D_IN, D_HID), dtype=jnp.float32) / np.sqrt(D_IN)
    b1 = jnp.zeros((D_HID,), dtype=jnp.float32)
    W2 = jax.random.normal(k4, (D_HID, D_OUT), dtype=jnp.float32) / np.sqrt(D_HID)
    b2 = jnp.zeros((D_OUT,), dtype=jnp.float32)
    return {"x": x, "edge_index": edge_index, "W1": W1, "b1": b1, "W2": W2, "b2": b2}


def _hypergraph_conv(x, node_idx, edge_idx, W, b):
    # Faithful port of torch_geometric HypergraphConv (use_attention=False,
    # hyperedge_weight = ones):
    #   out = D^{-1} H W_e B^{-1} H^T (X Theta) + bias
    x = x @ W
    ones = jnp.ones(node_idx.shape[0], dtype=jnp.float32)
    D = jax.ops.segment_sum(ones, node_idx, num_segments=NUM_NODES)
    Dinv = jnp.where(D > 0, 1.0 / D, 0.0)
    B = jax.ops.segment_sum(ones, edge_idx, num_segments=NUM_HYPEREDGES)
    Binv = jnp.where(B > 0, 1.0 / B, 0.0)
    # pass 1: nodes -> hyperedges, message = B^{-1}[e] * x[v]
    m1 = Binv[edge_idx][:, None] * x[node_idx]
    edge_feat = jax.ops.segment_sum(m1, edge_idx, num_segments=NUM_HYPEREDGES)
    # pass 2: hyperedges -> nodes, message = D^{-1}[v] * edge_feat[e]
    m2 = Dinv[node_idx][:, None] * edge_feat[edge_idx]
    out = jax.ops.segment_sum(m2, node_idx, num_segments=NUM_NODES)
    return out + b


def reference(x, edge_index, W1, b1, W2, b2):
    node_idx = edge_index[0]
    edge_idx = edge_index[1]
    h = _hypergraph_conv(x, node_idx, edge_idx, W1, b1)
    h = jax.nn.relu(h)  # relu between layers (not after last)
    out = _hypergraph_conv(h, node_idx, edge_idx, W2, b2)
    return out

if __name__ == "__main__":
    import jax
    _d = setup_inputs()
    print(jax.jit(kernel)(*tuple(_d.values())))

</pallas_src>

<mosaic_0001>
#map = affine_map<(d0, d1) -> (0, 0)>
#map1 = affine_map<(d0, d1) -> (0, 0, 0)>
module attributes {stable_mosaic.version = 14 : i64} {
  func.func @body(%arg0: i32, %arg1: i32, %arg2: memref<10112x128xf32, #tpu.memory_space<hbm>>, %arg3: memref<2560x128xi32, #tpu.memory_space<hbm>>, %arg4: memref<2560x128xi32, #tpu.memory_space<hbm>>, %arg5: memref<2x10112x128xf32, #tpu.memory_space<hbm>>, %arg6: memref<10240x128xf32, #tpu.memory_space<vmem_shared>>, %arg7: memref<2x8x128xi32, #tpu.memory_space<vmem>>, %arg8: memref<2x8x128xi32, #tpu.memory_space<vmem>>, %arg9: memref<2x128x128xf32, #tpu.memory_space<vmem>>, %arg10: memref<16x128xf32, #tpu.memory_space<vmem>>, %arg11: memref<!tpu.dma_semaphore, #tpu.memory_space<semaphore_mem>>, %arg12: memref<!tpu.dma_semaphore, #tpu.memory_space<semaphore_mem>>, %arg13: memref<!tpu.dma_semaphore, #tpu.memory_space<semaphore_mem>>, %arg14: memref<!tpu.dma_semaphore, #tpu.memory_space<semaphore_mem>>, %arg15: memref<!tpu.dma_semaphore, #tpu.memory_space<semaphore_mem>>, %arg16: memref<!tpu.dma_semaphore, #tpu.memory_space<semaphore_mem>>, %arg17: memref<!tpu.dma_semaphore, #tpu.memory_space<semaphore_mem>>, %arg18: memref<!tpu.dma_semaphore, #tpu.memory_space<semaphore_mem>>, %arg19: memref<!tpu.dma_semaphore, #tpu.memory_space<semaphore_mem>>, %arg20: memref<!tpu.dma_semaphore, #tpu.memory_space<semaphore_mem>>) attributes {dimension_semantics = [#tpu.dimension_semantics<core_parallel>, #tpu.dimension_semantics<subcore_parallel>], iteration_bounds = array<i64: 2, 16>, scalar_prefetch = 0 : i64, scratch_operands = 15 : i64, tpu.core_type = #tpu.core_type<sc_vector_subcore>, window_params = [{transform_indices = #map}, {transform_indices = #map}, {transform_indices = #map}, {transform_indices = #map1}]} {
    %mul3A = arith.constant 640 : i32
    %mul3A_0 = arith.muli %arg1, %mul3A : i32
    %mul3A_1 = arith.constant 16 : i32
    %mul3A_2 = arith.muli %arg0, %mul3A_1 : i32
    %add3A = arith.addi %mul3A_2, %arg1 : i32
    %mul3A_3 = arith.constant 80 : i32
    %mul3A_4 = arith.muli %add3A, %mul3A_3 : i32
    %broadcast_in_dim3A = arith.constant 0.000000e+00 : f32
    %broadcast_in_dim3A_5 = vector.broadcast %broadcast_in_dim3A : f32 to vector<16xf32>
    %scan3A = arith.constant 0 : i32
    %scan3A_6 = arith.constant 0 : i32
    %scan3A_7 = arith.constant 16 : i32
    %scan3A_8 = arith.addi %scan3A_6, %scan3A_7 : i32
    %scan3A_9 = arith.constant 1 : i32
    scf.for %scan3A_94 = %scan3A_6 to %scan3A_8 step %scan3A_9  : i32 {
      %swap3A = arith.index_cast %scan3A_94 : i32 to index
      %swap3A_95 = arith.constant 0 : index
      %swap3A_96 = tpu.vector_load %arg10[%swap3A, %swap3A_95] {strides = array<i32>} : memref<16x128xf32, #tpu.memory_space<vmem>>, vector<1x16xf32>,
      %swap3A_97 = vector.shape_cast %swap3A_96 : vector<1x16xf32> to vector<16xf32>
      %swap3A_98 = vector.shape_cast %broadcast_in_dim3A_5 : vector<16xf32> to vector<1x16xf32>
      tpu.vector_store %arg10[%swap3A, %swap3A_95], %swap3A_98 {strides = array<i32>} : memref<16x128xf32, #tpu.memory_space<vmem>>, vector<1x16xf32>,
      %swap3A_99 = arith.index_cast %scan3A_94 : i32 to index
      %swap3A_100 = arith.constant 16 : index
      %swap3A_101 = tpu.vector_load %arg10[%swap3A_99, %swap3A_100] {strides = array<i32>} : memref<16x128xf32, #tpu.memory_space<vmem>>, vector<1x16xf32>,
      %swap3A_102 = vector.shape_cast %swap3A_101 : vector<1x16xf32> to vector<16xf32>
      %swap3A_103 = vector.shape_cast %broadcast_in_dim3A_5 : vector<16xf32> to vector<1x16xf32>
      tpu.vector_store %arg10[%swap3A_99, %swap3A_100], %swap3A_103 {strides = array<i32>} : memref<16x128xf32, #tpu.memory_space<vmem>>, vector<1x16xf32>,
      %swap3A_104 = arith.index_cast %scan3A_94 : i32 to index
      %swap3A_105 = arith.constant 32 : index
      %swap3A_106 = tpu.vector_load %arg10[%swap3A_104, %swap3A_105] {strides = array<i32>} : memref<16x128xf32, #tpu.memory_space<vmem>>, vector<1x16xf32>,
      %swap3A_107 = vector.shape_cast %swap3A_106 : vector<1x16xf32> to vector<16xf32>
      %swap3A_108 = vector.shape_cast %broadcast_in_dim3A_5 : vector<16xf32> to vector<1x16xf32>
      tpu.vector_store %arg10[%swap3A_104, %swap3A_105], %swap3A_108 {strides = array<i32>} : memref<16x128xf32, #tpu.memory_space<vmem>>, vector<1x16xf32>,
      %swap3A_109 = arith.index_cast %scan3A_94 : i32 to index
      %swap3A_110 = arith.constant 48 : index
      %swap3A_111 = tpu.vector_load %arg10[%swap3A_109, %swap3A_110] {strides = array<i32>} : memref<16x128xf32, #tpu.memory_space<vmem>>, vector<1x16xf32>,
      %swap3A_112 = vector.shape_cast %swap3A_111 : vector<1x16xf32> to vector<16xf32>
      %swap3A_113 = vector.shape_cast %broadcast_in_dim3A_5 : vector<16xf32> to vector<1x16xf32>
      tpu.vector_store %arg10[%swap3A_109, %swap3A_110], %swap3A_113 {strides = array<i32>} : memref<16x128xf32, #tpu.memory_space<vmem>>, vector<1x16xf32>,
      %swap3A_114 = arith.index_cast %scan3A_94 : i32 to index
      %swap3A_115 = arith.constant 64 : index
      %swap3A_116 = tpu.vector_load %arg10[%swap3A_114, %swap3A_115] {strides = array<i32>} : memref<16x128xf32, #tpu.memory_space<vmem>>, vector<1x16xf32>,
      %swap3A_117 = vector.shape_cast %swap3A_116 : vector<1x16xf32> to vector<16xf32>
      %swap3A_118 = vector.shape_cast %broadcast_in_dim3A_5 : vector<16xf32> to vector<1x16xf32>
      tpu.vector_store %arg10[%swap3A_114, %swap3A_115], %swap3A_118 {strides = array<i32>} : memref<16x128xf32, #tpu.memory_space<vmem>>, vector<1x16xf32>,
      %swap3A_119 = arith.index_cast %scan3A_94 : i32 to index
      %swap3A_120 = arith.constant 80 : index
      %swap3A_121 = tpu.vector_load %arg10[%swap3A_119, %swap3A_120] {strides = array<i32>} : memref<16x128xf32, #tpu.memory_space<vmem>>, vector<1x16xf32>,
      %swap3A_122 = vector.shape_cast %swap3A_121 : vector<1x16xf32> to vector<16xf32>
      %swap3A_123 = vector.shape_cast %broadcast_in_dim3A_5 : vector<16xf32> to vector<1x16xf32>
      tpu.vector_store %arg10[%swap3A_119, %swap3A_120], %swap3A_123 {strides = array<i32>} : memref<16x128xf32, #tpu.memory_space<vmem>>, vector<1x16xf32>,
      %swap3A_124 = arith.index_cast %scan3A_94 : i32 to index
      %swap3A_125 = arith.constant 96 : index
      %swap3A_126 = tpu.vector_load %arg10[%swap3A_124, %swap3A_125] {strides = array<i32>} : memref<16x128xf32, #tpu.memory_space<vmem>>, vector<1x16xf32>,
      %swap3A_127 = vector.shape_cast %swap3A_126 : vector<1x16xf32> to vector<16xf32>
      %swap3A_128 = vector.shape_cast %broadcast_in_dim3A_5 : vector<16xf32> to vector<1x16xf32>
      tpu.vector_store %arg10[%swap3A_124, %swap3A_125], %swap3A_128 {strides = array<i32>} : memref<16x128xf32, #tpu.memory_space<vmem>>, vector<1x16xf32>,
      %swap3A_129 = arith.index_cast %scan3A_94 : i32 to index
      %swap3A_130 = arith.constant 112 : index
      %swap3A_131 = tpu.vector_load %arg10[%swap3A_129, %swap3A_130] {strides = array<i32>} : memref<16x128xf32, #tpu.memory_space<vmem>>, vector<1x16xf32>,
      %swap3A_132 = vector.shape_cast %swap3A_131 : vector<1x16xf32> to vector<16xf32>
      %swap3A_133 = vector.shape_cast %broadcast_in_dim3A_5 : vector<16xf32> to vector<1x16xf32>
      tpu.vector_store %arg10[%swap3A_129, %swap3A_130], %swap3A_133 {strides = array<i32>} : memref<16x128xf32, #tpu.memory_space<vmem>>, vector<1x16xf32>,
    }
    %scan3A_10 = arith.constant 16 : i32
    %scan3A_11 = arith.constant 0 : i32
    %scan3A_12 = arith.constant 0 : i32
    %scan3A_13 = arith.constant 40 : i32
    %scan3A_14 = arith.addi %scan3A_12, %scan3A_13 : i32
    %scan3A_15 = arith.constant 1 : i32
    scf.for %scan3A_94 = %scan3A_12 to %scan3A_14 step %scan3A_15  : i32 {
      %mul3A_95 = arith.constant 16 : i32
      %mul3A_96 = arith.muli %scan3A_94, %mul3A_95 : i32
      %add3A_97 = arith.addi %mul3A_0, %mul3A_96 : i32
      "tpu.region"() ({
        %run_scoped3A_98 = tpu.sem_alloc : memref<!tpu.dma_semaphore, #tpu.memory_space<semaphore_mem>>
        %dma_start3A_99 = arith.constant 0 : i32
        %dma_start3A_100 = tpu.memref_slice %arg6[%add3A_97, %dma_start3A_99] : memref<10240x128xf32, #tpu.memory_space<vmem_shared>> -> memref<16x128xf32, #tpu.memory_space<vmem_shared>>
        %dma_start3A_101 = arith.constant 0 : i32
        %dma_start3A_102 = tpu.memref_slice %arg6[%add3A_97, %dma_start3A_101] : memref<10240x128xf32, #tpu.memory_space<vmem_shared>> -> memref<16x128xf32, #tpu.memory_space<vmem_shared>>
        tpu.enqueue_dma source(%arg10 : memref<16x128xf32, #tpu.memory_space<vmem>>) target(%dma_start3A_102 : memref<16x128xf32, #tpu.memory_space<vmem_shared>>) target_semaphore(%run_scoped3A_98 : memref<!tpu.dma_semaphore, #tpu.memory_space<semaphore_mem>>)
        %dma_wait3A_103 = arith.constant 0 : i32
        %dma_wait3A_104 = tpu.memref_slice %arg6[%add3A_97, %dma_wait3A_103] : memref<10240x128xf32, #tpu.memory_space<vmem_shared>> -> memref<16x128xf32, #tpu.memory_space<vmem_shared>>
        %dma_wait3A_105 = arith.constant 0 : i32
        %dma_wait3A_106 = tpu.memref_slice %arg6[%add3A_97, %dma_wait3A_105] : memref<10240x128xf32, #tpu.memory_space<vmem_shared>> -> memref<16x128xf32, #tpu.memory_space<vmem_shared>>
        tpu.wait_dma2 semaphore(%run_scoped3A_98 : memref<!tpu.dma_semaphore, #tpu.memory_space<semaphore_mem>>) src(%arg10 : memref<16x128xf32, #tpu.memory_space<vmem>>) dst(%dma_wait3A_106 : memref<16x128xf32, #tpu.memory_space<vmem_shared>>)
        tpu.yield
      }) : () -> ()
    }
    %scan3A_16 = arith.constant 40 : i32
    %barrier3A = arith.constant 0 : index
    tpu.barrier barrier_id(%barrier3A)
    %run_scoped3A = arith.constant 0 : i32
    "tpu.region"() ({
      %run_scoped3A_94 = tpu.sem_alloc : memref<!tpu.dma_semaphore, #tpu.memory_space<semaphore_mem>>
      %dma_start3A_95 = arith.constant 0 : i32
      %dma_start3A_96 = arith.constant 0 : i32
      %dma_start3A_97 = tpu.memref_slice %arg7[%run_scoped3A, %dma_start3A_95, %dma_start3A_96] : memref<2x8x128xi32, #tpu.memory_space<vmem>> -> memref<1x8x128xi32, #tpu.memory_space<vmem>>
      %dma_start3A_98 = tpu.memref_squeeze %dma_start3A_97 : memref<1x8x128xi32, #tpu.memory_space<vmem>> -> memref<8x128xi32, #tpu.memory_space<vmem>>
      %dma_start3A_99 = arith.constant 0 : i32
      %dma_start3A_100 = tpu.memref_slice %arg3[%mul3A_4, %dma_start3A_99] : memref<2560x128xi32, #tpu.memory_space<hbm>> -> memref<8x128xi32, #tpu.memory_space<hbm>>
      %dma_start3A_101 = arith.constant 0 : i32
      %dma_start3A_102 = arith.constant 0 : i32
      %dma_start3A_103 = tpu.memref_slice %arg7[%run_scoped3A, %dma_start3A_101, %dma_start3A_102] : memref<2x8x128xi32, #tpu.memory_space<vmem>> -> memref<1x8x128xi32, #tpu.memory_space<vmem>>
      %dma_start3A_104 = tpu.memref_squeeze %dma_start3A_103 : memref<1x8x128xi32, #tpu.memory_space<vmem>> -> memref<8x128xi32, #tpu.memory_space<vmem>>
      %dma_start3A_105 = arith.constant 0 : i32
      %dma_start3A_106 = tpu.memref_slice %arg3[%mul3A_4, %dma_start3A_105] : memref<2560x128xi32, #tpu.memory_space<hbm>> -> memref<8x128xi32, #tpu.memory_space<hbm>>
      tpu.enqueue_dma source(%dma_start3A_106 : memref<8x128xi32, #tpu.memory_space<hbm>>) target(%dma_start3A_104 : memref<8x128xi32, #tpu.memory_space<vmem>>) target_semaphore(%run_scoped3A_94 : memref<!tpu.dma_semaphore, #tpu.memory_space<semaphore_mem>>)
      %dma_wait3A_107 = arith.constant 0 : i32
      %dma_wait3A_108 = arith.constant 0 : i32
      %dma_wait3A_109 = tpu.memref_slice %arg7[%run_scoped3A, %dma_wait3A_107, %dma_wait3A_108] : memref<2x8x128xi32, #tpu.memory_space<vmem>> -> memref<1x8x128xi32, #tpu.memory_space<vmem>>
      %dma_wait3A_110 = tpu.memref_squeeze %dma_wait3A_109 : memref<1x8x128xi32, #tpu.memory_space<vmem>> -> memref<8x128xi32, #tpu.memory_space<vmem>>
      %dma_wait3A_111 = arith.constant 0 : i32
      %dma_wait3A_112 = tpu.memref_slice %arg3[%mul3A_4, %dma_wait3A_111] : memref<2560x128xi32, #tpu.memory_space<hbm>> -> memref<8x128xi32, #tpu.memory_space<hbm>>
      %dma_wait3A_113 = arith.constant 0 : i32
      %dma_wait3A_114 = arith.constant 0 : i32
      %dma_wait3A_115 = tpu.memref_slice %arg7[%run_scoped3A, %dma_wait3A_113, %dma_wait3A_114] : memref<2x8x128xi32, #tpu.memory_space<vmem>> -> memref<1x8x128xi32, #tpu.memory_space<vmem>>
      %dma_wait3A_116 = tpu.memref_squeeze %dma_wait3A_115 : memref<1x8x128xi32, #tpu.memory_space<vmem>> -> memref<8x128xi32, #tpu.memory_space<vmem>>
      %dma_wait3A_117 = arith.constant 0 : i32
      %dma_wait3A_118 = tpu.memref_slice %arg3[%mul3A_4, %dma_wait3A_117] : memref<2560x128xi32, #tpu.memory_space<hbm>> -> memref<8x128xi32, #tpu.memory_space<hbm>>
      tpu.wait_dma2 semaphore(%run_scoped3A_94 : memref<!tpu.dma_semaphore, #tpu.memory_space<semaphore_mem>>) src(%dma_wait3A_118 : memref<8x128xi32, #tpu.memory_space<hbm>>) dst(%dma_wait3A_116 : memref<8x128xi32, #tpu.memory_space<vmem>>)
      tpu.yield
    }) : () -> ()
    %run_scoped3A_17 = arith.constant 0 : i32
    "tpu.region"() ({
      %run_scoped3A_94 = tpu.sem_alloc : memref<!tpu.dma_semaphore, #tpu.memory_space<semaphore_mem>>
      %dma_start3A_95 = arith.constant 0 : i32
      %dma_start3A_96 = arith.constant 0 : i32
      %dma_start3A_97 = tpu.memref_slice %arg8[%run_scoped3A_17, %dma_start3A_95, %dma_start3A_96] : memref<2x8x128xi32, #tpu.memory_space<vmem>> -> memref<1x8x128xi32, #tpu.memory_space<vmem>>
      %dma_start3A_98 = tpu.memref_squeeze %dma_start3A_97 : memref<1x8x128xi32, #tpu.memory_space<vmem>> -> memref<8x128xi32, #tpu.memory_space<vmem>>
      %dma_start3A_99 = arith.constant 0 : i32
      %dma_start3A_100 = tpu.memref_slice %arg4[%mul3A_4, %dma_start3A_99] : memref<2560x128xi32, #tpu.memory_space<hbm>> -> memref<8x128xi32, #tpu.memory_space<hbm>>
      %dma_start3A_101 = arith.constant 0 : i32
      %dma_start3A_102 = arith.constant 0 : i32
      %dma_start3A_103 = tpu.memref_slice %arg8[%run_scoped3A_17, %dma_start3A_101, %dma_start3A_102] : memref<2x8x128xi32, #tpu.memory_space<vmem>> -> memref<1x8x128xi32, #tpu.memory_space<vmem>>
      %dma_start3A_104 = tpu.memref_squeeze %dma_start3A_103 : memref<1x8x128xi32, #tpu.memory_space<vmem>> -> memref<8x128xi32, #tpu.memory_space<vmem>>
      %dma_start3A_105 = arith.constant 0 : i32
      %dma_start3A_106 = tpu.memref_slice %arg4[%mul3A_4, %dma_start3A_105] : memref<2560x128xi32, #tpu.memory_space<hbm>> -> memref<8x128xi32, #tpu.memory_space<hbm>>
      tpu.enqueue_dma source(%dma_start3A_106 : memref<8x128xi32, #tpu.memory_space<hbm>>) target(%dma_start3A_104 : memref<8x128xi32, #tpu.memory_space<vmem>>) target_semaphore(%run_scoped3A_94 : memref<!tpu.dma_semaphore, #tpu.memory_space<semaphore_mem>>)
      %dma_wait3A_107 = arith.constant 0 : i32
      %dma_wait3A_108 = arith.constant 0 : i32
      %dma_wait3A_109 = tpu.memref_slice %arg8[%run_scoped3A_17, %dma_wait3A_107, %dma_wait3A_108] : memref<2x8x128xi32, #tpu.memory_space<vmem>> -> memref<1x8x128xi32, #tpu.memory_space<vmem>>
      %dma_wait3A_110 = tpu.memref_squeeze %dma_wait3A_109 : memref<1x8x128xi32, #tpu.memory_space<vmem>> -> memref<8x128xi32, #tpu.memory_space<vmem>>
      %dma_wait3A_111 = arith.constant 0 : i32
      %dma_wait3A_112 = tpu.memref_slice %arg4[%mul3A_4, %dma_wait3A_111] : memref<2560x128xi32, #tpu.memory_space<hbm>> -> memref<8x128xi32, #tpu.memory_space<hbm>>
      %dma_wait3A_113 = arith.constant 0 : i32
      %dma_wait3A_114 = arith.constant 0 : i32
      %dma_wait3A_115 = tpu.memref_slice %arg8[%run_scoped3A_17, %dma_wait3A_113, %dma_wait3A_114] : memref<2x8x128xi32, #tpu.memory_space<vmem>> -> memref<1x8x128xi32, #tpu.memory_space<vmem>>
      %dma_wait3A_116 = tpu.memref_squeeze %dma_wait3A_115 : memref<1x8x128xi32, #tpu.memory_space<vmem>> -> memref<8x128xi32, #tpu.memory_space<vmem>>
      %dma_wait3A_117 = arith.constant 0 : i32
      %dma_wait3A_118 = tpu.memref_slice %arg4[%mul3A_4, %dma_wait3A_117] : memref<2560x128xi32, #tpu.memory_space<hbm>> -> memref<8x128xi32, #tpu.memory_space<hbm>>
      tpu.wait_dma2 semaphore(%run_scoped3A_94 : memref<!tpu.dma_semaphore, #tpu.memory_space<semaphore_mem>>) src(%dma_wait3A_118 : memref<8x128xi32, #tpu.memory_space<hbm>>) dst(%dma_wait3A_116 : memref<8x128xi32, #tpu.memory_space<vmem>>)
      tpu.yield
    }) : () -> ()
    %dma_start3A = arith.constant 0 : i32
    %dma_start3A_18 = arith.constant 0 : i32
    %dma_start3A_19 = arith.constant 0 : i32
    %dma_start3A_20 = arith.constant 0 : i32
    %dma_start3A_21 = arith.constant 0 : i32
    %dma_start3A_22 = tpu.memref_slice %arg9[%dma_start3A_19, %dma_start3A_20, %dma_start3A_21] : memref<2x128x128xf32, #tpu.memory_space<vmem>> -> memref<1x128x128xf32, #tpu.memory_space<vmem>>
    %dma_start3A_23 = tpu.memref_squeeze %dma_start3A_22 : memref<1x128x128xf32, #tpu.memory_space<vmem>> -> memref<128x128xf32, #tpu.memory_space<vmem>>
    %dma_start3A_24 = arith.constant 0 : i32
    %dma_start3A_25 = tpu.memref_slice %arg7[%dma_start3A, %dma_start3A_18, %dma_start3A_24] : memref<2x8x128xi32, #tpu.memory_space<vmem>> -> memref<1x1x128xi32, #tpu.memory_space<vmem>>
    %dma_start3A_26 = tpu.memref_squeeze %dma_start3A_25 : memref<1x1x128xi32, #tpu.memory_space<vmem>> -> memref<128xi32, #tpu.memory_space<vmem>>
    %dma_start3A_27 = arith.constant 0 : i32
    %dma_start3A_28 = arith.constant 0 : i32
    %dma_start3A_29 = tpu.memref_slice %arg2[%dma_start3A_27, %dma_start3A_28] : memref<10112x128xf32, #tpu.memory_space<hbm>> -> memref<10112x128xf32, #tpu.memory_space<hbm>>
    tpu.enqueue_indirect_dma source(%dma_start3A_29 : memref<10112x128xf32, #tpu.memory_space<hbm>>) target(%dma_start3A_23 : memref<128x128xf32, #tpu.memory_space<vmem>>) offsets(%dma_start3A_26 : memref<128xi32, #tpu.memory_space<vmem>>) semaphore(%arg11 : memref<!tpu.dma_semaphore, #tpu.memory_space<semaphore_mem>>)
    %scan3A_30 = arith.constant 0 : i32
    %scan3A_31 = arith.constant 0 : i32
    %scan3A_32 = arith.constant 10 : i32
    %scan3A_33 = arith.addi %scan3A_31, %scan3A_32 : i32
    %scan3A_34 = arith.constant 1 : i32
    scf.for %scan3A_94 = %scan3A_31 to %scan3A_33 step %scan3A_34  : i32 {
      %jit3A = arith.constant 2 : i32
      %eq3A = arith.constant 0 : i32
      %eq3A_95 = arith.cmpi eq, %jit3A, %eq3A : i32
      %jit3A_96 = arith.constant 1 : i32
      %select_n3A = arith.select %eq3A_95, %jit3A_96, %jit3A : i32
      %rem3A = arith.remsi %scan3A_94, %select_n3A : i32
      %ne3A = arith.constant 0 : i32
      %ne3A_97 = arith.cmpi ne, %rem3A, %ne3A : i32
      %lt3A_98 = arith.constant 0 : i32
      %lt3A_99 = arith.cmpi slt, %rem3A, %lt3A_98 : i32
      %lt3A_100 = arith.constant 0 : i32
      %lt3A_101 = arith.cmpi slt, %select_n3A, %lt3A_100 : i32
      %ne3A_102 = arith.xori %lt3A_99, %lt3A_101 : i1
      %and3A = arith.andi %ne3A_102, %ne3A_97 : i1
      %add3A_103 = arith.addi %rem3A, %select_n3A : i32
      %select_n3A_104 = arith.select %and3A, %add3A_103, %rem3A : i32
      %add3A_105 = arith.constant 1 : i32
      %add3A_106 = arith.addi %scan3A_94, %add3A_105 : i32
      %jit3A_107 = arith.constant 2 : i32
      %eq3A_108 = arith.constant 0 : i32
      %eq3A_109 = arith.cmpi eq, %jit3A_107, %eq3A_108 : i32
      %jit3A_110 = arith.constant 1 : i32
      %select_n3A_111 = arith.select %eq3A_109, %jit3A_110, %jit3A_107 : i32
      %rem3A_112 = arith.remsi %add3A_106, %select_n3A_111 : i32
      %ne3A_113 = arith.constant 0 : i32
      %ne3A_114 = arith.cmpi ne, %rem3A_112, %ne3A_113 : i32
      %lt3A_115 = arith.constant 0 : i32
      %lt3A_116 = arith.cmpi slt, %rem3A_112, %lt3A_115 : i32
      %lt3A_117 = arith.constant 0 : i32
      %lt3A_118 = arith.cmpi slt, %select_n3A_111, %lt3A_117 : i32
      %ne3A_119 = arith.xori %lt3A_116, %lt3A_118 : i1
      %and3A_120 = arith.andi %ne3A_119, %ne3A_114 : i1
      %add3A_121 = arith.addi %rem3A_112, %select_n3A_111 : i32
      %select_n3A_122 = arith.select %and3A_120, %add3A_121, %rem3A_112 : i32
      %scan3A_123 = arith.constant 0 : i32
      %scan3A_124 = arith.constant 0 : i32
      %scan3A_125 = arith.constant 8 : i32
      %scan3A_126 = arith.addi %scan3A_124, %scan3A_125 : i32
      %scan3A_127 = arith.constant 1 : i32
      scf.for %scan3A_129 = %scan3A_124 to %scan3A_126 step %scan3A_127  : i32 {
        %jit3A_130 = arith.constant 2 : i32
        %eq3A_131 = arith.constant 0 : i32
        %eq3A_132 = arith.cmpi eq, %jit3A_130, %eq3A_131 : i32
        %jit3A_133 = arith.constant 1 : i32
        %select_n3A_134 = arith.select %eq3A_132, %jit3A_133, %jit3A_130 : i32
        %rem3A_135 = arith.remsi %scan3A_129, %select_n3A_134 : i32
        %ne3A_136 = arith.constant 0 : i32
        %ne3A_137 = arith.cmpi ne, %rem3A_135, %ne3A_136 : i32
        %lt3A_138 = arith.constant 0 : i32
        %lt3A_139 = arith.cmpi slt, %rem3A_135, %lt3A_138 : i32
        %lt3A_140 = arith.constant 0 : i32
        %lt3A_141 = arith.cmpi slt, %select_n3A_134, %lt3A_140 : i32
        %ne3A_142 = arith.xori %lt3A_139, %lt3A_141 : i1
        %and3A_143 = arith.andi %ne3A_142, %ne3A_137 : i1
        %add3A_144 = arith.addi %rem3A_135, %select_n3A_134 : i32
        %select_n3A_145 = arith.select %and3A_143, %add3A_144, %rem3A_135 : i32
        %eq3A_146 = arith.constant 0 : i32
        %eq3A_147 = arith.cmpi eq, %select_n3A_145, %eq3A_146 : i32
        %convert_element_type3A_148 = arith.extui %eq3A_147 : i1 to i32
        %cond3A_149 = arith.constant 0 : i32
        %cond3A_150 = arith.cmpi ne, %convert_element_type3A_148, %cond3A_149 : i32
        scf.if %cond3A_150 {
          %dma_wait3A_172 = arith.constant 0 : i32
          %dma_wait3A_173 = arith.constant 0 : i32
          %dma_wait3A_174 = arith.constant 0 : i32
          %dma_wait3A_175 = tpu.memref_slice %arg9[%dma_wait3A_172, %dma_wait3A_173, %dma_wait3A_174] : memref<2x128x128xf32, #tpu.memory_space<vmem>> -> memref<1x128x128xf32, #tpu.memory_space<vmem>>
          %dma_wait3A_176 = tpu.memref_squeeze %dma_wait3A_175 : memref<1x128x128xf32, #tpu.memory_space<vmem>> -> memref<128x128xf32, #tpu.memory_space<vmem>>
          %dma_wait3A_177 = arith.constant 0 : i32
          %dma_wait3A_178 = tpu.memref_slice %arg7[%select_n3A_104, %scan3A_129, %dma_wait3A_177] : memref<2x8x128xi32, #tpu.memory_space<vmem>> -> memref<1x1x128xi32, #tpu.memory_space<vmem>>
          %dma_wait3A_179 = tpu.memref_squeeze %dma_wait3A_178 : memref<1x1x128xi32, #tpu.memory_space<vmem>> -> memref<128xi32, #tpu.memory_space<vmem>>
          %dma_wait3A_180 = arith.constant 0 : i32
          %dma_wait3A_181 = arith.constant 0 : i32
          %dma_wait3A_182 = tpu.memref_slice %arg2[%dma_wait3A_180, %dma_wait3A_181] : memref<10112x128xf32, #tpu.memory_space<hbm>> -> memref<10112x128xf32, #tpu.memory_space<hbm>>
          tpu.wait_indirect_dma semaphore(%arg11 : memref<!tpu.dma_semaphore, #tpu.memory_space<semaphore_mem>>) src(%dma_wait3A_182 : memref<10112x128xf32, #tpu.memory_space<hbm>>) dst(%dma_wait3A_176 : memref<128x128xf32, #tpu.memory_space<vmem>>)
          %eq3A_183 = arith.constant 1 : i32
          %eq3A_184 = arith.cmpi eq, %scan3A_129, %eq3A_183 : i32
          %add3A_185 = arith.constant 1 : i32
          %add3A_186 = arith.addi %scan3A_94, %add3A_185 : i32
          %lt3A_187 = arith.constant 10 : i32
          %lt3A_188 = arith.cmpi slt, %add3A_186, %lt3A_187 : i32
          %and3A_189 = arith.andi %eq3A_184, %lt3A_188 : i1
          %convert_element_type3A_190 = arith.extui %and3A_189 : i1 to i32
          %cond3A_191 = arith.constant 0 : i32
          %cond3A_192 = arith.cmpi ne, %convert_element_type3A_190, %cond3A_191 : i32
          scf.if %cond3A_192 {
            %add3A_225 = arith.constant 1 : i32
            %add3A_226 = arith.addi %scan3A_94, %add3A_225 : i32
            %mul3A_227 = arith.constant 8 : i32
            %mul3A_228 = arith.muli %add3A_226, %mul3A_227 : i32
            %add3A_229 = arith.addi %mul3A_4, %mul3A_228 : i32
            %dma_start3A_230 = arith.constant 0 : i32
            %dma_start3A_231 = arith.constant 0 : i32
            %dma_start3A_232 = tpu.memref_slice %arg7[%select_n3A_122, %dma_start3A_230, %dma_start3A_231] : memref<2x8x128xi32, #tpu.memory_space<vmem>> -> memref<1x8x128xi32, #tpu.memory_space<vmem>>
            %dma_start3A_233 = tpu.memref_squeeze %dma_start3A_232 : memref<1x8x128xi32, #tpu.memory_space<vmem>> -> memref<8x128xi32, #tpu.memory_space<vmem>>
            %dma_start3A_234 = arith.constant 0 : i32
            %dma_start3A_235 = tpu.memref_slice %arg3[%add3A_229, %dma_start3A_234] : memref<2560x128xi32, #tpu.memory_space<hbm>> -> memref<8x128xi32, #tpu.memory_space<hbm>>
            %dma_start3A_236 = arith.constant 0 : i32
            %dma_start3A_237 = arith.constant 0 : i32
            %dma_start3A_238 = tpu.memref_slice %arg7[%select_n3A_122, %dma_start3A_236, %dma_start3A_237] : memref<2x8x128xi32, #tpu.memory_space<vmem>> -> memref<1x8x128xi32, #tpu.memory_space<vmem>>
            %dma_start3A_239 = tpu.memref_squeeze %dma_start3A_238 : memref<1x8x128xi32, #tpu.memory_space<vmem>> -> memref<8x128xi32, #tpu.memory_space<vmem>>
            %dma_start3A_240 = arith.constant 0 : i32
            %dma_start3A_241 = tpu.memref_slice %arg3[%add3A_229, %dma_start3A_240] : memref<2560x128xi32, #tpu.memory_space<hbm>> -> memref<8x128xi32, #tpu.memory_space<hbm>>
            tpu.enqueue_dma source(%dma_start3A_241 : memref<8x128xi32, #tpu.memory_space<hbm>>) target(%dma_start3A_239 : memref<8x128xi32, #tpu.memory_space<vmem>>) target_semaphore(%arg15 : memref<!tpu.dma_semaphore, #tpu.memory_space<semaphore_mem>>)
            %add3A_242 = arith.constant 1 : i32
            %add3A_243 = arith.addi %scan3A_94, %add3A_242 : i32
            %mul3A_244 = arith.constant 8 : i32
            %mul3A_245 = arith.muli %add3A_243, %mul3A_244 : i32
            %add3A_246 = arith.addi %mul3A_4, %mul3A_245 : i32
            %dma_start3A_247 = arith.constant 0 : i32
            %dma_start3A_248 = arith.constant 0 : i32
            %dma_start3A_249 = tpu.memref_slice %arg8[%select_n3A_122, %dma_start3A_247, %dma_start3A_248] : memref<2x8x128xi32, #tpu.memory_space<vmem>> -> memref<1x8x128xi32, #tpu.memory_space<vmem>>
            %dma_start3A_250 = tpu.memref_squeeze %dma_start3A_249 : memref<1x8x128xi32, #tpu.memory_space<vmem>> -> memref<8x128xi32, #tpu.memory_space<vmem>>
            %dma_start3A_251 = arith.constant 0 : i32
            %dma_start3A_252 = tpu.memref_slice %arg4[%add3A_246, %dma_start3A_251] : memref<2560x128xi32, #tpu.memory_space<hbm>> -> memref<8x128xi32, #tpu.memory_space<hbm>>
            %dma_start3A_253 = arith.constant 0 : i32
            %dma_start3A_254 = arith.constant 0 : i32
            %dma_start3A_255 = tpu.memref_slice %arg8[%select_n3A_122, %dma_start3A_253, %dma_start3A_254] : memref<2x8x128xi32, #tpu.memory_space<vmem>> -> memref<1x8x128xi32, #tpu.memory_space<vmem>>
            %dma_start3A_256 = tpu.memref_squeeze %dma_start3A_255 : memref<1x8x128xi32, #tpu.memory_space<vmem>> -> memref<8x128xi32, #tpu.memory_space<vmem>>
            %dma_start3A_257 = arith.constant 0 : i32
            %dma_start3A_258 = tpu.memref_slice %arg4[%add3A_246, %dma_start3A_257] : memref<2560x128xi32, #tpu.memory_space<hbm>> -> memref<8x128xi32, #tpu.memory_space<hbm>>
            tpu.enqueue_dma source(%dma_start3A_258 : memref<8x128xi32, #tpu.memory_space<hbm>>) target(%dma_start3A_256 : memref<8x128xi32, #tpu.memory_space<vmem>>) target_semaphore(%arg16 : memref<!tpu.dma_semaphore, #tpu.memory_space<semaphore_mem>>)
          } else {
          }
          %add3A_193 = arith.constant 1 : i32
          %add3A_194 = arith.addi %scan3A_129, %add3A_193 : i32
          %lt3A_195 = arith.constant 8 : i32
          %lt3A_196 = arith.cmpi slt, %add3A_194, %lt3A_195 : i32
          %convert_element_type3A_197 = arith.extui %lt3A_196 : i1 to i32
          %cond3A_198 = arith.constant 1 : i32
          %cond3A_199 = arith.constant 0 : i32
          %cond3A_200 = arith.cmpi ne, %convert_element_type3A_197, %cond3A_199 : i32
          scf.if %cond3A_200 {
            %gt3A = arith.constant 0 : i32
            %gt3A_225 = arith.cmpi sgt, %scan3A_94, %gt3A : i32
            %ge3A = arith.constant 1 : i32
            %ge3A_226 = arith.cmpi sge, %scan3A_129, %ge3A : i32
            %or3A = arith.ori %gt3A_225, %ge3A_226 : i1
            %convert_element_type3A_227 = arith.extui %or3A : i1 to i32
            %cond3A_228 = arith.constant 0 : i32
            %cond3A_229 = arith.cmpi ne, %convert_element_type3A_227, %cond3A_228 : i32
            scf.if %cond3A_229 {
              %dma_wait3A_242 = arith.constant 0 : i32
              %dma_wait3A_243 = arith.constant 0 : i32
              %dma_wait3A_244 = tpu.memref_slice %arg9[%cond3A_198, %dma_wait3A_242, %dma_wait3A_243] : memref<2x128x128xf32, #tpu.memory_space<vmem>> -> memref<1x128x128xf32, #tpu.memory_space<vmem>>
              %dma_wait3A_245 = tpu.memref_squeeze %dma_wait3A_244 : memref<1x128x128xf32, #tpu.memory_space<vmem>> -> memref<128x128xf32, #tpu.memory_space<vmem>>
              %dma_wait3A_246 = arith.constant 0 : i32
              %dma_wait3A_247 = tpu.memref_slice %arg8[%select_n3A_104, %scan3A_129, %dma_wait3A_246] : memref<2x8x128xi32, #tpu.memory_space<vmem>> -> memref<1x1x128xi32, #tpu.memory_space<vmem>>
              %dma_wait3A_248 = tpu.memref_squeeze %dma_wait3A_247 : memref<1x1x128xi32, #tpu.memory_space<vmem>> -> memref<128xi32, #tpu.memory_space<vmem>>
              %dma_wait3A_249 = arith.constant 0 : i32
              %dma_wait3A_250 = arith.constant 0 : i32
              %dma_wait3A_251 = tpu.memref_slice %arg6[%dma_wait3A_249, %dma_wait3A_250] : memref<10240x128xf32, #tpu.memory_space<vmem_shared>> -> memref<10240x128xf32, #tpu.memory_space<vmem_shared>>
              tpu.wait_indirect_dma semaphore(%arg18 : memref<!tpu.dma_semaphore, #tpu.memory_space<semaphore_mem>>) src(%dma_wait3A_245 : memref<128x128xf32, #tpu.memory_space<vmem>>) dst(%dma_wait3A_251 : memref<10240x128xf32, #tpu.memory_space<vmem_shared>>)
            } else {
            }
            %add3A_230 = arith.constant 1 : i32
            %add3A_231 = arith.addi %scan3A_129, %add3A_230 : i32
            %dma_start3A_232 = arith.constant 0 : i32
            %dma_start3A_233 = arith.constant 0 : i32
            %dma_start3A_234 = tpu.memref_slice %arg9[%cond3A_198, %dma_start3A_232, %dma_start3A_233] : memref<2x128x128xf32, #tpu.memory_space<vmem>> -> memref<1x128x128xf32, #tpu.memory_space<vmem>>
            %dma_start3A_235 = tpu.memref_squeeze %dma_start3A_234 : memref<1x128x128xf32, #tpu.memory_space<vmem>> -> memref<128x128xf32, #tpu.memory_space<vmem>>
            %dma_start3A_236 = arith.constant 0 : i32
            %dma_start3A_237 = tpu.memref_slice %arg7[%select_n3A_104, %add3A_231, %dma_start3A_236] : memref<2x8x128xi32, #tpu.memory_space<vmem>> -> memref<1x1x128xi32, #tpu.memory_space<vmem>>
            %dma_start3A_238 = tpu.memref_squeeze %dma_start3A_237 : memref<1x1x128xi32, #tpu.memory_space<vmem>> -> memref<128xi32, #tpu.memory_space<vmem>>
            %dma_start3A_239 = arith.constant 0 : i32
            %dma_start3A_240 = arith.constant 0 : i32
            %dma_start3A_241 = tpu.memref_slice %arg2[%dma_start3A_239, %dma_start3A_240] : memref<10112x128xf32, #tpu.memory_space<hbm>> -> memref<10112x128xf32, #tpu.memory_space<hbm>>
            tpu.enqueue_indirect_dma source(%dma_start3A_241 : memref<10112x128xf32, #tpu.memory_space<hbm>>) target(%dma_start3A_235 : memref<128x128xf32, #tpu.memory_space<vmem>>) offsets(%dma_start3A_238 : memref<128xi32, #tpu.memory_space<vmem>>) semaphore(%arg12 : memref<!tpu.dma_semaphore, #tpu.memory_space<semaphore_mem>>)
          } else {
          }
          %add3A_201 = arith.constant 1 : i32
          %add3A_202 = arith.addi %scan3A_129, %add3A_201 : i32
          %eq3A_203 = arith.constant 8 : i32
          %eq3A_204 = arith.cmpi eq, %add3A_202, %eq3A_203 : i32
          %add3A_205 = arith.constant 1 : i32
          %add3A_206 = arith.addi %scan3A_94, %add3A_205 : i32
          %lt3A_207 = arith.constant 10 : i32
          %lt3A_208 = arith.cmpi slt, %add3A_206, %lt3A_207 : i32
          %and3A_209 = arith.andi %eq3A_204, %lt3A_208 : i1
          %convert_element_type3A_210 = arith.extui %and3A_209 : i1 to i32
          %cond3A_211 = arith.constant 1 : i32
          %cond3A_212 = arith.constant 0 : i32
          %cond3A_213 = arith.cmpi ne, %convert_element_type3A_210, %cond3A_212 : i32
          scf.if %cond3A_213 {
            %dma_wait3A_225 = arith.constant 0 : i32
            %dma_wait3A_226 = arith.constant 0 : i32
            %dma_wait3A_227 = tpu.memref_slice %arg9[%cond3A_211, %dma_wait3A_225, %dma_wait3A_226] : memref<2x128x128xf32, #tpu.memory_space<vmem>> -> memref<1x128x128xf32, #tpu.memory_space<vmem>>
            %dma_wait3A_228 = tpu.memref_squeeze %dma_wait3A_227 : memref<1x128x128xf32, #tpu.memory_space<vmem>> -> memref<128x128xf32, #tpu.memory_space<vmem>>
            %dma_wait3A_229 = arith.constant 0 : i32
            %dma_wait3A_230 = tpu.memref_slice %arg8[%select_n3A_104, %scan3A_129, %dma_wait3A_229] : memref<2x8x128xi32, #tpu.memory_space<vmem>> -> memref<1x1x128xi32, #tpu.memory_space<vmem>>
            %dma_wait3A_231 = tpu.memref_squeeze %dma_wait3A_230 : memref<1x1x128xi32, #tpu.memory_space<vmem>> -> memref<128xi32, #tpu.memory_space<vmem>>
            %dma_wait3A_232 = arith.constant 0 : i32
            %dma_wait3A_233 = arith.constant 0 : i32
            %dma_wait3A_234 = tpu.memref_slice %arg6[%dma_wait3A_232, %dma_wait3A_233] : memref<10240x128xf32, #tpu.memory_space<vmem_shared>> -> memref<10240x128xf32, #tpu.memory_space<vmem_shared>>
            tpu.wait_indirect_dma semaphore(%arg18 : memref<!tpu.dma_semaphore, #tpu.memory_space<semaphore_mem>>) src(%dma_wait3A_228 : memref<128x128xf32, #tpu.memory_space<vmem>>) dst(%dma_wait3A_234 : memref<10240x128xf32, #tpu.memory_space<vmem_shared>>)
            %add3A_235 = arith.constant 1 : i32
            %add3A_236 = arith.addi %scan3A_94, %add3A_235 : i32
            %mul3A_237 = arith.constant 8 : i32
            %mul3A_238 = arith.muli %add3A_236, %mul3A_237 : i32
            %add3A_239 = arith.addi %mul3A_4, %mul3A_238 : i32
            %dma_wait3A_240 = arith.constant 0 : i32
            %dma_wait3A_241 = arith.constant 0 : i32
            %dma_wait3A_242 = tpu.memref_slice %arg7[%select_n3A_122, %dma_wait3A_240, %dma_wait3A_241] : memref<2x8x128xi32, #tpu.memory_space<vmem>> -> memref<1x8x128xi32, #tpu.memory_space<vmem>>
            %dma_wait3A_243 = tpu.memref_squeeze %dma_wait3A_242 : memref<1x8x128xi32, #tpu.memory_space<vmem>> -> memref<8x128xi32, #tpu.memory_space<vmem>>
            %dma_wait3A_244 = arith.constant 0 : i32
            %dma_wait3A_245 = tpu.memref_slice %arg3[%add3A_239, %dma_wait3A_244] : memref<2560x128xi32, #tpu.memory_space<hbm>> -> memref<8x128xi32, #tpu.memory_space<hbm>>
            %dma_wait3A_246 = arith.constant 0 : i32
            %dma_wait3A_247 = arith.constant 0 : i32
            %dma_wait3A_248 = tpu.memref_slice %arg7[%select_n3A_122, %dma_wait3A_246, %dma_wait3A_247] : memref<2x8x128xi32, #tpu.memory_space<vmem>> -> memref<1x8x128xi32, #tpu.memory_space<vmem>>
            %dma_wait3A_249 = tpu.memref_squeeze %dma_wait3A_248 : memref<1x8x128xi32, #tpu.memory_space<vmem>> -> memref<8x128xi32, #tpu.memory_space<vmem>>
            %dma_wait3A_250 = arith.constant 0 : i32
            %dma_wait3A_251 = tpu.memref_slice %arg3[%add3A_239, %dma_wait3A_250] : memref<2560x128xi32, #tpu.memory_space<hbm>> -> memref<8x128xi32, #tpu.memory_space<hbm>>
            tpu.wait_dma2 semaphore(%arg15 : memref<!tpu.dma_semaphore, #tpu.memory_space<semaphore_mem>>) src(%dma_wait3A_251 : memref<8x128xi32, #tpu.memory_space<hbm>>) dst(%dma_wait3A_249 : memref<8x128xi32, #tpu.memory_space<vmem>>)
            %add3A_252 = arith.constant 1 : i32
            %add3A_253 = arith.addi %scan3A_94, %add3A_252 : i32
            %mul3A_254 = arith.constant 8 : i32
            %mul3A_255 = arith.muli %add3A_253, %mul3A_254 : i32
            %add3A_256 = arith.addi %mul3A_4, %mul3A_255 : i32
            %dma_wait3A_257 = arith.constant 0 : i32
            %dma_wait3A_258 = arith.constant 0 : i32
            %dma_wait3A_259 = tpu.memref_slice %arg8[%select_n3A_122, %dma_wait3A_257, %dma_wait3A_258] : memref<2x8x128xi32, #tpu.memory_space<vmem>> -> memref<1x8x128xi32, #tpu.memory_space<vmem>>
            %dma_wait3A_260 = tpu.memref_squeeze %dma_wait3A_259 : memref<1x8x128xi32, #tpu.memory_space<vmem>> -> memref<8x128xi32, #tpu.memory_space<vmem>>
            %dma_wait3A_261 = arith.constant 0 : i32
            %dma_wait3A_262 = tpu.memref_slice %arg4[%add3A_256, %dma_wait3A_261] : memref<2560x128xi32, #tpu.memory_space<hbm>> -> memref<8x128xi32, #tpu.memory_space<hbm>>
            %dma_wait3A_263 = arith.constant 0 : i32
            %dma_wait3A_264 = arith.constant 0 : i32
            %dma_wait3A_265 = tpu.memref_slice %arg8[%select_n3A_122, %dma_wait3A_263, %dma_wait3A_264] : memref<2x8x128xi32, #tpu.memory_space<vmem>> -> memref<1x8x128xi32, #tpu.memory_space<vmem>>
            %dma_wait3A_266 = tpu.memref_squeeze %dma_wait3A_265 : memref<1x8x128xi32, #tpu.memory_space<vmem>> -> memref<8x128xi32, #tpu.memory_space<vmem>>
            %dma_wait3A_267 = arith.constant 0 : i32
            %dma_wait3A_268 = tpu.memref_slice %arg4[%add3A_256, %dma_wait3A_267] : memref<2560x128xi32, #tpu.memory_space<hbm>> -> memref<8x128xi32, #tpu.memory_space<hbm>>
            tpu.wait_dma2 semaphore(%arg16 : memref<!tpu.dma_semaphore, #tpu.memory_space<semaphore_mem>>) src(%dma_wait3A_268 : memref<8x128xi32, #tpu.memory_space<hbm>>) dst(%dma_wait3A_266 : memref<8x128xi32, #tpu.memory_space<vmem>>)
            %dma_start3A_269 = arith.constant 0 : i32
            %dma_start3A_270 = arith.constant 0 : i32
            %dma_start3A_271 = arith.constant 0 : i32
            %dma_start3A_272 = tpu.memref_slice %arg9[%cond3A_211, %dma_start3A_270, %dma_start3A_271] : memref<2x128x128xf32, #tpu.memory_space<vmem>> -> memref<1x128x128xf32, #tpu.memory_space<vmem>>
            %dma_start3A_273 = tpu.memref_squeeze %dma_start3A_272 : memref<1x128x128xf32, #tpu.memory_space<vmem>> -> memref<128x128xf32, #tpu.memory_space<vmem>>
            %dma_start3A_274 = arith.constant 0 : i32
            %dma_start3A_275 = tpu.memref_slice %arg7[%select_n3A_122, %dma_start3A_269, %dma_start3A_274] : memref<2x8x128xi32, #tpu.memory_space<vmem>> -> memref<1x1x128xi32, #tpu.memory_space<vmem>>
            %dma_start3A_276 = tpu.memref_squeeze %dma_start3A_275 : memref<1x1x128xi32, #tpu.memory_space<vmem>> -> memref<128xi32, #tpu.memory_space<vmem>>
            %dma_start3A_277 = arith.constant 0 : i32
            %dma_start3A_278 = arith.constant 0 : i32
            %dma_start3A_279 = tpu.memref_slice %arg2[%dma_start3A_277, %dma_start3A_278] : memref<10112x128xf32, #tpu.memory_space<hbm>> -> memref<10112x128xf32, #tpu.memory_space<hbm>>
            tpu.enqueue_indirect_dma source(%dma_start3A_279 : memref<10112x128xf32, #tpu.memory_space<hbm>>) target(%dma_start3A_273 : memref<128x128xf32, #tpu.memory_space<vmem>>) offsets(%dma_start3A_276 : memref<128xi32, #tpu.memory_space<vmem>>) semaphore(%arg12 : memref<!tpu.dma_semaphore, #tpu.memory_space<semaphore_mem>>)
          } else {
          }
          %dma_start3A_214 = arith.constant 0 : i32
          %dma_start3A_215 = arith.constant 0 : i32
          %dma_start3A_216 = arith.constant 0 : i32
          %dma_start3A_217 = tpu.memref_slice %arg9[%dma_start3A_214, %dma_start3A_215, %dma_start3A_216] : memref<2x128x128xf32, #tpu.memory_space<vmem>> -> memref<1x128x128xf32, #tpu.memory_space<vmem>>
          %dma_start3A_218 = tpu.memref_squeeze %dma_start3A_217 : memref<1x128x128xf32, #tpu.memory_space<vmem>> -> memref<128x128xf32, #tpu.memory_space<vmem>>
          %dma_start3A_219 = arith.constant 0 : i32
          %dma_start3A_220 = tpu.memref_slice %arg8[%select_n3A_104, %scan3A_129, %dma_start3A_219] : memref<2x8x128xi32, #tpu.memory_space<vmem>> -> memref<1x1x128xi32, #tpu.memory_space<vmem>>
          %dma_start3A_221 = tpu.memref_squeeze %dma_start3A_220 : memref<1x1x128xi32, #tpu.memory_space<vmem>> -> memref<128xi32, #tpu.memory_space<vmem>>
          %dma_start3A_222 = arith.constant 0 : i32
          %dma_start3A_223 = arith.constant 0 : i32
          %dma_start3A_224 = tpu.memref_slice %arg6[%dma_start3A_222, %dma_start3A_223] : memref<10240x128xf32, #tpu.memory_space<vmem_shared>> -> memref<10240x128xf32, #tpu.memory_space<vmem_shared>>
          tpu.enqueue_indirect_dma source(%dma_start3A_218 : memref<128x128xf32, #tpu.memory_space<vmem>>) target(%dma_start3A_224 : memref<10240x128xf32, #tpu.memory_space<vmem_shared>>) offsets(%dma_start3A_221 : memref<128xi32, #tpu.memory_space<vmem>>) semaphore(%arg17 : memref<!tpu.dma_semaphore, #tpu.memory_space<semaphore_mem>>) {add = true}
        } else {
        }
        %jit3A_151 = arith.constant 2 : i32
        %eq3A_152 = arith.constant 0 : i32
        %eq3A_153 = arith.cmpi eq, %jit3A_151, %eq3A_152 : i32
        %jit3A_154 = arith.constant 1 : i32
        %select_n3A_155 = arith.select %eq3A_153, %jit3A_154, %jit3A_151 : i32
        %rem3A_156 = arith.remsi %scan3A_129, %select_n3A_155 : i32
        %ne3A_157 = arith.constant 0 : i32
        %ne3A_158 = arith.cmpi ne, %rem3A_156, %ne3A_157 : i32
        %lt3A_159 = arith.constant 0 : i32
        %lt3A_160 = arith.cmpi slt, %rem3A_156, %lt3A_159 : i32
        %lt3A_161 = arith.constant 0 : i32
        %lt3A_162 = arith.cmpi slt, %select_n3A_155, %lt3A_161 : i32
        %ne3A_163 = arith.xori %lt3A_160, %lt3A_162 : i1
        %and3A_164 = arith.andi %ne3A_163, %ne3A_158 : i1
        %add3A_165 = arith.addi %rem3A_156, %select_n3A_155 : i32
        %select_n3A_166 = arith.select %and3A_164, %add3A_165, %rem3A_156 : i32
        %eq3A_167 = arith.constant 1 : i32
        %eq3A_168 = arith.cmpi eq, %select_n3A_166, %eq3A_167 : i32
        %convert_element_type3A_169 = arith.extui %eq3A_168 : i1 to i32
        %cond3A_170 = arith.constant 0 : i32
        %cond3A_171 = arith.cmpi ne, %convert_element_type3A_169, %cond3A_170 : i32
        scf.if %cond3A_171 {
          %dma_wait3A_172 = arith.constant 1 : i32
          %dma_wait3A_173 = arith.constant 0 : i32
          %dma_wait3A_174 = arith.constant 0 : i32
          %dma_wait3A_175 = tpu.memref_slice %arg9[%dma_wait3A_172, %dma_wait3A_173, %dma_wait3A_174] : memref<2x128x128xf32, #tpu.memory_space<vmem>> -> memref<1x128x128xf32, #tpu.memory_space<vmem>>
          %dma_wait3A_176 = tpu.memref_squeeze %dma_wait3A_175 : memref<1x128x128xf32, #tpu.memory_space<vmem>> -> memref<128x128xf32, #tpu.memory_space<vmem>>
          %dma_wait3A_177 = arith.constant 0 : i32
          %dma_wait3A_178 = tpu.memref_slice %arg7[%select_n3A_104, %scan3A_129, %dma_wait3A_177] : memref<2x8x128xi32, #tpu.memory_space<vmem>> -> memref<1x1x128xi32, #tpu.memory_space<vmem>>
          %dma_wait3A_179 = tpu.memref_squeeze %dma_wait3A_178 : memref<1x1x128xi32, #tpu.memory_space<vmem>> -> memref<128xi32, #tpu.memory_space<vmem>>
          %dma_wait3A_180 = arith.constant 0 : i32
          %dma_wait3A_181 = arith.constant 0 : i32
          %dma_wait3A_182 = tpu.memref_slice %arg2[%dma_wait3A_180, %dma_wait3A_181] : memref<10112x128xf32, #tpu.memory_space<hbm>> -> memref<10112x128xf32, #tpu.memory_space<hbm>>
          tpu.wait_indirect_dma semaphore(%arg12 : memref<!tpu.dma_semaphore, #tpu.memory_space<semaphore_mem>>) src(%dma_wait3A_182 : memref<10112x128xf32, #tpu.memory_space<hbm>>) dst(%dma_wait3A_176 : memref<128x128xf32, #tpu.memory_space<vmem>>)
          %eq3A_183 = arith.constant 1 : i32
          %eq3A_184 = arith.cmpi eq, %scan3A_129, %eq3A_183 : i32
          %add3A_185 = arith.constant 1 : i32
          %add3A_186 = arith.addi %scan3A_94, %add3A_185 : i32
          %lt3A_187 = arith.constant 10 : i32
          %lt3A_188 = arith.cmpi slt, %add3A_186, %lt3A_187 : i32
          %and3A_189 = arith.andi %eq3A_184, %lt3A_188 : i1
          %convert_element_type3A_190 = arith.extui %and3A_189 : i1 to i32
          %cond3A_191 = arith.constant 0 : i32
          %cond3A_192 = arith.cmpi ne, %convert_element_type3A_190, %cond3A_191 : i32
          scf.if %cond3A_192 {
            %add3A_225 = arith.constant 1 : i32
            %add3A_226 = arith.addi %scan3A_94, %add3A_225 : i32
            %mul3A_227 = arith.constant 8 : i32
            %mul3A_228 = arith.muli %add3A_226, %mul3A_227 : i32
            %add3A_229 = arith.addi %mul3A_4, %mul3A_228 : i32
            %dma_start3A_230 = arith.constant 0 : i32
            %dma_start3A_231 = arith.constant 0 : i32
            %dma_start3A_232 = tpu.memref_slice %arg7[%select_n3A_122, %dma_start3A_230, %dma_start3A_231] : memref<2x8x128xi32, #tpu.memory_space<vmem>> -> memref<1x8x128xi32, #tpu.memory_space<vmem>>
            %dma_start3A_233 = tpu.memref_squeeze %dma_start3A_232 : memref<1x8x128xi32, #tpu.memory_space<vmem>> -> memref<8x128xi32, #tpu.memory_space<vmem>>
            %dma_start3A_234 = arith.constant 0 : i32
            %dma_start3A_235 = tpu.memref_slice %arg3[%add3A_229, %dma_start3A_234] : memref<2560x128xi32, #tpu.memory_space<hbm>> -> memref<8x128xi32, #tpu.memory_space<hbm>>
            %dma_start3A_236 = arith.constant 0 : i32
            %dma_start3A_237 = arith.constant 0 : i32
            %dma_start3A_238 = tpu.memref_slice %arg7[%select_n3A_122, %dma_start3A_236, %dma_start3A_237] : memref<2x8x128xi32, #tpu.memory_space<vmem>> -> memref<1x8x128xi32, #tpu.memory_space<vmem>>
            %dma_start3A_239 = tpu.memref_squeeze %dma_start3A_238 : memref<1x8x128xi32, #tpu.memory_space<vmem>> -> memref<8x128xi32, #tpu.memory_space<vmem>>
            %dma_start3A_240 = arith.constant 0 : i32
            %dma_start3A_241 = tpu.memref_slice %arg3[%add3A_229, %dma_start3A_240] : memref<2560x128xi32, #tpu.memory_space<hbm>> -> memref<8x128xi32, #tpu.memory_space<hbm>>
            tpu.enqueue_dma source(%dma_start3A_241 : memref<8x128xi32, #tpu.memory_space<hbm>>) target(%dma_start3A_239 : memref<8x128xi32, #tpu.memory_space<vmem>>) target_semaphore(%arg15 : memref<!tpu.dma_semaphore, #tpu.memory_space<semaphore_mem>>)
            %add3A_242 = arith.constant 1 : i32
            %add3A_243 = arith.addi %scan3A_94, %add3A_242 : i32
            %mul3A_244 = arith.constant 8 : i32
            %mul3A_245 = arith.muli %add3A_243, %mul3A_244 : i32
            %add3A_246 = arith.addi %mul3A_4, %mul3A_245 : i32
            %dma_start3A_247 = arith.constant 0 : i32
            %dma_start3A_248 = arith.constant 0 : i32
            %dma_start3A_249 = tpu.memref_slice %arg8[%select_n3A_122, %dma_start3A_247, %dma_start3A_248] : memref<2x8x128xi32, #tpu.memory_space<vmem>> -> memref<1x8x128xi32, #tpu.memory_space<vmem>>
            %dma_start3A_250 = tpu.memref_squeeze %dma_start3A_249 : memref<1x8x128xi32, #tpu.memory_space<vmem>> -> memref<8x128xi32, #tpu.memory_space<vmem>>
            %dma_start3A_251 = arith.constant 0 : i32
            %dma_start3A_252 = tpu.memref_slice %arg4[%add3A_246, %dma_start3A_251] : memref<2560x128xi32, #tpu.memory_space<hbm>> -> memref<8x128xi32, #tpu.memory_space<hbm>>
            %dma_start3A_253 = arith.constant 0 : i32
            %dma_start3A_254 = arith.constant 0 : i32
            %dma_start3A_255 = tpu.memref_slice %arg8[%select_n3A_122, %dma_start3A_253, %dma_start3A_254] : memref<2x8x128xi32, #tpu.memory_space<vmem>> -> memref<1x8x128xi32, #tpu.memory_space<vmem>>
            %dma_start3A_256 = tpu.memref_squeeze %dma_start3A_255 : memref<1x8x128xi32, #tpu.memory_space<vmem>> -> memref<8x128xi32, #tpu.memory_space<vmem>>
            %dma_start3A_257 = arith.constant 0 : i32
            %dma_start3A_258 = tpu.memref_slice %arg4[%add3A_246, %dma_start3A_257] : memref<2560x128xi32, #tpu.memory_space<hbm>> -> memref<8x128xi32, #tpu.memory_space<hbm>>
            tpu.enqueue_dma source(%dma_start3A_258 : memref<8x128xi32, #tpu.memory_space<hbm>>) target(%dma_start3A_256 : memref<8x128xi32, #tpu.memory_space<vmem>>) target_semaphore(%arg16 : memref<!tpu.dma_semaphore, #tpu.memory_space<semaphore_mem>>)
          } else {
          }
          %add3A_193 = arith.constant 1 : i32
          %add3A_194 = arith.addi %scan3A_129, %add3A_193 : i32
          %lt3A_195 = arith.constant 8 : i32
          %lt3A_196 = arith.cmpi slt, %add3A_194, %lt3A_195 : i32
          %convert_element_type3A_197 = arith.extui %lt3A_196 : i1 to i32
          %cond3A_198 = arith.constant 0 : i32
          %cond3A_199 = arith.constant 0 : i32
          %cond3A_200 = arith.cmpi ne, %convert_element_type3A_197, %cond3A_199 : i32
          scf.if %cond3A_200 {
            %gt3A = arith.constant 0 : i32
            %gt3A_225 = arith.cmpi sgt, %scan3A_94, %gt3A : i32
            %ge3A = arith.constant 1 : i32
            %ge3A_226 = arith.cmpi sge, %scan3A_129, %ge3A : i32
            %or3A = arith.ori %gt3A_225, %ge3A_226 : i1
            %convert_element_type3A_227 = arith.extui %or3A : i1 to i32
            %cond3A_228 = arith.constant 0 : i32
            %cond3A_229 = arith.cmpi ne, %convert_element_type3A_227, %cond3A_228 : i32
            scf.if %cond3A_229 {
              %dma_wait3A_242 = arith.constant 0 : i32
              %dma_wait3A_243 = arith.constant 0 : i32
              %dma_wait3A_244 = tpu.memref_slice %arg9[%cond3A_198, %dma_wait3A_242, %dma_wait3A_243] : memref<2x128x128xf32, #tpu.memory_space<vmem>> -> memref<1x128x128xf32, #tpu.memory_space<vmem>>
              %dma_wait3A_245 = tpu.memref_squeeze %dma_wait3A_244 : memref<1x128x128xf32, #tpu.memory_space<vmem>> -> memref<128x128xf32, #tpu.memory_space<vmem>>
              %dma_wait3A_246 = arith.constant 0 : i32
              %dma_wait3A_247 = tpu.memref_slice %arg8[%select_n3A_104, %scan3A_129, %dma_wait3A_246] : memref<2x8x128xi32, #tpu.memory_space<vmem>> -> memref<1x1x128xi32, #tpu.memory_space<vmem>>
              %dma_wait3A_248 = tpu.memref_squeeze %dma_wait3A_247 : memref<1x1x128xi32, #tpu.memory_space<vmem>> -> memref<128xi32, #tpu.memory_space<vmem>>
              %dma_wait3A_249 = arith.constant 0 : i32
              %dma_wait3A_250 = arith.constant 0 : i32
              %dma_wait3A_251 = tpu.memref_slice %arg6[%dma_wait3A_249, %dma_wait3A_250] : memref<10240x128xf32, #tpu.memory_space<vmem_shared>> -> memref<10240x128xf32, #tpu.memory_space<vmem_shared>>
              tpu.wait_indirect_dma semaphore(%arg17 : memref<!tpu.dma_semaphore, #tpu.memory_space<semaphore_mem>>) src(%dma_wait3A_245 : memref<128x128xf32, #tpu.memory_space<vmem>>) dst(%dma_wait3A_251 : memref<10240x128xf32, #tpu.memory_space<vmem_shared>>)
            } else {
            }
            %add3A_230 = arith.constant 1 : i32
            %add3A_231 = arith.addi %scan3A_129, %add3A_230 : i32
            %dma_start3A_232 = arith.constant 0 : i32
            %dma_start3A_233 = arith.constant 0 : i32
            %dma_start3A_234 = tpu.memref_slice %arg9[%cond3A_198, %dma_start3A_232, %dma_start3A_233] : memref<2x128x128xf32, #tpu.memory_space<vmem>> -> memref<1x128x128xf32, #tpu.memory_space<vmem>>
            %dma_start3A_235 = tpu.memref_squeeze %dma_start3A_234 : memref<1x128x128xf32, #tpu.memory_space<vmem>> -> memref<128x128xf32, #tpu.memory_space<vmem>>
            %dma_start3A_236 = arith.constant 0 : i32
            %dma_start3A_237 = tpu.memref_slice %arg7[%select_n3A_104, %add3A_231, %dma_start3A_236] : memref<2x8x128xi32, #tpu.memory_space<vmem>> -> memref<1x1x128xi32, #tpu.memory_space<vmem>>
            %dma_start3A_238 = tpu.memref_squeeze %dma_start3A_237 : memref<1x1x128xi32, #tpu.memory_space<vmem>> -> memref<128xi32, #tpu.memory_space<vmem>>
            %dma_start3A_239 = arith.constant 0 : i32
            %dma_start3A_240 = arith.constant 0 : i32
            %dma_start3A_241 = tpu.memref_slice %arg2[%dma_start3A_239, %dma_start3A_240] : memref<10112x128xf32, #tpu.memory_space<hbm>> -> memref<10112x128xf32, #tpu.memory_space<hbm>>
            tpu.enqueue_indirect_dma source(%dma_start3A_241 : memref<10112x128xf32, #tpu.memory_space<hbm>>) target(%dma_start3A_235 : memref<128x128xf32, #tpu.memory_space<vmem>>) offsets(%dma_start3A_238 : memref<128xi32, #tpu.memory_space<vmem>>) semaphore(%arg11 : memref<!tpu.dma_semaphore, #tpu.memory_space<semaphore_mem>>)
          } else {
          }
          %add3A_201 = arith.constant 1 : i32
          %add3A_202 = arith.addi %scan3A_129, %add3A_201 : i32
          %eq3A_203 = arith.constant 8 : i32
          %eq3A_204 = arith.cmpi eq, %add3A_202, %eq3A_203 : i32
          %add3A_205 = arith.constant 1 : i32
          %add3A_206 = arith.addi %scan3A_94, %add3A_205 : i32
          %lt3A_207 = arith.constant 10 : i32
          %lt3A_208 = arith.cmpi slt, %add3A_206, %lt3A_207 : i32
          %and3A_209 = arith.andi %eq3A_204, %lt3A_208 : i1
          %convert_element_type3A_210 = arith.extui %and3A_209 : i1 to i32
          %cond3A_211 = arith.constant 0 : i32
          %cond3A_212 = arith.constant 0 : i32
          %cond3A_213 = arith.cmpi ne, %convert_element_type3A_210, %cond3A_212 : i32
          scf.if %cond3A_213 {
            %dma_wait3A_225 = arith.constant 0 : i32
            %dma_wait3A_226 = arith.constant 0 : i32
            %dma_wait3A_227 = tpu.memref_slice %arg9[%cond3A_211, %dma_wait3A_225, %dma_wait3A_226] : memref<2x128x128xf32, #tpu.memory_space<vmem>> -> memref<1x128x128xf32, #tpu.memory_space<vmem>>
            %dma_wait3A_228 = tpu.memref_squeeze %dma_wait3A_227 : memref<1x128x128xf32, #tpu.memory_space<vmem>> -> memref<128x128xf32, #tpu.memory_space<vmem>>
            %dma_wait3A_229 = arith.constant 0 : i32
            %dma_wait3A_230 = tpu.memref_slice %arg8[%select_n3A_104, %scan3A_129, %dma_wait3A_229] : memref<2x8x128xi32, #tpu.memory_space<vmem>> -> memref<1x1x128xi32, #tpu.memory_space<vmem>>
            %dma_wait3A_231 = tpu.memref_squeeze %dma_wait3A_230 : memref<1x1x128xi32, #tpu.memory_space<vmem>> -> memref<128xi32, #tpu.memory_space<vmem>>
            %dma_wait3A_232 = arith.constant 0 : i32
            %dma_wait3A_233 = arith.constant 0 : i32
            %dma_wait3A_234 = tpu.memref_slice %arg6[%dma_wait3A_232, %dma_wait3A_233] : memref<10240x128xf32, #tpu.memory_space<vmem_shared>> -> memref<10240x128xf32, #tpu.memory_space<vmem_shared>>
            tpu.wait_indirect_dma semaphore(%arg17 : memref<!tpu.dma_semaphore, #tpu.memory_space<semaphore_mem>>) src(%dma_wait3A_228 : memref<128x128xf32, #tpu.memory_space<vmem>>) dst(%dma_wait3A_234 : memref<10240x128xf32, #tpu.memory_space<vmem_shared>>)
            %add3A_235 = arith.constant 1 : i32
            %add3A_236 = arith.addi %scan3A_94, %add3A_235 : i32
            %mul3A_237 = arith.constant 8 : i32
            %mul3A_238 = arith.muli %add3A_236, %mul3A_237 : i32
            %add3A_239 = arith.addi %mul3A_4, %mul3A_238 : i32
            %dma_wait3A_240 = arith.constant 0 : i32
            %dma_wait3A_241 = arith.constant 0 : i32
            %dma_wait3A_242 = tpu.memref_slice %arg7[%select_n3A_122, %dma_wait3A_240, %dma_wait3A_241] : memref<2x8x128xi32, #tpu.memory_space<vmem>> -> memref<1x8x128xi32, #tpu.memory_space<vmem>>
            %dma_wait3A_243 = tpu.memref_squeeze %dma_wait3A_242 : memref<1x8x128xi32, #tpu.memory_space<vmem>> -> memref<8x128xi32, #tpu.memory_space<vmem>>
            %dma_wait3A_244 = arith.constant 0 : i32
            %dma_wait3A_245 = tpu.memref_slice %arg3[%add3A_239, %dma_wait3A_244] : memref<2560x128xi32, #tpu.memory_space<hbm>> -> memref<8x128xi32, #tpu.memory_space<hbm>>
            %dma_wait3A_246 = arith.constant 0 : i32
            %dma_wait3A_247 = arith.constant 0 : i32
            %dma_wait3A_248 = tpu.memref_slice %arg7[%select_n3A_122, %dma_wait3A_246, %dma_wait3A_247] : memref<2x8x128xi32, #tpu.memory_space<vmem>> -> memref<1x8x128xi32, #tpu.memory_space<vmem>>
            %dma_wait3A_249 = tpu.memref_squeeze %dma_wait3A_248 : memref<1x8x128xi32, #tpu.memory_space<vmem>> -> memref<8x128xi32, #tpu.memory_space<vmem>>
            %dma_wait3A_250 = arith.constant 0 : i32
            %dma_wait3A_251 = tpu.memref_slice %arg3[%add3A_239, %dma_wait3A_250] : memref<2560x128xi32, #tpu.memory_space<hbm>> -> memref<8x128xi32, #tpu.memory_space<hbm>>
            tpu.wait_dma2 semaphore(%arg15 : memref<!tpu.dma_semaphore, #tpu.memory_space<semaphore_mem>>) src(%dma_wait3A_251 : memref<8x128xi32, #tpu.memory_space<hbm>>) dst(%dma_wait3A_249 : memref<8x128xi32, #tpu.memory_space<vmem>>)
            %add3A_252 = arith.constant 1 : i32
            %add3A_253 = arith.addi %scan3A_94, %add3A_252 : i32
            %mul3A_254 = arith.constant 8 : i32
            %mul3A_255 = arith.muli %add3A_253, %mul3A_254 : i32
            %add3A_256 = arith.addi %mul3A_4, %mul3A_255 : i32
            %dma_wait3A_257 = arith.constant 0 : i32
            %dma_wait3A_258 = arith.constant 0 : i32
            %dma_wait3A_259 = tpu.memref_slice %arg8[%select_n3A_122, %dma_wait3A_257, %dma_wait3A_258] : memref<2x8x128xi32, #tpu.memory_space<vmem>> -> memref<1x8x128xi32, #tpu.memory_space<vmem>>
            %dma_wait3A_260 = tpu.memref_squeeze %dma_wait3A_259 : memref<1x8x128xi32, #tpu.memory_space<vmem>> -> memref<8x128xi32, #tpu.memory_space<vmem>>
            %dma_wait3A_261 = arith.constant 0 : i32
            %dma_wait3A_262 = tpu.memref_slice %arg4[%add3A_256, %dma_wait3A_261] : memref<2560x128xi32, #tpu.memory_space<hbm>> -> memref<8x128xi32, #tpu.memory_space<hbm>>
            %dma_wait3A_263 = arith.constant 0 : i32
            %dma_wait3A_264 = arith.constant 0 : i32
            %dma_wait3A_265 = tpu.memref_slice %arg8[%select_n3A_122, %dma_wait3A_263, %dma_wait3A_264] : memref<2x8x128xi32, #tpu.memory_space<vmem>> -> memref<1x8x128xi32, #tpu.memory_space<vmem>>
            %dma_wait3A_266 = tpu.memref_squeeze %dma_wait3A_265 : memref<1x8x128xi32, #tpu.memory_space<vmem>> -> memref<8x128xi32, #tpu.memory_space<vmem>>
            %dma_wait3A_267 = arith.constant 0 : i32
            %dma_wait3A_268 = tpu.memref_slice %arg4[%add3A_256, %dma_wait3A_267] : memref<2560x128xi32, #tpu.memory_space<hbm>> -> memref<8x128xi32, #tpu.memory_space<hbm>>
            tpu.wait_dma2 semaphore(%arg16 : memref<!tpu.dma_semaphore, #tpu.memory_space<semaphore_mem>>) src(%dma_wait3A_268 : memref<8x128xi32, #tpu.memory_space<hbm>>) dst(%dma_wait3A_266 : memref<8x128xi32, #tpu.memory_space<vmem>>)
            %dma_start3A_269 = arith.constant 0 : i32
            %dma_start3A_270 = arith.constant 0 : i32
            %dma_start3A_271 = arith.constant 0 : i32
            %dma_start3A_272 = tpu.memref_slice %arg9[%cond3A_211, %dma_start3A_270, %dma_start3A_271] : memref<2x128x128xf32, #tpu.memory_space<vmem>> -> memref<1x128x128xf32, #tpu.memory_space<vmem>>
            %dma_start3A_273 = tpu.memref_squeeze %dma_start3A_272 : memref<1x128x128xf32, #tpu.memory_space<vmem>> -> memref<128x128xf32, #tpu.memory_space<vmem>>
            %dma_start3A_274 = arith.constant 0 : i32
            %dma_start3A_275 = tpu.memref_slice %arg7[%select_n3A_122, %dma_start3A_269, %dma_start3A_274] : memref<2x8x128xi32, #tpu.memory_space<vmem>> -> memref<1x1x128xi32, #tpu.memory_space<vmem>>
            %dma_start3A_276 = tpu.memref_squeeze %dma_start3A_275 : memref<1x1x128xi32, #tpu.memory_space<vmem>> -> memref<128xi32, #tpu.memory_space<vmem>>
            %dma_start3A_277 = arith.constant 0 : i32
            %dma_start3A_278 = arith.constant 0 : i32
            %dma_start3A_279 = tpu.memref_slice %arg2[%dma_start3A_277, %dma_start3A_278] : memref<10112x128xf32, #tpu.memory_space<hbm>> -> memref<10112x128xf32, #tpu.memory_space<hbm>>
            tpu.enqueue_indirect_dma source(%dma_start3A_279 : memref<10112x128xf32, #tpu.memory_space<hbm>>) target(%dma_start3A_273 : memref<128x128xf32, #tpu.memory_space<vmem>>) offsets(%dma_start3A_276 : memref<128xi32, #tpu.memory_space<vmem>>) semaphore(%arg11 : memref<!tpu.dma_semaphore, #tpu.memory_space<semaphore_mem>>)
          } else {
          }
          %dma_start3A_214 = arith.constant 1 : i32
          %dma_start3A_215 = arith.constant 0 : i32
          %dma_start3A_216 = arith.constant 0 : i32
          %dma_start3A_217 = tpu.memref_slice %arg9[%dma_start3A_214, %dma_start3A_215, %dma_start3A_216] : memref<2x128x128xf32, #tpu.memory_space<vmem>> -> memref<1x128x128xf32, #tpu.memory_space<vmem>>
          %dma_start3A_218 = tpu.memref_squeeze %dma_start3A_217 : memref<1x128x128xf32, #tpu.memory_space<vmem>> -> memref<128x128xf32, #tpu.memory_space<vmem>>
          %dma_start3A_219 = arith.constant 0 : i32
          %dma_start3A_220 = tpu.memref_slice %arg8[%select_n3A_104, %scan3A_129, %dma_start3A_219] : memref<2x8x128xi32, #tpu.memory_space<vmem>> -> memref<1x1x128xi32, #tpu.memory_space<vmem>>
          %dma_start3A_221 = tpu.memref_squeeze %dma_start3A_220 : memref<1x1x128xi32, #tpu.memory_space<vmem>> -> memref<128xi32, #tpu.memory_space<vmem>>
          %dma_start3A_222 = arith.constant 0 : i32
          %dma_start3A_223 = arith.constant 0 : i32
          %dma_start3A_224 = tpu.memref_slice %arg6[%dma_start3A_222, %dma_start3A_223] : memref<10240x128xf32, #tpu.memory_space<vmem_shared>> -> memref<10240x128xf32, #tpu.memory_space<vmem_shared>>
          tpu.enqueue_indirect_dma source(%dma_start3A_218 : memref<128x128xf32, #tpu.memory_space<vmem>>) target(%dma_start3A_224 : memref<10240x128xf32, #tpu.memory_space<vmem_shared>>) offsets(%dma_start3A_221 : memref<128xi32, #tpu.memory_space<vmem>>) semaphore(%arg18 : memref<!tpu.dma_semaphore, #tpu.memory_space<semaphore_mem>>) {add = true}
        } else {
        }
      }
      %scan3A_128 = arith.constant 8 : i32
    }
    %scan3A_35 = arith.constant 10 : i32
    %dma_wait3A = arith.constant 0 : i32
    %dma_wait3A_36 = arith.constant 0 : i32
    %dma_wait3A_37 = arith.constant 7 : i32
    %dma_wait3A_38 = arith.constant 0 : i32
    %dma_wait3A_39 = arith.constant 0 : i32
    %dma_wait3A_40 = tpu.memref_slice %arg9[%dma_wait3A, %dma_wait3A_38, %dma_wait3A_39] : memref<2x128x128xf32, #tpu.memory_space<vmem>> -> memref<1x128x128xf32, #tpu.memory_space<vmem>>
    %dma_wait3A_41 = tpu.memref_squeeze %dma_wait3A_40 : memref<1x128x128xf32, #tpu.memory_space<vmem>> -> memref<128x128xf32, #tpu.memory_space<vmem>>
    %dma_wait3A_42 = arith.constant 0 : i32
    %dma_wait3A_43 = tpu.memref_slice %arg8[%dma_wait3A_36, %dma_wait3A_37, %dma_wait3A_42] : memref<2x8x128xi32, #tpu.memory_space<vmem>> -> memref<1x1x128xi32, #tpu.memory_space<vmem>>
    %dma_wait3A_44 = tpu.memref_squeeze %dma_wait3A_43 : memref<1x1x128xi32, #tpu.memory_space<vmem>> -> memref<128xi32, #tpu.memory_space<vmem>>
    %dma_wait3A_45 = arith.constant 0 : i32
    %dma_wait3A_46 = arith.constant 0 : i32
    %dma_wait3A_47 = tpu.memref_slice %arg6[%dma_wait3A_45, %dma_wait3A_46] : memref<10240x128xf32, #tpu.memory_space<vmem_shared>> -> memref<10240x128xf32, #tpu.memory_space<vmem_shared>>
    tpu.wait_indirect_dma semaphore(%arg17 : memref<!tpu.dma_semaphore, #tpu.memory_space<semaphore_mem>>) src(%dma_wait3A_41 : memref<128x128xf32, #tpu.memory_space<vmem>>) dst(%dma_wait3A_47 : memref<10240x128xf32, #tpu.memory_space<vmem_shared>>)
    %dma_wait3A_48 = arith.constant 1 : i32
    %dma_wait3A_49 = arith.constant 0 : i32
    %dma_wait3A_50 = arith.constant 6 : i32
    %dma_wait3A_51 = arith.constant 0 : i32
    %dma_wait3A_52 = arith.constant 0 : i32
    %dma_wait3A_53 = tpu.memref_slice %arg9[%dma_wait3A_48, %dma_wait3A_51, %dma_wait3A_52] : memref<2x128x128xf32, #tpu.memory_space<vmem>> -> memref<1x128x128xf32, #tpu.memory_space<vmem>>
    %dma_wait3A_54 = tpu.memref_squeeze %dma_wait3A_53 : memref<1x128x128xf32, #tpu.memory_space<vmem>> -> memref<128x128xf32, #tpu.memory_space<vmem>>
    %dma_wait3A_55 = arith.constant 0 : i32
    %dma_wait3A_56 = tpu.memref_slice %arg8[%dma_wait3A_49, %dma_wait3A_50, %dma_wait3A_55] : memref<2x8x128xi32, #tpu.memory_space<vmem>> -> memref<1x1x128xi32, #tpu.memory_space<vmem>>
    %dma_wait3A_57 = tpu.memref_squeeze %dma_wait3A_56 : memref<1x1x128xi32, #tpu.memory_space<vmem>> -> memref<128xi32, #tpu.memory_space<vmem>>
    %dma_wait3A_58 = arith.constant 0 : i32
    %dma_wait3A_59 = arith.constant 0 : i32
    %dma_wait3A_60 = tpu.memref_slice %arg6[%dma_wait3A_58, %dma_wait3A_59] : memref<10240x128xf32, #tpu.memory_space<vmem_shared>> -> memref<10240x128xf32, #tpu.memory_space<vmem_shared>>
    tpu.wait_indirect_dma semaphore(%arg18 : memref<!tpu.dma_semaphore, #tpu.memory_space<semaphore_mem>>) src(%dma_wait3A_54 : memref<128x128xf32, #tpu.memory_space<vmem>>) dst(%dma_wait3A_60 : memref<10240x128xf32, #tpu.memory_space<vmem_shared>>)
    %barrier3A_61 = arith.constant 0 : index
    tpu.barrier barrier_id(%barrier3A_61)
    %add3A_62 = arith.constant 0 : i32
    %add3A_63 = arith.addi %mul3A_0, %add3A_62 : i32
    %lt3A = arith.constant 10112 : i32
    %lt3A_64 = arith.cmpi slt, %add3A_63, %lt3A : i32
    %convert_element_type3A = arith.extui %lt3A_64 : i1 to i32
    %cond3A = arith.constant 0 : i32
    %cond3A_65 = arith.cmpi ne, %convert_element_type3A, %cond3A : i32
    scf.if %cond3A_65 {
      "tpu.region"() ({
        %run_scoped3A_94 = tpu.sem_alloc : memref<!tpu.dma_semaphore, #tpu.memory_space<semaphore_mem>>
        %dma_start3A_95 = arith.constant 0 : i32
        %dma_start3A_96 = tpu.memref_slice %arg5[%arg0, %add3A_63, %dma_start3A_95] : memref<2x10112x128xf32, #tpu.memory_space<hbm>> -> memref<1x128x128xf32, #tpu.memory_space<hbm>>
        %dma_start3A_97 = tpu.memref_squeeze %dma_start3A_96 : memref<1x128x128xf32, #tpu.memory_space<hbm>> -> memref<128x128xf32, #tpu.memory_space<hbm>>
        %dma_start3A_98 = arith.constant 0 : i32
        %dma_start3A_99 = tpu.memref_slice %arg6[%add3A_63, %dma_start3A_98] : memref<10240x128xf32, #tpu.memory_space<vmem_shared>> -> memref<128x128xf32, #tpu.memory_space<vmem_shared>>
        tpu.enqueue_dma source(%dma_start3A_99 : memref<128x128xf32, #tpu.memory_space<vmem_shared>>) target(%dma_start3A_97 : memref<128x128xf32, #tpu.memory_space<hbm>>) target_semaphore(%run_scoped3A_94 : memref<!tpu.dma_semaphore, #tpu.memory_space<semaphore_mem>>)
        %dma_wait3A_100 = arith.constant 0 : i32
        %dma_wait3A_101 = tpu.memref_slice %arg5[%arg0, %add3A_63, %dma_wait3A_100] : memref<2x10112x128xf32, #tpu.memory_space<hbm>> -> memref<1x128x128xf32, #tpu.memory_space<hbm>>
        %dma_wait3A_102 = tpu.memref_squeeze %dma_wait3A_101 : memref<1x128x128xf32, #tpu.memory_space<hbm>> -> memref<128x128xf32, #tpu.memory_space<hbm>>
        %dma_wait3A_103 = arith.constant 0 : i32
        %dma_wait3A_104 = tpu.memref_slice %arg6[%add3A_63, %dma_wait3A_103] : memref<10240x128xf32, #tpu.memory_space<vmem_shared>> -> memref<128x128xf32, #tpu.memory_space<vmem_shared>>
        tpu.wait_dma2 semaphore(%run_scoped3A_94 : memref<!tpu.dma_semaphore, #tpu.memory_space<semaphore_mem>>) src(%dma_wait3A_104 : memref<128x128xf32, #tpu.memory_space<vmem_shared>>) dst(%dma_wait3A_102 : memref<128x128xf32, #tpu.memory_space<hbm>>)
        tpu.yield
      }) : () -> ()
    } else {
    }
    %add3A_66 = arith.constant 128 : i32
    %add3A_67 = arith.addi %mul3A_0, %add3A_66 : i32
    %lt3A_68 = arith.constant 10112 : i32
    %lt3A_69 = arith.cmpi slt, %add3A_67, %lt3A_68 : i32
    %convert_element_type3A_70 = arith.extui %lt3A_69 : i1 to i32
    %cond3A_71 = arith.constant 0 : i32
    %cond3A_72 = arith.cmpi ne, %convert_element_type3A_70, %cond3A_71 : i32
    scf.if %cond3A_72 {
      "tpu.region"() ({
        %run_scoped3A_94 = tpu.sem_alloc : memref<!tpu.dma_semaphore, #tpu.memory_space<semaphore_mem>>
        %dma_start3A_95 = arith.constant 0 : i32
        %dma_start3A_96 = tpu.memref_slice %arg5[%arg0, %add3A_67, %dma_start3A_95] : memref<2x10112x128xf32, #tpu.memory_space<hbm>> -> memref<1x128x128xf32, #tpu.memory_space<hbm>>
        %dma_start3A_97 = tpu.memref_squeeze %dma_start3A_96 : memref<1x128x128xf32, #tpu.memory_space<hbm>> -> memref<128x128xf32, #tpu.memory_space<hbm>>
        %dma_start3A_98 = arith.constant 0 : i32
        %dma_start3A_99 = tpu.memref_slice %arg6[%add3A_67, %dma_start3A_98] : memref<10240x128xf32, #tpu.memory_space<vmem_shared>> -> memref<128x128xf32, #tpu.memory_space<vmem_shared>>
        tpu.enqueue_dma source(%dma_start3A_99 : memref<128x128xf32, #tpu.memory_space<vmem_shared>>) target(%dma_start3A_97 : memref<128x128xf32, #tpu.memory_space<hbm>>) target_semaphore(%run_scoped3A_94 : memref<!tpu.dma_semaphore, #tpu.memory_space<semaphore_mem>>)
        %dma_wait3A_100 = arith.constant 0 : i32
        %dma_wait3A_101 = tpu.memref_slice %arg5[%arg0, %add3A_67, %dma_wait3A_100] : memref<2x10112x128xf32, #tpu.memory_space<hbm>> -> memref<1x128x128xf32, #tpu.memory_space<hbm>>
        %dma_wait3A_102 = tpu.memref_squeeze %dma_wait3A_101 : memref<1x128x128xf32, #tpu.memory_space<hbm>> -> memref<128x128xf32, #tpu.memory_space<hbm>>
        %dma_wait3A_103 = arith.constant 0 : i32
        %dma_wait3A_104 = tpu.memref_slice %arg6[%add3A_67, %dma_wait3A_103] : memref<10240x128xf32, #tpu.memory_space<vmem_shared>> -> memref<128x128xf32, #tpu.memory_space<vmem_shared>>
        tpu.wait_dma2 semaphore(%run_scoped3A_94 : memref<!tpu.dma_semaphore, #tpu.memory_space<semaphore_mem>>) src(%dma_wait3A_104 : memref<128x128xf32, #tpu.memory_space<vmem_shared>>) dst(%dma_wait3A_102 : memref<128x128xf32, #tpu.memory_space<hbm>>)
        tpu.yield
      }) : () -> ()
    } else {
    }
    %add3A_73 = arith.constant 256 : i32
    %add3A_74 = arith.addi %mul3A_0, %add3A_73 : i32
    %lt3A_75 = arith.constant 10112 : i32
    %lt3A_76 = arith.cmpi slt, %add3A_74, %lt3A_75 : i32
    %convert_element_type3A_77 = arith.extui %lt3A_76 : i1 to i32
    %cond3A_78 = arith.constant 0 : i32
    %cond3A_79 = arith.cmpi ne, %convert_element_type3A_77, %cond3A_78 : i32
    scf.if %cond3A_79 {
      "tpu.region"() ({
        %run_scoped3A_94 = tpu.sem_alloc : memref<!tpu.dma_semaphore, #tpu.memory_space<semaphore_mem>>
        %dma_start3A_95 = arith.constant 0 : i32
        %dma_start3A_96 = tpu.memref_slice %arg5[%arg0, %add3A_74, %dma_start3A_95] : memref<2x10112x128xf32, #tpu.memory_space<hbm>> -> memref<1x128x128xf32, #tpu.memory_space<hbm>>
        %dma_start3A_97 = tpu.memref_squeeze %dma_start3A_96 : memref<1x128x128xf32, #tpu.memory_space<hbm>> -> memref<128x128xf32, #tpu.memory_space<hbm>>
        %dma_start3A_98 = arith.constant 0 : i32
        %dma_start3A_99 = tpu.memref_slice %arg6[%add3A_74, %dma_start3A_98] : memref<10240x128xf32, #tpu.memory_space<vmem_shared>> -> memref<128x128xf32, #tpu.memory_space<vmem_shared>>
        tpu.enqueue_dma source(%dma_start3A_99 : memref<128x128xf32, #tpu.memory_space<vmem_shared>>) target(%dma_start3A_97 : memref<128x128xf32, #tpu.memory_space<hbm>>) target_semaphore(%run_scoped3A_94 : memref<!tpu.dma_semaphore, #tpu.memory_space<semaphore_mem>>)
        %dma_wait3A_100 = arith.constant 0 : i32
        %dma_wait3A_101 = tpu.memref_slice %arg5[%arg0, %add3A_74, %dma_wait3A_100] : memref<2x10112x128xf32, #tpu.memory_space<hbm>> -> memref<1x128x128xf32, #tpu.memory_space<hbm>>
        %dma_wait3A_102 = tpu.memref_squeeze %dma_wait3A_101 : memref<1x128x128xf32, #tpu.memory_space<hbm>> -> memref<128x128xf32, #tpu.memory_space<hbm>>
        %dma_wait3A_103 = arith.constant 0 : i32
        %dma_wait3A_104 = tpu.memref_slice %arg6[%add3A_74, %dma_wait3A_103] : memref<10240x128xf32, #tpu.memory_space<vmem_shared>> -> memref<128x128xf32, #tpu.memory_space<vmem_shared>>
        tpu.wait_dma2 semaphore(%run_scoped3A_94 : memref<!tpu.dma_semaphore, #tpu.memory_space<semaphore_mem>>) src(%dma_wait3A_104 : memref<128x128xf32, #tpu.memory_space<vmem_shared>>) dst(%dma_wait3A_102 : memref<128x128xf32, #tpu.memory_space<hbm>>)
        tpu.yield
      }) : () -> ()
    } else {
    }
    %add3A_80 = arith.constant 384 : i32
    %add3A_81 = arith.addi %mul3A_0, %add3A_80 : i32
    %lt3A_82 = arith.constant 10112 : i32
    %lt3A_83 = arith.cmpi slt, %add3A_81, %lt3A_82 : i32
    %convert_element_type3A_84 = arith.extui %lt3A_83 : i1 to i32
    %cond3A_85 = arith.constant 0 : i32
    %cond3A_86 = arith.cmpi ne, %convert_element_type3A_84, %cond3A_85 : i32
    scf.if %cond3A_86 {
      "tpu.region"() ({
        %run_scoped3A_94 = tpu.sem_alloc : memref<!tpu.dma_semaphore, #tpu.memory_space<semaphore_mem>>
        %dma_start3A_95 = arith.constant 0 : i32
        %dma_start3A_96 = tpu.memref_slice %arg5[%arg0, %add3A_81, %dma_start3A_95] : memref<2x10112x128xf32, #tpu.memory_space<hbm>> -> memref<1x128x128xf32, #tpu.memory_space<hbm>>
        %dma_start3A_97 = tpu.memref_squeeze %dma_start3A_96 : memref<1x128x128xf32, #tpu.memory_space<hbm>> -> memref<128x128xf32, #tpu.memory_space<hbm>>
        %dma_start3A_98 = arith.constant 0 : i32
        %dma_start3A_99 = tpu.memref_slice %arg6[%add3A_81, %dma_start3A_98] : memref<10240x128xf32, #tpu.memory_space<vmem_shared>> -> memref<128x128xf32, #tpu.memory_space<vmem_shared>>
        tpu.enqueue_dma source(%dma_start3A_99 : memref<128x128xf32, #tpu.memory_space<vmem_shared>>) target(%dma_start3A_97 : memref<128x128xf32, #tpu.memory_space<hbm>>) target_semaphore(%run_scoped3A_94 : memref<!tpu.dma_semaphore, #tpu.memory_space<semaphore_mem>>)
        %dma_wait3A_100 = arith.constant 0 : i32
        %dma_wait3A_101 = tpu.memref_slice %arg5[%arg0, %add3A_81, %dma_wait3A_100] : memref<2x10112x128xf32, #tpu.memory_space<hbm>> -> memref<1x128x128xf32, #tpu.memory_space<hbm>>
        %dma_wait3A_102 = tpu.memref_squeeze %dma_wait3A_101 : memref<1x128x128xf32, #tpu.memory_space<hbm>> -> memref<128x128xf32, #tpu.memory_space<hbm>>
        %dma_wait3A_103 = arith.constant 0 : i32
        %dma_wait3A_104 = tpu.memref_slice %arg6[%add3A_81, %dma_wait3A_103] : memref<10240x128xf32, #tpu.memory_space<vmem_shared>> -> memref<128x128xf32, #tpu.memory_space<vmem_shared>>
        tpu.wait_dma2 semaphore(%run_scoped3A_94 : memref<!tpu.dma_semaphore, #tpu.memory_space<semaphore_mem>>) src(%dma_wait3A_104 : memref<128x128xf32, #tpu.memory_space<vmem_shared>>) dst(%dma_wait3A_102 : memref<128x128xf32, #tpu.memory_space<hbm>>)
        tpu.yield
      }) : () -> ()
    } else {
    }
    %add3A_87 = arith.constant 512 : i32
    %add3A_88 = arith.addi %mul3A_0, %add3A_87 : i32
    %lt3A_89 = arith.constant 10112 : i32
    %lt3A_90 = arith.cmpi slt, %add3A_88, %lt3A_89 : i32
    %convert_element_type3A_91 = arith.extui %lt3A_90 : i1 to i32
    %cond3A_92 = arith.constant 0 : i32
    %cond3A_93 = arith.cmpi ne, %convert_element_type3A_91, %cond3A_92 : i32
    scf.if %cond3A_93 {
      "tpu.region"() ({
        %run_scoped3A_94 = tpu.sem_alloc : memref<!tpu.dma_semaphore, #tpu.memory_space<semaphore_mem>>
        %dma_start3A_95 = arith.constant 0 : i32
        %dma_start3A_96 = tpu.memref_slice %arg5[%arg0, %add3A_88, %dma_start3A_95] : memref<2x10112x128xf32, #tpu.memory_space<hbm>> -> memref<1x128x128xf32, #tpu.memory_space<hbm>>
        %dma_start3A_97 = tpu.memref_squeeze %dma_start3A_96 : memref<1x128x128xf32, #tpu.memory_space<hbm>> -> memref<128x128xf32, #tpu.memory_space<hbm>>
        %dma_start3A_98 = arith.constant 0 : i32
        %dma_start3A_99 = tpu.memref_slice %arg6[%add3A_88, %dma_start3A_98] : memref<10240x128xf32, #tpu.memory_space<vmem_shared>> -> memref<128x128xf32, #tpu.memory_space<vmem_shared>>
        tpu.enqueue_dma source(%dma_start3A_99 : memref<128x128xf32, #tpu.memory_space<vmem_shared>>) target(%dma_start3A_97 : memref<128x128xf32, #tpu.memory_space<hbm>>) target_semaphore(%run_scoped3A_94 : memref<!tpu.dma_semaphore, #tpu.memory_space<semaphore_mem>>)
        %dma_wait3A_100 = arith.constant 0 : i32
        %dma_wait3A_101 = tpu.memref_slice %arg5[%arg0, %add3A_88, %dma_wait3A_100] : memref<2x10112x128xf32, #tpu.memory_space<hbm>> -> memref<1x128x128xf32, #tpu.memory_space<hbm>>
        %dma_wait3A_102 = tpu.memref_squeeze %dma_wait3A_101 : memref<1x128x128xf32, #tpu.memory_space<hbm>> -> memref<128x128xf32, #tpu.memory_space<hbm>>
        %dma_wait3A_103 = arith.constant 0 : i32
        %dma_wait3A_104 = tpu.memref_slice %arg6[%add3A_88, %dma_wait3A_103] : memref<10240x128xf32, #tpu.memory_space<vmem_shared>> -> memref<128x128xf32, #tpu.memory_space<vmem_shared>>
        tpu.wait_dma2 semaphore(%run_scoped3A_94 : memref<!tpu.dma_semaphore, #tpu.memory_space<semaphore_mem>>) src(%dma_wait3A_104 : memref<128x128xf32, #tpu.memory_space<vmem_shared>>) dst(%dma_wait3A_102 : memref<128x128xf32, #tpu.memory_space<hbm>>)
        tpu.yield
      }) : () -> ()
    } else {
    }
    return
  }
}

#map = affine_map<(d0, d1) -> (0, 0)>
#map1 = affine_map<(d0, d1) -> (0, 0, 0)>
module attributes {stable_mosaic.version = 14 : i64} {
  func.func @body(%arg0: i32, %arg1: i32, %arg2: memref<10112x128xf32, #tpu.memory_space<hbm>>, %arg3: memref<2560x128xi32, #tpu.memory_space<hbm>>, %arg4: memref<2560x128xi32, #tpu.memory_space<hbm>>, %arg5: memref<2x10112x128xf32, #tpu.memory_space<hbm>>, %arg6: memref<10240x128xf32, #tpu.memory_space<vmem_shared>>, %arg7: memref<2x8x128xi32, #tpu.memory_space<vmem>>, %arg8: memref<2x8x128xi32, #tpu.memory_space<vmem>>, %arg9: memref<2x128x128xf32, #tpu.memory_space<vmem>>, %arg10: memref<16x128xf32, #tpu.memory_space<vmem>>, %arg11: memref<!tpu.dma_semaphore, #tpu.memory_space<semaphore_mem>>, %arg12: memref<!tpu.dma_semaphore, #tpu.memory_space<semaphore_mem>>, %arg13: memref<!tpu.dma_semaphore, #tpu.memory_space<semaphore_mem>>, %arg14: memref<!tpu.dma_semaphore, #tpu.memory_space<semaphore_mem>>, %arg15: memref<!tpu.dma_semaphore, #tpu.memory_space<semaphore_mem>>, %arg16: memref<!tpu.dma_semaphore, #tpu.memory_space<semaphore_mem>>, %arg17: memref<!tpu.dma_semaphore, #tpu.memory_space<semaphore_mem>>, %arg18: memref<!tpu.dma_semaphore, #tpu.memory_space<semaphore_mem>>, %arg19: memref<!tpu.dma_semaphore, #tpu.memory_space<semaphore_mem>>, %arg20: memref<!tpu.dma_semaphore, #tpu.memory_space<semaphore_mem>>) attributes {dimension_semantics = [#tpu.dimension_semantics<core_parallel>, #tpu.dimension_semantics<subcore_parallel>], iteration_bounds = array<i64: 2, 16>, scalar_prefetch = 0 : i64, scratch_operands = 15 : i64, tpu.core_type = #tpu.core_type<sc_vector_subcore>, window_params = [{transform_indices = #map}, {transform_indices = #map}, {transform_indices = #map}, {transform_indices = #map1}]} {
    %mul3A = arith.constant 640 : i32
    %mul3A_0 = arith.muli %arg1, %mul3A : i32
    %mul3A_1 = arith.constant 16 : i32
    %mul3A_2 = arith.muli %arg0, %mul3A_1 : i32
    %add3A = arith.addi %mul3A_2, %arg1 : i32
    %mul3A_3 = arith.constant 80 : i32
    %mul3A_4 = arith.muli %add3A, %mul3A_3 : i32
    %broadcast_in_dim3A = arith.constant 0.000000e+00 : f32
    %broadcast_in_dim3A_5 = vector.broadcast %broadcast_in_dim3A : f32 to vector<16xf32>
    %scan3A = arith.constant 0 : i32
    %scan3A_6 = arith.constant 0 : i32
    %scan3A_7 = arith.constant 16 : i32
    %scan3A_8 = arith.addi %scan3A_6, %scan3A_7 : i32
    %scan3A_9 = arith.constant 1 : i32
    scf.for %scan3A_94 = %scan3A_6 to %scan3A_8 step %scan3A_9  : i32 {
      %swap3A = arith.index_cast %scan3A_94 : i32 to index
      %swap3A_95 = arith.constant 0 : index
      %swap3A_96 = tpu.vector_load %arg10[%swap3A, %swap3A_95] {strides = array<i32>} : memref<16x128xf32, #tpu.memory_space<vmem>>, vector<1x16xf32>,
      %swap3A_97 = vector.shape_cast %swap3A_96 : vector<1x16xf32> to vector<16xf32>
      %swap3A_98 = vector.shape_cast %broadcast_in_dim3A_5 : vector<16xf32> to vector<1x16xf32>
      tpu.vector_store %arg10[%swap3A, %swap3A_95], %swap3A_98 {strides = array<i32>} : memref<16x128xf32, #tpu.memory_space<vmem>>, vector<1x16xf32>,
      %swap3A_99 = arith.index_cast %scan3A_94 : i32 to index
      %swap3A_100 = arith.constant 16 : index
      %swap3A_101 = tpu.vector_load %arg10[%swap3A_99, %swap3A_100] {strides = array<i32>} : memref<16x128xf32, #tpu.memory_space<vmem>>, vector<1x16xf32>,
      %swap3A_102 = vector.shape_cast %swap3A_101 : vector<1x16xf32> to vector<16xf32>
      %swap3A_103 = vector.shape_cast %broadcast_in_dim3A_5 : vector<16xf32> to vector<1x16xf32>
      tpu.vector_store %arg10[%swap3A_99, %swap3A_100], %swap3A_103 {strides = array<i32>} : memref<16x128xf32, #tpu.memory_space<vmem>>, vector<1x16xf32>,
      %swap3A_104 = arith.index_cast %scan3A_94 : i32 to index
      %swap3A_105 = arith.constant 32 : index
      %swap3A_106 = tpu.vector_load %arg10[%swap3A_104, %swap3A_105] {strides = array<i32>} : memref<16x128xf32, #tpu.memory_space<vmem>>, vector<1x16xf32>,
      %swap3A_107 = vector.shape_cast %swap3A_106 : vector<1x16xf32> to vector<16xf32>
      %swap3A_108 = vector.shape_cast %broadcast_in_dim3A_5 : vector<16xf32> to vector<1x16xf32>
      tpu.vector_store %arg10[%swap3A_104, %swap3A_105], %swap3A_108 {strides = array<i32>} : memref<16x128xf32, #tpu.memory_space<vmem>>, vector<1x16xf32>,
      %swap3A_109 = arith.index_cast %scan3A_94 : i32 to index
      %swap3A_110 = arith.constant 48 : index
      %swap3A_111 = tpu.vector_load %arg10[%swap3A_109, %swap3A_110] {strides = array<i32>} : memref<16x128xf32, #tpu.memory_space<vmem>>, vector<1x16xf32>,
      %swap3A_112 = vector.shape_cast %swap3A_111 : vector<1x16xf32> to vector<16xf32>
      %swap3A_113 = vector.shape_cast %broadcast_in_dim3A_5 : vector<16xf32> to vector<1x16xf32>
      tpu.vector_store %arg10[%swap3A_109, %swap3A_110], %swap3A_113 {strides = array<i32>} : memref<16x128xf32, #tpu.memory_space<vmem>>, vector<1x16xf32>,
      %swap3A_114 = arith.index_cast %scan3A_94 : i32 to index
      %swap3A_115 = arith.constant 64 : index
      %swap3A_116 = tpu.vector_load %arg10[%swap3A_114, %swap3A_115] {strides = array<i32>} : memref<16x128xf32, #tpu.memory_space<vmem>>, vector<1x16xf32>,
      %swap3A_117 = vector.shape_cast %swap3A_116 : vector<1x16xf32> to vector<16xf32>
      %swap3A_118 = vector.shape_cast %broadcast_in_dim3A_5 : vector<16xf32> to vector<1x16xf32>
      tpu.vector_store %arg10[%swap3A_114, %swap3A_115], %swap3A_118 {strides = array<i32>} : memref<16x128xf32, #tpu.memory_space<vmem>>, vector<1x16xf32>,
      %swap3A_119 = arith.index_cast %scan3A_94 : i32 to index
      %swap3A_120 = arith.constant 80 : index
      %swap3A_121 = tpu.vector_load %arg10[%swap3A_119, %swap3A_120] {strides = array<i32>} : memref<16x128xf32, #tpu.memory_space<vmem>>, vector<1x16xf32>,
      %swap3A_122 = vector.shape_cast %swap3A_121 : vector<1x16xf32> to vector<16xf32>
      %swap3A_123 = vector.shape_cast %broadcast_in_dim3A_5 : vector<16xf32> to vector<1x16xf32>
      tpu.vector_store %arg10[%swap3A_119, %swap3A_120], %swap3A_123 {strides = array<i32>} : memref<16x128xf32, #tpu.memory_space<vmem>>, vector<1x16xf32>,
      %swap3A_124 = arith.index_cast %scan3A_94 : i32 to index
      %swap3A_125 = arith.constant 96 : index
      %swap3A_126 = tpu.vector_load %arg10[%swap3A_124, %swap3A_125] {strides = array<i32>} : memref<16x128xf32, #tpu.memory_space<vmem>>, vector<1x16xf32>,
      %swap3A_127 = vector.shape_cast %swap3A_126 : vector<1x16xf32> to vector<16xf32>
      %swap3A_128 = vector.shape_cast %broadcast_in_dim3A_5 : vector<16xf32> to vector<1x16xf32>
      tpu.vector_store %arg10[%swap3A_124, %swap3A_125], %swap3A_128 {strides = array<i32>} : memref<16x128xf32, #tpu.memory_space<vmem>>, vector<1x16xf32>,
      %swap3A_129 = arith.index_cast %scan3A_94 : i32 to index
      %swap3A_130 = arith.constant 112 : index
      %swap3A_131 = tpu.vector_load %arg10[%swap3A_129, %swap3A_130] {strides = array<i32>} : memref<16x128xf32, #tpu.memory_space<vmem>>, vector<1x16xf32>,
      %swap3A_132 = vector.shape_cast %swap3A_131 : vector<1x16xf32> to vector<16xf32>
      %swap3A_133 = vector.shape_cast %broadcast_in_dim3A_5 : vector<16xf32> to vector<1x16xf32>
      tpu.vector_store %arg10[%swap3A_129, %swap3A_130], %swap3A_133 {strides = array<i32>} : memref<16x128xf32, #tpu.memory_space<vmem>>, vector<1x16xf32>,
    }
    %scan3A_10 = arith.constant 16 : i32
    %scan3A_11 = arith.constant 0 : i32
    %scan3A_12 = arith.constant 0 : i32
    %scan3A_13 = arith.constant 40 : i32
    %scan3A_14 = arith.addi %scan3A_12, %scan3A_13 : i32
    %scan3A_15 = arith.constant 1 : i32
    scf.for %scan3A_94 = %scan3A_12 to %scan3A_14 step %scan3A_15  : i32 {
      %mul3A_95 = arith.constant 16 : i32
      %mul3A_96 = arith.muli %scan3A_94, %mul3A_95 : i32
      %add3A_97 = arith.addi %mul3A_0, %mul3A_96 : i32
      "tpu.region"() ({
        %run_scoped3A_98 = tpu.sem_alloc : memref<!tpu.dma_semaphore, #tpu.memory_space<semaphore_mem>>
        %dma_start3A_99 = arith.constant 0 : i32
        %dma_start3A_100 = tpu.memref_slice %arg6[%add3A_97, %dma_start3A_99] : memref<10240x128xf32, #tpu.memory_space<vmem_shared>> -> memref<16x128xf32, #tpu.memory_space<vmem_shared>>
        %dma_start3A_101 = arith.constant 0 : i32
        %dma_start3A_102 = tpu.memref_slice %arg6[%add3A_97, %dma_start3A_101] : memref<10240x128xf32, #tpu.memory_space<vmem_shared>> -> memref<16x128xf32, #tpu.memory_space<vmem_shared>>
        tpu.enqueue_dma source(%arg10 : memref<16x128xf32, #tpu.memory_space<vmem>>) target(%dma_start3A_102 : memref<16x128xf32, #tpu.memory_space<vmem_shared>>) target_semaphore(%run_scoped3A_98 : memref<!tpu.dma_semaphore, #tpu.memory_space<semaphore_mem>>)
        %dma_wait3A_103 = arith.constant 0 : i32
        %dma_wait3A_104 = tpu.memref_slice %arg6[%add3A_97, %dma_wait3A_103] : memref<10240x128xf32, #tpu.memory_space<vmem_shared>> -> memref<16x128xf32, #tpu.memory_space<vmem_shared>>
        %dma_wait3A_105 = arith.constant 0 : i32
        %dma_wait3A_106 = tpu.memref_slice %arg6[%add3A_97, %dma_wait3A_105] : memref<10240x128xf32, #tpu.memory_space<vmem_shared>> -> memref<16x128xf32, #tpu.memory_space<vmem_shared>>
        tpu.wait_dma2 semaphore(%run_scoped3A_98 : memref<!tpu.dma_semaphore, #tpu.memory_space<semaphore_mem>>) src(%arg10 : memref<16x128xf32, #tpu.memory_space<vmem>>) dst(%dma_wait3A_106 : memref<16x128xf32, #tpu.memory_space<vmem_shared>>)
        tpu.yield
      }) : () -> ()
    }
    %scan3A_16 = arith.constant 40 : i32
    %barrier3A = arith.constant 0 : index
    tpu.barrier barrier_id(%barrier3A)
    %run_scoped3A = arith.constant 0 : i32
    "tpu.region"() ({
      %run_scoped3A_94 = tpu.sem_alloc : memref<!tpu.dma_semaphore, #tpu.memory_space<semaphore_mem>>
      %dma_start3A_95 = arith.constant 0 : i32
      %dma_start3A_96 = arith.constant 0 : i32
      %dma_start3A_97 = tpu.memref_slice %arg7[%run_scoped3A, %dma_start3A_95, %dma_start3A_96] : memref<2x8x128xi32, #tpu.memory_space<vmem>> -> memref<1x8x128xi32, #tpu.memory_space<vmem>>
      %dma_start3A_98 = tpu.memref_squeeze %dma_start3A_97 : memref<1x8x128xi32, #tpu.memory_space<vmem>> -> memref<8x128xi32, #tpu.memory_space<vmem>>
      %dma_start3A_99 = arith.constant 0 : i32
      %dma_start3A_100 = tpu.memref_slice %arg3[%mul3A_4, %dma_start3A_99] : memref<2560x128xi32, #tpu.memory_space<hbm>> -> memref<8x128xi32, #tpu.memory_space<hbm>>
      %dma_start3A_101 = arith.constant 0 : i32
      %dma_start3A_102 = arith.constant 0 : i32
      %dma_start3A_103 = tpu.memref_slice %arg7[%run_scoped3A, %dma_start3A_101, %dma_start3A_102] : memref<2x8x128xi32, #tpu.memory_space<vmem>> -> memref<1x8x128xi32, #tpu.memory_space<vmem>>
      %dma_start3A_104 = tpu.memref_squeeze %dma_start3A_103 : memref<1x8x128xi32, #tpu.memory_space<vmem>> -> memref<8x128xi32, #tpu.memory_space<vmem>>
      %dma_start3A_105 = arith.constant 0 : i32
      %dma_start3A_106 = tpu.memref_slice %arg3[%mul3A_4, %dma_start3A_105] : memref<2560x128xi32, #tpu.memory_space<hbm>> -> memref<8x128xi32, #tpu.memory_space<hbm>>
      tpu.enqueue_dma source(%dma_start3A_106 : memref<8x128xi32, #tpu.memory_space<hbm>>) target(%dma_start3A_104 : memref<8x128xi32, #tpu.memory_space<vmem>>) target_semaphore(%run_scoped3A_94 : memref<!tpu.dma_semaphore, #tpu.memory_space<semaphore_mem>>)
      %dma_wait3A_107 = arith.constant 0 : i32
      %dma_wait3A_108 = arith.constant 0 : i32
      %dma_wait3A_109 = tpu.memref_slice %arg7[%run_scoped3A, %dma_wait3A_107, %dma_wait3A_108] : memref<2x8x128xi32, #tpu.memory_space<vmem>> -> memref<1x8x128xi32, #tpu.memory_space<vmem>>
      %dma_wait3A_110 = tpu.memref_squeeze %dma_wait3A_109 : memref<1x8x128xi32, #tpu.memory_space<vmem>> -> memref<8x128xi32, #tpu.memory_space<vmem>>
      %dma_wait3A_111 = arith.constant 0 : i32
      %dma_wait3A_112 = tpu.memref_slice %arg3[%mul3A_4, %dma_wait3A_111] : memref<2560x128xi32, #tpu.memory_space<hbm>> -> memref<8x128xi32, #tpu.memory_space<hbm>>
      %dma_wait3A_113 = arith.constant 0 : i32
      %dma_wait3A_114 = arith.constant 0 : i32
      %dma_wait3A_115 = tpu.memref_slice %arg7[%run_scoped3A, %dma_wait3A_113, %dma_wait3A_114] : memref<2x8x128xi32, #tpu.memory_space<vmem>> -> memref<1x8x128xi32, #tpu.memory_space<vmem>>
      %dma_wait3A_116 = tpu.memref_squeeze %dma_wait3A_115 : memref<1x8x128xi32, #tpu.memory_space<vmem>> -> memref<8x128xi32, #tpu.memory_space<vmem>>
      %dma_wait3A_117 = arith.constant 0 : i32
      %dma_wait3A_118 = tpu.memref_slice %arg3[%mul3A_4, %dma_wait3A_117] : memref<2560x128xi32, #tpu.memory_space<hbm>> -> memref<8x128xi32, #tpu.memory_space<hbm>>
      tpu.wait_dma2 semaphore(%run_scoped3A_94 : memref<!tpu.dma_semaphore, #tpu.memory_space<semaphore_mem>>) src(%dma_wait3A_118 : memref<8x128xi32, #tpu.memory_space<hbm>>) dst(%dma_wait3A_116 : memref<8x128xi32, #tpu.memory_space<vmem>>)
      tpu.yield
    }) : () -> ()
    %run_scoped3A_17 = arith.constant 0 : i32
    "tpu.region"() ({
      %run_scoped3A_94 = tpu.sem_alloc : memref<!tpu.dma_semaphore, #tpu.memory_space<semaphore_mem>>
      %dma_start3A_95 = arith.constant 0 : i32
      %dma_start3A_96 = arith.constant 0 : i32
      %dma_start3A_97 = tpu.memref_slice %arg8[%run_scoped3A_17, %dma_start3A_95, %dma_start3A_96] : memref<2x8x128xi32, #tpu.memory_space<vmem>> -> memref<1x8x128xi32, #tpu.memory_space<vmem>>
      %dma_start3A_98 = tpu.memref_squeeze %dma_start3A_97 : memref<1x8x128xi32, #tpu.memory_space<vmem>> -> memref<8x128xi32, #tpu.memory_space<vmem>>
      %dma_start3A_99 = arith.constant 0 : i32
      %dma_start3A_100 = tpu.memref_slice %arg4[%mul3A_4, %dma_start3A_99] : memref<2560x128xi32, #tpu.memory_space<hbm>> -> memref<8x128xi32, #tpu.memory_space<hbm>>
      %dma_start3A_101 = arith.constant 0 : i32
      %dma_start3A_102 = arith.constant 0 : i32
      %dma_start3A_103 = tpu.memref_slice %arg8[%run_scoped3A_17, %dma_start3A_101, %dma_start3A_102] : memref<2x8x128xi32, #tpu.memory_space<vmem>> -> memref<1x8x128xi32, #tpu.memory_space<vmem>>
      %dma_start3A_104 = tpu.memref_squeeze %dma_start3A_103 : memref<1x8x128xi32, #tpu.memory_space<vmem>> -> memref<8x128xi32, #tpu.memory_space<vmem>>
      %dma_start3A_105 = arith.constant 0 : i32
      %dma_start3A_106 = tpu.memref_slice %arg4[%mul3A_4, %dma_start3A_105] : memref<2560x128xi32, #tpu.memory_space<hbm>> -> memref<8x128xi32, #tpu.memory_space<hbm>>
      tpu.enqueue_dma source(%dma_start3A_106 : memref<8x128xi32, #tpu.memory_space<hbm>>) target(%dma_start3A_104 : memref<8x128xi32, #tpu.memory_space<vmem>>) target_semaphore(%run_scoped3A_94 : memref<!tpu.dma_semaphore, #tpu.memory_space<semaphore_mem>>)
      %dma_wait3A_107 = arith.constant 0 : i32
      %dma_wait3A_108 = arith.constant 0 : i32
      %dma_wait3A_109 = tpu.memref_slice %arg8[%run_scoped3A_17, %dma_wait3A_107, %dma_wait3A_108] : memref<2x8x128xi32, #tpu.memory_space<vmem>> -> memref<1x8x128xi32, #tpu.memory_space<vmem>>
      %dma_wait3A_110 = tpu.memref_squeeze %dma_wait3A_109 : memref<1x8x128xi32, #tpu.memory_space<vmem>> -> memref<8x128xi32, #tpu.memory_space<vmem>>
      %dma_wait3A_111 = arith.constant 0 : i32
      %dma_wait3A_112 = tpu.memref_slice %arg4[%mul3A_4, %dma_wait3A_111] : memref<2560x128xi32, #tpu.memory_space<hbm>> -> memref<8x128xi32, #tpu.memory_space<hbm>>
      %dma_wait3A_113 = arith.constant 0 : i32
      %dma_wait3A_114 = arith.constant 0 : i32
      %dma_wait3A_115 = tpu.memref_slice %arg8[%run_scoped3A_17, %dma_wait3A_113, %dma_wait3A_114] : memref<2x8x128xi32, #tpu.memory_space<vmem>> -> memref<1x8x128xi32, #tpu.memory_space<vmem>>
      %dma_wait3A_116 = tpu.memref_squeeze %dma_wait3A_115 : memref<1x8x128xi32, #tpu.memory_space<vmem>> -> memref<8x128xi32, #tpu.memory_space<vmem>>
      %dma_wait3A_117 = arith.constant 0 : i32
      %dma_wait3A_118 = tpu.memref_slice %arg4[%mul3A_4, %dma_wait3A_117] : memref<2560x128xi32, #tpu.memory_space<hbm>> -> memref<8x128xi32, #tpu.memory_space<hbm>>
      tpu.wait_dma2 semaphore(%run_scoped3A_94 : memref<!tpu.dma_semaphore, #tpu.memory_space<semaphore_mem>>) src(%dma_wait3A_118 : memref<8x128xi32, #tpu.memory_space<hbm>>) dst(%dma_wait3A_116 : memref<8x128xi32, #tpu.memory_space<vmem>>)
      tpu.yield
    }) : () -> ()
    %dma_start3A = arith.constant 0 : i32
    %dma_start3A_18 = arith.constant 0 : i32
    %dma_start3A_19 = arith.constant 0 : i32
    %dma_start3A_20 = arith.constant 0 : i32
    %dma_start3A_21 = arith.constant 0 : i32
    %dma_start3A_22 = tpu.memref_slice %arg9[%dma_start3A_19, %dma_start3A_20, %dma_start3A_21] : memref<2x128x128xf32, #tpu.memory_space<vmem>> -> memref<1x128x128xf32, #tpu.memory_space<vmem>>
    %dma_start3A_23 = tpu.memref_squeeze %dma_start3A_22 : memref<1x128x128xf32, #tpu.memory_space<vmem>> -> memref<128x128xf32, #tpu.memory_space<vmem>>
    %dma_start3A_24 = arith.constant 0 : i32
    %dma_start3A_25 = tpu.memref_slice %arg7[%dma_start3A, %dma_start3A_18, %dma_start3A_24] : memref<2x8x128xi32, #tpu.memory_space<vmem>> -> memref<1x1x128xi32, #tpu.memory_space<vmem>>
    %dma_start3A_26 = tpu.memref_squeeze %dma_start3A_25 : memref<1x1x128xi32, #tpu.memory_space<vmem>> -> memref<128xi32, #tpu.memory_space<vmem>>
    %dma_start3A_27 = arith.constant 0 : i32
    %dma_start3A_28 = arith.constant 0 : i32
    %dma_start3A_29 = tpu.memref_slice %arg2[%dma_start3A_27, %dma_start3A_28] : memref<10112x128xf32, #tpu.memory_space<hbm>> -> memref<10112x128xf32, #tpu.memory_space<hbm>>
    tpu.enqueue_indirect_dma source(%dma_start3A_29 : memref<10112x128xf32, #tpu.memory_space<hbm>>) target(%dma_start3A_23 : memref<128x128xf32, #tpu.memory_space<vmem>>) offsets(%dma_start3A_26 : memref<128xi32, #tpu.memory_space<vmem>>) semaphore(%arg11 : memref<!tpu.dma_semaphore, #tpu.memory_space<semaphore_mem>>)
    %scan3A_30 = arith.constant 0 : i32
    %scan3A_31 = arith.constant 0 : i32
    %scan3A_32 = arith.constant 10 : i32
    %scan3A_33 = arith.addi %scan3A_31, %scan3A_32 : i32
    %scan3A_34 = arith.constant 1 : i32
    scf.for %scan3A_94 = %scan3A_31 to %scan3A_33 step %scan3A_34  : i32 {
      %jit3A = arith.constant 2 : i32
      %eq3A = arith.constant 0 : i32
      %eq3A_95 = arith.cmpi eq, %jit3A, %eq3A : i32
      %jit3A_96 = arith.constant 1 : i32
      %select_n3A = arith.select %eq3A_95, %jit3A_96, %jit3A : i32
      %rem3A = arith.remsi %scan3A_94, %select_n3A : i32
      %ne3A = arith.constant 0 : i32
      %ne3A_97 = arith.cmpi ne, %rem3A, %ne3A : i32
      %lt3A_98 = arith.constant 0 : i32
      %lt3A_99 = arith.cmpi slt, %rem3A, %lt3A_98 : i32
      %lt3A_100 = arith.constant 0 : i32
      %lt3A_101 = arith.cmpi slt, %select_n3A, %lt3A_100 : i32
      %ne3A_102 = arith.xori %lt3A_99, %lt3A_101 : i1
      %and3A = arith.andi %ne3A_102, %ne3A_97 : i1
      %add3A_103 = arith.addi %rem3A, %select_n3A : i32
      %select_n3A_104 = arith.select %and3A, %add3A_103, %rem3A : i32
      %add3A_105 = arith.constant 1 : i32
      %add3A_106 = arith.addi %scan3A_94, %add3A_105 : i32
      %jit3A_107 = arith.constant 2 : i32
      %eq3A_108 = arith.constant 0 : i32
      %eq3A_109 = arith.cmpi eq, %jit3A_107, %eq3A_108 : i32
      %jit3A_110 = arith.constant 1 : i32
      %select_n3A_111 = arith.select %eq3A_109, %jit3A_110, %jit3A_107 : i32
      %rem3A_112 = arith.remsi %add3A_106, %select_n3A_111 : i32
      %ne3A_113 = arith.constant 0 : i32
      %ne3A_114 = arith.cmpi ne, %rem3A_112, %ne3A_113 : i32
      %lt3A_115 = arith.constant 0 : i32
      %lt3A_116 = arith.cmpi slt, %rem3A_112, %lt3A_115 : i32
      %lt3A_117 = arith.constant 0 : i32
      %lt3A_118 = arith.cmpi slt, %select_n3A_111, %lt3A_117 : i32
      %ne3A_119 = arith.xori %lt3A_116, %lt3A_118 : i1
      %and3A_120 = arith.andi %ne3A_119, %ne3A_114 : i1
      %add3A_121 = arith.addi %rem3A_112, %select_n3A_111 : i32
      %select_n3A_122 = arith.select %and3A_120, %add3A_121, %rem3A_112 : i32
      %scan3A_123 = arith.constant 0 : i32
      %scan3A_124 = arith.constant 0 : i32
      %scan3A_125 = arith.constant 8 : i32
      %scan3A_126 = arith.addi %scan3A_124, %scan3A_125 : i32
      %scan3A_127 = arith.constant 1 : i32
      scf.for %scan3A_129 = %scan3A_124 to %scan3A_126 step %scan3A_127  : i32 {
        %jit3A_130 = arith.constant 2 : i32
        %eq3A_131 = arith.constant 0 : i32
        %eq3A_132 = arith.cmpi eq, %jit3A_130, %eq3A_131 : i32
        %jit3A_133 = arith.constant 1 : i32
        %select_n3A_134 = arith.select %eq3A_132, %jit3A_133, %jit3A_130 : i32
        %rem3A_135 = arith.remsi %scan3A_129, %select_n3A_134 : i32
        %ne3A_136 = arith.constant 0 : i32
        %ne3A_137 = arith.cmpi ne, %rem3A_135, %ne3A_136 : i32
        %lt3A_138 = arith.constant 0 : i32
        %lt3A_139 = arith.cmpi slt, %rem3A_135, %lt3A_138 : i32
        %lt3A_140 = arith.constant 0 : i32
        %lt3A_141 = arith.cmpi slt, %select_n3A_134, %lt3A_140 : i32
        %ne3A_142 = arith.xori %lt3A_139, %lt3A_141 : i1
        %and3A_143 = arith.andi %ne3A_142, %ne3A_137 : i1
        %add3A_144 = arith.addi %rem3A_135, %select_n3A_134 : i32
        %select_n3A_145 = arith.select %and3A_143, %add3A_144, %rem3A_135 : i32
        %eq3A_146 = arith.constant 0 : i32
        %eq3A_147 = arith.cmpi eq, %select_n3A_145, %eq3A_146 : i32
        %convert_element_type3A_148 = arith.extui %eq3A_147 : i1 to i32
        %cond3A_149 = arith.constant 0 : i32
        %cond3A_150 = arith.cmpi ne, %convert_element_type3A_148, %cond3A_149 : i32
        scf.if %cond3A_150 {
          %dma_wait3A_172 = arith.constant 0 : i32
          %dma_wait3A_173 = arith.constant 0 : i32
          %dma_wait3A_174 = arith.constant 0 : i32
          %dma_wait3A_175 = tpu.memref_slice %arg9[%dma_wait3A_172, %dma_wait3A_173, %dma_wait3A_174] : memref<2x128x128xf32, #tpu.memory_space<vmem>> -> memref<1x128x128xf32, #tpu.memory_space<vmem>>
          %dma_wait3A_176 = tpu.memref_squeeze %dma_wait3A_175 : memref<1x128x128xf32, #tpu.memory_space<vmem>> -> memref<128x128xf32, #tpu.memory_space<vmem>>
          %dma_wait3A_177 = arith.constant 0 : i32
          %dma_wait3A_178 = tpu.memref_slice %arg7[%select_n3A_104, %scan3A_129, %dma_wait3A_177] : memref<2x8x128xi32, #tpu.memory_space<vmem>> -> memref<1x1x128xi32, #tpu.memory_space<vmem>>
          %dma_wait3A_179 = tpu.memref_squeeze %dma_wait3A_178 : memref<1x1x128xi32, #tpu.memory_space<vmem>> -> memref<128xi32, #tpu.memory_space<vmem>>
          %dma_wait3A_180 = arith.constant 0 : i32
          %dma_wait3A_181 = arith.constant 0 : i32
          %dma_wait3A_182 = tpu.memref_slice %arg2[%dma_wait3A_180, %dma_wait3A_181] : memref<10112x128xf32, #tpu.memory_space<hbm>> -> memref<10112x128xf32, #tpu.memory_space<hbm>>
          tpu.wait_indirect_dma semaphore(%arg11 : memref<!tpu.dma_semaphore, #tpu.memory_space<semaphore_mem>>) src(%dma_wait3A_182 : memref<10112x128xf32, #tpu.memory_space<hbm>>) dst(%dma_wait3A_176 : memref<128x128xf32, #tpu.memory_space<vmem>>)
          %eq3A_183 = arith.constant 1 : i32
          %eq3A_184 = arith.cmpi eq, %scan3A_129, %eq3A_183 : i32
          %add3A_185 = arith.constant 1 : i32
          %add3A_186 = arith.addi %scan3A_94, %add3A_185 : i32
          %lt3A_187 = arith.constant 10 : i32
          %lt3A_188 = arith.cmpi slt, %add3A_186, %lt3A_187 : i32
          %and3A_189 = arith.andi %eq3A_184, %lt3A_188 : i1
          %convert_element_type3A_190 = arith.extui %and3A_189 : i1 to i32
          %cond3A_191 = arith.constant 0 : i32
          %cond3A_192 = arith.cmpi ne, %convert_element_type3A_190, %cond3A_191 : i32
          scf.if %cond3A_192 {
            %add3A_225 = arith.constant 1 : i32
            %add3A_226 = arith.addi %scan3A_94, %add3A_225 : i32
            %mul3A_227 = arith.constant 8 : i32
            %mul3A_228 = arith.muli %add3A_226, %mul3A_227 : i32
            %add3A_229 = arith.addi %mul3A_4, %mul3A_228 : i32
            %dma_start3A_230 = arith.constant 0 : i32
            %dma_start3A_231 = arith.constant 0 : i32
            %dma_start3A_232 = tpu.memref_slice %arg7[%select_n3A_122, %dma_start3A_230, %dma_start3A_231] : memref<2x8x128xi32, #tpu.memory_space<vmem>> -> memref<1x8x128xi32, #tpu.memory_space<vmem>>
            %dma_start3A_233 = tpu.memref_squeeze %dma_start3A_232 : memref<1x8x128xi32, #tpu.memory_space<vmem>> -> memref<8x128xi32, #tpu.memory_space<vmem>>
            %dma_start3A_234 = arith.constant 0 : i32
            %dma_start3A_235 = tpu.memref_slice %arg3[%add3A_229, %dma_start3A_234] : memref<2560x128xi32, #tpu.memory_space<hbm>> -> memref<8x128xi32, #tpu.memory_space<hbm>>
            %dma_start3A_236 = arith.constant 0 : i32
            %dma_start3A_237 = arith.constant 0 : i32
            %dma_start3A_238 = tpu.memref_slice %arg7[%select_n3A_122, %dma_start3A_236, %dma_start3A_237] : memref<2x8x128xi32, #tpu.memory_space<vmem>> -> memref<1x8x128xi32, #tpu.memory_space<vmem>>
            %dma_start3A_239 = tpu.memref_squeeze %dma_start3A_238 : memref<1x8x128xi32, #tpu.memory_space<vmem>> -> memref<8x128xi32, #tpu.memory_space<vmem>>
            %dma_start3A_240 = arith.constant 0 : i32
            %dma_start3A_241 = tpu.memref_slice %arg3[%add3A_229, %dma_start3A_240] : memref<2560x128xi32, #tpu.memory_space<hbm>> -> memref<8x128xi32, #tpu.memory_space<hbm>>
            tpu.enqueue_dma source(%dma_start3A_241 : memref<8x128xi32, #tpu.memory_space<hbm>>) target(%dma_start3A_239 : memref<8x128xi32, #tpu.memory_space<vmem>>) target_semaphore(%arg15 : memref<!tpu.dma_semaphore, #tpu.memory_space<semaphore_mem>>)
            %add3A_242 = arith.constant 1 : i32
            %add3A_243 = arith.addi %scan3A_94, %add3A_242 : i32
            %mul3A_244 = arith.constant 8 : i32
            %mul3A_245 = arith.muli %add3A_243, %mul3A_244 : i32
            %add3A_246 = arith.addi %mul3A_4, %mul3A_245 : i32
            %dma_start3A_247 = arith.constant 0 : i32
            %dma_start3A_248 = arith.constant 0 : i32
            %dma_start3A_249 = tpu.memref_slice %arg8[%select_n3A_122, %dma_start3A_247, %dma_start3A_248] : memref<2x8x128xi32, #tpu.memory_space<vmem>> -> memref<1x8x128xi32, #tpu.memory_space<vmem>>
            %dma_start3A_250 = tpu.memref_squeeze %dma_start3A_249 : memref<1x8x128xi32, #tpu.memory_space<vmem>> -> memref<8x128xi32, #tpu.memory_space<vmem>>
            %dma_start3A_251 = arith.constant 0 : i32
            %dma_start3A_252 = tpu.memref_slice %arg4[%add3A_246, %dma_start3A_251] : memref<2560x128xi32, #tpu.memory_space<hbm>> -> memref<8x128xi32, #tpu.memory_space<hbm>>
            %dma_start3A_253 = arith.constant 0 : i32
            %dma_start3A_254 = arith.constant 0 : i32
            %dma_start3A_255 = tpu.memref_slice %arg8[%select_n3A_122, %dma_start3A_253, %dma_start3A_254] : memref<2x8x128xi32, #tpu.memory_space<vmem>> -> memref<1x8x128xi32, #tpu.memory_space<vmem>>
            %dma_start3A_256 = tpu.memref_squeeze %dma_start3A_255 : memref<1x8x128xi32, #tpu.memory_space<vmem>> -> memref<8x128xi32, #tpu.memory_space<vmem>>
            %dma_start3A_257 = arith.constant 0 : i32
            %dma_start3A_258 = tpu.memref_slice %arg4[%add3A_246, %dma_start3A_257] : memref<2560x128xi32, #tpu.memory_space<hbm>> -> memref<8x128xi32, #tpu.memory_space<hbm>>
            tpu.enqueue_dma source(%dma_start3A_258 : memref<8x128xi32, #tpu.memory_space<hbm>>) target(%dma_start3A_256 : memref<8x128xi32, #tpu.memory_space<vmem>>) target_semaphore(%arg16 : memref<!tpu.dma_semaphore, #tpu.memory_space<semaphore_mem>>)
          } else {
          }
          %add3A_193 = arith.constant 1 : i32
          %add3A_194 = arith.addi %scan3A_129, %add3A_193 : i32
          %lt3A_195 = arith.constant 8 : i32
          %lt3A_196 = arith.cmpi slt, %add3A_194, %lt3A_195 : i32
          %convert_element_type3A_197 = arith.extui %lt3A_196 : i1 to i32
          %cond3A_198 = arith.constant 1 : i32
          %cond3A_199 = arith.constant 0 : i32
          %cond3A_200 = arith.cmpi ne, %convert_element_type3A_197, %cond3A_199 : i32
          scf.if %cond3A_200 {
            %gt3A = arith.constant 0 : i32
            %gt3A_225 = arith.cmpi sgt, %scan3A_94, %gt3A : i32
            %ge3A = arith.constant 1 : i32
            %ge3A_226 = arith.cmpi sge, %scan3A_129, %ge3A : i32
            %or3A = arith.ori %gt3A_225, %ge3A_226 : i1
            %convert_element_type3A_227 = arith.extui %or3A : i1 to i32
            %cond3A_228 = arith.constant 0 : i32
            %cond3A_229 = arith.cmpi ne, %convert_element_type3A_227, %cond3A_228 : i32
            scf.if %cond3A_229 {
              %dma_wait3A_242 = arith.constant 0 : i32
              %dma_wait3A_243 = arith.constant 0 : i32
              %dma_wait3A_244 = tpu.memref_slice %arg9[%cond3A_198, %dma_wait3A_242, %dma_wait3A_243] : memref<2x128x128xf32, #tpu.memory_space<vmem>> -> memref<1x128x128xf32, #tpu.memory_space<vmem>>
              %dma_wait3A_245 = tpu.memref_squeeze %dma_wait3A_244 : memref<1x128x128xf32, #tpu.memory_space<vmem>> -> memref<128x128xf32, #tpu.memory_space<vmem>>
              %dma_wait3A_246 = arith.constant 0 : i32
              %dma_wait3A_247 = tpu.memref_slice %arg8[%select_n3A_104, %scan3A_129, %dma_wait3A_246] : memref<2x8x128xi32, #tpu.memory_space<vmem>> -> memref<1x1x128xi32, #tpu.memory_space<vmem>>
              %dma_wait3A_248 = tpu.memref_squeeze %dma_wait3A_247 : memref<1x1x128xi32, #tpu.memory_space<vmem>> -> memref<128xi32, #tpu.memory_space<vmem>>
              %dma_wait3A_249 = arith.constant 0 : i32
              %dma_wait3A_250 = arith.constant 0 : i32
              %dma_wait3A_251 = tpu.memref_slice %arg6[%dma_wait3A_249, %dma_wait3A_250] : memref<10240x128xf32, #tpu.memory_space<vmem_shared>> -> memref<10240x128xf32, #tpu.memory_space<vmem_shared>>
              tpu.wait_indirect_dma semaphore(%arg18 : memref<!tpu.dma_semaphore, #tpu.memory_space<semaphore_mem>>) src(%dma_wait3A_245 : memref<128x128xf32, #tpu.memory_space<vmem>>) dst(%dma_wait3A_251 : memref<10240x128xf32, #tpu.memory_space<vmem_shared>>)
            } else {
            }
            %add3A_230 = arith.constant 1 : i32
            %add3A_231 = arith.addi %scan3A_129, %add3A_230 : i32
            %dma_start3A_232 = arith.constant 0 : i32
            %dma_start3A_233 = arith.constant 0 : i32
            %dma_start3A_234 = tpu.memref_slice %arg9[%cond3A_198, %dma_start3A_232, %dma_start3A_233] : memref<2x128x128xf32, #tpu.memory_space<vmem>> -> memref<1x128x128xf32, #tpu.memory_space<vmem>>
            %dma_start3A_235 = tpu.memref_squeeze %dma_start3A_234 : memref<1x128x128xf32, #tpu.memory_space<vmem>> -> memref<128x128xf32, #tpu.memory_space<vmem>>
            %dma_start3A_236 = arith.constant 0 : i32
            %dma_start3A_237 = tpu.memref_slice %arg7[%select_n3A_104, %add3A_231, %dma_start3A_236] : memref<2x8x128xi32, #tpu.memory_space<vmem>> -> memref<1x1x128xi32, #tpu.memory_space<vmem>>
            %dma_start3A_238 = tpu.memref_squeeze %dma_start3A_237 : memref<1x1x128xi32, #tpu.memory_space<vmem>> -> memref<128xi32, #tpu.memory_space<vmem>>
            %dma_start3A_239 = arith.constant 0 : i32
            %dma_start3A_240 = arith.constant 0 : i32
            %dma_start3A_241 = tpu.memref_slice %arg2[%dma_start3A_239, %dma_start3A_240] : memref<10112x128xf32, #tpu.memory_space<hbm>> -> memref<10112x128xf32, #tpu.memory_space<hbm>>
            tpu.enqueue_indirect_dma source(%dma_start3A_241 : memref<10112x128xf32, #tpu.memory_space<hbm>>) target(%dma_start3A_235 : memref<128x128xf32, #tpu.memory_space<vmem>>) offsets(%dma_start3A_238 : memref<128xi32, #tpu.memory_space<vmem>>) semaphore(%arg12 : memref<!tpu.dma_semaphore, #tpu.memory_space<semaphore_mem>>)
          } else {
          }
          %add3A_201 = arith.constant 1 : i32
          %add3A_202 = arith.addi %scan3A_129, %add3A_201 : i32
          %eq3A_203 = arith.constant 8 : i32
          %eq3A_204 = arith.cmpi eq, %add3A_202, %eq3A_203 : i32
          %add3A_205 = arith.constant 1 : i32
          %add3A_206 = arith.addi %scan3A_94, %add3A_205 : i32
          %lt3A_207 = arith.constant 10 : i32
          %lt3A_208 = arith.cmpi slt, %add3A_206, %lt3A_207 : i32
          %and3A_209 = arith.andi %eq3A_204, %lt3A_208 : i1
          %convert_element_type3A_210 = arith.extui %and3A_209 : i1 to i32
          %cond3A_211 = arith.constant 1 : i32
          %cond3A_212 = arith.constant 0 : i32
          %cond3A_213 = arith.cmpi ne, %convert_element_type3A_210, %cond3A_212 : i32
          scf.if %cond3A_213 {
            %dma_wait3A_225 = arith.constant 0 : i32
            %dma_wait3A_226 = arith.constant 0 : i32
            %dma_wait3A_227 = tpu.memref_slice %arg9[%cond3A_211, %dma_wait3A_225, %dma_wait3A_226] : memref<2x128x128xf32, #tpu.memory_space<vmem>> -> memref<1x128x128xf32, #tpu.memory_space<vmem>>
            %dma_wait3A_228 = tpu.memref_squeeze %dma_wait3A_227 : memref<1x128x128xf32, #tpu.memory_space<vmem>> -> memref<128x128xf32, #tpu.memory_space<vmem>>
            %dma_wait3A_229 = arith.constant 0 : i32
            %dma_wait3A_230 = tpu.memref_slice %arg8[%select_n3A_104, %scan3A_129, %dma_wait3A_229] : memref<2x8x128xi32, #tpu.memory_space<vmem>> -> memref<1x1x128xi32, #tpu.memory_space<vmem>>
            %dma_wait3A_231 = tpu.memref_squeeze %dma_wait3A_230 : memref<1x1x128xi32, #tpu.memory_space<vmem>> -> memref<128xi32, #tpu.memory_space<vmem>>
            %dma_wait3A_232 = arith.constant 0 : i32
            %dma_wait3A_233 = arith.constant 0 : i32
            %dma_wait3A_234 = tpu.memref_slice %arg6[%dma_wait3A_232, %dma_wait3A_233] : memref<10240x128xf32, #tpu.memory_space<vmem_shared>> -> memref<10240x128xf32, #tpu.memory_space<vmem_shared>>
            tpu.wait_indirect_dma semaphore(%arg18 : memref<!tpu.dma_semaphore, #tpu.memory_space<semaphore_mem>>) src(%dma_wait3A_228 : memref<128x128xf32, #tpu.memory_space<vmem>>) dst(%dma_wait3A_234 : memref<10240x128xf32, #tpu.memory_space<vmem_shared>>)
            %add3A_235 = arith.constant 1 : i32
            %add3A_236 = arith.addi %scan3A_94, %add3A_235 : i32
            %mul3A_237 = arith.constant 8 : i32
            %mul3A_238 = arith.muli %add3A_236, %mul3A_237 : i32
            %add3A_239 = arith.addi %mul3A_4, %mul3A_238 : i32
            %dma_wait3A_240 = arith.constant 0 : i32
            %dma_wait3A_241 = arith.constant 0 : i32
            %dma_wait3A_242 = tpu.memref_slice %arg7[%select_n3A_122, %dma_wait3A_240, %dma_wait3A_241] : memref<2x8x128xi32, #tpu.memory_space<vmem>> -> memref<1x8x128xi32, #tpu.memory_space<vmem>>
            %dma_wait3A_243 = tpu.memref_squeeze %dma_wait3A_242 : memref<1x8x128xi32, #tpu.memory_space<vmem>> -> memref<8x128xi32, #tpu.memory_space<vmem>>
            %dma_wait3A_244 = arith.constant 0 : i32
            %dma_wait3A_245 = tpu.memref_slice %arg3[%add3A_239, %dma_wait3A_244] : memref<2560x128xi32, #tpu.memory_space<hbm>> -> memref<8x128xi32, #tpu.memory_space<hbm>>
            %dma_wait3A_246 = arith.constant 0 : i32
            %dma_wait3A_247 = arith.constant 0 : i32
            %dma_wait3A_248 = tpu.memref_slice %arg7[%select_n3A_122, %dma_wait3A_246, %dma_wait3A_247] : memref<2x8x128xi32, #tpu.memory_space<vmem>> -> memref<1x8x128xi32, #tpu.memory_space<vmem>>
            %dma_wait3A_249 = tpu.memref_squeeze %dma_wait3A_248 : memref<1x8x128xi32, #tpu.memory_space<vmem>> -> memref<8x128xi32, #tpu.memory_space<vmem>>
            %dma_wait3A_250 = arith.constant 0 : i32
            %dma_wait3A_251 = tpu.memref_slice %arg3[%add3A_239, %dma_wait3A_250] : memref<2560x128xi32, #tpu.memory_space<hbm>> -> memref<8x128xi32, #tpu.memory_space<hbm>>
            tpu.wait_dma2 semaphore(%arg15 : memref<!tpu.dma_semaphore, #tpu.memory_space<semaphore_mem>>) src(%dma_wait3A_251 : memref<8x128xi32, #tpu.memory_space<hbm>>) dst(%dma_wait3A_249 : memref<8x128xi32, #tpu.memory_space<vmem>>)
            %add3A_252 = arith.constant 1 : i32
            %add3A_253 = arith.addi %scan3A_94, %add3A_252 : i32
            %mul3A_254 = arith.constant 8 : i32
            %mul3A_255 = arith.muli %add3A_253, %mul3A_254 : i32
            %add3A_256 = arith.addi %mul3A_4, %mul3A_255 : i32
            %dma_wait3A_257 = arith.constant 0 : i32
            %dma_wait3A_258 = arith.constant 0 : i32
            %dma_wait3A_259 = tpu.memref_slice %arg8[%select_n3A_122, %dma_wait3A_257, %dma_wait3A_258] : memref<2x8x128xi32, #tpu.memory_space<vmem>> -> memref<1x8x128xi32, #tpu.memory_space<vmem>>
            %dma_wait3A_260 = tpu.memref_squeeze %dma_wait3A_259 : memref<1x8x128xi32, #tpu.memory_space<vmem>> -> memref<8x128xi32, #tpu.memory_space<vmem>>
            %dma_wait3A_261 = arith.constant 0 : i32
            %dma_wait3A_262 = tpu.memref_slice %arg4[%add3A_256, %dma_wait3A_261] : memref<2560x128xi32, #tpu.memory_space<hbm>> -> memref<8x128xi32, #tpu.memory_space<hbm>>
            %dma_wait3A_263 = arith.constant 0 : i32
            %dma_wait3A_264 = arith.constant 0 : i32
            %dma_wait3A_265 = tpu.memref_slice %arg8[%select_n3A_122, %dma_wait3A_263, %dma_wait3A_264] : memref<2x8x128xi32, #tpu.memory_space<vmem>> -> memref<1x8x128xi32, #tpu.memory_space<vmem>>
            %dma_wait3A_266 = tpu.memref_squeeze %dma_wait3A_265 : memref<1x8x128xi32, #tpu.memory_space<vmem>> -> memref<8x128xi32, #tpu.memory_space<vmem>>
            %dma_wait3A_267 = arith.constant 0 : i32
            %dma_wait3A_268 = tpu.memref_slice %arg4[%add3A_256, %dma_wait3A_267] : memref<2560x128xi32, #tpu.memory_space<hbm>> -> memref<8x128xi32, #tpu.memory_space<hbm>>
            tpu.wait_dma2 semaphore(%arg16 : memref<!tpu.dma_semaphore, #tpu.memory_space<semaphore_mem>>) src(%dma_wait3A_268 : memref<8x128xi32, #tpu.memory_space<hbm>>) dst(%dma_wait3A_266 : memref<8x128xi32, #tpu.memory_space<vmem>>)
            %dma_start3A_269 = arith.constant 0 : i32
            %dma_start3A_270 = arith.constant 0 : i32
            %dma_start3A_271 = arith.constant 0 : i32
            %dma_start3A_272 = tpu.memref_slice %arg9[%cond3A_211, %dma_start3A_270, %dma_start3A_271] : memref<2x128x128xf32, #tpu.memory_space<vmem>> -> memref<1x128x128xf32, #tpu.memory_space<vmem>>
            %dma_start3A_273 = tpu.memref_squeeze %dma_start3A_272 : memref<1x128x128xf32, #tpu.memory_space<vmem>> -> memref<128x128xf32, #tpu.memory_space<vmem>>
            %dma_start3A_274 = arith.constant 0 : i32
            %dma_start3A_275 = tpu.memref_slice %arg7[%select_n3A_122, %dma_start3A_269, %dma_start3A_274] : memref<2x8x128xi32, #tpu.memory_space<vmem>> -> memref<1x1x128xi32, #tpu.memory_space<vmem>>
            %dma_start3A_276 = tpu.memref_squeeze %dma_start3A_275 : memref<1x1x128xi32, #tpu.memory_space<vmem>> -> memref<128xi32, #tpu.memory_space<vmem>>
            %dma_start3A_277 = arith.constant 0 : i32
            %dma_start3A_278 = arith.constant 0 : i32
            %dma_start3A_279 = tpu.memref_slice %arg2[%dma_start3A_277, %dma_start3A_278] : memref<10112x128xf32, #tpu.memory_space<hbm>> -> memref<10112x128xf32, #tpu.memory_space<hbm>>
            tpu.enqueue_indirect_dma source(%dma_start3A_279 : memref<10112x128xf32, #tpu.memory_space<hbm>>) target(%dma_start3A_273 : memref<128x128xf32, #tpu.memory_space<vmem>>) offsets(%dma_start3A_276 : memref<128xi32, #tpu.memory_space<vmem>>) semaphore(%arg12 : memref<!tpu.dma_semaphore, #tpu.memory_space<semaphore_mem>>)
          } else {
          }
          %dma_start3A_214 = arith.constant 0 : i32
          %dma_start3A_215 = arith.constant 0 : i32
          %dma_start3A_216 = arith.constant 0 : i32
          %dma_start3A_217 = tpu.memref_slice %arg9[%dma_start3A_214, %dma_start3A_215, %dma_start3A_216] : memref<2x128x128xf32, #tpu.memory_space<vmem>> -> memref<1x128x128xf32, #tpu.memory_space<vmem>>
          %dma_start3A_218 = tpu.memref_squeeze %dma_start3A_217 : memref<1x128x128xf32, #tpu.memory_space<vmem>> -> memref<128x128xf32, #tpu.memory_space<vmem>>
          %dma_start3A_219 = arith.constant 0 : i32
          %dma_start3A_220 = tpu.memref_slice %arg8[%select_n3A_104, %scan3A_129, %dma_start3A_219] : memref<2x8x128xi32, #tpu.memory_space<vmem>> -> memref<1x1x128xi32, #tpu.memory_space<vmem>>
          %dma_start3A_221 = tpu.memref_squeeze %dma_start3A_220 : memref<1x1x128xi32, #tpu.memory_space<vmem>> -> memref<128xi32, #tpu.memory_space<vmem>>
          %dma_start3A_222 = arith.constant 0 : i32
          %dma_start3A_223 = arith.constant 0 : i32
          %dma_start3A_224 = tpu.memref_slice %arg6[%dma_start3A_222, %dma_start3A_223] : memref<10240x128xf32, #tpu.memory_space<vmem_shared>> -> memref<10240x128xf32, #tpu.memory_space<vmem_shared>>
          tpu.enqueue_indirect_dma source(%dma_start3A_218 : memref<128x128xf32, #tpu.memory_space<vmem>>) target(%dma_start3A_224 : memref<10240x128xf32, #tpu.memory_space<vmem_shared>>) offsets(%dma_start3A_221 : memref<128xi32, #tpu.memory_space<vmem>>) semaphore(%arg17 : memref<!tpu.dma_semaphore, #tpu.memory_space<semaphore_mem>>) {add = true}
        } else {
        }
        %jit3A_151 = arith.constant 2 : i32
        %eq3A_152 = arith.constant 0 : i32
        %eq3A_153 = arith.cmpi eq, %jit3A_151, %eq3A_152 : i32
        %jit3A_154 = arith.constant 1 : i32
        %select_n3A_155 = arith.select %eq3A_153, %jit3A_154, %jit3A_151 : i32
        %rem3A_156 = arith.remsi %scan3A_129, %select_n3A_155 : i32
        %ne3A_157 = arith.constant 0 : i32
        %ne3A_158 = arith.cmpi ne, %rem3A_156, %ne3A_157 : i32
        %lt3A_159 = arith.constant 0 : i32
        %lt3A_160 = arith.cmpi slt, %rem3A_156, %lt3A_159 : i32
        %lt3A_161 = arith.constant 0 : i32
        %lt3A_162 = arith.cmpi slt, %select_n3A_155, %lt3A_161 : i32
        %ne3A_163 = arith.xori %lt3A_160, %lt3A_162 : i1
        %and3A_164 = arith.andi %ne3A_163, %ne3A_158 : i1
        %add3A_165 = arith.addi %rem3A_156, %select_n3A_155 : i32
        %select_n3A_166 = arith.select %and3A_164, %add3A_165, %rem3A_156 : i32
        %eq3A_167 = arith.constant 1 : i32
        %eq3A_168 = arith.cmpi eq, %select_n3A_166, %eq3A_167 : i32
        %convert_element_type3A_169 = arith.extui %eq3A_168 : i1 to i32
        %cond3A_170 = arith.constant 0 : i32
        %cond3A_171 = arith.cmpi ne, %convert_element_type3A_169, %cond3A_170 : i32
        scf.if %cond3A_171 {
          %dma_wait3A_172 = arith.constant 1 : i32
          %dma_wait3A_173 = arith.constant 0 : i32
          %dma_wait3A_174 = arith.constant 0 : i32
          %dma_wait3A_175 = tpu.memref_slice %arg9[%dma_wait3A_172, %dma_wait3A_173, %dma_wait3A_174] : memref<2x128x128xf32, #tpu.memory_space<vmem>> -> memref<1x128x128xf32, #tpu.memory_space<vmem>>
          %dma_wait3A_176 = tpu.memref_squeeze %dma_wait3A_175 : memref<1x128x128xf32, #tpu.memory_space<vmem>> -> memref<128x128xf32, #tpu.memory_space<vmem>>
          %dma_wait3A_177 = arith.constant 0 : i32
          %dma_wait3A_178 = tpu.memref_slice %arg7[%select_n3A_104, %scan3A_129, %dma_wait3A_177] : memref<2x8x128xi32, #tpu.memory_space<vmem>> -> memref<1x1x128xi32, #tpu.memory_space<vmem>>
          %dma_wait3A_179 = tpu.memref_squeeze %dma_wait3A_178 : memref<1x1x128xi32, #tpu.memory_space<vmem>> -> memref<128xi32, #tpu.memory_space<vmem>>
          %dma_wait3A_180 = arith.constant 0 : i32
          %dma_wait3A_181 = arith.constant 0 : i32
          %dma_wait3A_182 = tpu.memref_slice %arg2[%dma_wait3A_180, %dma_wait3A_181] : memref<10112x128xf32, #tpu.memory_space<hbm>> -> memref<10112x128xf32, #tpu.memory_space<hbm>>
          tpu.wait_indirect_dma semaphore(%arg12 : memref<!tpu.dma_semaphore, #tpu.memory_space<semaphore_mem>>) src(%dma_wait3A_182 : memref<10112x128xf32, #tpu.memory_space<hbm>>) dst(%dma_wait3A_176 : memref<128x128xf32, #tpu.memory_space<vmem>>)
          %eq3A_183 = arith.constant 1 : i32
          %eq3A_184 = arith.cmpi eq, %scan3A_129, %eq3A_183 : i32
          %add3A_185 = arith.constant 1 : i32
          %add3A_186 = arith.addi %scan3A_94, %add3A_185 : i32
          %lt3A_187 = arith.constant 10 : i32
          %lt3A_188 = arith.cmpi slt, %add3A_186, %lt3A_187 : i32
          %and3A_189 = arith.andi %eq3A_184, %lt3A_188 : i1
          %convert_element_type3A_190 = arith.extui %and3A_189 : i1 to i32
          %cond3A_191 = arith.constant 0 : i32
          %cond3A_192 = arith.cmpi ne, %convert_element_type3A_190, %cond3A_191 : i32
          scf.if %cond3A_192 {
            %add3A_225 = arith.constant 1 : i32
            %add3A_226 = arith.addi %scan3A_94, %add3A_225 : i32
            %mul3A_227 = arith.constant 8 : i32
            %mul3A_228 = arith.muli %add3A_226, %mul3A_227 : i32
            %add3A_229 = arith.addi %mul3A_4, %mul3A_228 : i32
            %dma_start3A_230 = arith.constant 0 : i32
            %dma_start3A_231 = arith.constant 0 : i32
            %dma_start3A_232 = tpu.memref_slice %arg7[%select_n3A_122, %dma_start3A_230, %dma_start3A_231] : memref<2x8x128xi32, #tpu.memory_space<vmem>> -> memref<1x8x128xi32, #tpu.memory_space<vmem>>
            %dma_start3A_233 = tpu.memref_squeeze %dma_start3A_232 : memref<1x8x128xi32, #tpu.memory_space<vmem>> -> memref<8x128xi32, #tpu.memory_space<vmem>>
            %dma_start3A_234 = arith.constant 0 : i32
            %dma_start3A_235 = tpu.memref_slice %arg3[%add3A_229, %dma_start3A_234] : memref<2560x128xi32, #tpu.memory_space<hbm>> -> memref<8x128xi32, #tpu.memory_space<hbm>>
            %dma_start3A_236 = arith.constant 0 : i32
            %dma_start3A_237 = arith.constant 0 : i32
            %dma_start3A_238 = tpu.memref_slice %arg7[%select_n3A_122, %dma_start3A_236, %dma_start3A_237] : memref<2x8x128xi32, #tpu.memory_space<vmem>> -> memref<1x8x128xi32, #tpu.memory_space<vmem>>
            %dma_start3A_239 = tpu.memref_squeeze %dma_start3A_238 : memref<1x8x128xi32, #tpu.memory_space<vmem>> -> memref<8x128xi32, #tpu.memory_space<vmem>>
            %dma_start3A_240 = arith.constant 0 : i32
            %dma_start3A_241 = tpu.memref_slice %arg3[%add3A_229, %dma_start3A_240] : memref<2560x128xi32, #tpu.memory_space<hbm>> -> memref<8x128xi32, #tpu.memory_space<hbm>>
            tpu.enqueue_dma source(%dma_start3A_241 : memref<8x128xi32, #tpu.memory_space<hbm>>) target(%dma_start3A_239 : memref<8x128xi32, #tpu.memory_space<vmem>>) target_semaphore(%arg15 : memref<!tpu.dma_semaphore, #tpu.memory_space<semaphore_mem>>)
            %add3A_242 = arith.constant 1 : i32
            %add3A_243 = arith.addi %scan3A_94, %add3A_242 : i32
            %mul3A_244 = arith.constant 8 : i32
            %mul3A_245 = arith.muli %add3A_243, %mul3A_244 : i32
            %add3A_246 = arith.addi %mul3A_4, %mul3A_245 : i32
            %dma_start3A_247 = arith.constant 0 : i32
            %dma_start3A_248 = arith.constant 0 : i32
            %dma_start3A_249 = tpu.memref_slice %arg8[%select_n3A_122, %dma_start3A_247, %dma_start3A_248] : memref<2x8x128xi32, #tpu.memory_space<vmem>> -> memref<1x8x128xi32, #tpu.memory_space<vmem>>
            %dma_start3A_250 = tpu.memref_squeeze %dma_start3A_249 : memref<1x8x128xi32, #tpu.memory_space<vmem>> -> memref<8x128xi32, #tpu.memory_space<vmem>>
            %dma_start3A_251 = arith.constant 0 : i32
            %dma_start3A_252 = tpu.memref_slice %arg4[%add3A_246, %dma_start3A_251] : memref<2560x128xi32, #tpu.memory_space<hbm>> -> memref<8x128xi32, #tpu.memory_space<hbm>>
            %dma_start3A_253 = arith.constant 0 : i32
            %dma_start3A_254 = arith.constant 0 : i32
            %dma_start3A_255 = tpu.memref_slice %arg8[%select_n3A_122, %dma_start3A_253, %dma_start3A_254] : memref<2x8x128xi32, #tpu.memory_space<vmem>> -> memref<1x8x128xi32, #tpu.memory_space<vmem>>
            %dma_start3A_256 = tpu.memref_squeeze %dma_start3A_255 : memref<1x8x128xi32, #tpu.memory_space<vmem>> -> memref<8x128xi32, #tpu.memory_space<vmem>>
            %dma_start3A_257 = arith.constant 0 : i32
            %dma_start3A_258 = tpu.memref_slice %arg4[%add3A_246, %dma_start3A_257] : memref<2560x128xi32, #tpu.memory_space<hbm>> -> memref<8x128xi32, #tpu.memory_space<hbm>>
            tpu.enqueue_dma source(%dma_start3A_258 : memref<8x128xi32, #tpu.memory_space<hbm>>) target(%dma_start3A_256 : memref<8x128xi32, #tpu.memory_space<vmem>>) target_semaphore(%arg16 : memref<!tpu.dma_semaphore, #tpu.memory_space<semaphore_mem>>)
          } else {
          }
          %add3A_193 = arith.constant 1 : i32
          %add3A_194 = arith.addi %scan3A_129, %add3A_193 : i32
          %lt3A_195 = arith.constant 8 : i32
          %lt3A_196 = arith.cmpi slt, %add3A_194, %lt3A_195 : i32
          %convert_element_type3A_197 = arith.extui %lt3A_196 : i1 to i32
          %cond3A_198 = arith.constant 0 : i32
          %cond3A_199 = arith.constant 0 : i32
          %cond3A_200 = arith.cmpi ne, %convert_element_type3A_197, %cond3A_199 : i32
          scf.if %cond3A_200 {
            %gt3A = arith.constant 0 : i32
            %gt3A_225 = arith.cmpi sgt, %scan3A_94, %gt3A : i32
            %ge3A = arith.constant 1 : i32
            %ge3A_226 = arith.cmpi sge, %scan3A_129, %ge3A : i32
            %or3A = arith.ori %gt3A_225, %ge3A_226 : i1
            %convert_element_type3A_227 = arith.extui %or3A : i1 to i32
            %cond3A_228 = arith.constant 0 : i32
            %cond3A_229 = arith.cmpi ne, %convert_element_type3A_227, %cond3A_228 : i32
            scf.if %cond3A_229 {
              %dma_wait3A_242 = arith.constant 0 : i32
              %dma_wait3A_243 = arith.constant 0 : i32
              %dma_wait3A_244 = tpu.memref_slice %arg9[%cond3A_198, %dma_wait3A_242, %dma_wait3A_243] : memref<2x128x128xf32, #tpu.memory_space<vmem>> -> memref<1x128x128xf32, #tpu.memory_space<vmem>>
              %dma_wait3A_245 = tpu.memref_squeeze %dma_wait3A_244 : memref<1x128x128xf32, #tpu.memory_space<vmem>> -> memref<128x128xf32, #tpu.memory_space<vmem>>
              %dma_wait3A_246 = arith.constant 0 : i32
              %dma_wait3A_247 = tpu.memref_slice %arg8[%select_n3A_104, %scan3A_129, %dma_wait3A_246] : memref<2x8x128xi32, #tpu.memory_space<vmem>> -> memref<1x1x128xi32, #tpu.memory_space<vmem>>
              %dma_wait3A_248 = tpu.memref_squeeze %dma_wait3A_247 : memref<1x1x128xi32, #tpu.memory_space<vmem>> -> memref<128xi32, #tpu.memory_space<vmem>>
              %dma_wait3A_249 = arith.constant 0 : i32
              %dma_wait3A_250 = arith.constant 0 : i32
              %dma_wait3A_251 = tpu.memref_slice %arg6[%dma_wait3A_249, %dma_wait3A_250] : memref<10240x128xf32, #tpu.memory_space<vmem_shared>> -> memref<10240x128xf32, #tpu.memory_space<vmem_shared>>
              tpu.wait_indirect_dma semaphore(%arg17 : memref<!tpu.dma_semaphore, #tpu.memory_space<semaphore_mem>>) src(%dma_wait3A_245 : memref<128x128xf32, #tpu.memory_space<vmem>>) dst(%dma_wait3A_251 : memref<10240x128xf32, #tpu.memory_space<vmem_shared>>)
            } else {
            }
            %add3A_230 = arith.constant 1 : i32
            %add3A_231 = arith.addi %scan3A_129, %add3A_230 : i32
            %dma_start3A_232 = arith.constant 0 : i32
            %dma_start3A_233 = arith.constant 0 : i32
            %dma_start3A_234 = tpu.memref_slice %arg9[%cond3A_198, %dma_start3A_232, %dma_start3A_233] : memref<2x128x128xf32, #tpu.memory_space<vmem>> -> memref<1x128x128xf32, #tpu.memory_space<vmem>>
            %dma_start3A_235 = tpu.memref_squeeze %dma_start3A_234 : memref<1x128x128xf32, #tpu.memory_space<vmem>> -> memref<128x128xf32, #tpu.memory_space<vmem>>
            %dma_start3A_236 = arith.constant 0 : i32
            %dma_start3A_237 = tpu.memref_slice %arg7[%select_n3A_104, %add3A_231, %dma_start3A_236] : memref<2x8x128xi32, #tpu.memory_space<vmem>> -> memref<1x1x128xi32, #tpu.memory_space<vmem>>
            %dma_start3A_238 = tpu.memref_squeeze %dma_start3A_237 : memref<1x1x128xi32, #tpu.memory_space<vmem>> -> memref<128xi32, #tpu.memory_space<vmem>>
            %dma_start3A_239 = arith.constant 0 : i32
            %dma_start3A_240 = arith.constant 0 : i32
            %dma_start3A_241 = tpu.memref_slice %arg2[%dma_start3A_239, %dma_start3A_240] : memref<10112x128xf32, #tpu.memory_space<hbm>> -> memref<10112x128xf32, #tpu.memory_space<hbm>>
            tpu.enqueue_indirect_dma source(%dma_start3A_241 : memref<10112x128xf32, #tpu.memory_space<hbm>>) target(%dma_start3A_235 : memref<128x128xf32, #tpu.memory_space<vmem>>) offsets(%dma_start3A_238 : memref<128xi32, #tpu.memory_space<vmem>>) semaphore(%arg11 : memref<!tpu.dma_semaphore, #tpu.memory_space<semaphore_mem>>)
          } else {
          }
          %add3A_201 = arith.constant 1 : i32
          %add3A_202 = arith.addi %scan3A_129, %add3A_201 : i32
          %eq3A_203 = arith.constant 8 : i32
          %eq3A_204 = arith.cmpi eq, %add3A_202, %eq3A_203 : i32
          %add3A_205 = arith.constant 1 : i32
          %add3A_206 = arith.addi %scan3A_94, %add3A_205 : i32
          %lt3A_207 = arith.constant 10 : i32
          %lt3A_208 = arith.cmpi slt, %add3A_206, %lt3A_207 : i32
          %and3A_209 = arith.andi %eq3A_204, %lt3A_208 : i1
          %convert_element_type3A_210 = arith.extui %and3A_209 : i1 to i32
          %cond3A_211 = arith.constant 0 : i32
          %cond3A_212 = arith.constant 0 : i32
          %cond3A_213 = arith.cmpi ne, %convert_element_type3A_210, %cond3A_212 : i32
          scf.if %cond3A_213 {
            %dma_wait3A_225 = arith.constant 0 : i32
            %dma_wait3A_226 = arith.constant 0 : i32
            %dma_wait3A_227 = tpu.memref_slice %arg9[%cond3A_211, %dma_wait3A_225, %dma_wait3A_226] : memref<2x128x128xf32, #tpu.memory_space<vmem>> -> memref<1x128x128xf32, #tpu.memory_space<vmem>>
            %dma_wait3A_228 = tpu.memref_squeeze %dma_wait3A_227 : memref<1x128x128xf32, #tpu.memory_space<vmem>> -> memref<128x128xf32, #tpu.memory_space<vmem>>
            %dma_wait3A_229 = arith.constant 0 : i32
            %dma_wait3A_230 = tpu.memref_slice %arg8[%select_n3A_104, %scan3A_129, %dma_wait3A_229] : memref<2x8x128xi32, #tpu.memory_space<vmem>> -> memref<1x1x128xi32, #tpu.memory_space<vmem>>
            %dma_wait3A_231 = tpu.memref_squeeze %dma_wait3A_230 : memref<1x1x128xi32, #tpu.memory_space<vmem>> -> memref<128xi32, #tpu.memory_space<vmem>>
            %dma_wait3A_232 = arith.constant 0 : i32
            %dma_wait3A_233 = arith.constant 0 : i32
            %dma_wait3A_234 = tpu.memref_slice %arg6[%dma_wait3A_232, %dma_wait3A_233] : memref<10240x128xf32, #tpu.memory_space<vmem_shared>> -> memref<10240x128xf32, #tpu.memory_space<vmem_shared>>
            tpu.wait_indirect_dma semaphore(%arg17 : memref<!tpu.dma_semaphore, #tpu.memory_space<semaphore_mem>>) src(%dma_wait3A_228 : memref<128x128xf32, #tpu.memory_space<vmem>>) dst(%dma_wait3A_234 : memref<10240x128xf32, #tpu.memory_space<vmem_shared>>)
            %add3A_235 = arith.constant 1 : i32
            %add3A_236 = arith.addi %scan3A_94, %add3A_235 : i32
            %mul3A_237 = arith.constant 8 : i32
            %mul3A_238 = arith.muli %add3A_236, %mul3A_237 : i32
            %add3A_239 = arith.addi %mul3A_4, %mul3A_238 : i32
            %dma_wait3A_240 = arith.constant 0 : i32
            %dma_wait3A_241 = arith.constant 0 : i32
            %dma_wait3A_242 = tpu.memref_slice %arg7[%select_n3A_122, %dma_wait3A_240, %dma_wait3A_241] : memref<2x8x128xi32, #tpu.memory_space<vmem>> -> memref<1x8x128xi32, #tpu.memory_space<vmem>>
            %dma_wait3A_243 = tpu.memref_squeeze %dma_wait3A_242 : memref<1x8x128xi32, #tpu.memory_space<vmem>> -> memref<8x128xi32, #tpu.memory_space<vmem>>
            %dma_wait3A_244 = arith.constant 0 : i32
            %dma_wait3A_245 = tpu.memref_slice %arg3[%add3A_239, %dma_wait3A_244] : memref<2560x128xi32, #tpu.memory_space<hbm>> -> memref<8x128xi32, #tpu.memory_space<hbm>>
            %dma_wait3A_246 = arith.constant 0 : i32
            %dma_wait3A_247 = arith.constant 0 : i32
            %dma_wait3A_248 = tpu.memref_slice %arg7[%select_n3A_122, %dma_wait3A_246, %dma_wait3A_247] : memref<2x8x128xi32, #tpu.memory_space<vmem>> -> memref<1x8x128xi32, #tpu.memory_space<vmem>>
            %dma_wait3A_249 = tpu.memref_squeeze %dma_wait3A_248 : memref<1x8x128xi32, #tpu.memory_space<vmem>> -> memref<8x128xi32, #tpu.memory_space<vmem>>
            %dma_wait3A_250 = arith.constant 0 : i32
            %dma_wait3A_251 = tpu.memref_slice %arg3[%add3A_239, %dma_wait3A_250] : memref<2560x128xi32, #tpu.memory_space<hbm>> -> memref<8x128xi32, #tpu.memory_space<hbm>>
            tpu.wait_dma2 semaphore(%arg15 : memref<!tpu.dma_semaphore, #tpu.memory_space<semaphore_mem>>) src(%dma_wait3A_251 : memref<8x128xi32, #tpu.memory_space<hbm>>) dst(%dma_wait3A_249 : memref<8x128xi32, #tpu.memory_space<vmem>>)
            %add3A_252 = arith.constant 1 : i32
            %add3A_253 = arith.addi %scan3A_94, %add3A_252 : i32
            %mul3A_254 = arith.constant 8 : i32
            %mul3A_255 = arith.muli %add3A_253, %mul3A_254 : i32
            %add3A_256 = arith.addi %mul3A_4, %mul3A_255 : i32
            %dma_wait3A_257 = arith.constant 0 : i32
            %dma_wait3A_258 = arith.constant 0 : i32
            %dma_wait3A_259 = tpu.memref_slice %arg8[%select_n3A_122, %dma_wait3A_257, %dma_wait3A_258] : memref<2x8x128xi32, #tpu.memory_space<vmem>> -> memref<1x8x128xi32, #tpu.memory_space<vmem>>
            %dma_wait3A_260 = tpu.memref_squeeze %dma_wait3A_259 : memref<1x8x128xi32, #tpu.memory_space<vmem>> -> memref<8x128xi32, #tpu.memory_space<vmem>>
            %dma_wait3A_261 = arith.constant 0 : i32
            %dma_wait3A_262 = tpu.memref_slice %arg4[%add3A_256, %dma_wait3A_261] : memref<2560x128xi32, #tpu.memory_space<hbm>> -> memref<8x128xi32, #tpu.memory_space<hbm>>
            %dma_wait3A_263 = arith.constant 0 : i32
            %dma_wait3A_264 = arith.constant 0 : i32
            %dma_wait3A_265 = tpu.memref_slice %arg8[%select_n3A_122, %dma_wait3A_263, %dma_wait3A_264] : memref<2x8x128xi32, #tpu.memory_space<vmem>> -> memref<1x8x128xi32, #tpu.memory_space<vmem>>
            %dma_wait3A_266 = tpu.memref_squeeze %dma_wait3A_265 : memref<1x8x128xi32, #tpu.memory_space<vmem>> -> memref<8x128xi32, #tpu.memory_space<vmem>>
            %dma_wait3A_267 = arith.constant 0 : i32
            %dma_wait3A_268 = tpu.memref_slice %arg4[%add3A_256, %dma_wait3A_267] : memref<2560x128xi32, #tpu.memory_space<hbm>> -> memref<8x128xi32, #tpu.memory_space<hbm>>
            tpu.wait_dma2 semaphore(%arg16 : memref<!tpu.dma_semaphore, #tpu.memory_space<semaphore_mem>>) src(%dma_wait3A_268 : memref<8x128xi32, #tpu.memory_space<hbm>>) dst(%dma_wait3A_266 : memref<8x128xi32, #tpu.memory_space<vmem>>)
            %dma_start3A_269 = arith.constant 0 : i32
            %dma_start3A_270 = arith.constant 0 : i32
            %dma_start3A_271 = arith.constant 0 : i32
            %dma_start3A_272 = tpu.memref_slice %arg9[%cond3A_211, %dma_start3A_270, %dma_start3A_271] : memref<2x128x128xf32, #tpu.memory_space<vmem>> -> memref<1x128x128xf32, #tpu.memory_space<vmem>>
            %dma_start3A_273 = tpu.memref_squeeze %dma_start3A_272 : memref<1x128x128xf32, #tpu.memory_space<vmem>> -> memref<128x128xf32, #tpu.memory_space<vmem>>
            %dma_start3A_274 = arith.constant 0 : i32
            %dma_start3A_275 = tpu.memref_slice %arg7[%select_n3A_122, %dma_start3A_269, %dma_start3A_274] : memref<2x8x128xi32, #tpu.memory_space<vmem>> -> memref<1x1x128xi32, #tpu.memory_space<vmem>>
            %dma_start3A_276 = tpu.memref_squeeze %dma_start3A_275 : memref<1x1x128xi32, #tpu.memory_space<vmem>> -> memref<128xi32, #tpu.memory_space<vmem>>
            %dma_start3A_277 = arith.constant 0 : i32
            %dma_start3A_278 = arith.constant 0 : i32
            %dma_start3A_279 = tpu.memref_slice %arg2[%dma_start3A_277, %dma_start3A_278] : memref<10112x128xf32, #tpu.memory_space<hbm>> -> memref<10112x128xf32, #tpu.memory_space<hbm>>
            tpu.enqueue_indirect_dma source(%dma_start3A_279 : memref<10112x128xf32, #tpu.memory_space<hbm>>) target(%dma_start3A_273 : memref<128x128xf32, #tpu.memory_space<vmem>>) offsets(%dma_start3A_276 : memref<128xi32, #tpu.memory_space<vmem>>) semaphore(%arg11 : memref<!tpu.dma_semaphore, #tpu.memory_space<semaphore_mem>>)
          } else {
          }
          %dma_start3A_214 = arith.constant 1 : i32
          %dma_start3A_215 = arith.constant 0 : i32
          %dma_start3A_216 = arith.constant 0 : i32
          %dma_start3A_217 = tpu.memref_slice %arg9[%dma_start3A_214, %dma_start3A_215, %dma_start3A_216] : memref<2x128x128xf32, #tpu.memory_space<vmem>> -> memref<1x128x128xf32, #tpu.memory_space<vmem>>
          %dma_start3A_218 = tpu.memref_squeeze %dma_start3A_217 : memref<1x128x128xf32, #tpu.memory_space<vmem>> -> memref<128x128xf32, #tpu.memory_space<vmem>>
          %dma_start3A_219 = arith.constant 0 : i32
          %dma_start3A_220 = tpu.memref_slice %arg8[%select_n3A_104, %scan3A_129, %dma_start3A_219] : memref<2x8x128xi32, #tpu.memory_space<vmem>> -> memref<1x1x128xi32, #tpu.memory_space<vmem>>
          %dma_start3A_221 = tpu.memref_squeeze %dma_start3A_220 : memref<1x1x128xi32, #tpu.memory_space<vmem>> -> memref<128xi32, #tpu.memory_space<vmem>>
          %dma_start3A_222 = arith.constant 0 : i32
          %dma_start3A_223 = arith.constant 0 : i32
          %dma_start3A_224 = tpu.memref_slice %arg6[%dma_start3A_222, %dma_start3A_223] : memref<10240x128xf32, #tpu.memory_space<vmem_shared>> -> memref<10240x128xf32, #tpu.memory_space<vmem_shared>>
          tpu.enqueue_indirect_dma source(%dma_start3A_218 : memref<128x128xf32, #tpu.memory_space<vmem>>) target(%dma_start3A_224 : memref<10240x128xf32, #tpu.memory_space<vmem_shared>>) offsets(%dma_start3A_221 : memref<128xi32, #tpu.memory_space<vmem>>) semaphore(%arg18 : memref<!tpu.dma_semaphore, #tpu.memory_space<semaphore_mem>>) {add = true}
        } else {
        }
      }
      %scan3A_128 = arith.constant 8 : i32
    }
    %scan3A_35 = arith.constant 10 : i32
    %dma_wait3A = arith.constant 0 : i32
    %dma_wait3A_36 = arith.constant 0 : i32
    %dma_wait3A_37 = arith.constant 7 : i32
    %dma_wait3A_38 = arith.constant 0 : i32
    %dma_wait3A_39 = arith.constant 0 : i32
    %dma_wait3A_40 = tpu.memref_slice %arg9[%dma_wait3A, %dma_wait3A_38, %dma_wait3A_39] : memref<2x128x128xf32, #tpu.memory_space<vmem>> -> memref<1x128x128xf32, #tpu.memory_space<vmem>>
    %dma_wait3A_41 = tpu.memref_squeeze %dma_wait3A_40 : memref<1x128x128xf32, #tpu.memory_space<vmem>> -> memref<128x128xf32, #tpu.memory_space<vmem>>
    %dma_wait3A_42 = arith.constant 0 : i32
    %dma_wait3A_43 = tpu.memref_slice %arg8[%dma_wait3A_36, %dma_wait3A_37, %dma_wait3A_42] : memref<2x8x128xi32, #tpu.memory_space<vmem>> -> memref<1x1x128xi32, #tpu.memory_space<vmem>>
    %dma_wait3A_44 = tpu.memref_squeeze %dma_wait3A_43 : memref<1x1x128xi32, #tpu.memory_space<vmem>> -> memref<128xi32, #tpu.memory_space<vmem>>
    %dma_wait3A_45 = arith.constant 0 : i32
    %dma_wait3A_46 = arith.constant 0 : i32
    %dma_wait3A_47 = tpu.memref_slice %arg6[%dma_wait3A_45, %dma_wait3A_46] : memref<10240x128xf32, #tpu.memory_space<vmem_shared>> -> memref<10240x128xf32, #tpu.memory_space<vmem_shared>>
    tpu.wait_indirect_dma semaphore(%arg17 : memref<!tpu.dma_semaphore, #tpu.memory_space<semaphore_mem>>) src(%dma_wait3A_41 : memref<128x128xf32, #tpu.memory_space<vmem>>) dst(%dma_wait3A_47 : memref<10240x128xf32, #tpu.memory_space<vmem_shared>>)
    %dma_wait3A_48 = arith.constant 1 : i32
    %dma_wait3A_49 = arith.constant 0 : i32
    %dma_wait3A_50 = arith.constant 6 : i32
    %dma_wait3A_51 = arith.constant 0 : i32
    %dma_wait3A_52 = arith.constant 0 : i32
    %dma_wait3A_53 = tpu.memref_slice %arg9[%dma_wait3A_48, %dma_wait3A_51, %dma_wait3A_52] : memref<2x128x128xf32, #tpu.memory_space<vmem>> -> memref<1x128x128xf32, #tpu.memory_space<vmem>>
    %dma_wait3A_54 = tpu.memref_squeeze %dma_wait3A_53 : memref<1x128x128xf32, #tpu.memory_space<vmem>> -> memref<128x128xf32, #tpu.memory_space<vmem>>
    %dma_wait3A_55 = arith.constant 0 : i32
    %dma_wait3A_56 = tpu.memref_slice %arg8[%dma_wait3A_49, %dma_wait3A_50, %dma_wait3A_55] : memref<2x8x128xi32, #tpu.memory_space<vmem>> -> memref<1x1x128xi32, #tpu.memory_space<vmem>>
    %dma_wait3A_57 = tpu.memref_squeeze %dma_wait3A_56 : memref<1x1x128xi32, #tpu.memory_space<vmem>> -> memref<128xi32, #tpu.memory_space<vmem>>
    %dma_wait3A_58 = arith.constant 0 : i32
    %dma_wait3A_59 = arith.constant 0 : i32
    %dma_wait3A_60 = tpu.memref_slice %arg6[%dma_wait3A_58, %dma_wait3A_59] : memref<10240x128xf32, #tpu.memory_space<vmem_shared>> -> memref<10240x128xf32, #tpu.memory_space<vmem_shared>>
    tpu.wait_indirect_dma semaphore(%arg18 : memref<!tpu.dma_semaphore, #tpu.memory_space<semaphore_mem>>) src(%dma_wait3A_54 : memref<128x128xf32, #tpu.memory_space<vmem>>) dst(%dma_wait3A_60 : memref<10240x128xf32, #tpu.memory_space<vmem_shared>>)
    %barrier3A_61 = arith.constant 0 : index
    tpu.barrier barrier_id(%barrier3A_61)
    %add3A_62 = arith.constant 0 : i32
    %add3A_63 = arith.addi %mul3A_0, %add3A_62 : i32
    %lt3A = arith.constant 10112 : i32
    %lt3A_64 = arith.cmpi slt, %add3A_63, %lt3A : i32
    %convert_element_type3A = arith.extui %lt3A_64 : i1 to i32
    %cond3A = arith.constant 0 : i32
    %cond3A_65 = arith.cmpi ne, %convert_element_type3A, %cond3A : i32
    scf.if %cond3A_65 {
      "tpu.region"() ({
        %run_scoped3A_94 = tpu.sem_alloc : memref<!tpu.dma_semaphore, #tpu.memory_space<semaphore_mem>>
        %dma_start3A_95 = arith.constant 0 : i32
        %dma_start3A_96 = tpu.memref_slice %arg5[%arg0, %add3A_63, %dma_start3A_95] : memref<2x10112x128xf32, #tpu.memory_space<hbm>> -> memref<1x128x128xf32, #tpu.memory_space<hbm>>
        %dma_start3A_97 = tpu.memref_squeeze %dma_start3A_96 : memref<1x128x128xf32, #tpu.memory_space<hbm>> -> memref<128x128xf32, #tpu.memory_space<hbm>>
        %dma_start3A_98 = arith.constant 0 : i32
        %dma_start3A_99 = tpu.memref_slice %arg6[%add3A_63, %dma_start3A_98] : memref<10240x128xf32, #tpu.memory_space<vmem_shared>> -> memref<128x128xf32, #tpu.memory_space<vmem_shared>>
        tpu.enqueue_dma source(%dma_start3A_99 : memref<128x128xf32, #tpu.memory_space<vmem_shared>>) target(%dma_start3A_97 : memref<128x128xf32, #tpu.memory_space<hbm>>) target_semaphore(%run_scoped3A_94 : memref<!tpu.dma_semaphore, #tpu.memory_space<semaphore_mem>>)
        %dma_wait3A_100 = arith.constant 0 : i32
        %dma_wait3A_101 = tpu.memref_slice %arg5[%arg0, %add3A_63, %dma_wait3A_100] : memref<2x10112x128xf32, #tpu.memory_space<hbm>> -> memref<1x128x128xf32, #tpu.memory_space<hbm>>
        %dma_wait3A_102 = tpu.memref_squeeze %dma_wait3A_101 : memref<1x128x128xf32, #tpu.memory_space<hbm>> -> memref<128x128xf32, #tpu.memory_space<hbm>>
        %dma_wait3A_103 = arith.constant 0 : i32
        %dma_wait3A_104 = tpu.memref_slice %arg6[%add3A_63, %dma_wait3A_103] : memref<10240x128xf32, #tpu.memory_space<vmem_shared>> -> memref<128x128xf32, #tpu.memory_space<vmem_shared>>
        tpu.wait_dma2 semaphore(%run_scoped3A_94 : memref<!tpu.dma_semaphore, #tpu.memory_space<semaphore_mem>>) src(%dma_wait3A_104 : memref<128x128xf32, #tpu.memory_space<vmem_shared>>) dst(%dma_wait3A_102 : memref<128x128xf32, #tpu.memory_space<hbm>>)
        tpu.yield
      }) : () -> ()
    } else {
    }
    %add3A_66 = arith.constant 128 : i32
    %add3A_67 = arith.addi %mul3A_0, %add3A_66 : i32
    %lt3A_68 = arith.constant 10112 : i32
    %lt3A_69 = arith.cmpi slt, %add3A_67, %lt3A_68 : i32
    %convert_element_type3A_70 = arith.extui %lt3A_69 : i1 to i32
    %cond3A_71 = arith.constant 0 : i32
    %cond3A_72 = arith.cmpi ne, %convert_element_type3A_70, %cond3A_71 : i32
    scf.if %cond3A_72 {
      "tpu.region"() ({
        %run_scoped3A_94 = tpu.sem_alloc : memref<!tpu.dma_semaphore, #tpu.memory_space<semaphore_mem>>
        %dma_start3A_95 = arith.constant 0 : i32
        %dma_start3A_96 = tpu.memref_slice %arg5[%arg0, %add3A_67, %dma_start3A_95] : memref<2x10112x128xf32, #tpu.memory_space<hbm>> -> memref<1x128x128xf32, #tpu.memory_space<hbm>>
        %dma_start3A_97 = tpu.memref_squeeze %dma_start3A_96 : memref<1x128x128xf32, #tpu.memory_space<hbm>> -> memref<128x128xf32, #tpu.memory_space<hbm>>
        %dma_start3A_98 = arith.constant 0 : i32
        %dma_start3A_99 = tpu.memref_slice %arg6[%add3A_67, %dma_start3A_98] : memref<10240x128xf32, #tpu.memory_space<vmem_shared>> -> memref<128x128xf32, #tpu.memory_space<vmem_shared>>
        tpu.enqueue_dma source(%dma_start3A_99 : memref<128x128xf32, #tpu.memory_space<vmem_shared>>) target(%dma_start3A_97 : memref<128x128xf32, #tpu.memory_space<hbm>>) target_semaphore(%run_scoped3A_94 : memref<!tpu.dma_semaphore, #tpu.memory_space<semaphore_mem>>)
        %dma_wait3A_100 = arith.constant 0 : i32
        %dma_wait3A_101 = tpu.memref_slice %arg5[%arg0, %add3A_67, %dma_wait3A_100] : memref<2x10112x128xf32, #tpu.memory_space<hbm>> -> memref<1x128x128xf32, #tpu.memory_space<hbm>>
        %dma_wait3A_102 = tpu.memref_squeeze %dma_wait3A_101 : memref<1x128x128xf32, #tpu.memory_space<hbm>> -> memref<128x128xf32, #tpu.memory_space<hbm>>
        %dma_wait3A_103 = arith.constant 0 : i32
        %dma_wait3A_104 = tpu.memref_slice %arg6[%add3A_67, %dma_wait3A_103] : memref<10240x128xf32, #tpu.memory_space<vmem_shared>> -> memref<128x128xf32, #tpu.memory_space<vmem_shared>>
        tpu.wait_dma2 semaphore(%run_scoped3A_94 : memref<!tpu.dma_semaphore, #tpu.memory_space<semaphore_mem>>) src(%dma_wait3A_104 : memref<128x128xf32, #tpu.memory_space<vmem_shared>>) dst(%dma_wait3A_102 : memref<128x128xf32, #tpu.memory_space<hbm>>)
        tpu.yield
      }) : () -> ()
    } else {
    }
    %add3A_73 = arith.constant 256 : i32
    %add3A_74 = arith.addi %mul3A_0, %add3A_73 : i32
    %lt3A_75 = arith.constant 10112 : i32
    %lt3A_76 = arith.cmpi slt, %add3A_74, %lt3A_75 : i32
    %convert_element_type3A_77 = arith.extui %lt3A_76 : i1 to i32
    %cond3A_78 = arith.constant 0 : i32
    %cond3A_79 = arith.cmpi ne, %convert_element_type3A_77, %cond3A_78 : i32
    scf.if %cond3A_79 {
      "tpu.region"() ({
        %run_scoped3A_94 = tpu.sem_alloc : memref<!tpu.dma_semaphore, #tpu.memory_space<semaphore_mem>>
        %dma_start3A_95 = arith.constant 0 : i32
        %dma_start3A_96 = tpu.memref_slice %arg5[%arg0, %add3A_74, %dma_start3A_95] : memref<2x10112x128xf32, #tpu.memory_space<hbm>> -> memref<1x128x128xf32, #tpu.memory_space<hbm>>
        %dma_start3A_97 = tpu.memref_squeeze %dma_start3A_96 : memref<1x128x128xf32, #tpu.memory_space<hbm>> -> memref<128x128xf32, #tpu.memory_space<hbm>>
        %dma_start3A_98 = arith.constant 0 : i32
        %dma_start3A_99 = tpu.memref_slice %arg6[%add3A_74, %dma_start3A_98] : memref<10240x128xf32, #tpu.memory_space<vmem_shared>> -> memref<128x128xf32, #tpu.memory_space<vmem_shared>>
        tpu.enqueue_dma source(%dma_start3A_99 : memref<128x128xf32, #tpu.memory_space<vmem_shared>>) target(%dma_start3A_97 : memref<128x128xf32, #tpu.memory_space<hbm>>) target_semaphore(%run_scoped3A_94 : memref<!tpu.dma_semaphore, #tpu.memory_space<semaphore_mem>>)
        %dma_wait3A_100 = arith.constant 0 : i32
        %dma_wait3A_101 = tpu.memref_slice %arg5[%arg0, %add3A_74, %dma_wait3A_100] : memref<2x10112x128xf32, #tpu.memory_space<hbm>> -> memref<1x128x128xf32, #tpu.memory_space<hbm>>
        %dma_wait3A_102 = tpu.memref_squeeze %dma_wait3A_101 : memref<1x128x128xf32, #tpu.memory_space<hbm>> -> memref<128x128xf32, #tpu.memory_space<hbm>>
        %dma_wait3A_103 = arith.constant 0 : i32
        %dma_wait3A_104 = tpu.memref_slice %arg6[%add3A_74, %dma_wait3A_103] : memref<10240x128xf32, #tpu.memory_space<vmem_shared>> -> memref<128x128xf32, #tpu.memory_space<vmem_shared>>
        tpu.wait_dma2 semaphore(%run_scoped3A_94 : memref<!tpu.dma_semaphore, #tpu.memory_space<semaphore_mem>>) src(%dma_wait3A_104 : memref<128x128xf32, #tpu.memory_space<vmem_shared>>) dst(%dma_wait3A_102 : memref<128x128xf32, #tpu.memory_space<hbm>>)
        tpu.yield
      }) : () -> ()
    } else {
    }
    %add3A_80 = arith.constant 384 : i32
    %add3A_81 = arith.addi %mul3A_0, %add3A_80 : i32
    %lt3A_82 = arith.constant 10112 : i32
    %lt3A_83 = arith.cmpi slt, %add3A_81, %lt3A_82 : i32
    %convert_element_type3A_84 = arith.extui %lt3A_83 : i1 to i32
    %cond3A_85 = arith.constant 0 : i32
    %cond3A_86 = arith.cmpi ne, %convert_element_type3A_84, %cond3A_85 : i32
    scf.if %cond3A_86 {
      "tpu.region"() ({
        %run_scoped3A_94 = tpu.sem_alloc : memref<!tpu.dma_semaphore, #tpu.memory_space<semaphore_mem>>
        %dma_start3A_95 = arith.constant 0 : i32
        %dma_start3A_96 = tpu.memref_slice %arg5[%arg0, %add3A_81, %dma_start3A_95] : memref<2x10112x128xf32, #tpu.memory_space<hbm>> -> memref<1x128x128xf32, #tpu.memory_space<hbm>>
        %dma_start3A_97 = tpu.memref_squeeze %dma_start3A_96 : memref<1x128x128xf32, #tpu.memory_space<hbm>> -> memref<128x128xf32, #tpu.memory_space<hbm>>
        %dma_start3A_98 = arith.constant 0 : i32
        %dma_start3A_99 = tpu.memref_slice %arg6[%add3A_81, %dma_start3A_98] : memref<10240x128xf32, #tpu.memory_space<vmem_shared>> -> memref<128x128xf32, #tpu.memory_space<vmem_shared>>
        tpu.enqueue_dma source(%dma_start3A_99 : memref<128x128xf32, #tpu.memory_space<vmem_shared>>) target(%dma_start3A_97 : memref<128x128xf32, #tpu.memory_space<hbm>>) target_semaphore(%run_scoped3A_94 : memref<!tpu.dma_semaphore, #tpu.memory_space<semaphore_mem>>)
        %dma_wait3A_100 = arith.constant 0 : i32
        %dma_wait3A_101 = tpu.memref_slice %arg5[%arg0, %add3A_81, %dma_wait3A_100] : memref<2x10112x128xf32, #tpu.memory_space<hbm>> -> memref<1x128x128xf32, #tpu.memory_space<hbm>>
        %dma_wait3A_102 = tpu.memref_squeeze %dma_wait3A_101 : memref<1x128x128xf32, #tpu.memory_space<hbm>> -> memref<128x128xf32, #tpu.memory_space<hbm>>
        %dma_wait3A_103 = arith.constant 0 : i32
        %dma_wait3A_104 = tpu.memref_slice %arg6[%add3A_81, %dma_wait3A_103] : memref<10240x128xf32, #tpu.memory_space<vmem_shared>> -> memref<128x128xf32, #tpu.memory_space<vmem_shared>>
        tpu.wait_dma2 semaphore(%run_scoped3A_94 : memref<!tpu.dma_semaphore, #tpu.memory_space<semaphore_mem>>) src(%dma_wait3A_104 : memref<128x128xf32, #tpu.memory_space<vmem_shared>>) dst(%dma_wait3A_102 : memref<128x128xf32, #tpu.memory_space<hbm>>)
        tpu.yield
      }) : () -> ()
    } else {
    }
    %add3A_87 = arith.constant 512 : i32
    %add3A_88 = arith.addi %mul3A_0, %add3A_87 : i32
    %lt3A_89 = arith.constant 10112 : i32
    %lt3A_90 = arith.cmpi slt, %add3A_88, %lt3A_89 : i32
    %convert_element_type3A_91 = arith.extui %lt3A_90 : i1 to i32
    %cond3A_92 = arith.constant 0 : i32
    %cond3A_93 = arith.cmpi ne, %convert_element_type3A_91, %cond3A_92 : i32
    scf.if %cond3A_93 {
      "tpu.region"() ({
        %run_scoped3A_94 = tpu.sem_alloc : memref<!tpu.dma_semaphore, #tpu.memory_space<semaphore_mem>>
        %dma_start3A_95 = arith.constant 0 : i32
        %dma_start3A_96 = tpu.memref_slice %arg5[%arg0, %add3A_88, %dma_start3A_95] : memref<2x10112x128xf32, #tpu.memory_space<hbm>> -> memref<1x128x128xf32, #tpu.memory_space<hbm>>
        %dma_start3A_97 = tpu.memref_squeeze %dma_start3A_96 : memref<1x128x128xf32, #tpu.memory_space<hbm>> -> memref<128x128xf32, #tpu.memory_space<hbm>>
        %dma_start3A_98 = arith.constant 0 : i32
        %dma_start3A_99 = tpu.memref_slice %arg6[%add3A_88, %dma_start3A_98] : memref<10240x128xf32, #tpu.memory_space<vmem_shared>> -> memref<128x128xf32, #tpu.memory_space<vmem_shared>>
        tpu.enqueue_dma source(%dma_start3A_99 : memref<128x128xf32, #tpu.memory_space<vmem_shared>>) target(%dma_start3A_97 : memref<128x128xf32, #tpu.memory_space<hbm>>) target_semaphore(%run_scoped3A_94 : memref<!tpu.dma_semaphore, #tpu.memory_space<semaphore_mem>>)
        %dma_wait3A_100 = arith.constant 0 : i32
        %dma_wait3A_101 = tpu.memref_slice %arg5[%arg0, %add3A_88, %dma_wait3A_100] : memref<2x10112x128xf32, #tpu.memory_space<hbm>> -> memref<1x128x128xf32, #tpu.memory_space<hbm>>
        %dma_wait3A_102 = tpu.memref_squeeze %dma_wait3A_101 : memref<1x128x128xf32, #tpu.memory_space<hbm>> -> memref<128x128xf32, #tpu.memory_space<hbm>>
        %dma_wait3A_103 = arith.constant 0 : i32
        %dma_wait3A_104 = tpu.memref_slice %arg6[%add3A_88, %dma_wait3A_103] : memref<10240x128xf32, #tpu.memory_space<vmem_shared>> -> memref<128x128xf32, #tpu.memory_space<vmem_shared>>
        tpu.wait_dma2 semaphore(%run_scoped3A_94 : memref<!tpu.dma_semaphore, #tpu.memory_space<semaphore_mem>>) src(%dma_wait3A_104 : memref<128x128xf32, #tpu.memory_space<vmem_shared>>) dst(%dma_wait3A_102 : memref<128x128xf32, #tpu.memory_space<hbm>>)
        tpu.yield
      }) : () -> ()
    } else {
    }
    return
  }
}

#map = affine_map<(d0, d1) -> (0, 0)>
module attributes {stable_mosaic.version = 14 : i64} {
  func.func @_sc_counts(%arg0: i32, %arg1: i32, %arg2: memref<2560x128xi32, #tpu.memory_space<hbm>>, %arg3: memref<2560x128xi32, #tpu.memory_space<hbm>>, %arg4: memref<2x10240xf32, #tpu.memory_space<hbm>>, %arg5: memref<2x10240xf32, #tpu.memory_space<hbm>>, %arg6: memref<10240xf32, #tpu.memory_space<vmem_shared>>, %arg7: memref<10240xf32, #tpu.memory_space<vmem_shared>>, %arg8: memref<1x8x128xi32, #tpu.memory_space<vmem>>, %arg9: memref<1x8x128xi32, #tpu.memory_space<vmem>>, %arg10: memref<128xf32, #tpu.memory_space<vmem>>, %arg11: memref<640xf32, #tpu.memory_space<vmem>>) attributes {dimension_semantics = [#tpu.dimension_semantics<core_parallel>, #tpu.dimension_semantics<subcore_parallel>], iteration_bounds = array<i64: 2, 16>, scalar_prefetch = 0 : i64, scratch_operands = 6 : i64, tpu.core_type = #tpu.core_type<sc_vector_subcore>, window_params = [{transform_indices = #map}, {transform_indices = #map}, {transform_indices = #map}, {transform_indices = #map}]} {
    %mul3A = arith.constant 640 : i32
    %mul3A_0 = arith.muli %arg1, %mul3A : i32
    %mul3A_1 = arith.constant 16 : i32
    %mul3A_2 = arith.muli %arg0, %mul3A_1 : i32
    %add3A = arith.addi %mul3A_2, %arg1 : i32
    %mul3A_3 = arith.constant 80 : i32
    %mul3A_4 = arith.muli %add3A, %mul3A_3 : i32
    %broadcast_in_dim3A = arith.constant 0.000000e+00 : f32
    %broadcast_in_dim3A_5 = vector.broadcast %broadcast_in_dim3A : f32 to vector<16xf32>
    %broadcast_in_dim3A_6 = arith.constant 1.000000e+00 : f32
    %broadcast_in_dim3A_7 = vector.broadcast %broadcast_in_dim3A_6 : f32 to vector<16xf32>
    %swap3A = arith.constant 0 : index
    %swap3A_8 = tpu.vector_load %arg10[%swap3A] {strides = array<i32>} : memref<128xf32, #tpu.memory_space<vmem>>, vector<16xf32>,
    %swap3A_9 = vector.shape_cast %swap3A_8 : vector<16xf32> to vector<16xf32>
    %swap3A_10 = vector.shape_cast %broadcast_in_dim3A_7 : vector<16xf32> to vector<16xf32>
    tpu.vector_store %arg10[%swap3A], %swap3A_10 {strides = array<i32>} : memref<128xf32, #tpu.memory_space<vmem>>, vector<16xf32>,
    %swap3A_11 = arith.constant 16 : index
    %swap3A_12 = tpu.vector_load %arg10[%swap3A_11] {strides = array<i32>} : memref<128xf32, #tpu.memory_space<vmem>>, vector<16xf32>,
    %swap3A_13 = vector.shape_cast %swap3A_12 : vector<16xf32> to vector<16xf32>
    %swap3A_14 = vector.shape_cast %broadcast_in_dim3A_7 : vector<16xf32> to vector<16xf32>
    tpu.vector_store %arg10[%swap3A_11], %swap3A_14 {strides = array<i32>} : memref<128xf32, #tpu.memory_space<vmem>>, vector<16xf32>,
    %swap3A_15 = arith.constant 32 : index
    %swap3A_16 = tpu.vector_load %arg10[%swap3A_15] {strides = array<i32>} : memref<128xf32, #tpu.memory_space<vmem>>, vector<16xf32>,
    %swap3A_17 = vector.shape_cast %swap3A_16 : vector<16xf32> to vector<16xf32>
    %swap3A_18 = vector.shape_cast %broadcast_in_dim3A_7 : vector<16xf32> to vector<16xf32>
    tpu.vector_store %arg10[%swap3A_15], %swap3A_18 {strides = array<i32>} : memref<128xf32, #tpu.memory_space<vmem>>, vector<16xf32>,
    %swap3A_19 = arith.constant 48 : index
    %swap3A_20 = tpu.vector_load %arg10[%swap3A_19] {strides = array<i32>} : memref<128xf32, #tpu.memory_space<vmem>>, vector<16xf32>,
    %swap3A_21 = vector.shape_cast %swap3A_20 : vector<16xf32> to vector<16xf32>
    %swap3A_22 = vector.shape_cast %broadcast_in_dim3A_7 : vector<16xf32> to vector<16xf32>
    tpu.vector_store %arg10[%swap3A_19], %swap3A_22 {strides = array<i32>} : memref<128xf32, #tpu.memory_space<vmem>>, vector<16xf32>,
    %swap3A_23 = arith.constant 64 : index
    %swap3A_24 = tpu.vector_load %arg10[%swap3A_23] {strides = array<i32>} : memref<128xf32, #tpu.memory_space<vmem>>, vector<16xf32>,
    %swap3A_25 = vector.shape_cast %swap3A_24 : vector<16xf32> to vector<16xf32>
    %swap3A_26 = vector.shape_cast %broadcast_in_dim3A_7 : vector<16xf32> to vector<16xf32>
    tpu.vector_store %arg10[%swap3A_23], %swap3A_26 {strides = array<i32>} : memref<128xf32, #tpu.memory_space<vmem>>, vector<16xf32>,
    %swap3A_27 = arith.constant 80 : index
    %swap3A_28 = tpu.vector_load %arg10[%swap3A_27] {strides = array<i32>} : memref<128xf32, #tpu.memory_space<vmem>>, vector<16xf32>,
    %swap3A_29 = vector.shape_cast %swap3A_28 : vector<16xf32> to vector<16xf32>
    %swap3A_30 = vector.shape_cast %broadcast_in_dim3A_7 : vector<16xf32> to vector<16xf32>
    tpu.vector_store %arg10[%swap3A_27], %swap3A_30 {strides = array<i32>} : memref<128xf32, #tpu.memory_space<vmem>>, vector<16xf32>,
    %swap3A_31 = arith.constant 96 : index
    %swap3A_32 = tpu.vector_load %arg10[%swap3A_31] {strides = array<i32>} : memref<128xf32, #tpu.memory_space<vmem>>, vector<16xf32>,
    %swap3A_33 = vector.shape_cast %swap3A_32 : vector<16xf32> to vector<16xf32>
    %swap3A_34 = vector.shape_cast %broadcast_in_dim3A_7 : vector<16xf32> to vector<16xf32>
    tpu.vector_store %arg10[%swap3A_31], %swap3A_34 {strides = array<i32>} : memref<128xf32, #tpu.memory_space<vmem>>, vector<16xf32>,
    %swap3A_35 = arith.constant 112 : index
    %swap3A_36 = tpu.vector_load %arg10[%swap3A_35] {strides = array<i32>} : memref<128xf32, #tpu.memory_space<vmem>>, vector<16xf32>,
    %swap3A_37 = vector.shape_cast %swap3A_36 : vector<16xf32> to vector<16xf32>
    %swap3A_38 = vector.shape_cast %broadcast_in_dim3A_7 : vector<16xf32> to vector<16xf32>
    tpu.vector_store %arg10[%swap3A_35], %swap3A_38 {strides = array<i32>} : memref<128xf32, #tpu.memory_space<vmem>>, vector<16xf32>,
    %scan3A = arith.constant 0 : i32
    %scan3A_39 = arith.constant 0 : i32
    %scan3A_40 = arith.constant 40 : i32
    %scan3A_41 = arith.addi %scan3A_39, %scan3A_40 : i32
    %scan3A_42 = arith.constant 1 : i32
    scf.for %scan3A_51 = %scan3A_39 to %scan3A_41 step %scan3A_42  : i32 {
      %mul3A_52 = arith.constant 16 : i32
      %mul3A_53 = arith.muli %scan3A_51, %mul3A_52 : i32
      %swap3A_54 = arith.index_cast %mul3A_53 : i32 to index
      %swap3A_55 = tpu.vector_load %arg11[%swap3A_54] {strides = array<i32>} : memref<640xf32, #tpu.memory_space<vmem>>, vector<16xf32>,
      %swap3A_56 = vector.shape_cast %swap3A_55 : vector<16xf32> to vector<16xf32>
      %swap3A_57 = vector.shape_cast %broadcast_in_dim3A_5 : vector<16xf32> to vector<16xf32>
      tpu.vector_store %arg11[%swap3A_54], %swap3A_57 {strides = array<i32>} : memref<640xf32, #tpu.memory_space<vmem>>, vector<16xf32>,
    }
    %scan3A_43 = arith.constant 40 : i32
    "tpu.region"() ({
      %run_scoped3A = tpu.sem_alloc : memref<!tpu.dma_semaphore, #tpu.memory_space<semaphore_mem>>
      %dma_start3A = tpu.memref_slice %arg6[%mul3A_0] : memref<10240xf32, #tpu.memory_space<vmem_shared>> -> memref<640xf32, #tpu.memory_space<vmem_shared>>
      %dma_start3A_51 = tpu.memref_slice %arg6[%mul3A_0] : memref<10240xf32, #tpu.memory_space<vmem_shared>> -> memref<640xf32, #tpu.memory_space<vmem_shared>>
      tpu.enqueue_dma source(%arg11 : memref<640xf32, #tpu.memory_space<vmem>>) target(%dma_start3A_51 : memref<640xf32, #tpu.memory_space<vmem_shared>>) target_semaphore(%run_scoped3A : memref<!tpu.dma_semaphore, #tpu.memory_space<semaphore_mem>>)
      %dma_wait3A = tpu.memref_slice %arg6[%mul3A_0] : memref<10240xf32, #tpu.memory_space<vmem_shared>> -> memref<640xf32, #tpu.memory_space<vmem_shared>>
      %dma_wait3A_52 = tpu.memref_slice %arg6[%mul3A_0] : memref<10240xf32, #tpu.memory_space<vmem_shared>> -> memref<640xf32, #tpu.memory_space<vmem_shared>>
      tpu.wait_dma2 semaphore(%run_scoped3A : memref<!tpu.dma_semaphore, #tpu.memory_space<semaphore_mem>>) src(%arg11 : memref<640xf32, #tpu.memory_space<vmem>>) dst(%dma_wait3A_52 : memref<640xf32, #tpu.memory_space<vmem_shared>>)
      tpu.yield
    }) : () -> ()
    "tpu.region"() ({
      %run_scoped3A = tpu.sem_alloc : memref<!tpu.dma_semaphore, #tpu.memory_space<semaphore_mem>>
      %dma_start3A = tpu.memref_slice %arg7[%mul3A_0] : memref<10240xf32, #tpu.memory_space<vmem_shared>> -> memref<640xf32, #tpu.memory_space<vmem_shared>>
      %dma_start3A_51 = tpu.memref_slice %arg7[%mul3A_0] : memref<10240xf32, #tpu.memory_space<vmem_shared>> -> memref<640xf32, #tpu.memory_space<vmem_shared>>
      tpu.enqueue_dma source(%arg11 : memref<640xf32, #tpu.memory_space<vmem>>) target(%dma_start3A_51 : memref<640xf32, #tpu.memory_space<vmem_shared>>) target_semaphore(%run_scoped3A : memref<!tpu.dma_semaphore, #tpu.memory_space<semaphore_mem>>)
      %dma_wait3A = tpu.memref_slice %arg7[%mul3A_0] : memref<10240xf32, #tpu.memory_space<vmem_shared>> -> memref<640xf32, #tpu.memory_space<vmem_shared>>
      %dma_wait3A_52 = tpu.memref_slice %arg7[%mul3A_0] : memref<10240xf32, #tpu.memory_space<vmem_shared>> -> memref<640xf32, #tpu.memory_space<vmem_shared>>
      tpu.wait_dma2 semaphore(%run_scoped3A : memref<!tpu.dma_semaphore, #tpu.memory_space<semaphore_mem>>) src(%arg11 : memref<640xf32, #tpu.memory_space<vmem>>) dst(%dma_wait3A_52 : memref<640xf32, #tpu.memory_space<vmem_shared>>)
      tpu.yield
    }) : () -> ()
    %barrier3A = arith.constant 0 : index
    tpu.barrier barrier_id(%barrier3A)
    %scan3A_44 = arith.constant 0 : i32
    %scan3A_45 = arith.constant 0 : i32
    %scan3A_46 = arith.constant 10 : i32
    %scan3A_47 = arith.addi %scan3A_45, %scan3A_46 : i32
    %scan3A_48 = arith.constant 1 : i32
    scf.for %scan3A_51 = %scan3A_45 to %scan3A_47 step %scan3A_48  : i32 {
      %mul3A_52 = arith.constant 8 : i32
      %mul3A_53 = arith.muli %scan3A_51, %mul3A_52 : i32
      %add3A_54 = arith.addi %mul3A_4, %mul3A_53 : i32
      %run_scoped3A = arith.constant 0 : i32
      "tpu.region"() ({
        %run_scoped3A_65 = tpu.sem_alloc : memref<!tpu.dma_semaphore, #tpu.memory_space<semaphore_mem>>
        %dma_start3A = arith.constant 0 : i32
        %dma_start3A_66 = arith.constant 0 : i32
        %dma_start3A_67 = tpu.memref_slice %arg8[%run_scoped3A, %dma_start3A, %dma_start3A_66] : memref<1x8x128xi32, #tpu.memory_space<vmem>> -> memref<1x8x128xi32, #tpu.memory_space<vmem>>
        %dma_start3A_68 = tpu.memref_squeeze %dma_start3A_67 : memref<1x8x128xi32, #tpu.memory_space<vmem>> -> memref<8x128xi32, #tpu.memory_space<vmem>>
        %dma_start3A_69 = arith.constant 0 : i32
        %dma_start3A_70 = tpu.memref_slice %arg2[%add3A_54, %dma_start3A_69] : memref<2560x128xi32, #tpu.memory_space<hbm>> -> memref<8x128xi32, #tpu.memory_space<hbm>>
        %dma_start3A_71 = arith.constant 0 : i32
        %dma_start3A_72 = arith.constant 0 : i32
        %dma_start3A_73 = tpu.memref_slice %arg8[%run_scoped3A, %dma_start3A_71, %dma_start3A_72] : memref<1x8x128xi32, #tpu.memory_space<vmem>> -> memref<1x8x128xi32, #tpu.memory_space<vmem>>
        %dma_start3A_74 = tpu.memref_squeeze %dma_start3A_73 : memref<1x8x128xi32, #tpu.memory_space<vmem>> -> memref<8x128xi32, #tpu.memory_space<vmem>>
        %dma_start3A_75 = arith.constant 0 : i32
        %dma_start3A_76 = tpu.memref_slice %arg2[%add3A_54, %dma_start3A_75] : memref<2560x128xi32, #tpu.memory_space<hbm>> -> memref<8x128xi32, #tpu.memory_space<hbm>>
        tpu.enqueue_dma source(%dma_start3A_76 : memref<8x128xi32, #tpu.memory_space<hbm>>) target(%dma_start3A_74 : memref<8x128xi32, #tpu.memory_space<vmem>>) target_semaphore(%run_scoped3A_65 : memref<!tpu.dma_semaphore, #tpu.memory_space<semaphore_mem>>)
        %dma_wait3A = arith.constant 0 : i32
        %dma_wait3A_77 = arith.constant 0 : i32
        %dma_wait3A_78 = tpu.memref_slice %arg8[%run_scoped3A, %dma_wait3A, %dma_wait3A_77] : memref<1x8x128xi32, #tpu.memory_space<vmem>> -> memref<1x8x128xi32, #tpu.memory_space<vmem>>
        %dma_wait3A_79 = tpu.memref_squeeze %dma_wait3A_78 : memref<1x8x128xi32, #tpu.memory_space<vmem>> -> memref<8x128xi32, #tpu.memory_space<vmem>>
        %dma_wait3A_80 = arith.constant 0 : i32
        %dma_wait3A_81 = tpu.memref_slice %arg2[%add3A_54, %dma_wait3A_80] : memref<2560x128xi32, #tpu.memory_space<hbm>> -> memref<8x128xi32, #tpu.memory_space<hbm>>
        %dma_wait3A_82 = arith.constant 0 : i32
        %dma_wait3A_83 = arith.constant 0 : i32
        %dma_wait3A_84 = tpu.memref_slice %arg8[%run_scoped3A, %dma_wait3A_82, %dma_wait3A_83] : memref<1x8x128xi32, #tpu.memory_space<vmem>> -> memref<1x8x128xi32, #tpu.memory_space<vmem>>
        %dma_wait3A_85 = tpu.memref_squeeze %dma_wait3A_84 : memref<1x8x128xi32, #tpu.memory_space<vmem>> -> memref<8x128xi32, #tpu.memory_space<vmem>>
        %dma_wait3A_86 = arith.constant 0 : i32
        %dma_wait3A_87 = tpu.memref_slice %arg2[%add3A_54, %dma_wait3A_86] : memref<2560x128xi32, #tpu.memory_space<hbm>> -> memref<8x128xi32, #tpu.memory_space<hbm>>
        tpu.wait_dma2 semaphore(%run_scoped3A_65 : memref<!tpu.dma_semaphore, #tpu.memory_space<semaphore_mem>>) src(%dma_wait3A_87 : memref<8x128xi32, #tpu.memory_space<hbm>>) dst(%dma_wait3A_85 : memref<8x128xi32, #tpu.memory_space<vmem>>)
        tpu.yield
      }) : () -> ()
      %mul3A_55 = arith.constant 8 : i32
      %mul3A_56 = arith.muli %scan3A_51, %mul3A_55 : i32
      %add3A_57 = arith.addi %mul3A_4, %mul3A_56 : i32
      %run_scoped3A_58 = arith.constant 0 : i32
      "tpu.region"() ({
        %run_scoped3A_65 = tpu.sem_alloc : memref<!tpu.dma_semaphore, #tpu.memory_space<semaphore_mem>>
        %dma_start3A = arith.constant 0 : i32
        %dma_start3A_66 = arith.constant 0 : i32
        %dma_start3A_67 = tpu.memref_slice %arg9[%run_scoped3A_58, %dma_start3A, %dma_start3A_66] : memref<1x8x128xi32, #tpu.memory_space<vmem>> -> memref<1x8x128xi32, #tpu.memory_space<vmem>>
        %dma_start3A_68 = tpu.memref_squeeze %dma_start3A_67 : memref<1x8x128xi32, #tpu.memory_space<vmem>> -> memref<8x128xi32, #tpu.memory_space<vmem>>
        %dma_start3A_69 = arith.constant 0 : i32
        %dma_start3A_70 = tpu.memref_slice %arg3[%add3A_57, %dma_start3A_69] : memref<2560x128xi32, #tpu.memory_space<hbm>> -> memref<8x128xi32, #tpu.memory_space<hbm>>
        %dma_start3A_71 = arith.constant 0 : i32
        %dma_start3A_72 = arith.constant 0 : i32
        %dma_start3A_73 = tpu.memref_slice %arg9[%run_scoped3A_58, %dma_start3A_71, %dma_start3A_72] : memref<1x8x128xi32, #tpu.memory_space<vmem>> -> memref<1x8x128xi32, #tpu.memory_space<vmem>>
        %dma_start3A_74 = tpu.memref_squeeze %dma_start3A_73 : memref<1x8x128xi32, #tpu.memory_space<vmem>> -> memref<8x128xi32, #tpu.memory_space<vmem>>
        %dma_start3A_75 = arith.constant 0 : i32
        %dma_start3A_76 = tpu.memref_slice %arg3[%add3A_57, %dma_start3A_75] : memref<2560x128xi32, #tpu.memory_space<hbm>> -> memref<8x128xi32, #tpu.memory_space<hbm>>
        tpu.enqueue_dma source(%dma_start3A_76 : memref<8x128xi32, #tpu.memory_space<hbm>>) target(%dma_start3A_74 : memref<8x128xi32, #tpu.memory_space<vmem>>) target_semaphore(%run_scoped3A_65 : memref<!tpu.dma_semaphore, #tpu.memory_space<semaphore_mem>>)
        %dma_wait3A = arith.constant 0 : i32
        %dma_wait3A_77 = arith.constant 0 : i32
        %dma_wait3A_78 = tpu.memref_slice %arg9[%run_scoped3A_58, %dma_wait3A, %dma_wait3A_77] : memref<1x8x128xi32, #tpu.memory_space<vmem>> -> memref<1x8x128xi32, #tpu.memory_space<vmem>>
        %dma_wait3A_79 = tpu.memref_squeeze %dma_wait3A_78 : memref<1x8x128xi32, #tpu.memory_space<vmem>> -> memref<8x128xi32, #tpu.memory_space<vmem>>
        %dma_wait3A_80 = arith.constant 0 : i32
        %dma_wait3A_81 = tpu.memref_slice %arg3[%add3A_57, %dma_wait3A_80] : memref<2560x128xi32, #tpu.memory_space<hbm>> -> memref<8x128xi32, #tpu.memory_space<hbm>>
        %dma_wait3A_82 = arith.constant 0 : i32
        %dma_wait3A_83 = arith.constant 0 : i32
        %dma_wait3A_84 = tpu.memref_slice %arg9[%run_scoped3A_58, %dma_wait3A_82, %dma_wait3A_83] : memref<1x8x128xi32, #tpu.memory_space<vmem>> -> memref<1x8x128xi32, #tpu.memory_space<vmem>>
        %dma_wait3A_85 = tpu.memref_squeeze %dma_wait3A_84 : memref<1x8x128xi32, #tpu.memory_space<vmem>> -> memref<8x128xi32, #tpu.memory_space<vmem>>
        %dma_wait3A_86 = arith.constant 0 : i32
        %dma_wait3A_87 = tpu.memref_slice %arg3[%add3A_57, %dma_wait3A_86] : memref<2560x128xi32, #tpu.memory_space<hbm>> -> memref<8x128xi32, #tpu.memory_space<hbm>>
        tpu.wait_dma2 semaphore(%run_scoped3A_65 : memref<!tpu.dma_semaphore, #tpu.memory_space<semaphore_mem>>) src(%dma_wait3A_87 : memref<8x128xi32, #tpu.memory_space<hbm>>) dst(%dma_wait3A_85 : memref<8x128xi32, #tpu.memory_space<vmem>>)
        tpu.yield
      }) : () -> ()
      %scan3A_59 = arith.constant 0 : i32
      %scan3A_60 = arith.constant 0 : i32
      %scan3A_61 = arith.constant 8 : i32
      %scan3A_62 = arith.addi %scan3A_60, %scan3A_61 : i32
      %scan3A_63 = arith.constant 1 : i32
      scf.for %scan3A_65 = %scan3A_60 to %scan3A_62 step %scan3A_63  : i32 {
        %run_scoped3A_66 = arith.constant 0 : i32
        "tpu.region"() ({
          %run_scoped3A_68 = tpu.sem_alloc : memref<!tpu.dma_semaphore, #tpu.memory_space<semaphore_mem>>
          %dma_start3A = arith.constant 0 : i32
          %dma_start3A_69 = tpu.memref_slice %arg8[%run_scoped3A_66, %scan3A_65, %dma_start3A] : memref<1x8x128xi32, #tpu.memory_space<vmem>> -> memref<1x1x128xi32, #tpu.memory_space<vmem>>
          %dma_start3A_70 = tpu.memref_squeeze %dma_start3A_69 : memref<1x1x128xi32, #tpu.memory_space<vmem>> -> memref<128xi32, #tpu.memory_space<vmem>>
          %dma_start3A_71 = arith.constant 0 : i32
          %dma_start3A_72 = tpu.memref_slice %arg6[%dma_start3A_71] : memref<10240xf32, #tpu.memory_space<vmem_shared>> -> memref<10240xf32, #tpu.memory_space<vmem_shared>>
          tpu.enqueue_indirect_dma source(%arg10 : memref<128xf32, #tpu.memory_space<vmem>>) target(%dma_start3A_72 : memref<10240xf32, #tpu.memory_space<vmem_shared>>) offsets(%dma_start3A_70 : memref<128xi32, #tpu.memory_space<vmem>>) semaphore(%run_scoped3A_68 : memref<!tpu.dma_semaphore, #tpu.memory_space<semaphore_mem>>) {add = true}
          %dma_wait3A = arith.constant 0 : i32
          %dma_wait3A_73 = tpu.memref_slice %arg8[%run_scoped3A_66, %scan3A_65, %dma_wait3A] : memref<1x8x128xi32, #tpu.memory_space<vmem>> -> memref<1x1x128xi32, #tpu.memory_space<vmem>>
          %dma_wait3A_74 = tpu.memref_squeeze %dma_wait3A_73 : memref<1x1x128xi32, #tpu.memory_space<vmem>> -> memref<128xi32, #tpu.memory_space<vmem>>
          %dma_wait3A_75 = arith.constant 0 : i32
          %dma_wait3A_76 = tpu.memref_slice %arg6[%dma_wait3A_75] : memref<10240xf32, #tpu.memory_space<vmem_shared>> -> memref<10240xf32, #tpu.memory_space<vmem_shared>>
          tpu.wait_indirect_dma semaphore(%run_scoped3A_68 : memref<!tpu.dma_semaphore, #tpu.memory_space<semaphore_mem>>) src(%arg10 : memref<128xf32, #tpu.memory_space<vmem>>) dst(%dma_wait3A_76 : memref<10240xf32, #tpu.memory_space<vmem_shared>>)
          tpu.yield
        }) : () -> ()
        %run_scoped3A_67 = arith.constant 0 : i32
        "tpu.region"() ({
          %run_scoped3A_68 = tpu.sem_alloc : memref<!tpu.dma_semaphore, #tpu.memory_space<semaphore_mem>>
          %dma_start3A = arith.constant 0 : i32
          %dma_start3A_69 = tpu.memref_slice %arg9[%run_scoped3A_67, %scan3A_65, %dma_start3A] : memref<1x8x128xi32, #tpu.memory_space<vmem>> -> memref<1x1x128xi32, #tpu.memory_space<vmem>>
          %dma_start3A_70 = tpu.memref_squeeze %dma_start3A_69 : memref<1x1x128xi32, #tpu.memory_space<vmem>> -> memref<128xi32, #tpu.memory_space<vmem>>
          %dma_start3A_71 = arith.constant 0 : i32
          %dma_start3A_72 = tpu.memref_slice %arg7[%dma_start3A_71] : memref<10240xf32, #tpu.memory_space<vmem_shared>> -> memref<10240xf32, #tpu.memory_space<vmem_shared>>
          tpu.enqueue_indirect_dma source(%arg10 : memref<128xf32, #tpu.memory_space<vmem>>) target(%dma_start3A_72 : memref<10240xf32, #tpu.memory_space<vmem_shared>>) offsets(%dma_start3A_70 : memref<128xi32, #tpu.memory_space<vmem>>) semaphore(%run_scoped3A_68 : memref<!tpu.dma_semaphore, #tpu.memory_space<semaphore_mem>>) {add = true}
          %dma_wait3A = arith.constant 0 : i32
          %dma_wait3A_73 = tpu.memref_slice %arg9[%run_scoped3A_67, %scan3A_65, %dma_wait3A] : memref<1x8x128xi32, #tpu.memory_space<vmem>> -> memref<1x1x128xi32, #tpu.memory_space<vmem>>
          %dma_wait3A_74 = tpu.memref_squeeze %dma_wait3A_73 : memref<1x1x128xi32, #tpu.memory_space<vmem>> -> memref<128xi32, #tpu.memory_space<vmem>>
          %dma_wait3A_75 = arith.constant 0 : i32
          %dma_wait3A_76 = tpu.memref_slice %arg7[%dma_wait3A_75] : memref<10240xf32, #tpu.memory_space<vmem_shared>> -> memref<10240xf32, #tpu.memory_space<vmem_shared>>
          tpu.wait_indirect_dma semaphore(%run_scoped3A_68 : memref<!tpu.dma_semaphore, #tpu.memory_space<semaphore_mem>>) src(%arg10 : memref<128xf32, #tpu.memory_space<vmem>>) dst(%dma_wait3A_76 : memref<10240xf32, #tpu.memory_space<vmem_shared>>)
          tpu.yield
        }) : () -> ()
      }
      %scan3A_64 = arith.constant 8 : i32
    }
    %scan3A_49 = arith.constant 10 : i32
    %barrier3A_50 = arith.constant 0 : index
    tpu.barrier barrier_id(%barrier3A_50)
    "tpu.region"() ({
      %run_scoped3A = tpu.sem_alloc : memref<!tpu.dma_semaphore, #tpu.memory_space<semaphore_mem>>
      %dma_start3A = tpu.memref_slice %arg4[%arg0, %mul3A_0] : memref<2x10240xf32, #tpu.memory_space<hbm>> -> memref<1x640xf32, #tpu.memory_space<hbm>>
      %dma_start3A_51 = tpu.memref_squeeze %dma_start3A : memref<1x640xf32, #tpu.memory_space<hbm>> -> memref<640xf32, #tpu.memory_space<hbm>>
      %dma_start3A_52 = tpu.memref_slice %arg6[%mul3A_0] : memref<10240xf32, #tpu.memory_space<vmem_shared>> -> memref<640xf32, #tpu.memory_space<vmem_shared>>
      tpu.enqueue_dma source(%dma_start3A_52 : memref<640xf32, #tpu.memory_space<vmem_shared>>) target(%dma_start3A_51 : memref<640xf32, #tpu.memory_space<hbm>>) target_semaphore(%run_scoped3A : memref<!tpu.dma_semaphore, #tpu.memory_space<semaphore_mem>>)
      %dma_wait3A = tpu.memref_slice %arg4[%arg0, %mul3A_0] : memref<2x10240xf32, #tpu.memory_space<hbm>> -> memref<1x640xf32, #tpu.memory_space<hbm>>
      %dma_wait3A_53 = tpu.memref_squeeze %dma_wait3A : memref<1x640xf32, #tpu.memory_space<hbm>> -> memref<640xf32, #tpu.memory_space<hbm>>
      %dma_wait3A_54 = tpu.memref_slice %arg6[%mul3A_0] : memref<10240xf32, #tpu.memory_space<vmem_shared>> -> memref<640xf32, #tpu.memory_space<vmem_shared>>
      tpu.wait_dma2 semaphore(%run_scoped3A : memref<!tpu.dma_semaphore, #tpu.memory_space<semaphore_mem>>) src(%dma_wait3A_54 : memref<640xf32, #tpu.memory_space<vmem_shared>>) dst(%dma_wait3A_53 : memref<640xf32, #tpu.memory_space<hbm>>)
      tpu.yield
    }) : () -> ()
    "tpu.region"() ({
      %run_scoped3A = tpu.sem_alloc : memref<!tpu.dma_semaphore, #tpu.memory_space<semaphore_mem>>
      %dma_start3A = tpu.memref_slice %arg5[%arg0, %mul3A_0] : memref<2x10240xf32, #tpu.memory_space<hbm>> -> memref<1x640xf32, #tpu.memory_space<hbm>>
      %dma_start3A_51 = tpu.memref_squeeze %dma_start3A : memref<1x640xf32, #tpu.memory_space<hbm>> -> memref<640xf32, #tpu.memory_space<hbm>>
      %dma_start3A_52 = tpu.memref_slice %arg7[%mul3A_0] : memref<10240xf32, #tpu.memory_space<vmem_shared>> -> memref<640xf32, #tpu.memory_space<vmem_shared>>
      tpu.enqueue_dma source(%dma_start3A_52 : memref<640xf32, #tpu.memory_space<vmem_shared>>) target(%dma_start3A_51 : memref<640xf32, #tpu.memory_space<hbm>>) target_semaphore(%run_scoped3A : memref<!tpu.dma_semaphore, #tpu.memory_space<semaphore_mem>>)
      %dma_wait3A = tpu.memref_slice %arg5[%arg0, %mul3A_0] : memref<2x10240xf32, #tpu.memory_space<hbm>> -> memref<1x640xf32, #tpu.memory_space<hbm>>
      %dma_wait3A_53 = tpu.memref_squeeze %dma_wait3A : memref<1x640xf32, #tpu.memory_space<hbm>> -> memref<640xf32, #tpu.memory_space<hbm>>
      %dma_wait3A_54 = tpu.memref_slice %arg7[%mul3A_0] : memref<10240xf32, #tpu.memory_space<vmem_shared>> -> memref<640xf32, #tpu.memory_space<vmem_shared>>
      tpu.wait_dma2 semaphore(%run_scoped3A : memref<!tpu.dma_semaphore, #tpu.memory_space<semaphore_mem>>) src(%dma_wait3A_54 : memref<640xf32, #tpu.memory_space<vmem_shared>>) dst(%dma_wait3A_53 : memref<640xf32, #tpu.memory_space<hbm>>)
      tpu.yield
    }) : () -> ()
    return
  }
}

#map = affine_map<(d0, d1) -> (0, 0)>
#map1 = affine_map<(d0, d1) -> (0, 0, 0)>
module attributes {stable_mosaic.version = 14 : i64} {
  func.func @body(%arg0: i32, %arg1: i32, %arg2: memref<10112x128xf32, #tpu.memory_space<hbm>>, %arg3: memref<2560x128xi32, #tpu.memory_space<hbm>>, %arg4: memref<2560x128xi32, #tpu.memory_space<hbm>>, %arg5: memref<2x10112x128xf32, #tpu.memory_space<hbm>>, %arg6: memref<10240x128xf32, #tpu.memory_space<vmem_shared>>, %arg7: memref<2x8x128xi32, #tpu.memory_space<vmem>>, %arg8: memref<2x8x128xi32, #tpu.memory_space<vmem>>, %arg9: memref<2x128x128xf32, #tpu.memory_space<vmem>>, %arg10: memref<16x128xf32, #tpu.memory_space<vmem>>, %arg11: memref<!tpu.dma_semaphore, #tpu.memory_space<semaphore_mem>>, %arg12: memref<!tpu.dma_semaphore, #tpu.memory_space<semaphore_mem>>, %arg13: memref<!tpu.dma_semaphore, #tpu.memory_space<semaphore_mem>>, %arg14: memref<!tpu.dma_semaphore, #tpu.memory_space<semaphore_mem>>, %arg15: memref<!tpu.dma_semaphore, #tpu.memory_space<semaphore_mem>>, %arg16: memref<!tpu.dma_semaphore, #tpu.memory_space<semaphore_mem>>, %arg17: memref<!tpu.dma_semaphore, #tpu.memory_space<semaphore_mem>>, %arg18: memref<!tpu.dma_semaphore, #tpu.memory_space<semaphore_mem>>, %arg19: memref<!tpu.dma_semaphore, #tpu.memory_space<semaphore_mem>>, %arg20: memref<!tpu.dma_semaphore, #tpu.memory_space<semaphore_mem>>) attributes {dimension_semantics = [#tpu.dimension_semantics<core_parallel>, #tpu.dimension_semantics<subcore_parallel>], iteration_bounds = array<i64: 2, 16>, scalar_prefetch = 0 : i64, scratch_operands = 15 : i64, tpu.core_type = #tpu.core_type<sc_vector_subcore>, window_params = [{transform_indices = #map}, {transform_indices = #map}, {transform_indices = #map}, {transform_indices = #map1}]} {
    %mul3A = arith.constant 640 : i32
    %mul3A_0 = arith.muli %arg1, %mul3A : i32
    %mul3A_1 = arith.constant 16 : i32
    %mul3A_2 = arith.muli %arg0, %mul3A_1 : i32
    %add3A = arith.addi %mul3A_2, %arg1 : i32
    %mul3A_3 = arith.constant 80 : i32
    %mul3A_4 = arith.muli %add3A, %mul3A_3 : i32
    %broadcast_in_dim3A = arith.constant 0.000000e+00 : f32
    %broadcast_in_dim3A_5 = vector.broadcast %broadcast_in_dim3A : f32 to vector<16xf32>
    %scan3A = arith.constant 0 : i32
    %scan3A_6 = arith.constant 0 : i32
    %scan3A_7 = arith.constant 16 : i32
    %scan3A_8 = arith.addi %scan3A_6, %scan3A_7 : i32
    %scan3A_9 = arith.constant 1 : i32
    scf.for %scan3A_94 = %scan3A_6 to %scan3A_8 step %scan3A_9  : i32 {
      %swap3A = arith.index_cast %scan3A_94 : i32 to index
      %swap3A_95 = arith.constant 0 : index
      %swap3A_96 = tpu.vector_load %arg10[%swap3A, %swap3A_95] {strides = array<i32>} : memref<16x128xf32, #tpu.memory_space<vmem>>, vector<1x16xf32>,
      %swap3A_97 = vector.shape_cast %swap3A_96 : vector<1x16xf32> to vector<16xf32>
      %swap3A_98 = vector.shape_cast %broadcast_in_dim3A_5 : vector<16xf32> to vector<1x16xf32>
      tpu.vector_store %arg10[%swap3A, %swap3A_95], %swap3A_98 {strides = array<i32>} : memref<16x128xf32, #tpu.memory_space<vmem>>, vector<1x16xf32>,
      %swap3A_99 = arith.index_cast %scan3A_94 : i32 to index
      %swap3A_100 = arith.constant 16 : index
      %swap3A_101 = tpu.vector_load %arg10[%swap3A_99, %swap3A_100] {strides = array<i32>} : memref<16x128xf32, #tpu.memory_space<vmem>>, vector<1x16xf32>,
      %swap3A_102 = vector.shape_cast %swap3A_101 : vector<1x16xf32> to vector<16xf32>
      %swap3A_103 = vector.shape_cast %broadcast_in_dim3A_5 : vector<16xf32> to vector<1x16xf32>
      tpu.vector_store %arg10[%swap3A_99, %swap3A_100], %swap3A_103 {strides = array<i32>} : memref<16x128xf32, #tpu.memory_space<vmem>>, vector<1x16xf32>,
      %swap3A_104 = arith.index_cast %scan3A_94 : i32 to index
      %swap3A_105 = arith.constant 32 : index
      %swap3A_106 = tpu.vector_load %arg10[%swap3A_104, %swap3A_105] {strides = array<i32>} : memref<16x128xf32, #tpu.memory_space<vmem>>, vector<1x16xf32>,
      %swap3A_107 = vector.shape_cast %swap3A_106 : vector<1x16xf32> to vector<16xf32>
      %swap3A_108 = vector.shape_cast %broadcast_in_dim3A_5 : vector<16xf32> to vector<1x16xf32>
      tpu.vector_store %arg10[%swap3A_104, %swap3A_105], %swap3A_108 {strides = array<i32>} : memref<16x128xf32, #tpu.memory_space<vmem>>, vector<1x16xf32>,
      %swap3A_109 = arith.index_cast %scan3A_94 : i32 to index
      %swap3A_110 = arith.constant 48 : index
      %swap3A_111 = tpu.vector_load %arg10[%swap3A_109, %swap3A_110] {strides = array<i32>} : memref<16x128xf32, #tpu.memory_space<vmem>>, vector<1x16xf32>,
      %swap3A_112 = vector.shape_cast %swap3A_111 : vector<1x16xf32> to vector<16xf32>
      %swap3A_113 = vector.shape_cast %broadcast_in_dim3A_5 : vector<16xf32> to vector<1x16xf32>
      tpu.vector_store %arg10[%swap3A_109, %swap3A_110], %swap3A_113 {strides = array<i32>} : memref<16x128xf32, #tpu.memory_space<vmem>>, vector<1x16xf32>,
      %swap3A_114 = arith.index_cast %scan3A_94 : i32 to index
      %swap3A_115 = arith.constant 64 : index
      %swap3A_116 = tpu.vector_load %arg10[%swap3A_114, %swap3A_115] {strides = array<i32>} : memref<16x128xf32, #tpu.memory_space<vmem>>, vector<1x16xf32>,
      %swap3A_117 = vector.shape_cast %swap3A_116 : vector<1x16xf32> to vector<16xf32>
      %swap3A_118 = vector.shape_cast %broadcast_in_dim3A_5 : vector<16xf32> to vector<1x16xf32>
      tpu.vector_store %arg10[%swap3A_114, %swap3A_115], %swap3A_118 {strides = array<i32>} : memref<16x128xf32, #tpu.memory_space<vmem>>, vector<1x16xf32>,
      %swap3A_119 = arith.index_cast %scan3A_94 : i32 to index
      %swap3A_120 = arith.constant 80 : index
      %swap3A_121 = tpu.vector_load %arg10[%swap3A_119, %swap3A_120] {strides = array<i32>} : memref<16x128xf32, #tpu.memory_space<vmem>>, vector<1x16xf32>,
      %swap3A_122 = vector.shape_cast %swap3A_121 : vector<1x16xf32> to vector<16xf32>
      %swap3A_123 = vector.shape_cast %broadcast_in_dim3A_5 : vector<16xf32> to vector<1x16xf32>
      tpu.vector_store %arg10[%swap3A_119, %swap3A_120], %swap3A_123 {strides = array<i32>} : memref<16x128xf32, #tpu.memory_space<vmem>>, vector<1x16xf32>,
      %swap3A_124 = arith.index_cast %scan3A_94 : i32 to index
      %swap3A_125 = arith.constant 96 : index
      %swap3A_126 = tpu.vector_load %arg10[%swap3A_124, %swap3A_125] {strides = array<i32>} : memref<16x128xf32, #tpu.memory_space<vmem>>, vector<1x16xf32>,
      %swap3A_127 = vector.shape_cast %swap3A_126 : vector<1x16xf32> to vector<16xf32>
      %swap3A_128 = vector.shape_cast %broadcast_in_dim3A_5 : vector<16xf32> to vector<1x16xf32>
      tpu.vector_store %arg10[%swap3A_124, %swap3A_125], %swap3A_128 {strides = array<i32>} : memref<16x128xf32, #tpu.memory_space<vmem>>, vector<1x16xf32>,
      %swap3A_129 = arith.index_cast %scan3A_94 : i32 to index
      %swap3A_130 = arith.constant 112 : index
      %swap3A_131 = tpu.vector_load %arg10[%swap3A_129, %swap3A_130] {strides = array<i32>} : memref<16x128xf32, #tpu.memory_space<vmem>>, vector<1x16xf32>,
      %swap3A_132 = vector.shape_cast %swap3A_131 : vector<1x16xf32> to vector<16xf32>
      %swap3A_133 = vector.shape_cast %broadcast_in_dim3A_5 : vector<16xf32> to vector<1x16xf32>
      tpu.vector_store %arg10[%swap3A_129, %swap3A_130], %swap3A_133 {strides = array<i32>} : memref<16x128xf32, #tpu.memory_space<vmem>>, vector<1x16xf32>,
    }
    %scan3A_10 = arith.constant 16 : i32
    %scan3A_11 = arith.constant 0 : i32
    %scan3A_12 = arith.constant 0 : i32
    %scan3A_13 = arith.constant 40 : i32
    %scan3A_14 = arith.addi %scan3A_12, %scan3A_13 : i32
    %scan3A_15 = arith.constant 1 : i32
    scf.for %scan3A_94 = %scan3A_12 to %scan3A_14 step %scan3A_15  : i32 {
      %mul3A_95 = arith.constant 16 : i32
      %mul3A_96 = arith.muli %scan3A_94, %mul3A_95 : i32
      %add3A_97 = arith.addi %mul3A_0, %mul3A_96 : i32
      "tpu.region"() ({
        %run_scoped3A_98 = tpu.sem_alloc : memref<!tpu.dma_semaphore, #tpu.memory_space<semaphore_mem>>
        %dma_start3A_99 = arith.constant 0 : i32
        %dma_start3A_100 = tpu.memref_slice %arg6[%add3A_97, %dma_start3A_99] : memref<10240x128xf32, #tpu.memory_space<vmem_shared>> -> memref<16x128xf32, #tpu.memory_space<vmem_shared>>
        %dma_start3A_101 = arith.constant 0 : i32
        %dma_start3A_102 = tpu.memref_slice %arg6[%add3A_97, %dma_start3A_101] : memref<10240x128xf32, #tpu.memory_space<vmem_shared>> -> memref<16x128xf32, #tpu.memory_space<vmem_shared>>
        tpu.enqueue_dma source(%arg10 : memref<16x128xf32, #tpu.memory_space<vmem>>) target(%dma_start3A_102 : memref<16x128xf32, #tpu.memory_space<vmem_shared>>) target_semaphore(%run_scoped3A_98 : memref<!tpu.dma_semaphore, #tpu.memory_space<semaphore_mem>>)
        %dma_wait3A_103 = arith.constant 0 : i32
        %dma_wait3A_104 = tpu.memref_slice %arg6[%add3A_97, %dma_wait3A_103] : memref<10240x128xf32, #tpu.memory_space<vmem_shared>> -> memref<16x128xf32, #tpu.memory_space<vmem_shared>>
        %dma_wait3A_105 = arith.constant 0 : i32
        %dma_wait3A_106 = tpu.memref_slice %arg6[%add3A_97, %dma_wait3A_105] : memref<10240x128xf32, #tpu.memory_space<vmem_shared>> -> memref<16x128xf32, #tpu.memory_space<vmem_shared>>
        tpu.wait_dma2 semaphore(%run_scoped3A_98 : memref<!tpu.dma_semaphore, #tpu.memory_space<semaphore_mem>>) src(%arg10 : memref<16x128xf32, #tpu.memory_space<vmem>>) dst(%dma_wait3A_106 : memref<16x128xf32, #tpu.memory_space<vmem_shared>>)
        tpu.yield
      }) : () -> ()
    }
    %scan3A_16 = arith.constant 40 : i32
    %barrier3A = arith.constant 0 : index
    tpu.barrier barrier_id(%barrier3A)
    %run_scoped3A = arith.constant 0 : i32
    "tpu.region"() ({
      %run_scoped3A_94 = tpu.sem_alloc : memref<!tpu.dma_semaphore, #tpu.memory_space<semaphore_mem>>
      %dma_start3A_95 = arith.constant 0 : i32
      %dma_start3A_96 = arith.constant 0 : i32
      %dma_start3A_97 = tpu.memref_slice %arg7[%run_scoped3A, %dma_start3A_95, %dma_start3A_96] : memref<2x8x128xi32, #tpu.memory_space<vmem>> -> memref<1x8x128xi32, #tpu.memory_space<vmem>>
      %dma_start3A_98 = tpu.memref_squeeze %dma_start3A_97 : memref<1x8x128xi32, #tpu.memory_space<vmem>> -> memref<8x128xi32, #tpu.memory_space<vmem>>
      %dma_start3A_99 = arith.constant 0 : i32
      %dma_start3A_100 = tpu.memref_slice %arg3[%mul3A_4, %dma_start3A_99] : memref<2560x128xi32, #tpu.memory_space<hbm>> -> memref<8x128xi32, #tpu.memory_space<hbm>>
      %dma_start3A_101 = arith.constant 0 : i32
      %dma_start3A_102 = arith.constant 0 : i32
      %dma_start3A_103 = tpu.memref_slice %arg7[%run_scoped3A, %dma_start3A_101, %dma_start3A_102] : memref<2x8x128xi32, #tpu.memory_space<vmem>> -> memref<1x8x128xi32, #tpu.memory_space<vmem>>
      %dma_start3A_104 = tpu.memref_squeeze %dma_start3A_103 : memref<1x8x128xi32, #tpu.memory_space<vmem>> -> memref<8x128xi32, #tpu.memory_space<vmem>>
      %dma_start3A_105 = arith.constant 0 : i32
      %dma_start3A_106 = tpu.memref_slice %arg3[%mul3A_4, %dma_start3A_105] : memref<2560x128xi32, #tpu.memory_space<hbm>> -> memref<8x128xi32, #tpu.memory_space<hbm>>
      tpu.enqueue_dma source(%dma_start3A_106 : memref<8x128xi32, #tpu.memory_space<hbm>>) target(%dma_start3A_104 : memref<8x128xi32, #tpu.memory_space<vmem>>) target_semaphore(%run_scoped3A_94 : memref<!tpu.dma_semaphore, #tpu.memory_space<semaphore_mem>>)
      %dma_wait3A_107 = arith.constant 0 : i32
      %dma_wait3A_108 = arith.constant 0 : i32
      %dma_wait3A_109 = tpu.memref_slice %arg7[%run_scoped3A, %dma_wait3A_107, %dma_wait3A_108] : memref<2x8x128xi32, #tpu.memory_space<vmem>> -> memref<1x8x128xi32, #tpu.memory_space<vmem>>
      %dma_wait3A_110 = tpu.memref_squeeze %dma_wait3A_109 : memref<1x8x128xi32, #tpu.memory_space<vmem>> -> memref<8x128xi32, #tpu.memory_space<vmem>>
      %dma_wait3A_111 = arith.constant 0 : i32
      %dma_wait3A_112 = tpu.memref_slice %arg3[%mul3A_4, %dma_wait3A_111] : memref<2560x128xi32, #tpu.memory_space<hbm>> -> memref<8x128xi32, #tpu.memory_space<hbm>>
      %dma_wait3A_113 = arith.constant 0 : i32
      %dma_wait3A_114 = arith.constant 0 : i32
      %dma_wait3A_115 = tpu.memref_slice %arg7[%run_scoped3A, %dma_wait3A_113, %dma_wait3A_114] : memref<2x8x128xi32, #tpu.memory_space<vmem>> -> memref<1x8x128xi32, #tpu.memory_space<vmem>>
      %dma_wait3A_116 = tpu.memref_squeeze %dma_wait3A_115 : memref<1x8x128xi32, #tpu.memory_space<vmem>> -> memref<8x128xi32, #tpu.memory_space<vmem>>
      %dma_wait3A_117 = arith.constant 0 : i32
      %dma_wait3A_118 = tpu.memref_slice %arg3[%mul3A_4, %dma_wait3A_117] : memref<2560x128xi32, #tpu.memory_space<hbm>> -> memref<8x128xi32, #tpu.memory_space<hbm>>
      tpu.wait_dma2 semaphore(%run_scoped3A_94 : memref<!tpu.dma_semaphore, #tpu.memory_space<semaphore_mem>>) src(%dma_wait3A_118 : memref<8x128xi32, #tpu.memory_space<hbm>>) dst(%dma_wait3A_116 : memref<8x128xi32, #tpu.memory_space<vmem>>)
      tpu.yield
    }) : () -> ()
    %run_scoped3A_17 = arith.constant 0 : i32
    "tpu.region"() ({
      %run_scoped3A_94 = tpu.sem_alloc : memref<!tpu.dma_semaphore, #tpu.memory_space<semaphore_mem>>
      %dma_start3A_95 = arith.constant 0 : i32
      %dma_start3A_96 = arith.constant 0 : i32
      %dma_start3A_97 = tpu.memref_slice %arg8[%run_scoped3A_17, %dma_start3A_95, %dma_start3A_96] : memref<2x8x128xi32, #tpu.memory_space<vmem>> -> memref<1x8x128xi32, #tpu.memory_space<vmem>>
      %dma_start3A_98 = tpu.memref_squeeze %dma_start3A_97 : memref<1x8x128xi32, #tpu.memory_space<vmem>> -> memref<8x128xi32, #tpu.memory_space<vmem>>
      %dma_start3A_99 = arith.constant 0 : i32
      %dma_start3A_100 = tpu.memref_slice %arg4[%mul3A_4, %dma_start3A_99] : memref<2560x128xi32, #tpu.memory_space<hbm>> -> memref<8x128xi32, #tpu.memory_space<hbm>>
      %dma_start3A_101 = arith.constant 0 : i32
      %dma_start3A_102 = arith.constant 0 : i32
      %dma_start3A_103 = tpu.memref_slice %arg8[%run_scoped3A_17, %dma_start3A_101, %dma_start3A_102] : memref<2x8x128xi32, #tpu.memory_space<vmem>> -> memref<1x8x128xi32, #tpu.memory_space<vmem>>
      %dma_start3A_104 = tpu.memref_squeeze %dma_start3A_103 : memref<1x8x128xi32, #tpu.memory_space<vmem>> -> memref<8x128xi32, #tpu.memory_space<vmem>>
      %dma_start3A_105 = arith.constant 0 : i32
      %dma_start3A_106 = tpu.memref_slice %arg4[%mul3A_4, %dma_start3A_105] : memref<2560x128xi32, #tpu.memory_space<hbm>> -> memref<8x128xi32, #tpu.memory_space<hbm>>
      tpu.enqueue_dma source(%dma_start3A_106 : memref<8x128xi32, #tpu.memory_space<hbm>>) target(%dma_start3A_104 : memref<8x128xi32, #tpu.memory_space<vmem>>) target_semaphore(%run_scoped3A_94 : memref<!tpu.dma_semaphore, #tpu.memory_space<semaphore_mem>>)
      %dma_wait3A_107 = arith.constant 0 : i32
      %dma_wait3A_108 = arith.constant 0 : i32
      %dma_wait3A_109 = tpu.memref_slice %arg8[%run_scoped3A_17, %dma_wait3A_107, %dma_wait3A_108] : memref<2x8x128xi32, #tpu.memory_space<vmem>> -> memref<1x8x128xi32, #tpu.memory_space<vmem>>
      %dma_wait3A_110 = tpu.memref_squeeze %dma_wait3A_109 : memref<1x8x128xi32, #tpu.memory_space<vmem>> -> memref<8x128xi32, #tpu.memory_space<vmem>>
      %dma_wait3A_111 = arith.constant 0 : i32
      %dma_wait3A_112 = tpu.memref_slice %arg4[%mul3A_4, %dma_wait3A_111] : memref<2560x128xi32, #tpu.memory_space<hbm>> -> memref<8x128xi32, #tpu.memory_space<hbm>>
      %dma_wait3A_113 = arith.constant 0 : i32
      %dma_wait3A_114 = arith.constant 0 : i32
      %dma_wait3A_115 = tpu.memref_slice %arg8[%run_scoped3A_17, %dma_wait3A_113, %dma_wait3A_114] : memref<2x8x128xi32, #tpu.memory_space<vmem>> -> memref<1x8x128xi32, #tpu.memory_space<vmem>>
      %dma_wait3A_116 = tpu.memref_squeeze %dma_wait3A_115 : memref<1x8x128xi32, #tpu.memory_space<vmem>> -> memref<8x128xi32, #tpu.memory_space<vmem>>
      %dma_wait3A_117 = arith.constant 0 : i32
      %dma_wait3A_118 = tpu.memref_slice %arg4[%mul3A_4, %dma_wait3A_117] : memref<2560x128xi32, #tpu.memory_space<hbm>> -> memref<8x128xi32, #tpu.memory_space<hbm>>
      tpu.wait_dma2 semaphore(%run_scoped3A_94 : memref<!tpu.dma_semaphore, #tpu.memory_space<semaphore_mem>>) src(%dma_wait3A_118 : memref<8x128xi32, #tpu.memory_space<hbm>>) dst(%dma_wait3A_116 : memref<8x128xi32, #tpu.memory_space<vmem>>)
      tpu.yield
    }) : () -> ()
    %dma_start3A = arith.constant 0 : i32
    %dma_start3A_18 = arith.constant 0 : i32
    %dma_start3A_19 = arith.constant 0 : i32
    %dma_start3A_20 = arith.constant 0 : i32
    %dma_start3A_21 = arith.constant 0 : i32
    %dma_start3A_22 = tpu.memref_slice %arg9[%dma_start3A_19, %dma_start3A_20, %dma_start3A_21] : memref<2x128x128xf32, #tpu.memory_space<vmem>> -> memref<1x128x128xf32, #tpu.memory_space<vmem>>
    %dma_start3A_23 = tpu.memref_squeeze %dma_start3A_22 : memref<1x128x128xf32, #tpu.memory_space<vmem>> -> memref<128x128xf32, #tpu.memory_space<vmem>>
    %dma_start3A_24 = arith.constant 0 : i32
    %dma_start3A_25 = tpu.memref_slice %arg7[%dma_start3A, %dma_start3A_18, %dma_start3A_24] : memref<2x8x128xi32, #tpu.memory_space<vmem>> -> memref<1x1x128xi32, #tpu.memory_space<vmem>>
    %dma_start3A_26 = tpu.memref_squeeze %dma_start3A_25 : memref<1x1x128xi32, #tpu.memory_space<vmem>> -> memref<128xi32, #tpu.memory_space<vmem>>
    %dma_start3A_27 = arith.constant 0 : i32
    %dma_start3A_28 = arith.constant 0 : i32
    %dma_start3A_29 = tpu.memref_slice %arg2[%dma_start3A_27, %dma_start3A_28] : memref<10112x128xf32, #tpu.memory_space<hbm>> -> memref<10112x128xf32, #tpu.memory_space<hbm>>
    tpu.enqueue_indirect_dma source(%dma_start3A_29 : memref<10112x128xf32, #tpu.memory_space<hbm>>) target(%dma_start3A_23 : memref<128x128xf32, #tpu.memory_space<vmem>>) offsets(%dma_start3A_26 : memref<128xi32, #tpu.memory_space<vmem>>) semaphore(%arg11 : memref<!tpu.dma_semaphore, #tpu.memory_space<semaphore_mem>>)
    %scan3A_30 = arith.constant 0 : i32
    %scan3A_31 = arith.constant 0 : i32
    %scan3A_32 = arith.constant 10 : i32
    %scan3A_33 = arith.addi %scan3A_31, %scan3A_32 : i32
    %scan3A_34 = arith.constant 1 : i32
    scf.for %scan3A_94 = %scan3A_31 to %scan3A_33 step %scan3A_34  : i32 {
      %jit3A = arith.constant 2 : i32
      %eq3A = arith.constant 0 : i32
      %eq3A_95 = arith.cmpi eq, %jit3A, %eq3A : i32
      %jit3A_96 = arith.constant 1 : i32
      %select_n3A = arith.select %eq3A_95, %jit3A_96, %jit3A : i32
      %rem3A = arith.remsi %scan3A_94, %select_n3A : i32
      %ne3A = arith.constant 0 : i32
      %ne3A_97 = arith.cmpi ne, %rem3A, %ne3A : i32
      %lt3A_98 = arith.constant 0 : i32
      %lt3A_99 = arith.cmpi slt, %rem3A, %lt3A_98 : i32
      %lt3A_100 = arith.constant 0 : i32
      %lt3A_101 = arith.cmpi slt, %select_n3A, %lt3A_100 : i32
      %ne3A_102 = arith.xori %lt3A_99, %lt3A_101 : i1
      %and3A = arith.andi %ne3A_102, %ne3A_97 : i1
      %add3A_103 = arith.addi %rem3A, %select_n3A : i32
      %select_n3A_104 = arith.select %and3A, %add3A_103, %rem3A : i32
      %add3A_105 = arith.constant 1 : i32
      %add3A_106 = arith.addi %scan3A_94, %add3A_105 : i32
      %jit3A_107 = arith.constant 2 : i32
      %eq3A_108 = arith.constant 0 : i32
      %eq3A_109 = arith.cmpi eq, %jit3A_107, %eq3A_108 : i32
      %jit3A_110 = arith.constant 1 : i32
      %select_n3A_111 = arith.select %eq3A_109, %jit3A_110, %jit3A_107 : i32
      %rem3A_112 = arith.remsi %add3A_106, %select_n3A_111 : i32
      %ne3A_113 = arith.constant 0 : i32
      %ne3A_114 = arith.cmpi ne, %rem3A_112, %ne3A_113 : i32
      %lt3A_115 = arith.constant 0 : i32
      %lt3A_116 = arith.cmpi slt, %rem3A_112, %lt3A_115 : i32
      %lt3A_117 = arith.constant 0 : i32
      %lt3A_118 = arith.cmpi slt, %select_n3A_111, %lt3A_117 : i32
      %ne3A_119 = arith.xori %lt3A_116, %lt3A_118 : i1
      %and3A_120 = arith.andi %ne3A_119, %ne3A_114 : i1
      %add3A_121 = arith.addi %rem3A_112, %select_n3A_111 : i32
      %select_n3A_122 = arith.select %and3A_120, %add3A_121, %rem3A_112 : i32
      %scan3A_123 = arith.constant 0 : i32
      %scan3A_124 = arith.constant 0 : i32
      %scan3A_125 = arith.constant 8 : i32
      %scan3A_126 = arith.addi %scan3A_124, %scan3A_125 : i32
      %scan3A_127 = arith.constant 1 : i32
      scf.for %scan3A_129 = %scan3A_124 to %scan3A_126 step %scan3A_127  : i32 {
        %jit3A_130 = arith.constant 2 : i32
        %eq3A_131 = arith.constant 0 : i32
        %eq3A_132 = arith.cmpi eq, %jit3A_130, %eq3A_131 : i32
        %jit3A_133 = arith.constant 1 : i32
        %select_n3A_134 = arith.select %eq3A_132, %jit3A_133, %jit3A_130 : i32
        %rem3A_135 = arith.remsi %scan3A_129, %select_n3A_134 : i32
        %ne3A_136 = arith.constant 0 : i32
        %ne3A_137 = arith.cmpi ne, %rem3A_135, %ne3A_136 : i32
        %lt3A_138 = arith.constant 0 : i32
        %lt3A_139 = arith.cmpi slt, %rem3A_135, %lt3A_138 : i32
        %lt3A_140 = arith.constant 0 : i32
        %lt3A_141 = arith.cmpi slt, %select_n3A_134, %lt3A_140 : i32
        %ne3A_142 = arith.xori %lt3A_139, %lt3A_141 : i1
        %and3A_143 = arith.andi %ne3A_142, %ne3A_137 : i1
        %add3A_144 = arith.addi %rem3A_135, %select_n3A_134 : i32
        %select_n3A_145 = arith.select %and3A_143, %add3A_144, %rem3A_135 : i32
        %eq3A_146 = arith.constant 0 : i32
        %eq3A_147 = arith.cmpi eq, %select_n3A_145, %eq3A_146 : i32
        %convert_element_type3A_148 = arith.extui %eq3A_147 : i1 to i32
        %cond3A_149 = arith.constant 0 : i32
        %cond3A_150 = arith.cmpi ne, %convert_element_type3A_148, %cond3A_149 : i32
        scf.if %cond3A_150 {
          %dma_wait3A_172 = arith.constant 0 : i32
          %dma_wait3A_173 = arith.constant 0 : i32
          %dma_wait3A_174 = arith.constant 0 : i32
          %dma_wait3A_175 = tpu.memref_slice %arg9[%dma_wait3A_172, %dma_wait3A_173, %dma_wait3A_174] : memref<2x128x128xf32, #tpu.memory_space<vmem>> -> memref<1x128x128xf32, #tpu.memory_space<vmem>>
          %dma_wait3A_176 = tpu.memref_squeeze %dma_wait3A_175 : memref<1x128x128xf32, #tpu.memory_space<vmem>> -> memref<128x128xf32, #tpu.memory_space<vmem>>
          %dma_wait3A_177 = arith.constant 0 : i32
          %dma_wait3A_178 = tpu.memref_slice %arg7[%select_n3A_104, %scan3A_129, %dma_wait3A_177] : memref<2x8x128xi32, #tpu.memory_space<vmem>> -> memref<1x1x128xi32, #tpu.memory_space<vmem>>
          %dma_wait3A_179 = tpu.memref_squeeze %dma_wait3A_178 : memref<1x1x128xi32, #tpu.memory_space<vmem>> -> memref<128xi32, #tpu.memory_space<vmem>>
          %dma_wait3A_180 = arith.constant 0 : i32
          %dma_wait3A_181 = arith.constant 0 : i32
          %dma_wait3A_182 = tpu.memref_slice %arg2[%dma_wait3A_180, %dma_wait3A_181] : memref<10112x128xf32, #tpu.memory_space<hbm>> -> memref<10112x128xf32, #tpu.memory_space<hbm>>
          tpu.wait_indirect_dma semaphore(%arg11 : memref<!tpu.dma_semaphore, #tpu.memory_space<semaphore_mem>>) src(%dma_wait3A_182 : memref<10112x128xf32, #tpu.memory_space<hbm>>) dst(%dma_wait3A_176 : memref<128x128xf32, #tpu.memory_space<vmem>>)
          %eq3A_183 = arith.constant 1 : i32
          %eq3A_184 = arith.cmpi eq, %scan3A_129, %eq3A_183 : i32
          %add3A_185 = arith.constant 1 : i32
          %add3A_186 = arith.addi %scan3A_94, %add3A_185 : i32
          %lt3A_187 = arith.constant 10 : i32
          %lt3A_188 = arith.cmpi slt, %add3A_186, %lt3A_187 : i32
          %and3A_189 = arith.andi %eq3A_184, %lt3A_188 : i1
          %convert_element_type3A_190 = arith.extui %and3A_189 : i1 to i32
          %cond3A_191 = arith.constant 0 : i32
          %cond3A_192 = arith.cmpi ne, %convert_element_type3A_190, %cond3A_191 : i32
          scf.if %cond3A_192 {
            %add3A_225 = arith.constant 1 : i32
            %add3A_226 = arith.addi %scan3A_94, %add3A_225 : i32
            %mul3A_227 = arith.constant 8 : i32
            %mul3A_228 = arith.muli %add3A_226, %mul3A_227 : i32
            %add3A_229 = arith.addi %mul3A_4, %mul3A_228 : i32
            %dma_start3A_230 = arith.constant 0 : i32
            %dma_start3A_231 = arith.constant 0 : i32
            %dma_start3A_232 = tpu.memref_slice %arg7[%select_n3A_122, %dma_start3A_230, %dma_start3A_231] : memref<2x8x128xi32, #tpu.memory_space<vmem>> -> memref<1x8x128xi32, #tpu.memory_space<vmem>>
            %dma_start3A_233 = tpu.memref_squeeze %dma_start3A_232 : memref<1x8x128xi32, #tpu.memory_space<vmem>> -> memref<8x128xi32, #tpu.memory_space<vmem>>
            %dma_start3A_234 = arith.constant 0 : i32
            %dma_start3A_235 = tpu.memref_slice %arg3[%add3A_229, %dma_start3A_234] : memref<2560x128xi32, #tpu.memory_space<hbm>> -> memref<8x128xi32, #tpu.memory_space<hbm>>
            %dma_start3A_236 = arith.constant 0 : i32
            %dma_start3A_237 = arith.constant 0 : i32
            %dma_start3A_238 = tpu.memref_slice %arg7[%select_n3A_122, %dma_start3A_236, %dma_start3A_237] : memref<2x8x128xi32, #tpu.memory_space<vmem>> -> memref<1x8x128xi32, #tpu.memory_space<vmem>>
            %dma_start3A_239 = tpu.memref_squeeze %dma_start3A_238 : memref<1x8x128xi32, #tpu.memory_space<vmem>> -> memref<8x128xi32, #tpu.memory_space<vmem>>
            %dma_start3A_240 = arith.constant 0 : i32
            %dma_start3A_241 = tpu.memref_slice %arg3[%add3A_229, %dma_start3A_240] : memref<2560x128xi32, #tpu.memory_space<hbm>> -> memref<8x128xi32, #tpu.memory_space<hbm>>
            tpu.enqueue_dma source(%dma_start3A_241 : memref<8x128xi32, #tpu.memory_space<hbm>>) target(%dma_start3A_239 : memref<8x128xi32, #tpu.memory_space<vmem>>) target_semaphore(%arg15 : memref<!tpu.dma_semaphore, #tpu.memory_space<semaphore_mem>>)
            %add3A_242 = arith.constant 1 : i32
            %add3A_243 = arith.addi %scan3A_94, %add3A_242 : i32
            %mul3A_244 = arith.constant 8 : i32
            %mul3A_245 = arith.muli %add3A_243, %mul3A_244 : i32
            %add3A_246 = arith.addi %mul3A_4, %mul3A_245 : i32
            %dma_start3A_247 = arith.constant 0 : i32
            %dma_start3A_248 = arith.constant 0 : i32
            %dma_start3A_249 = tpu.memref_slice %arg8[%select_n3A_122, %dma_start3A_247, %dma_start3A_248] : memref<2x8x128xi32, #tpu.memory_space<vmem>> -> memref<1x8x128xi32, #tpu.memory_space<vmem>>
            %dma_start3A_250 = tpu.memref_squeeze %dma_start3A_249 : memref<1x8x128xi32, #tpu.memory_space<vmem>> -> memref<8x128xi32, #tpu.memory_space<vmem>>
            %dma_start3A_251 = arith.constant 0 : i32
            %dma_start3A_252 = tpu.memref_slice %arg4[%add3A_246, %dma_start3A_251] : memref<2560x128xi32, #tpu.memory_space<hbm>> -> memref<8x128xi32, #tpu.memory_space<hbm>>
            %dma_start3A_253 = arith.constant 0 : i32
            %dma_start3A_254 = arith.constant 0 : i32
            %dma_start3A_255 = tpu.memref_slice %arg8[%select_n3A_122, %dma_start3A_253, %dma_start3A_254] : memref<2x8x128xi32, #tpu.memory_space<vmem>> -> memref<1x8x128xi32, #tpu.memory_space<vmem>>
            %dma_start3A_256 = tpu.memref_squeeze %dma_start3A_255 : memref<1x8x128xi32, #tpu.memory_space<vmem>> -> memref<8x128xi32, #tpu.memory_space<vmem>>
            %dma_start3A_257 = arith.constant 0 : i32
            %dma_start3A_258 = tpu.memref_slice %arg4[%add3A_246, %dma_start3A_257] : memref<2560x128xi32, #tpu.memory_space<hbm>> -> memref<8x128xi32, #tpu.memory_space<hbm>>
            tpu.enqueue_dma source(%dma_start3A_258 : memref<8x128xi32, #tpu.memory_space<hbm>>) target(%dma_start3A_256 : memref<8x128xi32, #tpu.memory_space<vmem>>) target_semaphore(%arg16 : memref<!tpu.dma_semaphore, #tpu.memory_space<semaphore_mem>>)
          } else {
          }
          %add3A_193 = arith.constant 1 : i32
          %add3A_194 = arith.addi %scan3A_129, %add3A_193 : i32
          %lt3A_195 = arith.constant 8 : i32
          %lt3A_196 = arith.cmpi slt, %add3A_194, %lt3A_195 : i32
          %convert_element_type3A_197 = arith.extui %lt3A_196 : i1 to i32
          %cond3A_198 = arith.constant 1 : i32
          %cond3A_199 = arith.constant 0 : i32
          %cond3A_200 = arith.cmpi ne, %convert_element_type3A_197, %cond3A_199 : i32
          scf.if %cond3A_200 {
            %gt3A = arith.constant 0 : i32
            %gt3A_225 = arith.cmpi sgt, %scan3A_94, %gt3A : i32
            %ge3A = arith.constant 1 : i32
            %ge3A_226 = arith.cmpi sge, %scan3A_129, %ge3A : i32
            %or3A = arith.ori %gt3A_225, %ge3A_226 : i1
            %convert_element_type3A_227 = arith.extui %or3A : i1 to i32
            %cond3A_228 = arith.constant 0 : i32
            %cond3A_229 = arith.cmpi ne, %convert_element_type3A_227, %cond3A_228 : i32
            scf.if %cond3A_229 {
              %dma_wait3A_242 = arith.constant 0 : i32
              %dma_wait3A_243 = arith.constant 0 : i32
              %dma_wait3A_244 = tpu.memref_slice %arg9[%cond3A_198, %dma_wait3A_242, %dma_wait3A_243] : memref<2x128x128xf32, #tpu.memory_space<vmem>> -> memref<1x128x128xf32, #tpu.memory_space<vmem>>
              %dma_wait3A_245 = tpu.memref_squeeze %dma_wait3A_244 : memref<1x128x128xf32, #tpu.memory_space<vmem>> -> memref<128x128xf32, #tpu.memory_space<vmem>>
              %dma_wait3A_246 = arith.constant 0 : i32
              %dma_wait3A_247 = tpu.memref_slice %arg8[%select_n3A_104, %scan3A_129, %dma_wait3A_246] : memref<2x8x128xi32, #tpu.memory_space<vmem>> -> memref<1x1x128xi32, #tpu.memory_space<vmem>>
              %dma_wait3A_248 = tpu.memref_squeeze %dma_wait3A_247 : memref<1x1x128xi32, #tpu.memory_space<vmem>> -> memref<128xi32, #tpu.memory_space<vmem>>
              %dma_wait3A_249 = arith.constant 0 : i32
              %dma_wait3A_250 = arith.constant 0 : i32
              %dma_wait3A_251 = tpu.memref_slice %arg6[%dma_wait3A_249, %dma_wait3A_250] : memref<10240x128xf32, #tpu.memory_space<vmem_shared>> -> memref<10240x128xf32, #tpu.memory_space<vmem_shared>>
              tpu.wait_indirect_dma semaphore(%arg18 : memref<!tpu.dma_semaphore, #tpu.memory_space<semaphore_mem>>) src(%dma_wait3A_245 : memref<128x128xf32, #tpu.memory_space<vmem>>) dst(%dma_wait3A_251 : memref<10240x128xf32, #tpu.memory_space<vmem_shared>>)
            } else {
            }
            %add3A_230 = arith.constant 1 : i32
            %add3A_231 = arith.addi %scan3A_129, %add3A_230 : i32
            %dma_start3A_232 = arith.constant 0 : i32
            %dma_start3A_233 = arith.constant 0 : i32
            %dma_start3A_234 = tpu.memref_slice %arg9[%cond3A_198, %dma_start3A_232, %dma_start3A_233] : memref<2x128x128xf32, #tpu.memory_space<vmem>> -> memref<1x128x128xf32, #tpu.memory_space<vmem>>
            %dma_start3A_235 = tpu.memref_squeeze %dma_start3A_234 : memref<1x128x128xf32, #tpu.memory_space<vmem>> -> memref<128x128xf32, #tpu.memory_space<vmem>>
            %dma_start3A_236 = arith.constant 0 : i32
            %dma_start3A_237 = tpu.memref_slice %arg7[%select_n3A_104, %add3A_231, %dma_start3A_236] : memref<2x8x128xi32, #tpu.memory_space<vmem>> -> memref<1x1x128xi32, #tpu.memory_space<vmem>>
            %dma_start3A_238 = tpu.memref_squeeze %dma_start3A_237 : memref<1x1x128xi32, #tpu.memory_space<vmem>> -> memref<128xi32, #tpu.memory_space<vmem>>
            %dma_start3A_239 = arith.constant 0 : i32
            %dma_start3A_240 = arith.constant 0 : i32
            %dma_start3A_241 = tpu.memref_slice %arg2[%dma_start3A_239, %dma_start3A_240] : memref<10112x128xf32, #tpu.memory_space<hbm>> -> memref<10112x128xf32, #tpu.memory_space<hbm>>
            tpu.enqueue_indirect_dma source(%dma_start3A_241 : memref<10112x128xf32, #tpu.memory_space<hbm>>) target(%dma_start3A_235 : memref<128x128xf32, #tpu.memory_space<vmem>>) offsets(%dma_start3A_238 : memref<128xi32, #tpu.memory_space<vmem>>) semaphore(%arg12 : memref<!tpu.dma_semaphore, #tpu.memory_space<semaphore_mem>>)
          } else {
          }
          %add3A_201 = arith.constant 1 : i32
          %add3A_202 = arith.addi %scan3A_129, %add3A_201 : i32
          %eq3A_203 = arith.constant 8 : i32
          %eq3A_204 = arith.cmpi eq, %add3A_202, %eq3A_203 : i32
          %add3A_205 = arith.constant 1 : i32
          %add3A_206 = arith.addi %scan3A_94, %add3A_205 : i32
          %lt3A_207 = arith.constant 10 : i32
          %lt3A_208 = arith.cmpi slt, %add3A_206, %lt3A_207 : i32
          %and3A_209 = arith.andi %eq3A_204, %lt3A_208 : i1
          %convert_element_type3A_210 = arith.extui %and3A_209 : i1 to i32
          %cond3A_211 = arith.constant 1 : i32
          %cond3A_212 = arith.constant 0 : i32
          %cond3A_213 = arith.cmpi ne, %convert_element_type3A_210, %cond3A_212 : i32
          scf.if %cond3A_213 {
            %dma_wait3A_225 = arith.constant 0 : i32
            %dma_wait3A_226 = arith.constant 0 : i32
            %dma_wait3A_227 = tpu.memref_slice %arg9[%cond3A_211, %dma_wait3A_225, %dma_wait3A_226] : memref<2x128x128xf32, #tpu.memory_space<vmem>> -> memref<1x128x128xf32, #tpu.memory_space<vmem>>
            %dma_wait3A_228 = tpu.memref_squeeze %dma_wait3A_227 : memref<1x128x128xf32, #tpu.memory_space<vmem>> -> memref<128x128xf32, #tpu.memory_space<vmem>>
            %dma_wait3A_229 = arith.constant 0 : i32
            %dma_wait3A_230 = tpu.memref_slice %arg8[%select_n3A_104, %scan3A_129, %dma_wait3A_229] : memref<2x8x128xi32, #tpu.memory_space<vmem>> -> memref<1x1x128xi32, #tpu.memory_space<vmem>>
            %dma_wait3A_231 = tpu.memref_squeeze %dma_wait3A_230 : memref<1x1x128xi32, #tpu.memory_space<vmem>> -> memref<128xi32, #tpu.memory_space<vmem>>
            %dma_wait3A_232 = arith.constant 0 : i32
            %dma_wait3A_233 = arith.constant 0 : i32
            %dma_wait3A_234 = tpu.memref_slice %arg6[%dma_wait3A_232, %dma_wait3A_233] : memref<10240x128xf32, #tpu.memory_space<vmem_shared>> -> memref<10240x128xf32, #tpu.memory_space<vmem_shared>>
            tpu.wait_indirect_dma semaphore(%arg18 : memref<!tpu.dma_semaphore, #tpu.memory_space<semaphore_mem>>) src(%dma_wait3A_228 : memref<128x128xf32, #tpu.memory_space<vmem>>) dst(%dma_wait3A_234 : memref<10240x128xf32, #tpu.memory_space<vmem_shared>>)
            %add3A_235 = arith.constant 1 : i32
            %add3A_236 = arith.addi %scan3A_94, %add3A_235 : i32
            %mul3A_237 = arith.constant 8 : i32
            %mul3A_238 = arith.muli %add3A_236, %mul3A_237 : i32
            %add3A_239 = arith.addi %mul3A_4, %mul3A_238 : i32
            %dma_wait3A_240 = arith.constant 0 : i32
            %dma_wait3A_241 = arith.constant 0 : i32
            %dma_wait3A_242 = tpu.memref_slice %arg7[%select_n3A_122, %dma_wait3A_240, %dma_wait3A_241] : memref<2x8x128xi32, #tpu.memory_space<vmem>> -> memref<1x8x128xi32, #tpu.memory_space<vmem>>
            %dma_wait3A_243 = tpu.memref_squeeze %dma_wait3A_242 : memref<1x8x128xi32, #tpu.memory_space<vmem>> -> memref<8x128xi32, #tpu.memory_space<vmem>>
            %dma_wait3A_244 = arith.constant 0 : i32
            %dma_wait3A_245 = tpu.memref_slice %arg3[%add3A_239, %dma_wait3A_244] : memref<2560x128xi32, #tpu.memory_space<hbm>> -> memref<8x128xi32, #tpu.memory_space<hbm>>
            %dma_wait3A_246 = arith.constant 0 : i32
            %dma_wait3A_247 = arith.constant 0 : i32
            %dma_wait3A_248 = tpu.memref_slice %arg7[%select_n3A_122, %dma_wait3A_246, %dma_wait3A_247] : memref<2x8x128xi32, #tpu.memory_space<vmem>> -> memref<1x8x128xi32, #tpu.memory_space<vmem>>
            %dma_wait3A_249 = tpu.memref_squeeze %dma_wait3A_248 : memref<1x8x128xi32, #tpu.memory_space<vmem>> -> memref<8x128xi32, #tpu.memory_space<vmem>>
            %dma_wait3A_250 = arith.constant 0 : i32
            %dma_wait3A_251 = tpu.memref_slice %arg3[%add3A_239, %dma_wait3A_250] : memref<2560x128xi32, #tpu.memory_space<hbm>> -> memref<8x128xi32, #tpu.memory_space<hbm>>
            tpu.wait_dma2 semaphore(%arg15 : memref<!tpu.dma_semaphore, #tpu.memory_space<semaphore_mem>>) src(%dma_wait3A_251 : memref<8x128xi32, #tpu.memory_space<hbm>>) dst(%dma_wait3A_249 : memref<8x128xi32, #tpu.memory_space<vmem>>)
            %add3A_252 = arith.constant 1 : i32
            %add3A_253 = arith.addi %scan3A_94, %add3A_252 : i32
            %mul3A_254 = arith.constant 8 : i32
            %mul3A_255 = arith.muli %add3A_253, %mul3A_254 : i32
            %add3A_256 = arith.addi %mul3A_4, %mul3A_255 : i32
            %dma_wait3A_257 = arith.constant 0 : i32
            %dma_wait3A_258 = arith.constant 0 : i32
            %dma_wait3A_259 = tpu.memref_slice %arg8[%select_n3A_122, %dma_wait3A_257, %dma_wait3A_258] : memref<2x8x128xi32, #tpu.memory_space<vmem>> -> memref<1x8x128xi32, #tpu.memory_space<vmem>>
            %dma_wait3A_260 = tpu.memref_squeeze %dma_wait3A_259 : memref<1x8x128xi32, #tpu.memory_space<vmem>> -> memref<8x128xi32, #tpu.memory_space<vmem>>
            %dma_wait3A_261 = arith.constant 0 : i32
            %dma_wait3A_262 = tpu.memref_slice %arg4[%add3A_256, %dma_wait3A_261] : memref<2560x128xi32, #tpu.memory_space<hbm>> -> memref<8x128xi32, #tpu.memory_space<hbm>>
            %dma_wait3A_263 = arith.constant 0 : i32
            %dma_wait3A_264 = arith.constant 0 : i32
            %dma_wait3A_265 = tpu.memref_slice %arg8[%select_n3A_122, %dma_wait3A_263, %dma_wait3A_264] : memref<2x8x128xi32, #tpu.memory_space<vmem>> -> memref<1x8x128xi32, #tpu.memory_space<vmem>>
            %dma_wait3A_266 = tpu.memref_squeeze %dma_wait3A_265 : memref<1x8x128xi32, #tpu.memory_space<vmem>> -> memref<8x128xi32, #tpu.memory_space<vmem>>
            %dma_wait3A_267 = arith.constant 0 : i32
            %dma_wait3A_268 = tpu.memref_slice %arg4[%add3A_256, %dma_wait3A_267] : memref<2560x128xi32, #tpu.memory_space<hbm>> -> memref<8x128xi32, #tpu.memory_space<hbm>>
            tpu.wait_dma2 semaphore(%arg16 : memref<!tpu.dma_semaphore, #tpu.memory_space<semaphore_mem>>) src(%dma_wait3A_268 : memref<8x128xi32, #tpu.memory_space<hbm>>) dst(%dma_wait3A_266 : memref<8x128xi32, #tpu.memory_space<vmem>>)
            %dma_start3A_269 = arith.constant 0 : i32
            %dma_start3A_270 = arith.constant 0 : i32
            %dma_start3A_271 = arith.constant 0 : i32
            %dma_start3A_272 = tpu.memref_slice %arg9[%cond3A_211, %dma_start3A_270, %dma_start3A_271] : memref<2x128x128xf32, #tpu.memory_space<vmem>> -> memref<1x128x128xf32, #tpu.memory_space<vmem>>
            %dma_start3A_273 = tpu.memref_squeeze %dma_start3A_272 : memref<1x128x128xf32, #tpu.memory_space<vmem>> -> memref<128x128xf32, #tpu.memory_space<vmem>>
            %dma_start3A_274 = arith.constant 0 : i32
            %dma_start3A_275 = tpu.memref_slice %arg7[%select_n3A_122, %dma_start3A_269, %dma_start3A_274] : memref<2x8x128xi32, #tpu.memory_space<vmem>> -> memref<1x1x128xi32, #tpu.memory_space<vmem>>
            %dma_start3A_276 = tpu.memref_squeeze %dma_start3A_275 : memref<1x1x128xi32, #tpu.memory_space<vmem>> -> memref<128xi32, #tpu.memory_space<vmem>>
            %dma_start3A_277 = arith.constant 0 : i32
            %dma_start3A_278 = arith.constant 0 : i32
            %dma_start3A_279 = tpu.memref_slice %arg2[%dma_start3A_277, %dma_start3A_278] : memref<10112x128xf32, #tpu.memory_space<hbm>> -> memref<10112x128xf32, #tpu.memory_space<hbm>>
            tpu.enqueue_indirect_dma source(%dma_start3A_279 : memref<10112x128xf32, #tpu.memory_space<hbm>>) target(%dma_start3A_273 : memref<128x128xf32, #tpu.memory_space<vmem>>) offsets(%dma_start3A_276 : memref<128xi32, #tpu.memory_space<vmem>>) semaphore(%arg12 : memref<!tpu.dma_semaphore, #tpu.memory_space<semaphore_mem>>)
          } else {
          }
          %dma_start3A_214 = arith.constant 0 : i32
          %dma_start3A_215 = arith.constant 0 : i32
          %dma_start3A_216 = arith.constant 0 : i32
          %dma_start3A_217 = tpu.memref_slice %arg9[%dma_start3A_214, %dma_start3A_215, %dma_start3A_216] : memref<2x128x128xf32, #tpu.memory_space<vmem>> -> memref<1x128x128xf32, #tpu.memory_space<vmem>>
          %dma_start3A_218 = tpu.memref_squeeze %dma_start3A_217 : memref<1x128x128xf32, #tpu.memory_space<vmem>> -> memref<128x128xf32, #tpu.memory_space<vmem>>
          %dma_start3A_219 = arith.constant 0 : i32
          %dma_start3A_220 = tpu.memref_slice %arg8[%select_n3A_104, %scan3A_129, %dma_start3A_219] : memref<2x8x128xi32, #tpu.memory_space<vmem>> -> memref<1x1x128xi32, #tpu.memory_space<vmem>>
          %dma_start3A_221 = tpu.memref_squeeze %dma_start3A_220 : memref<1x1x128xi32, #tpu.memory_space<vmem>> -> memref<128xi32, #tpu.memory_space<vmem>>
          %dma_start3A_222 = arith.constant 0 : i32
          %dma_start3A_223 = arith.constant 0 : i32
          %dma_start3A_224 = tpu.memref_slice %arg6[%dma_start3A_222, %dma_start3A_223] : memref<10240x128xf32, #tpu.memory_space<vmem_shared>> -> memref<10240x128xf32, #tpu.memory_space<vmem_shared>>
          tpu.enqueue_indirect_dma source(%dma_start3A_218 : memref<128x128xf32, #tpu.memory_space<vmem>>) target(%dma_start3A_224 : memref<10240x128xf32, #tpu.memory_space<vmem_shared>>) offsets(%dma_start3A_221 : memref<128xi32, #tpu.memory_space<vmem>>) semaphore(%arg17 : memref<!tpu.dma_semaphore, #tpu.memory_space<semaphore_mem>>) {add = true}
        } else {
        }
        %jit3A_151 = arith.constant 2 : i32
        %eq3A_152 = arith.constant 0 : i32
        %eq3A_153 = arith.cmpi eq, %jit3A_151, %eq3A_152 : i32
        %jit3A_154 = arith.constant 1 : i32
        %select_n3A_155 = arith.select %eq3A_153, %jit3A_154, %jit3A_151 : i32
        %rem3A_156 = arith.remsi %scan3A_129, %select_n3A_155 : i32
        %ne3A_157 = arith.constant 0 : i32
        %ne3A_158 = arith.cmpi ne, %rem3A_156, %ne3A_157 : i32
        %lt3A_159 = arith.constant 0 : i32
        %lt3A_160 = arith.cmpi slt, %rem3A_156, %lt3A_159 : i32
        %lt3A_161 = arith.constant 0 : i32
        %lt3A_162 = arith.cmpi slt, %select_n3A_155, %lt3A_161 : i32
        %ne3A_163 = arith.xori %lt3A_160, %lt3A_162 : i1
        %and3A_164 = arith.andi %ne3A_163, %ne3A_158 : i1
        %add3A_165 = arith.addi %rem3A_156, %select_n3A_155 : i32
        %select_n3A_166 = arith.select %and3A_164, %add3A_165, %rem3A_156 : i32
        %eq3A_167 = arith.constant 1 : i32
        %eq3A_168 = arith.cmpi eq, %select_n3A_166, %eq3A_167 : i32
        %convert_element_type3A_169 = arith.extui %eq3A_168 : i1 to i32
        %cond3A_170 = arith.constant 0 : i32
        %cond3A_171 = arith.cmpi ne, %convert_element_type3A_169, %cond3A_170 : i32
        scf.if %cond3A_171 {
          %dma_wait3A_172 = arith.constant 1 : i32
          %dma_wait3A_173 = arith.constant 0 : i32
          %dma_wait3A_174 = arith.constant 0 : i32
          %dma_wait3A_175 = tpu.memref_slice %arg9[%dma_wait3A_172, %dma_wait3A_173, %dma_wait3A_174] : memref<2x128x128xf32, #tpu.memory_space<vmem>> -> memref<1x128x128xf32, #tpu.memory_space<vmem>>
          %dma_wait3A_176 = tpu.memref_squeeze %dma_wait3A_175 : memref<1x128x128xf32, #tpu.memory_space<vmem>> -> memref<128x128xf32, #tpu.memory_space<vmem>>
          %dma_wait3A_177 = arith.constant 0 : i32
          %dma_wait3A_178 = tpu.memref_slice %arg7[%select_n3A_104, %scan3A_129, %dma_wait3A_177] : memref<2x8x128xi32, #tpu.memory_space<vmem>> -> memref<1x1x128xi32, #tpu.memory_space<vmem>>
          %dma_wait3A_179 = tpu.memref_squeeze %dma_wait3A_178 : memref<1x1x128xi32, #tpu.memory_space<vmem>> -> memref<128xi32, #tpu.memory_space<vmem>>
          %dma_wait3A_180 = arith.constant 0 : i32
          %dma_wait3A_181 = arith.constant 0 : i32
          %dma_wait3A_182 = tpu.memref_slice %arg2[%dma_wait3A_180, %dma_wait3A_181] : memref<10112x128xf32, #tpu.memory_space<hbm>> -> memref<10112x128xf32, #tpu.memory_space<hbm>>
          tpu.wait_indirect_dma semaphore(%arg12 : memref<!tpu.dma_semaphore, #tpu.memory_space<semaphore_mem>>) src(%dma_wait3A_182 : memref<10112x128xf32, #tpu.memory_space<hbm>>) dst(%dma_wait3A_176 : memref<128x128xf32, #tpu.memory_space<vmem>>)
          %eq3A_183 = arith.constant 1 : i32
          %eq3A_184 = arith.cmpi eq, %scan3A_129, %eq3A_183 : i32
          %add3A_185 = arith.constant 1 : i32
          %add3A_186 = arith.addi %scan3A_94, %add3A_185 : i32
          %lt3A_187 = arith.constant 10 : i32
          %lt3A_188 = arith.cmpi slt, %add3A_186, %lt3A_187 : i32
          %and3A_189 = arith.andi %eq3A_184, %lt3A_188 : i1
          %convert_element_type3A_190 = arith.extui %and3A_189 : i1 to i32
          %cond3A_191 = arith.constant 0 : i32
          %cond3A_192 = arith.cmpi ne, %convert_element_type3A_190, %cond3A_191 : i32
          scf.if %cond3A_192 {
            %add3A_225 = arith.constant 1 : i32
            %add3A_226 = arith.addi %scan3A_94, %add3A_225 : i32
            %mul3A_227 = arith.constant 8 : i32
            %mul3A_228 = arith.muli %add3A_226, %mul3A_227 : i32
            %add3A_229 = arith.addi %mul3A_4, %mul3A_228 : i32
            %dma_start3A_230 = arith.constant 0 : i32
            %dma_start3A_231 = arith.constant 0 : i32
            %dma_start3A_232 = tpu.memref_slice %arg7[%select_n3A_122, %dma_start3A_230, %dma_start3A_231] : memref<2x8x128xi32, #tpu.memory_space<vmem>> -> memref<1x8x128xi32, #tpu.memory_space<vmem>>
            %dma_start3A_233 = tpu.memref_squeeze %dma_start3A_232 : memref<1x8x128xi32, #tpu.memory_space<vmem>> -> memref<8x128xi32, #tpu.memory_space<vmem>>
            %dma_start3A_234 = arith.constant 0 : i32
            %dma_start3A_235 = tpu.memref_slice %arg3[%add3A_229, %dma_start3A_234] : memref<2560x128xi32, #tpu.memory_space<hbm>> -> memref<8x128xi32, #tpu.memory_space<hbm>>
            %dma_start3A_236 = arith.constant 0 : i32
            %dma_start3A_237 = arith.constant 0 : i32
            %dma_start3A_238 = tpu.memref_slice %arg7[%select_n3A_122, %dma_start3A_236, %dma_start3A_237] : memref<2x8x128xi32, #tpu.memory_space<vmem>> -> memref<1x8x128xi32, #tpu.memory_space<vmem>>
            %dma_start3A_239 = tpu.memref_squeeze %dma_start3A_238 : memref<1x8x128xi32, #tpu.memory_space<vmem>> -> memref<8x128xi32, #tpu.memory_space<vmem>>
            %dma_start3A_240 = arith.constant 0 : i32
            %dma_start3A_241 = tpu.memref_slice %arg3[%add3A_229, %dma_start3A_240] : memref<2560x128xi32, #tpu.memory_space<hbm>> -> memref<8x128xi32, #tpu.memory_space<hbm>>
            tpu.enqueue_dma source(%dma_start3A_241 : memref<8x128xi32, #tpu.memory_space<hbm>>) target(%dma_start3A_239 : memref<8x128xi32, #tpu.memory_space<vmem>>) target_semaphore(%arg15 : memref<!tpu.dma_semaphore, #tpu.memory_space<semaphore_mem>>)
            %add3A_242 = arith.constant 1 : i32
            %add3A_243 = arith.addi %scan3A_94, %add3A_242 : i32
            %mul3A_244 = arith.constant 8 : i32
            %mul3A_245 = arith.muli %add3A_243, %mul3A_244 : i32
            %add3A_246 = arith.addi %mul3A_4, %mul3A_245 : i32
            %dma_start3A_247 = arith.constant 0 : i32
            %dma_start3A_248 = arith.constant 0 : i32
            %dma_start3A_249 = tpu.memref_slice %arg8[%select_n3A_122, %dma_start3A_247, %dma_start3A_248] : memref<2x8x128xi32, #tpu.memory_space<vmem>> -> memref<1x8x128xi32, #tpu.memory_space<vmem>>
            %dma_start3A_250 = tpu.memref_squeeze %dma_start3A_249 : memref<1x8x128xi32, #tpu.memory_space<vmem>> -> memref<8x128xi32, #tpu.memory_space<vmem>>
            %dma_start3A_251 = arith.constant 0 : i32
            %dma_start3A_252 = tpu.memref_slice %arg4[%add3A_246, %dma_start3A_251] : memref<2560x128xi32, #tpu.memory_space<hbm>> -> memref<8x128xi32, #tpu.memory_space<hbm>>
            %dma_start3A_253 = arith.constant 0 : i32
            %dma_start3A_254 = arith.constant 0 : i32
            %dma_start3A_255 = tpu.memref_slice %arg8[%select_n3A_122, %dma_start3A_253, %dma_start3A_254] : memref<2x8x128xi32, #tpu.memory_space<vmem>> -> memref<1x8x128xi32, #tpu.memory_space<vmem>>
            %dma_start3A_256 = tpu.memref_squeeze %dma_start3A_255 : memref<1x8x128xi32, #tpu.memory_space<vmem>> -> memref<8x128xi32, #tpu.memory_space<vmem>>
            %dma_start3A_257 = arith.constant 0 : i32
            %dma_start3A_258 = tpu.memref_slice %arg4[%add3A_246, %dma_start3A_257] : memref<2560x128xi32, #tpu.memory_space<hbm>> -> memref<8x128xi32, #tpu.memory_space<hbm>>
            tpu.enqueue_dma source(%dma_start3A_258 : memref<8x128xi32, #tpu.memory_space<hbm>>) target(%dma_start3A_256 : memref<8x128xi32, #tpu.memory_space<vmem>>) target_semaphore(%arg16 : memref<!tpu.dma_semaphore, #tpu.memory_space<semaphore_mem>>)
          } else {
          }
          %add3A_193 = arith.constant 1 : i32
          %add3A_194 = arith.addi %scan3A_129, %add3A_193 : i32
          %lt3A_195 = arith.constant 8 : i32
          %lt3A_196 = arith.cmpi slt, %add3A_194, %lt3A_195 : i32
          %convert_element_type3A_197 = arith.extui %lt3A_196 : i1 to i32
          %cond3A_198 = arith.constant 0 : i32
          %cond3A_199 = arith.constant 0 : i32
          %cond3A_200 = arith.cmpi ne, %convert_element_type3A_197, %cond3A_199 : i32
          scf.if %cond3A_200 {
            %gt3A = arith.constant 0 : i32
            %gt3A_225 = arith.cmpi sgt, %scan3A_94, %gt3A : i32
            %ge3A = arith.constant 1 : i32
            %ge3A_226 = arith.cmpi sge, %scan3A_129, %ge3A : i32
            %or3A = arith.ori %gt3A_225, %ge3A_226 : i1
            %convert_element_type3A_227 = arith.extui %or3A : i1 to i32
            %cond3A_228 = arith.constant 0 : i32
            %cond3A_229 = arith.cmpi ne, %convert_element_type3A_227, %cond3A_228 : i32
            scf.if %cond3A_229 {
              %dma_wait3A_242 = arith.constant 0 : i32
              %dma_wait3A_243 = arith.constant 0 : i32
              %dma_wait3A_244 = tpu.memref_slice %arg9[%cond3A_198, %dma_wait3A_242, %dma_wait3A_243] : memref<2x128x128xf32, #tpu.memory_space<vmem>> -> memref<1x128x128xf32, #tpu.memory_space<vmem>>
              %dma_wait3A_245 = tpu.memref_squeeze %dma_wait3A_244 : memref<1x128x128xf32, #tpu.memory_space<vmem>> -> memref<128x128xf32, #tpu.memory_space<vmem>>
              %dma_wait3A_246 = arith.constant 0 : i32
              %dma_wait3A_247 = tpu.memref_slice %arg8[%select_n3A_104, %scan3A_129, %dma_wait3A_246] : memref<2x8x128xi32, #tpu.memory_space<vmem>> -> memref<1x1x128xi32, #tpu.memory_space<vmem>>
              %dma_wait3A_248 = tpu.memref_squeeze %dma_wait3A_247 : memref<1x1x128xi32, #tpu.memory_space<vmem>> -> memref<128xi32, #tpu.memory_space<vmem>>
              %dma_wait3A_249 = arith.constant 0 : i32
              %dma_wait3A_250 = arith.constant 0 : i32
              %dma_wait3A_251 = tpu.memref_slice %arg6[%dma_wait3A_249, %dma_wait3A_250] : memref<10240x128xf32, #tpu.memory_space<vmem_shared>> -> memref<10240x128xf32, #tpu.memory_space<vmem_shared>>
              tpu.wait_indirect_dma semaphore(%arg17 : memref<!tpu.dma_semaphore, #tpu.memory_space<semaphore_mem>>) src(%dma_wait3A_245 : memref<128x128xf32, #tpu.memory_space<vmem>>) dst(%dma_wait3A_251 : memref<10240x128xf32, #tpu.memory_space<vmem_shared>>)
            } else {
            }
            %add3A_230 = arith.constant 1 : i32
            %add3A_231 = arith.addi %scan3A_129, %add3A_230 : i32
            %dma_start3A_232 = arith.constant 0 : i32
            %dma_start3A_233 = arith.constant 0 : i32
            %dma_start3A_234 = tpu.memref_slice %arg9[%cond3A_198, %dma_start3A_232, %dma_start3A_233] : memref<2x128x128xf32, #tpu.memory_space<vmem>> -> memref<1x128x128xf32, #tpu.memory_space<vmem>>
            %dma_start3A_235 = tpu.memref_squeeze %dma_start3A_234 : memref<1x128x128xf32, #tpu.memory_space<vmem>> -> memref<128x128xf32, #tpu.memory_space<vmem>>
            %dma_start3A_236 = arith.constant 0 : i32
            %dma_start3A_237 = tpu.memref_slice %arg7[%select_n3A_104, %add3A_231, %dma_start3A_236] : memref<2x8x128xi32, #tpu.memory_space<vmem>> -> memref<1x1x128xi32, #tpu.memory_space<vmem>>
            %dma_start3A_238 = tpu.memref_squeeze %dma_start3A_237 : memref<1x1x128xi32, #tpu.memory_space<vmem>> -> memref<128xi32, #tpu.memory_space<vmem>>
            %dma_start3A_239 = arith.constant 0 : i32
            %dma_start3A_240 = arith.constant 0 : i32
            %dma_start3A_241 = tpu.memref_slice %arg2[%dma_start3A_239, %dma_start3A_240] : memref<10112x128xf32, #tpu.memory_space<hbm>> -> memref<10112x128xf32, #tpu.memory_space<hbm>>
            tpu.enqueue_indirect_dma source(%dma_start3A_241 : memref<10112x128xf32, #tpu.memory_space<hbm>>) target(%dma_start3A_235 : memref<128x128xf32, #tpu.memory_space<vmem>>) offsets(%dma_start3A_238 : memref<128xi32, #tpu.memory_space<vmem>>) semaphore(%arg11 : memref<!tpu.dma_semaphore, #tpu.memory_space<semaphore_mem>>)
          } else {
          }
          %add3A_201 = arith.constant 1 : i32
          %add3A_202 = arith.addi %scan3A_129, %add3A_201 : i32
          %eq3A_203 = arith.constant 8 : i32
          %eq3A_204 = arith.cmpi eq, %add3A_202, %eq3A_203 : i32
          %add3A_205 = arith.constant 1 : i32
          %add3A_206 = arith.addi %scan3A_94, %add3A_205 : i32
          %lt3A_207 = arith.constant 10 : i32
          %lt3A_208 = arith.cmpi slt, %add3A_206, %lt3A_207 : i32
          %and3A_209 = arith.andi %eq3A_204, %lt3A_208 : i1
          %convert_element_type3A_210 = arith.extui %and3A_209 : i1 to i32
          %cond3A_211 = arith.constant 0 : i32
          %cond3A_212 = arith.constant 0 : i32
          %cond3A_213 = arith.cmpi ne, %convert_element_type3A_210, %cond3A_212 : i32
          scf.if %cond3A_213 {
            %dma_wait3A_225 = arith.constant 0 : i32
            %dma_wait3A_226 = arith.constant 0 : i32
            %dma_wait3A_227 = tpu.memref_slice %arg9[%cond3A_211, %dma_wait3A_225, %dma_wait3A_226] : memref<2x128x128xf32, #tpu.memory_space<vmem>> -> memref<1x128x128xf32, #tpu.memory_space<vmem>>
            %dma_wait3A_228 = tpu.memref_squeeze %dma_wait3A_227 : memref<1x128x128xf32, #tpu.memory_space<vmem>> -> memref<128x128xf32, #tpu.memory_space<vmem>>
            %dma_wait3A_229 = arith.constant 0 : i32
            %dma_wait3A_230 = tpu.memref_slice %arg8[%select_n3A_104, %scan3A_129, %dma_wait3A_229] : memref<2x8x128xi32, #tpu.memory_space<vmem>> -> memref<1x1x128xi32, #tpu.memory_space<vmem>>
            %dma_wait3A_231 = tpu.memref_squeeze %dma_wait3A_230 : memref<1x1x128xi32, #tpu.memory_space<vmem>> -> memref<128xi32, #tpu.memory_space<vmem>>
            %dma_wait3A_232 = arith.constant 0 : i32
            %dma_wait3A_233 = arith.constant 0 : i32
            %dma_wait3A_234 = tpu.memref_slice %arg6[%dma_wait3A_232, %dma_wait3A_233] : memref<10240x128xf32, #tpu.memory_space<vmem_shared>> -> memref<10240x128xf32, #tpu.memory_space<vmem_shared>>
            tpu.wait_indirect_dma semaphore(%arg17 : memref<!tpu.dma_semaphore, #tpu.memory_space<semaphore_mem>>) src(%dma_wait3A_228 : memref<128x128xf32, #tpu.memory_space<vmem>>) dst(%dma_wait3A_234 : memref<10240x128xf32, #tpu.memory_space<vmem_shared>>)
            %add3A_235 = arith.constant 1 : i32
            %add3A_236 = arith.addi %scan3A_94, %add3A_235 : i32
            %mul3A_237 = arith.constant 8 : i32
            %mul3A_238 = arith.muli %add3A_236, %mul3A_237 : i32
            %add3A_239 = arith.addi %mul3A_4, %mul3A_238 : i32
            %dma_wait3A_240 = arith.constant 0 : i32
            %dma_wait3A_241 = arith.constant 0 : i32
            %dma_wait3A_242 = tpu.memref_slice %arg7[%select_n3A_122, %dma_wait3A_240, %dma_wait3A_241] : memref<2x8x128xi32, #tpu.memory_space<vmem>> -> memref<1x8x128xi32, #tpu.memory_space<vmem>>
            %dma_wait3A_243 = tpu.memref_squeeze %dma_wait3A_242 : memref<1x8x128xi32, #tpu.memory_space<vmem>> -> memref<8x128xi32, #tpu.memory_space<vmem>>
            %dma_wait3A_244 = arith.constant 0 : i32
            %dma_wait3A_245 = tpu.memref_slice %arg3[%add3A_239, %dma_wait3A_244] : memref<2560x128xi32, #tpu.memory_space<hbm>> -> memref<8x128xi32, #tpu.memory_space<hbm>>
            %dma_wait3A_246 = arith.constant 0 : i32
            %dma_wait3A_247 = arith.constant 0 : i32
            %dma_wait3A_248 = tpu.memref_slice %arg7[%select_n3A_122, %dma_wait3A_246, %dma_wait3A_247] : memref<2x8x128xi32, #tpu.memory_space<vmem>> -> memref<1x8x128xi32, #tpu.memory_space<vmem>>
            %dma_wait3A_249 = tpu.memref_squeeze %dma_wait3A_248 : memref<1x8x128xi32, #tpu.memory_space<vmem>> -> memref<8x128xi32, #tpu.memory_space<vmem>>
            %dma_wait3A_250 = arith.constant 0 : i32
            %dma_wait3A_251 = tpu.memref_slice %arg3[%add3A_239, %dma_wait3A_250] : memref<2560x128xi32, #tpu.memory_space<hbm>> -> memref<8x128xi32, #tpu.memory_space<hbm>>
            tpu.wait_dma2 semaphore(%arg15 : memref<!tpu.dma_semaphore, #tpu.memory_space<semaphore_mem>>) src(%dma_wait3A_251 : memref<8x128xi32, #tpu.memory_space<hbm>>) dst(%dma_wait3A_249 : memref<8x128xi32, #tpu.memory_space<vmem>>)
            %add3A_252 = arith.constant 1 : i32
            %add3A_253 = arith.addi %scan3A_94, %add3A_252 : i32
            %mul3A_254 = arith.constant 8 : i32
            %mul3A_255 = arith.muli %add3A_253, %mul3A_254 : i32
            %add3A_256 = arith.addi %mul3A_4, %mul3A_255 : i32
            %dma_wait3A_257 = arith.constant 0 : i32
            %dma_wait3A_258 = arith.constant 0 : i32
            %dma_wait3A_259 = tpu.memref_slice %arg8[%select_n3A_122, %dma_wait3A_257, %dma_wait3A_258] : memref<2x8x128xi32, #tpu.memory_space<vmem>> -> memref<1x8x128xi32, #tpu.memory_space<vmem>>
            %dma_wait3A_260 = tpu.memref_squeeze %dma_wait3A_259 : memref<1x8x128xi32, #tpu.memory_space<vmem>> -> memref<8x128xi32, #tpu.memory_space<vmem>>
            %dma_wait3A_261 = arith.constant 0 : i32
            %dma_wait3A_262 = tpu.memref_slice %arg4[%add3A_256, %dma_wait3A_261] : memref<2560x128xi32, #tpu.memory_space<hbm>> -> memref<8x128xi32, #tpu.memory_space<hbm>>
            %dma_wait3A_263 = arith.constant 0 : i32
            %dma_wait3A_264 = arith.constant 0 : i32
            %dma_wait3A_265 = tpu.memref_slice %arg8[%select_n3A_122, %dma_wait3A_263, %dma_wait3A_264] : memref<2x8x128xi32, #tpu.memory_space<vmem>> -> memref<1x8x128xi32, #tpu.memory_space<vmem>>
            %dma_wait3A_266 = tpu.memref_squeeze %dma_wait3A_265 : memref<1x8x128xi32, #tpu.memory_space<vmem>> -> memref<8x128xi32, #tpu.memory_space<vmem>>
            %dma_wait3A_267 = arith.constant 0 : i32
            %dma_wait3A_268 = tpu.memref_slice %arg4[%add3A_256, %dma_wait3A_267] : memref<2560x128xi32, #tpu.memory_space<hbm>> -> memref<8x128xi32, #tpu.memory_space<hbm>>
            tpu.wait_dma2 semaphore(%arg16 : memref<!tpu.dma_semaphore, #tpu.memory_space<semaphore_mem>>) src(%dma_wait3A_268 : memref<8x128xi32, #tpu.memory_space<hbm>>) dst(%dma_wait3A_266 : memref<8x128xi32, #tpu.memory_space<vmem>>)
            %dma_start3A_269 = arith.constant 0 : i32
            %dma_start3A_270 = arith.constant 0 : i32
            %dma_start3A_271 = arith.constant 0 : i32
            %dma_start3A_272 = tpu.memref_slice %arg9[%cond3A_211, %dma_start3A_270, %dma_start3A_271] : memref<2x128x128xf32, #tpu.memory_space<vmem>> -> memref<1x128x128xf32, #tpu.memory_space<vmem>>
            %dma_start3A_273 = tpu.memref_squeeze %dma_start3A_272 : memref<1x128x128xf32, #tpu.memory_space<vmem>> -> memref<128x128xf32, #tpu.memory_space<vmem>>
            %dma_start3A_274 = arith.constant 0 : i32
            %dma_start3A_275 = tpu.memref_slice %arg7[%select_n3A_122, %dma_start3A_269, %dma_start3A_274] : memref<2x8x128xi32, #tpu.memory_space<vmem>> -> memref<1x1x128xi32, #tpu.memory_space<vmem>>
            %dma_start3A_276 = tpu.memref_squeeze %dma_start3A_275 : memref<1x1x128xi32, #tpu.memory_space<vmem>> -> memref<128xi32, #tpu.memory_space<vmem>>
            %dma_start3A_277 = arith.constant 0 : i32
            %dma_start3A_278 = arith.constant 0 : i32
            %dma_start3A_279 = tpu.memref_slice %arg2[%dma_start3A_277, %dma_start3A_278] : memref<10112x128xf32, #tpu.memory_space<hbm>> -> memref<10112x128xf32, #tpu.memory_space<hbm>>
            tpu.enqueue_indirect_dma source(%dma_start3A_279 : memref<10112x128xf32, #tpu.memory_space<hbm>>) target(%dma_start3A_273 : memref<128x128xf32, #tpu.memory_space<vmem>>) offsets(%dma_start3A_276 : memref<128xi32, #tpu.memory_space<vmem>>) semaphore(%arg11 : memref<!tpu.dma_semaphore, #tpu.memory_space<semaphore_mem>>)
          } else {
          }
          %dma_start3A_214 = arith.constant 1 : i32
          %dma_start3A_215 = arith.constant 0 : i32
          %dma_start3A_216 = arith.constant 0 : i32
          %dma_start3A_217 = tpu.memref_slice %arg9[%dma_start3A_214, %dma_start3A_215, %dma_start3A_216] : memref<2x128x128xf32, #tpu.memory_space<vmem>> -> memref<1x128x128xf32, #tpu.memory_space<vmem>>
          %dma_start3A_218 = tpu.memref_squeeze %dma_start3A_217 : memref<1x128x128xf32, #tpu.memory_space<vmem>> -> memref<128x128xf32, #tpu.memory_space<vmem>>
          %dma_start3A_219 = arith.constant 0 : i32
          %dma_start3A_220 = tpu.memref_slice %arg8[%select_n3A_104, %scan3A_129, %dma_start3A_219] : memref<2x8x128xi32, #tpu.memory_space<vmem>> -> memref<1x1x128xi32, #tpu.memory_space<vmem>>
          %dma_start3A_221 = tpu.memref_squeeze %dma_start3A_220 : memref<1x1x128xi32, #tpu.memory_space<vmem>> -> memref<128xi32, #tpu.memory_space<vmem>>
          %dma_start3A_222 = arith.constant 0 : i32
          %dma_start3A_223 = arith.constant 0 : i32
          %dma_start3A_224 = tpu.memref_slice %arg6[%dma_start3A_222, %dma_start3A_223] : memref<10240x128xf32, #tpu.memory_space<vmem_shared>> -> memref<10240x128xf32, #tpu.memory_space<vmem_shared>>
          tpu.enqueue_indirect_dma source(%dma_start3A_218 : memref<128x128xf32, #tpu.memory_space<vmem>>) target(%dma_start3A_224 : memref<10240x128xf32, #tpu.memory_space<vmem_shared>>) offsets(%dma_start3A_221 : memref<128xi32, #tpu.memory_space<vmem>>) semaphore(%arg18 : memref<!tpu.dma_semaphore, #tpu.memory_space<semaphore_mem>>) {add = true}
        } else {
        }
      }
      %scan3A_128 = arith.constant 8 : i32
    }
    %scan3A_35 = arith.constant 10 : i32
    %dma_wait3A = arith.constant 0 : i32
    %dma_wait3A_36 = arith.constant 0 : i32
    %dma_wait3A_37 = arith.constant 7 : i32
    %dma_wait3A_38 = arith.constant 0 : i32
    %dma_wait3A_39 = arith.constant 0 : i32
    %dma_wait3A_40 = tpu.memref_slice %arg9[%dma_wait3A, %dma_wait3A_38, %dma_wait3A_39] : memref<2x128x128xf32, #tpu.memory_space<vmem>> -> memref<1x128x128xf32, #tpu.memory_space<vmem>>
    %dma_wait3A_41 = tpu.memref_squeeze %dma_wait3A_40 : memref<1x128x128xf32, #tpu.memory_space<vmem>> -> memref<128x128xf32, #tpu.memory_space<vmem>>
    %dma_wait3A_42 = arith.constant 0 : i32
    %dma_wait3A_43 = tpu.memref_slice %arg8[%dma_wait3A_36, %dma_wait3A_37, %dma_wait3A_42] : memref<2x8x128xi32, #tpu.memory_space<vmem>> -> memref<1x1x128xi32, #tpu.memory_space<vmem>>
    %dma_wait3A_44 = tpu.memref_squeeze %dma_wait3A_43 : memref<1x1x128xi32, #tpu.memory_space<vmem>> -> memref<128xi32, #tpu.memory_space<vmem>>
    %dma_wait3A_45 = arith.constant 0 : i32
    %dma_wait3A_46 = arith.constant 0 : i32
    %dma_wait3A_47 = tpu.memref_slice %arg6[%dma_wait3A_45, %dma_wait3A_46] : memref<10240x128xf32, #tpu.memory_space<vmem_shared>> -> memref<10240x128xf32, #tpu.memory_space<vmem_shared>>
    tpu.wait_indirect_dma semaphore(%arg17 : memref<!tpu.dma_semaphore, #tpu.memory_space<semaphore_mem>>) src(%dma_wait3A_41 : memref<128x128xf32, #tpu.memory_space<vmem>>) dst(%dma_wait3A_47 : memref<10240x128xf32, #tpu.memory_space<vmem_shared>>)
    %dma_wait3A_48 = arith.constant 1 : i32
    %dma_wait3A_49 = arith.constant 0 : i32
    %dma_wait3A_50 = arith.constant 6 : i32
    %dma_wait3A_51 = arith.constant 0 : i32
    %dma_wait3A_52 = arith.constant 0 : i32
    %dma_wait3A_53 = tpu.memref_slice %arg9[%dma_wait3A_48, %dma_wait3A_51, %dma_wait3A_52] : memref<2x128x128xf32, #tpu.memory_space<vmem>> -> memref<1x128x128xf32, #tpu.memory_space<vmem>>
    %dma_wait3A_54 = tpu.memref_squeeze %dma_wait3A_53 : memref<1x128x128xf32, #tpu.memory_space<vmem>> -> memref<128x128xf32, #tpu.memory_space<vmem>>
    %dma_wait3A_55 = arith.constant 0 : i32
    %dma_wait3A_56 = tpu.memref_slice %arg8[%dma_wait3A_49, %dma_wait3A_50, %dma_wait3A_55] : memref<2x8x128xi32, #tpu.memory_space<vmem>> -> memref<1x1x128xi32, #tpu.memory_space<vmem>>
    %dma_wait3A_57 = tpu.memref_squeeze %dma_wait3A_56 : memref<1x1x128xi32, #tpu.memory_space<vmem>> -> memref<128xi32, #tpu.memory_space<vmem>>
    %dma_wait3A_58 = arith.constant 0 : i32
    %dma_wait3A_59 = arith.constant 0 : i32
    %dma_wait3A_60 = tpu.memref_slice %arg6[%dma_wait3A_58, %dma_wait3A_59] : memref<10240x128xf32, #tpu.memory_space<vmem_shared>> -> memref<10240x128xf32, #tpu.memory_space<vmem_shared>>
    tpu.wait_indirect_dma semaphore(%arg18 : memref<!tpu.dma_semaphore, #tpu.memory_space<semaphore_mem>>) src(%dma_wait3A_54 : memref<128x128xf32, #tpu.memory_space<vmem>>) dst(%dma_wait3A_60 : memref<10240x128xf32, #tpu.memory_space<vmem_shared>>)
    %barrier3A_61 = arith.constant 0 : index
    tpu.barrier barrier_id(%barrier3A_61)
    %add3A_62 = arith.constant 0 : i32
    %add3A_63 = arith.addi %mul3A_0, %add3A_62 : i32
    %lt3A = arith.constant 10112 : i32
    %lt3A_64 = arith.cmpi slt, %add3A_63, %lt3A : i32
    %convert_element_type3A = arith.extui %lt3A_64 : i1 to i32
    %cond3A = arith.constant 0 : i32
    %cond3A_65 = arith.cmpi ne, %convert_element_type3A, %cond3A : i32
    scf.if %cond3A_65 {
      "tpu.region"() ({
        %run_scoped3A_94 = tpu.sem_alloc : memref<!tpu.dma_semaphore, #tpu.memory_space<semaphore_mem>>
        %dma_start3A_95 = arith.constant 0 : i32
        %dma_start3A_96 = tpu.memref_slice %arg5[%arg0, %add3A_63, %dma_start3A_95] : memref<2x10112x128xf32, #tpu.memory_space<hbm>> -> memref<1x128x128xf32, #tpu.memory_space<hbm>>
        %dma_start3A_97 = tpu.memref_squeeze %dma_start3A_96 : memref<1x128x128xf32, #tpu.memory_space<hbm>> -> memref<128x128xf32, #tpu.memory_space<hbm>>
        %dma_start3A_98 = arith.constant 0 : i32
        %dma_start3A_99 = tpu.memref_slice %arg6[%add3A_63, %dma_start3A_98] : memref<10240x128xf32, #tpu.memory_space<vmem_shared>> -> memref<128x128xf32, #tpu.memory_space<vmem_shared>>
        tpu.enqueue_dma source(%dma_start3A_99 : memref<128x128xf32, #tpu.memory_space<vmem_shared>>) target(%dma_start3A_97 : memref<128x128xf32, #tpu.memory_space<hbm>>) target_semaphore(%run_scoped3A_94 : memref<!tpu.dma_semaphore, #tpu.memory_space<semaphore_mem>>)
        %dma_wait3A_100 = arith.constant 0 : i32
        %dma_wait3A_101 = tpu.memref_slice %arg5[%arg0, %add3A_63, %dma_wait3A_100] : memref<2x10112x128xf32, #tpu.memory_space<hbm>> -> memref<1x128x128xf32, #tpu.memory_space<hbm>>
        %dma_wait3A_102 = tpu.memref_squeeze %dma_wait3A_101 : memref<1x128x128xf32, #tpu.memory_space<hbm>> -> memref<128x128xf32, #tpu.memory_space<hbm>>
        %dma_wait3A_103 = arith.constant 0 : i32
        %dma_wait3A_104 = tpu.memref_slice %arg6[%add3A_63, %dma_wait3A_103] : memref<10240x128xf32, #tpu.memory_space<vmem_shared>> -> memref<128x128xf32, #tpu.memory_space<vmem_shared>>
        tpu.wait_dma2 semaphore(%run_scoped3A_94 : memref<!tpu.dma_semaphore, #tpu.memory_space<semaphore_mem>>) src(%dma_wait3A_104 : memref<128x128xf32, #tpu.memory_space<vmem_shared>>) dst(%dma_wait3A_102 : memref<128x128xf32, #tpu.memory_space<hbm>>)
        tpu.yield
      }) : () -> ()
    } else {
    }
    %add3A_66 = arith.constant 128 : i32
    %add3A_67 = arith.addi %mul3A_0, %add3A_66 : i32
    %lt3A_68 = arith.constant 10112 : i32
    %lt3A_69 = arith.cmpi slt, %add3A_67, %lt3A_68 : i32
    %convert_element_type3A_70 = arith.extui %lt3A_69 : i1 to i32
    %cond3A_71 = arith.constant 0 : i32
    %cond3A_72 = arith.cmpi ne, %convert_element_type3A_70, %cond3A_71 : i32
    scf.if %cond3A_72 {
      "tpu.region"() ({
        %run_scoped3A_94 = tpu.sem_alloc : memref<!tpu.dma_semaphore, #tpu.memory_space<semaphore_mem>>
        %dma_start3A_95 = arith.constant 0 : i32
        %dma_start3A_96 = tpu.memref_slice %arg5[%arg0, %add3A_67, %dma_start3A_95] : memref<2x10112x128xf32, #tpu.memory_space<hbm>> -> memref<1x128x128xf32, #tpu.memory_space<hbm>>
        %dma_start3A_97 = tpu.memref_squeeze %dma_start3A_96 : memref<1x128x128xf32, #tpu.memory_space<hbm>> -> memref<128x128xf32, #tpu.memory_space<hbm>>
        %dma_start3A_98 = arith.constant 0 : i32
        %dma_start3A_99 = tpu.memref_slice %arg6[%add3A_67, %dma_start3A_98] : memref<10240x128xf32, #tpu.memory_space<vmem_shared>> -> memref<128x128xf32, #tpu.memory_space<vmem_shared>>
        tpu.enqueue_dma source(%dma_start3A_99 : memref<128x128xf32, #tpu.memory_space<vmem_shared>>) target(%dma_start3A_97 : memref<128x128xf32, #tpu.memory_space<hbm>>) target_semaphore(%run_scoped3A_94 : memref<!tpu.dma_semaphore, #tpu.memory_space<semaphore_mem>>)
        %dma_wait3A_100 = arith.constant 0 : i32
        %dma_wait3A_101 = tpu.memref_slice %arg5[%arg0, %add3A_67, %dma_wait3A_100] : memref<2x10112x128xf32, #tpu.memory_space<hbm>> -> memref<1x128x128xf32, #tpu.memory_space<hbm>>
        %dma_wait3A_102 = tpu.memref_squeeze %dma_wait3A_101 : memref<1x128x128xf32, #tpu.memory_space<hbm>> -> memref<128x128xf32, #tpu.memory_space<hbm>>
        %dma_wait3A_103 = arith.constant 0 : i32
        %dma_wait3A_104 = tpu.memref_slice %arg6[%add3A_67, %dma_wait3A_103] : memref<10240x128xf32, #tpu.memory_space<vmem_shared>> -> memref<128x128xf32, #tpu.memory_space<vmem_shared>>
        tpu.wait_dma2 semaphore(%run_scoped3A_94 : memref<!tpu.dma_semaphore, #tpu.memory_space<semaphore_mem>>) src(%dma_wait3A_104 : memref<128x128xf32, #tpu.memory_space<vmem_shared>>) dst(%dma_wait3A_102 : memref<128x128xf32, #tpu.memory_space<hbm>>)
        tpu.yield
      }) : () -> ()
    } else {
    }
    %add3A_73 = arith.constant 256 : i32
    %add3A_74 = arith.addi %mul3A_0, %add3A_73 : i32
    %lt3A_75 = arith.constant 10112 : i32
    %lt3A_76 = arith.cmpi slt, %add3A_74, %lt3A_75 : i32
    %convert_element_type3A_77 = arith.extui %lt3A_76 : i1 to i32
    %cond3A_78 = arith.constant 0 : i32
    %cond3A_79 = arith.cmpi ne, %convert_element_type3A_77, %cond3A_78 : i32
    scf.if %cond3A_79 {
      "tpu.region"() ({
        %run_scoped3A_94 = tpu.sem_alloc : memref<!tpu.dma_semaphore, #tpu.memory_space<semaphore_mem>>
        %dma_start3A_95 = arith.constant 0 : i32
        %dma_start3A_96 = tpu.memref_slice %arg5[%arg0, %add3A_74, %dma_start3A_95] : memref<2x10112x128xf32, #tpu.memory_space<hbm>> -> memref<1x128x128xf32, #tpu.memory_space<hbm>>
        %dma_start3A_97 = tpu.memref_squeeze %dma_start3A_96 : memref<1x128x128xf32, #tpu.memory_space<hbm>> -> memref<128x128xf32, #tpu.memory_space<hbm>>
        %dma_start3A_98 = arith.constant 0 : i32
        %dma_start3A_99 = tpu.memref_slice %arg6[%add3A_74, %dma_start3A_98] : memref<10240x128xf32, #tpu.memory_space<vmem_shared>> -> memref<128x128xf32, #tpu.memory_space<vmem_shared>>
        tpu.enqueue_dma source(%dma_start3A_99 : memref<128x128xf32, #tpu.memory_space<vmem_shared>>) target(%dma_start3A_97 : memref<128x128xf32, #tpu.memory_space<hbm>>) target_semaphore(%run_scoped3A_94 : memref<!tpu.dma_semaphore, #tpu.memory_space<semaphore_mem>>)
        %dma_wait3A_100 = arith.constant 0 : i32
        %dma_wait3A_101 = tpu.memref_slice %arg5[%arg0, %add3A_74, %dma_wait3A_100] : memref<2x10112x128xf32, #tpu.memory_space<hbm>> -> memref<1x128x128xf32, #tpu.memory_space<hbm>>
        %dma_wait3A_102 = tpu.memref_squeeze %dma_wait3A_101 : memref<1x128x128xf32, #tpu.memory_space<hbm>> -> memref<128x128xf32, #tpu.memory_space<hbm>>
        %dma_wait3A_103 = arith.constant 0 : i32
        %dma_wait3A_104 = tpu.memref_slice %arg6[%add3A_74, %dma_wait3A_103] : memref<10240x128xf32, #tpu.memory_space<vmem_shared>> -> memref<128x128xf32, #tpu.memory_space<vmem_shared>>
        tpu.wait_dma2 semaphore(%run_scoped3A_94 : memref<!tpu.dma_semaphore, #tpu.memory_space<semaphore_mem>>) src(%dma_wait3A_104 : memref<128x128xf32, #tpu.memory_space<vmem_shared>>) dst(%dma_wait3A_102 : memref<128x128xf32, #tpu.memory_space<hbm>>)
        tpu.yield
      }) : () -> ()
    } else {
    }
    %add3A_80 = arith.constant 384 : i32
    %add3A_81 = arith.addi %mul3A_0, %add3A_80 : i32
    %lt3A_82 = arith.constant 10112 : i32
    %lt3A_83 = arith.cmpi slt, %add3A_81, %lt3A_82 : i32
    %convert_element_type3A_84 = arith.extui %lt3A_83 : i1 to i32
    %cond3A_85 = arith.constant 0 : i32
    %cond3A_86 = arith.cmpi ne, %convert_element_type3A_84, %cond3A_85 : i32
    scf.if %cond3A_86 {
      "tpu.region"() ({
        %run_scoped3A_94 = tpu.sem_alloc : memref<!tpu.dma_semaphore, #tpu.memory_space<semaphore_mem>>
        %dma_start3A_95 = arith.constant 0 : i32
        %dma_start3A_96 = tpu.memref_slice %arg5[%arg0, %add3A_81, %dma_start3A_95] : memref<2x10112x128xf32, #tpu.memory_space<hbm>> -> memref<1x128x128xf32, #tpu.memory_space<hbm>>
        %dma_start3A_97 = tpu.memref_squeeze %dma_start3A_96 : memref<1x128x128xf32, #tpu.memory_space<hbm>> -> memref<128x128xf32, #tpu.memory_space<hbm>>
        %dma_start3A_98 = arith.constant 0 : i32
        %dma_start3A_99 = tpu.memref_slice %arg6[%add3A_81, %dma_start3A_98] : memref<10240x128xf32, #tpu.memory_space<vmem_shared>> -> memref<128x128xf32, #tpu.memory_space<vmem_shared>>
        tpu.enqueue_dma source(%dma_start3A_99 : memref<128x128xf32, #tpu.memory_space<vmem_shared>>) target(%dma_start3A_97 : memref<128x128xf32, #tpu.memory_space<hbm>>) target_semaphore(%run_scoped3A_94 : memref<!tpu.dma_semaphore, #tpu.memory_space<semaphore_mem>>)
        %dma_wait3A_100 = arith.constant 0 : i32
        %dma_wait3A_101 = tpu.memref_slice %arg5[%arg0, %add3A_81, %dma_wait3A_100] : memref<2x10112x128xf32, #tpu.memory_space<hbm>> -> memref<1x128x128xf32, #tpu.memory_space<hbm>>
        %dma_wait3A_102 = tpu.memref_squeeze %dma_wait3A_101 : memref<1x128x128xf32, #tpu.memory_space<hbm>> -> memref<128x128xf32, #tpu.memory_space<hbm>>
        %dma_wait3A_103 = arith.constant 0 : i32
        %dma_wait3A_104 = tpu.memref_slice %arg6[%add3A_81, %dma_wait3A_103] : memref<10240x128xf32, #tpu.memory_space<vmem_shared>> -> memref<128x128xf32, #tpu.memory_space<vmem_shared>>
        tpu.wait_dma2 semaphore(%run_scoped3A_94 : memref<!tpu.dma_semaphore, #tpu.memory_space<semaphore_mem>>) src(%dma_wait3A_104 : memref<128x128xf32, #tpu.memory_space<vmem_shared>>) dst(%dma_wait3A_102 : memref<128x128xf32, #tpu.memory_space<hbm>>)
        tpu.yield
      }) : () -> ()
    } else {
    }
    %add3A_87 = arith.constant 512 : i32
    %add3A_88 = arith.addi %mul3A_0, %add3A_87 : i32
    %lt3A_89 = arith.constant 10112 : i32
    %lt3A_90 = arith.cmpi slt, %add3A_88, %lt3A_89 : i32
    %convert_element_type3A_91 = arith.extui %lt3A_90 : i1 to i32
    %cond3A_92 = arith.constant 0 : i32
    %cond3A_93 = arith.cmpi ne, %convert_element_type3A_91, %cond3A_92 : i32
    scf.if %cond3A_93 {
      "tpu.region"() ({
        %run_scoped3A_94 = tpu.sem_alloc : memref<!tpu.dma_semaphore, #tpu.memory_space<semaphore_mem>>
        %dma_start3A_95 = arith.constant 0 : i32
        %dma_start3A_96 = tpu.memref_slice %arg5[%arg0, %add3A_88, %dma_start3A_95] : memref<2x10112x128xf32, #tpu.memory_space<hbm>> -> memref<1x128x128xf32, #tpu.memory_space<hbm>>
        %dma_start3A_97 = tpu.memref_squeeze %dma_start3A_96 : memref<1x128x128xf32, #tpu.memory_space<hbm>> -> memref<128x128xf32, #tpu.memory_space<hbm>>
        %dma_start3A_98 = arith.constant 0 : i32
        %dma_start3A_99 = tpu.memref_slice %arg6[%add3A_88, %dma_start3A_98] : memref<10240x128xf32, #tpu.memory_space<vmem_shared>> -> memref<128x128xf32, #tpu.memory_space<vmem_shared>>
        tpu.enqueue_dma source(%dma_start3A_99 : memref<128x128xf32, #tpu.memory_space<vmem_shared>>) target(%dma_start3A_97 : memref<128x128xf32, #tpu.memory_space<hbm>>) target_semaphore(%run_scoped3A_94 : memref<!tpu.dma_semaphore, #tpu.memory_space<semaphore_mem>>)
        %dma_wait3A_100 = arith.constant 0 : i32
        %dma_wait3A_101 = tpu.memref_slice %arg5[%arg0, %add3A_88, %dma_wait3A_100] : memref<2x10112x128xf32, #tpu.memory_space<hbm>> -> memref<1x128x128xf32, #tpu.memory_space<hbm>>
        %dma_wait3A_102 = tpu.memref_squeeze %dma_wait3A_101 : memref<1x128x128xf32, #tpu.memory_space<hbm>> -> memref<128x128xf32, #tpu.memory_space<hbm>>
        %dma_wait3A_103 = arith.constant 0 : i32
        %dma_wait3A_104 = tpu.memref_slice %arg6[%add3A_88, %dma_wait3A_103] : memref<10240x128xf32, #tpu.memory_space<vmem_shared>> -> memref<128x128xf32, #tpu.memory_space<vmem_shared>>
        tpu.wait_dma2 semaphore(%run_scoped3A_94 : memref<!tpu.dma_semaphore, #tpu.memory_space<semaphore_mem>>) src(%dma_wait3A_104 : memref<128x128xf32, #tpu.memory_space<vmem_shared>>) dst(%dma_wait3A_102 : memref<128x128xf32, #tpu.memory_space<hbm>>)
        tpu.yield
      }) : () -> ()
    } else {
    }
    return
  }
}

#map = affine_map<(d0, d1) -> (0, 0)>
#map1 = affine_map<(d0, d1) -> (0, 0, 0)>
module attributes {stable_mosaic.version = 14 : i64} {
  func.func @body(%arg0: i32, %arg1: i32, %arg2: memref<10112x128xf32, #tpu.memory_space<hbm>>, %arg3: memref<2560x128xi32, #tpu.memory_space<hbm>>, %arg4: memref<2560x128xi32, #tpu.memory_space<hbm>>, %arg5: memref<2x10112x128xf32, #tpu.memory_space<hbm>>, %arg6: memref<10240x128xf32, #tpu.memory_space<vmem_shared>>, %arg7: memref<2x8x128xi32, #tpu.memory_space<vmem>>, %arg8: memref<2x8x128xi32, #tpu.memory_space<vmem>>, %arg9: memref<2x128x128xf32, #tpu.memory_space<vmem>>, %arg10: memref<16x128xf32, #tpu.memory_space<vmem>>, %arg11: memref<!tpu.dma_semaphore, #tpu.memory_space<semaphore_mem>>, %arg12: memref<!tpu.dma_semaphore, #tpu.memory_space<semaphore_mem>>, %arg13: memref<!tpu.dma_semaphore, #tpu.memory_space<semaphore_mem>>, %arg14: memref<!tpu.dma_semaphore, #tpu.memory_space<semaphore_mem>>, %arg15: memref<!tpu.dma_semaphore, #tpu.memory_space<semaphore_mem>>, %arg16: memref<!tpu.dma_semaphore, #tpu.memory_space<semaphore_mem>>, %arg17: memref<!tpu.dma_semaphore, #tpu.memory_space<semaphore_mem>>, %arg18: memref<!tpu.dma_semaphore, #tpu.memory_space<semaphore_mem>>, %arg19: memref<!tpu.dma_semaphore, #tpu.memory_space<semaphore_mem>>, %arg20: memref<!tpu.dma_semaphore, #tpu.memory_space<semaphore_mem>>) attributes {dimension_semantics = [#tpu.dimension_semantics<core_parallel>, #tpu.dimension_semantics<subcore_parallel>], iteration_bounds = array<i64: 2, 16>, scalar_prefetch = 0 : i64, scratch_operands = 15 : i64, tpu.core_type = #tpu.core_type<sc_vector_subcore>, window_params = [{transform_indices = #map}, {transform_indices = #map}, {transform_indices = #map}, {transform_indices = #map1}]} {
    %mul3A = arith.constant 640 : i32
    %mul3A_0 = arith.muli %arg1, %mul3A : i32
    %mul3A_1 = arith.constant 16 : i32
    %mul3A_2 = arith.muli %arg0, %mul3A_1 : i32
    %add3A = arith.addi %mul3A_2, %arg1 : i32
    %mul3A_3 = arith.constant 80 : i32
    %mul3A_4 = arith.muli %add3A, %mul3A_3 : i32
    %broadcast_in_dim3A = arith.constant 0.000000e+00 : f32
    %broadcast_in_dim3A_5 = vector.broadcast %broadcast_in_dim3A : f32 to vector<16xf32>
    %scan3A = arith.constant 0 : i32
    %scan3A_6 = arith.constant 0 : i32
    %scan3A_7 = arith.constant 16 : i32
    %scan3A_8 = arith.addi %scan3A_6, %scan3A_7 : i32
    %scan3A_9 = arith.constant 1 : i32
    scf.for %scan3A_94 = %scan3A_6 to %scan3A_8 step %scan3A_9  : i32 {
      %swap3A = arith.index_cast %scan3A_94 : i32 to index
      %swap3A_95 = arith.constant 0 : index
      %swap3A_96 = tpu.vector_load %arg10[%swap3A, %swap3A_95] {strides = array<i32>} : memref<16x128xf32, #tpu.memory_space<vmem>>, vector<1x16xf32>,
      %swap3A_97 = vector.shape_cast %swap3A_96 : vector<1x16xf32> to vector<16xf32>
      %swap3A_98 = vector.shape_cast %broadcast_in_dim3A_5 : vector<16xf32> to vector<1x16xf32>
      tpu.vector_store %arg10[%swap3A, %swap3A_95], %swap3A_98 {strides = array<i32>} : memref<16x128xf32, #tpu.memory_space<vmem>>, vector<1x16xf32>,
      %swap3A_99 = arith.index_cast %scan3A_94 : i32 to index
      %swap3A_100 = arith.constant 16 : index
      %swap3A_101 = tpu.vector_load %arg10[%swap3A_99, %swap3A_100] {strides = array<i32>} : memref<16x128xf32, #tpu.memory_space<vmem>>, vector<1x16xf32>,
      %swap3A_102 = vector.shape_cast %swap3A_101 : vector<1x16xf32> to vector<16xf32>
      %swap3A_103 = vector.shape_cast %broadcast_in_dim3A_5 : vector<16xf32> to vector<1x16xf32>
      tpu.vector_store %arg10[%swap3A_99, %swap3A_100], %swap3A_103 {strides = array<i32>} : memref<16x128xf32, #tpu.memory_space<vmem>>, vector<1x16xf32>,
      %swap3A_104 = arith.index_cast %scan3A_94 : i32 to index
      %swap3A_105 = arith.constant 32 : index
      %swap3A_106 = tpu.vector_load %arg10[%swap3A_104, %swap3A_105] {strides = array<i32>} : memref<16x128xf32, #tpu.memory_space<vmem>>, vector<1x16xf32>,
      %swap3A_107 = vector.shape_cast %swap3A_106 : vector<1x16xf32> to vector<16xf32>
      %swap3A_108 = vector.shape_cast %broadcast_in_dim3A_5 : vector<16xf32> to vector<1x16xf32>
      tpu.vector_store %arg10[%swap3A_104, %swap3A_105], %swap3A_108 {strides = array<i32>} : memref<16x128xf32, #tpu.memory_space<vmem>>, vector<1x16xf32>,
      %swap3A_109 = arith.index_cast %scan3A_94 : i32 to index
      %swap3A_110 = arith.constant 48 : index
      %swap3A_111 = tpu.vector_load %arg10[%swap3A_109, %swap3A_110] {strides = array<i32>} : memref<16x128xf32, #tpu.memory_space<vmem>>, vector<1x16xf32>,
      %swap3A_112 = vector.shape_cast %swap3A_111 : vector<1x16xf32> to vector<16xf32>
      %swap3A_113 = vector.shape_cast %broadcast_in_dim3A_5 : vector<16xf32> to vector<1x16xf32>
      tpu.vector_store %arg10[%swap3A_109, %swap3A_110], %swap3A_113 {strides = array<i32>} : memref<16x128xf32, #tpu.memory_space<vmem>>, vector<1x16xf32>,
      %swap3A_114 = arith.index_cast %scan3A_94 : i32 to index
      %swap3A_115 = arith.constant 64 : index
      %swap3A_116 = tpu.vector_load %arg10[%swap3A_114, %swap3A_115] {strides = array<i32>} : memref<16x128xf32, #tpu.memory_space<vmem>>, vector<1x16xf32>,
      %swap3A_117 = vector.shape_cast %swap3A_116 : vector<1x16xf32> to vector<16xf32>
      %swap3A_118 = vector.shape_cast %broadcast_in_dim3A_5 : vector<16xf32> to vector<1x16xf32>
      tpu.vector_store %arg10[%swap3A_114, %swap3A_115], %swap3A_118 {strides = array<i32>} : memref<16x128xf32, #tpu.memory_space<vmem>>, vector<1x16xf32>,
      %swap3A_119 = arith.index_cast %scan3A_94 : i32 to index
      %swap3A_120 = arith.constant 80 : index
      %swap3A_121 = tpu.vector_load %arg10[%swap3A_119, %swap3A_120] {strides = array<i32>} : memref<16x128xf32, #tpu.memory_space<vmem>>, vector<1x16xf32>,
      %swap3A_122 = vector.shape_cast %swap3A_121 : vector<1x16xf32> to vector<16xf32>
      %swap3A_123 = vector.shape_cast %broadcast_in_dim3A_5 : vector<16xf32> to vector<1x16xf32>
      tpu.vector_store %arg10[%swap3A_119, %swap3A_120], %swap3A_123 {strides = array<i32>} : memref<16x128xf32, #tpu.memory_space<vmem>>, vector<1x16xf32>,
      %swap3A_124 = arith.index_cast %scan3A_94 : i32 to index
      %swap3A_125 = arith.constant 96 : index
      %swap3A_126 = tpu.vector_load %arg10[%swap3A_124, %swap3A_125] {strides = array<i32>} : memref<16x128xf32, #tpu.memory_space<vmem>>, vector<1x16xf32>,
      %swap3A_127 = vector.shape_cast %swap3A_126 : vector<1x16xf32> to vector<16xf32>
      %swap3A_128 = vector.shape_cast %broadcast_in_dim3A_5 : vector<16xf32> to vector<1x16xf32>
      tpu.vector_store %arg10[%swap3A_124, %swap3A_125], %swap3A_128 {strides = array<i32>} : memref<16x128xf32, #tpu.memory_space<vmem>>, vector<1x16xf32>,
      %swap3A_129 = arith.index_cast %scan3A_94 : i32 to index
      %swap3A_130 = arith.constant 112 : index
      %swap3A_131 = tpu.vector_load %arg10[%swap3A_129, %swap3A_130] {strides = array<i32>} : memref<16x128xf32, #tpu.memory_space<vmem>>, vector<1x16xf32>,
      %swap3A_132 = vector.shape_cast %swap3A_131 : vector<1x16xf32> to vector<16xf32>
      %swap3A_133 = vector.shape_cast %broadcast_in_dim3A_5 : vector<16xf32> to vector<1x16xf32>
      tpu.vector_store %arg10[%swap3A_129, %swap3A_130], %swap3A_133 {strides = array<i32>} : memref<16x128xf32, #tpu.memory_space<vmem>>, vector<1x16xf32>,
    }
    %scan3A_10 = arith.constant 16 : i32
    %scan3A_11 = arith.constant 0 : i32
    %scan3A_12 = arith.constant 0 : i32
    %scan3A_13 = arith.constant 40 : i32
    %scan3A_14 = arith.addi %scan3A_12, %scan3A_13 : i32
    %scan3A_15 = arith.constant 1 : i32
    scf.for %scan3A_94 = %scan3A_12 to %scan3A_14 step %scan3A_15  : i32 {
      %mul3A_95 = arith.constant 16 : i32
      %mul3A_96 = arith.muli %scan3A_94, %mul3A_95 : i32
      %add3A_97 = arith.addi %mul3A_0, %mul3A_96 : i32
      "tpu.region"() ({
        %run_scoped3A_98 = tpu.sem_alloc : memref<!tpu.dma_semaphore, #tpu.memory_space<semaphore_mem>>
        %dma_start3A_99 = arith.constant 0 : i32
        %dma_start3A_100 = tpu.memref_slice %arg6[%add3A_97, %dma_start3A_99] : memref<10240x128xf32, #tpu.memory_space<vmem_shared>> -> memref<16x128xf32, #tpu.memory_space<vmem_shared>>
        %dma_start3A_101 = arith.constant 0 : i32
        %dma_start3A_102 = tpu.memref_slice %arg6[%add3A_97, %dma_start3A_101] : memref<10240x128xf32, #tpu.memory_space<vmem_shared>> -> memref<16x128xf32, #tpu.memory_space<vmem_shared>>
        tpu.enqueue_dma source(%arg10 : memref<16x128xf32, #tpu.memory_space<vmem>>) target(%dma_start3A_102 : memref<16x128xf32, #tpu.memory_space<vmem_shared>>) target_semaphore(%run_scoped3A_98 : memref<!tpu.dma_semaphore, #tpu.memory_space<semaphore_mem>>)
        %dma_wait3A_103 = arith.constant 0 : i32
        %dma_wait3A_104 = tpu.memref_slice %arg6[%add3A_97, %dma_wait3A_103] : memref<10240x128xf32, #tpu.memory_space<vmem_shared>> -> memref<16x128xf32, #tpu.memory_space<vmem_shared>>
        %dma_wait3A_105 = arith.constant 0 : i32
        %dma_wait3A_106 = tpu.memref_slice %arg6[%add3A_97, %dma_wait3A_105] : memref<10240x128xf32, #tpu.memory_space<vmem_shared>> -> memref<16x128xf32, #tpu.memory_space<vmem_shared>>
        tpu.wait_dma2 semaphore(%run_scoped3A_98 : memref<!tpu.dma_semaphore, #tpu.memory_space<semaphore_mem>>) src(%arg10 : memref<16x128xf32, #tpu.memory_space<vmem>>) dst(%dma_wait3A_106 : memref<16x128xf32, #tpu.memory_space<vmem_shared>>)
        tpu.yield
      }) : () -> ()
    }
    %scan3A_16 = arith.constant 40 : i32
    %barrier3A = arith.constant 0 : index
    tpu.barrier barrier_id(%barrier3A)
    %run_scoped3A = arith.constant 0 : i32
    "tpu.region"() ({
      %run_scoped3A_94 = tpu.sem_alloc : memref<!tpu.dma_semaphore, #tpu.memory_space<semaphore_mem>>
      %dma_start3A_95 = arith.constant 0 : i32
      %dma_start3A_96 = arith.constant 0 : i32
      %dma_start3A_97 = tpu.memref_slice %arg7[%run_scoped3A, %dma_start3A_95, %dma_start3A_96] : memref<2x8x128xi32, #tpu.memory_space<vmem>> -> memref<1x8x128xi32, #tpu.memory_space<vmem>>
      %dma_start3A_98 = tpu.memref_squeeze %dma_start3A_97 : memref<1x8x128xi32, #tpu.memory_space<vmem>> -> memref<8x128xi32, #tpu.memory_space<vmem>>
      %dma_start3A_99 = arith.constant 0 : i32
      %dma_start3A_100 = tpu.memref_slice %arg3[%mul3A_4, %dma_start3A_99] : memref<2560x128xi32, #tpu.memory_space<hbm>> -> memref<8x128xi32, #tpu.memory_space<hbm>>
      %dma_start3A_101 = arith.constant 0 : i32
      %dma_start3A_102 = arith.constant 0 : i32
      %dma_start3A_103 = tpu.memref_slice %arg7[%run_scoped3A, %dma_start3A_101, %dma_start3A_102] : memref<2x8x128xi32, #tpu.memory_space<vmem>> -> memref<1x8x128xi32, #tpu.memory_space<vmem>>
      %dma_start3A_104 = tpu.memref_squeeze %dma_start3A_103 : memref<1x8x128xi32, #tpu.memory_space<vmem>> -> memref<8x128xi32, #tpu.memory_space<vmem>>
      %dma_start3A_105 = arith.constant 0 : i32
      %dma_start3A_106 = tpu.memref_slice %arg3[%mul3A_4, %dma_start3A_105] : memref<2560x128xi32, #tpu.memory_space<hbm>> -> memref<8x128xi32, #tpu.memory_space<hbm>>
      tpu.enqueue_dma source(%dma_start3A_106 : memref<8x128xi32, #tpu.memory_space<hbm>>) target(%dma_start3A_104 : memref<8x128xi32, #tpu.memory_space<vmem>>) target_semaphore(%run_scoped3A_94 : memref<!tpu.dma_semaphore, #tpu.memory_space<semaphore_mem>>)
      %dma_wait3A_107 = arith.constant 0 : i32
      %dma_wait3A_108 = arith.constant 0 : i32
      %dma_wait3A_109 = tpu.memref_slice %arg7[%run_scoped3A, %dma_wait3A_107, %dma_wait3A_108] : memref<2x8x128xi32, #tpu.memory_space<vmem>> -> memref<1x8x128xi32, #tpu.memory_space<vmem>>
      %dma_wait3A_110 = tpu.memref_squeeze %dma_wait3A_109 : memref<1x8x128xi32, #tpu.memory_space<vmem>> -> memref<8x128xi32, #tpu.memory_space<vmem>>
      %dma_wait3A_111 = arith.constant 0 : i32
      %dma_wait3A_112 = tpu.memref_slice %arg3[%mul3A_4, %dma_wait3A_111] : memref<2560x128xi32, #tpu.memory_space<hbm>> -> memref<8x128xi32, #tpu.memory_space<hbm>>
      %dma_wait3A_113 = arith.constant 0 : i32
      %dma_wait3A_114 = arith.constant 0 : i32
      %dma_wait3A_115 = tpu.memref_slice %arg7[%run_scoped3A, %dma_wait3A_113, %dma_wait3A_114] : memref<2x8x128xi32, #tpu.memory_space<vmem>> -> memref<1x8x128xi32, #tpu.memory_space<vmem>>
      %dma_wait3A_116 = tpu.memref_squeeze %dma_wait3A_115 : memref<1x8x128xi32, #tpu.memory_space<vmem>> -> memref<8x128xi32, #tpu.memory_space<vmem>>
      %dma_wait3A_117 = arith.constant 0 : i32
      %dma_wait3A_118 = tpu.memref_slice %arg3[%mul3A_4, %dma_wait3A_117] : memref<2560x128xi32, #tpu.memory_space<hbm>> -> memref<8x128xi32, #tpu.memory_space<hbm>>
      tpu.wait_dma2 semaphore(%run_scoped3A_94 : memref<!tpu.dma_semaphore, #tpu.memory_space<semaphore_mem>>) src(%dma_wait3A_118 : memref<8x128xi32, #tpu.memory_space<hbm>>) dst(%dma_wait3A_116 : memref<8x128xi32, #tpu.memory_space<vmem>>)
      tpu.yield
    }) : () -> ()
    %run_scoped3A_17 = arith.constant 0 : i32
    "tpu.region"() ({
      %run_scoped3A_94 = tpu.sem_alloc : memref<!tpu.dma_semaphore, #tpu.memory_space<semaphore_mem>>
      %dma_start3A_95 = arith.constant 0 : i32
      %dma_start3A_96 = arith.constant 0 : i32
      %dma_start3A_97 = tpu.memref_slice %arg8[%run_scoped3A_17, %dma_start3A_95, %dma_start3A_96] : memref<2x8x128xi32, #tpu.memory_space<vmem>> -> memref<1x8x128xi32, #tpu.memory_space<vmem>>
      %dma_start3A_98 = tpu.memref_squeeze %dma_start3A_97 : memref<1x8x128xi32, #tpu.memory_space<vmem>> -> memref<8x128xi32, #tpu.memory_space<vmem>>
      %dma_start3A_99 = arith.constant 0 : i32
      %dma_start3A_100 = tpu.memref_slice %arg4[%mul3A_4, %dma_start3A_99] : memref<2560x128xi32, #tpu.memory_space<hbm>> -> memref<8x128xi32, #tpu.memory_space<hbm>>
      %dma_start3A_101 = arith.constant 0 : i32
      %dma_start3A_102 = arith.constant 0 : i32
      %dma_start3A_103 = tpu.memref_slice %arg8[%run_scoped3A_17, %dma_start3A_101, %dma_start3A_102] : memref<2x8x128xi32, #tpu.memory_space<vmem>> -> memref<1x8x128xi32, #tpu.memory_space<vmem>>
      %dma_start3A_104 = tpu.memref_squeeze %dma_start3A_103 : memref<1x8x128xi32, #tpu.memory_space<vmem>> -> memref<8x128xi32, #tpu.memory_space<vmem>>
      %dma_start3A_105 = arith.constant 0 : i32
      %dma_start3A_106 = tpu.memref_slice %arg4[%mul3A_4, %dma_start3A_105] : memref<2560x128xi32, #tpu.memory_space<hbm>> -> memref<8x128xi32, #tpu.memory_space<hbm>>
      tpu.enqueue_dma source(%dma_start3A_106 : memref<8x128xi32, #tpu.memory_space<hbm>>) target(%dma_start3A_104 : memref<8x128xi32, #tpu.memory_space<vmem>>) target_semaphore(%run_scoped3A_94 : memref<!tpu.dma_semaphore, #tpu.memory_space<semaphore_mem>>)
      %dma_wait3A_107 = arith.constant 0 : i32
      %dma_wait3A_108 = arith.constant 0 : i32
      %dma_wait3A_109 = tpu.memref_slice %arg8[%run_scoped3A_17, %dma_wait3A_107, %dma_wait3A_108] : memref<2x8x128xi32, #tpu.memory_space<vmem>> -> memref<1x8x128xi32, #tpu.memory_space<vmem>>
      %dma_wait3A_110 = tpu.memref_squeeze %dma_wait3A_109 : memref<1x8x128xi32, #tpu.memory_space<vmem>> -> memref<8x128xi32, #tpu.memory_space<vmem>>
      %dma_wait3A_111 = arith.constant 0 : i32
      %dma_wait3A_112 = tpu.memref_slice %arg4[%mul3A_4, %dma_wait3A_111] : memref<2560x128xi32, #tpu.memory_space<hbm>> -> memref<8x128xi32, #tpu.memory_space<hbm>>
      %dma_wait3A_113 = arith.constant 0 : i32
      %dma_wait3A_114 = arith.constant 0 : i32
      %dma_wait3A_115 = tpu.memref_slice %arg8[%run_scoped3A_17, %dma_wait3A_113, %dma_wait3A_114] : memref<2x8x128xi32, #tpu.memory_space<vmem>> -> memref<1x8x128xi32, #tpu.memory_space<vmem>>
      %dma_wait3A_116 = tpu.memref_squeeze %dma_wait3A_115 : memref<1x8x128xi32, #tpu.memory_space<vmem>> -> memref<8x128xi32, #tpu.memory_space<vmem>>
      %dma_wait3A_117 = arith.constant 0 : i32
      %dma_wait3A_118 = tpu.memref_slice %arg4[%mul3A_4, %dma_wait3A_117] : memref<2560x128xi32, #tpu.memory_space<hbm>> -> memref<8x128xi32, #tpu.memory_space<hbm>>
      tpu.wait_dma2 semaphore(%run_scoped3A_94 : memref<!tpu.dma_semaphore, #tpu.memory_space<semaphore_mem>>) src(%dma_wait3A_118 : memref<8x128xi32, #tpu.memory_space<hbm>>) dst(%dma_wait3A_116 : memref<8x128xi32, #tpu.memory_space<vmem>>)
      tpu.yield
    }) : () -> ()
    %dma_start3A = arith.constant 0 : i32
    %dma_start3A_18 = arith.constant 0 : i32
    %dma_start3A_19 = arith.constant 0 : i32
    %dma_start3A_20 = arith.constant 0 : i32
    %dma_start3A_21 = arith.constant 0 : i32
    %dma_start3A_22 = tpu.memref_slice %arg9[%dma_start3A_19, %dma_start3A_20, %dma_start3A_21] : memref<2x128x128xf32, #tpu.memory_space<vmem>> -> memref<1x128x128xf32, #tpu.memory_space<vmem>>
    %dma_start3A_23 = tpu.memref_squeeze %dma_start3A_22 : memref<1x128x128xf32, #tpu.memory_space<vmem>> -> memref<128x128xf32, #tpu.memory_space<vmem>>
    %dma_start3A_24 = arith.constant 0 : i32
    %dma_start3A_25 = tpu.memref_slice %arg7[%dma_start3A, %dma_start3A_18, %dma_start3A_24] : memref<2x8x128xi32, #tpu.memory_space<vmem>> -> memref<1x1x128xi32, #tpu.memory_space<vmem>>
    %dma_start3A_26 = tpu.memref_squeeze %dma_start3A_25 : memref<1x1x128xi32, #tpu.memory_space<vmem>> -> memref<128xi32, #tpu.memory_space<vmem>>
    %dma_start3A_27 = arith.constant 0 : i32
    %dma_start3A_28 = arith.constant 0 : i32
    %dma_start3A_29 = tpu.memref_slice %arg2[%dma_start3A_27, %dma_start3A_28] : memref<10112x128xf32, #tpu.memory_space<hbm>> -> memref<10112x128xf32, #tpu.memory_space<hbm>>
    tpu.enqueue_indirect_dma source(%dma_start3A_29 : memref<10112x128xf32, #tpu.memory_space<hbm>>) target(%dma_start3A_23 : memref<128x128xf32, #tpu.memory_space<vmem>>) offsets(%dma_start3A_26 : memref<128xi32, #tpu.memory_space<vmem>>) semaphore(%arg11 : memref<!tpu.dma_semaphore, #tpu.memory_space<semaphore_mem>>)
    %scan3A_30 = arith.constant 0 : i32
    %scan3A_31 = arith.constant 0 : i32
    %scan3A_32 = arith.constant 10 : i32
    %scan3A_33 = arith.addi %scan3A_31, %scan3A_32 : i32
    %scan3A_34 = arith.constant 1 : i32
    scf.for %scan3A_94 = %scan3A_31 to %scan3A_33 step %scan3A_34  : i32 {
      %jit3A = arith.constant 2 : i32
      %eq3A = arith.constant 0 : i32
      %eq3A_95 = arith.cmpi eq, %jit3A, %eq3A : i32
      %jit3A_96 = arith.constant 1 : i32
      %select_n3A = arith.select %eq3A_95, %jit3A_96, %jit3A : i32
      %rem3A = arith.remsi %scan3A_94, %select_n3A : i32
      %ne3A = arith.constant 0 : i32
      %ne3A_97 = arith.cmpi ne, %rem3A, %ne3A : i32
      %lt3A_98 = arith.constant 0 : i32
      %lt3A_99 = arith.cmpi slt, %rem3A, %lt3A_98 : i32
      %lt3A_100 = arith.constant 0 : i32
      %lt3A_101 = arith.cmpi slt, %select_n3A, %lt3A_100 : i32
      %ne3A_102 = arith.xori %lt3A_99, %lt3A_101 : i1
      %and3A = arith.andi %ne3A_102, %ne3A_97 : i1
      %add3A_103 = arith.addi %rem3A, %select_n3A : i32
      %select_n3A_104 = arith.select %and3A, %add3A_103, %rem3A : i32
      %add3A_105 = arith.constant 1 : i32
      %add3A_106 = arith.addi %scan3A_94, %add3A_105 : i32
      %jit3A_107 = arith.constant 2 : i32
      %eq3A_108 = arith.constant 0 : i32
      %eq3A_109 = arith.cmpi eq, %jit3A_107, %eq3A_108 : i32
      %jit3A_110 = arith.constant 1 : i32
      %select_n3A_111 = arith.select %eq3A_109, %jit3A_110, %jit3A_107 : i32
      %rem3A_112 = arith.remsi %add3A_106, %select_n3A_111 : i32
      %ne3A_113 = arith.constant 0 : i32
      %ne3A_114 = arith.cmpi ne, %rem3A_112, %ne3A_113 : i32
      %lt3A_115 = arith.constant 0 : i32
      %lt3A_116 = arith.cmpi slt, %rem3A_112, %lt3A_115 : i32
      %lt3A_117 = arith.constant 0 : i32
      %lt3A_118 = arith.cmpi slt, %select_n3A_111, %lt3A_117 : i32
      %ne3A_119 = arith.xori %lt3A_116, %lt3A_118 : i1
      %and3A_120 = arith.andi %ne3A_119, %ne3A_114 : i1
      %add3A_121 = arith.addi %rem3A_112, %select_n3A_111 : i32
      %select_n3A_122 = arith.select %and3A_120, %add3A_121, %rem3A_112 : i32
      %scan3A_123 = arith.constant 0 : i32
      %scan3A_124 = arith.constant 0 : i32
      %scan3A_125 = arith.constant 8 : i32
      %scan3A_126 = arith.addi %scan3A_124, %scan3A_125 : i32
      %scan3A_127 = arith.constant 1 : i32
      scf.for %scan3A_129 = %scan3A_124 to %scan3A_126 step %scan3A_127  : i32 {
        %jit3A_130 = arith.constant 2 : i32
        %eq3A_131 = arith.constant 0 : i32
        %eq3A_132 = arith.cmpi eq, %jit3A_130, %eq3A_131 : i32
        %jit3A_133 = arith.constant 1 : i32
        %select_n3A_134 = arith.select %eq3A_132, %jit3A_133, %jit3A_130 : i32
        %rem3A_135 = arith.remsi %scan3A_129, %select_n3A_134 : i32
        %ne3A_136 = arith.constant 0 : i32
        %ne3A_137 = arith.cmpi ne, %rem3A_135, %ne3A_136 : i32
        %lt3A_138 = arith.constant 0 : i32
        %lt3A_139 = arith.cmpi slt, %rem3A_135, %lt3A_138 : i32
        %lt3A_140 = arith.constant 0 : i32
        %lt3A_141 = arith.cmpi slt, %select_n3A_134, %lt3A_140 : i32
        %ne3A_142 = arith.xori %lt3A_139, %lt3A_141 : i1
        %and3A_143 = arith.andi %ne3A_142, %ne3A_137 : i1
        %add3A_144 = arith.addi %rem3A_135, %select_n3A_134 : i32
        %select_n3A_145 = arith.select %and3A_143, %add3A_144, %rem3A_135 : i32
        %eq3A_146 = arith.constant 0 : i32
        %eq3A_147 = arith.cmpi eq, %select_n3A_145, %eq3A_146 : i32
        %convert_element_type3A_148 = arith.extui %eq3A_147 : i1 to i32
        %cond3A_149 = arith.constant 0 : i32
        %cond3A_150 = arith.cmpi ne, %convert_element_type3A_148, %cond3A_149 : i32
        scf.if %cond3A_150 {
          %dma_wait3A_172 = arith.constant 0 : i32
          %dma_wait3A_173 = arith.constant 0 : i32
          %dma_wait3A_174 = arith.constant 0 : i32
          %dma_wait3A_175 = tpu.memref_slice %arg9[%dma_wait3A_172, %dma_wait3A_173, %dma_wait3A_174] : memref<2x128x128xf32, #tpu.memory_space<vmem>> -> memref<1x128x128xf32, #tpu.memory_space<vmem>>
          %dma_wait3A_176 = tpu.memref_squeeze %dma_wait3A_175 : memref<1x128x128xf32, #tpu.memory_space<vmem>> -> memref<128x128xf32, #tpu.memory_space<vmem>>
          %dma_wait3A_177 = arith.constant 0 : i32
          %dma_wait3A_178 = tpu.memref_slice %arg7[%select_n3A_104, %scan3A_129, %dma_wait3A_177] : memref<2x8x128xi32, #tpu.memory_space<vmem>> -> memref<1x1x128xi32, #tpu.memory_space<vmem>>
          %dma_wait3A_179 = tpu.memref_squeeze %dma_wait3A_178 : memref<1x1x128xi32, #tpu.memory_space<vmem>> -> memref<128xi32, #tpu.memory_space<vmem>>
          %dma_wait3A_180 = arith.constant 0 : i32
          %dma_wait3A_181 = arith.constant 0 : i32
          %dma_wait3A_182 = tpu.memref_slice %arg2[%dma_wait3A_180, %dma_wait3A_181] : memref<10112x128xf32, #tpu.memory_space<hbm>> -> memref<10112x128xf32, #tpu.memory_space<hbm>>
          tpu.wait_indirect_dma semaphore(%arg11 : memref<!tpu.dma_semaphore, #tpu.memory_space<semaphore_mem>>) src(%dma_wait3A_182 : memref<10112x128xf32, #tpu.memory_space<hbm>>) dst(%dma_wait3A_176 : memref<128x128xf32, #tpu.memory_space<vmem>>)
          %eq3A_183 = arith.constant 1 : i32
          %eq3A_184 = arith.cmpi eq, %scan3A_129, %eq3A_183 : i32
          %add3A_185 = arith.constant 1 : i32
          %add3A_186 = arith.addi %scan3A_94, %add3A_185 : i32
          %lt3A_187 = arith.constant 10 : i32
          %lt3A_188 = arith.cmpi slt, %add3A_186, %lt3A_187 : i32
          %and3A_189 = arith.andi %eq3A_184, %lt3A_188 : i1
          %convert_element_type3A_190 = arith.extui %and3A_189 : i1 to i32
          %cond3A_191 = arith.constant 0 : i32
          %cond3A_192 = arith.cmpi ne, %convert_element_type3A_190, %cond3A_191 : i32
          scf.if %cond3A_192 {
            %add3A_225 = arith.constant 1 : i32
            %add3A_226 = arith.addi %scan3A_94, %add3A_225 : i32
            %mul3A_227 = arith.constant 8 : i32
            %mul3A_228 = arith.muli %add3A_226, %mul3A_227 : i32
            %add3A_229 = arith.addi %mul3A_4, %mul3A_228 : i32
            %dma_start3A_230 = arith.constant 0 : i32
            %dma_start3A_231 = arith.constant 0 : i32
            %dma_start3A_232 = tpu.memref_slice %arg7[%select_n3A_122, %dma_start3A_230, %dma_start3A_231] : memref<2x8x128xi32, #tpu.memory_space<vmem>> -> memref<1x8x128xi32, #tpu.memory_space<vmem>>
            %dma_start3A_233 = tpu.memref_squeeze %dma_start3A_232 : memref<1x8x128xi32, #tpu.memory_space<vmem>> -> memref<8x128xi32, #tpu.memory_space<vmem>>
            %dma_start3A_234 = arith.constant 0 : i32
            %dma_start3A_235 = tpu.memref_slice %arg3[%add3A_229, %dma_start3A_234] : memref<2560x128xi32, #tpu.memory_space<hbm>> -> memref<8x128xi32, #tpu.memory_space<hbm>>
            %dma_start3A_236 = arith.constant 0 : i32
            %dma_start3A_237 = arith.constant 0 : i32
            %dma_start3A_238 = tpu.memref_slice %arg7[%select_n3A_122, %dma_start3A_236, %dma_start3A_237] : memref<2x8x128xi32, #tpu.memory_space<vmem>> -> memref<1x8x128xi32, #tpu.memory_space<vmem>>
            %dma_start3A_239 = tpu.memref_squeeze %dma_start3A_238 : memref<1x8x128xi32, #tpu.memory_space<vmem>> -> memref<8x128xi32, #tpu.memory_space<vmem>>
            %dma_start3A_240 = arith.constant 0 : i32
            %dma_start3A_241 = tpu.memref_slice %arg3[%add3A_229, %dma_start3A_240] : memref<2560x128xi32, #tpu.memory_space<hbm>> -> memref<8x128xi32, #tpu.memory_space<hbm>>
            tpu.enqueue_dma source(%dma_start3A_241 : memref<8x128xi32, #tpu.memory_space<hbm>>) target(%dma_start3A_239 : memref<8x128xi32, #tpu.memory_space<vmem>>) target_semaphore(%arg15 : memref<!tpu.dma_semaphore, #tpu.memory_space<semaphore_mem>>)
            %add3A_242 = arith.constant 1 : i32
            %add3A_243 = arith.addi %scan3A_94, %add3A_242 : i32
            %mul3A_244 = arith.constant 8 : i32
            %mul3A_245 = arith.muli %add3A_243, %mul3A_244 : i32
            %add3A_246 = arith.addi %mul3A_4, %mul3A_245 : i32
            %dma_start3A_247 = arith.constant 0 : i32
            %dma_start3A_248 = arith.constant 0 : i32
            %dma_start3A_249 = tpu.memref_slice %arg8[%select_n3A_122, %dma_start3A_247, %dma_start3A_248] : memref<2x8x128xi32, #tpu.memory_space<vmem>> -> memref<1x8x128xi32, #tpu.memory_space<vmem>>
            %dma_start3A_250 = tpu.memref_squeeze %dma_start3A_249 : memref<1x8x128xi32, #tpu.memory_space<vmem>> -> memref<8x128xi32, #tpu.memory_space<vmem>>
            %dma_start3A_251 = arith.constant 0 : i32
            %dma_start3A_252 = tpu.memref_slice %arg4[%add3A_246, %dma_start3A_251] : memref<2560x128xi32, #tpu.memory_space<hbm>> -> memref<8x128xi32, #tpu.memory_space<hbm>>
            %dma_start3A_253 = arith.constant 0 : i32
            %dma_start3A_254 = arith.constant 0 : i32
            %dma_start3A_255 = tpu.memref_slice %arg8[%select_n3A_122, %dma_start3A_253, %dma_start3A_254] : memref<2x8x128xi32, #tpu.memory_space<vmem>> -> memref<1x8x128xi32, #tpu.memory_space<vmem>>
            %dma_start3A_256 = tpu.memref_squeeze %dma_start3A_255 : memref<1x8x128xi32, #tpu.memory_space<vmem>> -> memref<8x128xi32, #tpu.memory_space<vmem>>
            %dma_start3A_257 = arith.constant 0 : i32
            %dma_start3A_258 = tpu.memref_slice %arg4[%add3A_246, %dma_start3A_257] : memref<2560x128xi32, #tpu.memory_space<hbm>> -> memref<8x128xi32, #tpu.memory_space<hbm>>
            tpu.enqueue_dma source(%dma_start3A_258 : memref<8x128xi32, #tpu.memory_space<hbm>>) target(%dma_start3A_256 : memref<8x128xi32, #tpu.memory_space<vmem>>) target_semaphore(%arg16 : memref<!tpu.dma_semaphore, #tpu.memory_space<semaphore_mem>>)
          } else {
          }
          %add3A_193 = arith.constant 1 : i32
          %add3A_194 = arith.addi %scan3A_129, %add3A_193 : i32
          %lt3A_195 = arith.constant 8 : i32
          %lt3A_196 = arith.cmpi slt, %add3A_194, %lt3A_195 : i32
          %convert_element_type3A_197 = arith.extui %lt3A_196 : i1 to i32
          %cond3A_198 = arith.constant 1 : i32
          %cond3A_199 = arith.constant 0 : i32
          %cond3A_200 = arith.cmpi ne, %convert_element_type3A_197, %cond3A_199 : i32
          scf.if %cond3A_200 {
            %gt3A = arith.constant 0 : i32
            %gt3A_225 = arith.cmpi sgt, %scan3A_94, %gt3A : i32
            %ge3A = arith.constant 1 : i32
            %ge3A_226 = arith.cmpi sge, %scan3A_129, %ge3A : i32
            %or3A = arith.ori %gt3A_225, %ge3A_226 : i1
            %convert_element_type3A_227 = arith.extui %or3A : i1 to i32
            %cond3A_228 = arith.constant 0 : i32
            %cond3A_229 = arith.cmpi ne, %convert_element_type3A_227, %cond3A_228 : i32
            scf.if %cond3A_229 {
              %dma_wait3A_242 = arith.constant 0 : i32
              %dma_wait3A_243 = arith.constant 0 : i32
              %dma_wait3A_244 = tpu.memref_slice %arg9[%cond3A_198, %dma_wait3A_242, %dma_wait3A_243] : memref<2x128x128xf32, #tpu.memory_space<vmem>> -> memref<1x128x128xf32, #tpu.memory_space<vmem>>
              %dma_wait3A_245 = tpu.memref_squeeze %dma_wait3A_244 : memref<1x128x128xf32, #tpu.memory_space<vmem>> -> memref<128x128xf32, #tpu.memory_space<vmem>>
              %dma_wait3A_246 = arith.constant 0 : i32
              %dma_wait3A_247 = tpu.memref_slice %arg8[%select_n3A_104, %scan3A_129, %dma_wait3A_246] : memref<2x8x128xi32, #tpu.memory_space<vmem>> -> memref<1x1x128xi32, #tpu.memory_space<vmem>>
              %dma_wait3A_248 = tpu.memref_squeeze %dma_wait3A_247 : memref<1x1x128xi32, #tpu.memory_space<vmem>> -> memref<128xi32, #tpu.memory_space<vmem>>
              %dma_wait3A_249 = arith.constant 0 : i32
              %dma_wait3A_250 = arith.constant 0 : i32
              %dma_wait3A_251 = tpu.memref_slice %arg6[%dma_wait3A_249, %dma_wait3A_250] : memref<10240x128xf32, #tpu.memory_space<vmem_shared>> -> memref<10240x128xf32, #tpu.memory_space<vmem_shared>>
              tpu.wait_indirect_dma semaphore(%arg18 : memref<!tpu.dma_semaphore, #tpu.memory_space<semaphore_mem>>) src(%dma_wait3A_245 : memref<128x128xf32, #tpu.memory_space<vmem>>) dst(%dma_wait3A_251 : memref<10240x128xf32, #tpu.memory_space<vmem_shared>>)
            } else {
            }
            %add3A_230 = arith.constant 1 : i32
            %add3A_231 = arith.addi %scan3A_129, %add3A_230 : i32
            %dma_start3A_232 = arith.constant 0 : i32
            %dma_start3A_233 = arith.constant 0 : i32
            %dma_start3A_234 = tpu.memref_slice %arg9[%cond3A_198, %dma_start3A_232, %dma_start3A_233] : memref<2x128x128xf32, #tpu.memory_space<vmem>> -> memref<1x128x128xf32, #tpu.memory_space<vmem>>
            %dma_start3A_235 = tpu.memref_squeeze %dma_start3A_234 : memref<1x128x128xf32, #tpu.memory_space<vmem>> -> memref<128x128xf32, #tpu.memory_space<vmem>>
            %dma_start3A_236 = arith.constant 0 : i32
            %dma_start3A_237 = tpu.memref_slice %arg7[%select_n3A_104, %add3A_231, %dma_start3A_236] : memref<2x8x128xi32, #tpu.memory_space<vmem>> -> memref<1x1x128xi32, #tpu.memory_space<vmem>>
            %dma_start3A_238 = tpu.memref_squeeze %dma_start3A_237 : memref<1x1x128xi32, #tpu.memory_space<vmem>> -> memref<128xi32, #tpu.memory_space<vmem>>
            %dma_start3A_239 = arith.constant 0 : i32
            %dma_start3A_240 = arith.constant 0 : i32
            %dma_start3A_241 = tpu.memref_slice %arg2[%dma_start3A_239, %dma_start3A_240] : memref<10112x128xf32, #tpu.memory_space<hbm>> -> memref<10112x128xf32, #tpu.memory_space<hbm>>
            tpu.enqueue_indirect_dma source(%dma_start3A_241 : memref<10112x128xf32, #tpu.memory_space<hbm>>) target(%dma_start3A_235 : memref<128x128xf32, #tpu.memory_space<vmem>>) offsets(%dma_start3A_238 : memref<128xi32, #tpu.memory_space<vmem>>) semaphore(%arg12 : memref<!tpu.dma_semaphore, #tpu.memory_space<semaphore_mem>>)
          } else {
          }
          %add3A_201 = arith.constant 1 : i32
          %add3A_202 = arith.addi %scan3A_129, %add3A_201 : i32
          %eq3A_203 = arith.constant 8 : i32
          %eq3A_204 = arith.cmpi eq, %add3A_202, %eq3A_203 : i32
          %add3A_205 = arith.constant 1 : i32
          %add3A_206 = arith.addi %scan3A_94, %add3A_205 : i32
          %lt3A_207 = arith.constant 10 : i32
          %lt3A_208 = arith.cmpi slt, %add3A_206, %lt3A_207 : i32
          %and3A_209 = arith.andi %eq3A_204, %lt3A_208 : i1
          %convert_element_type3A_210 = arith.extui %and3A_209 : i1 to i32
          %cond3A_211 = arith.constant 1 : i32
          %cond3A_212 = arith.constant 0 : i32
          %cond3A_213 = arith.cmpi ne, %convert_element_type3A_210, %cond3A_212 : i32
          scf.if %cond3A_213 {
            %dma_wait3A_225 = arith.constant 0 : i32
            %dma_wait3A_226 = arith.constant 0 : i32
            %dma_wait3A_227 = tpu.memref_slice %arg9[%cond3A_211, %dma_wait3A_225, %dma_wait3A_226] : memref<2x128x128xf32, #tpu.memory_space<vmem>> -> memref<1x128x128xf32, #tpu.memory_space<vmem>>
            %dma_wait3A_228 = tpu.memref_squeeze %dma_wait3A_227 : memref<1x128x128xf32, #tpu.memory_space<vmem>> -> memref<128x128xf32, #tpu.memory_space<vmem>>
            %dma_wait3A_229 = arith.constant 0 : i32
            %dma_wait3A_230 = tpu.memref_slice %arg8[%select_n3A_104, %scan3A_129, %dma_wait3A_229] : memref<2x8x128xi32, #tpu.memory_space<vmem>> -> memref<1x1x128xi32, #tpu.memory_space<vmem>>
            %dma_wait3A_231 = tpu.memref_squeeze %dma_wait3A_230 : memref<1x1x128xi32, #tpu.memory_space<vmem>> -> memref<128xi32, #tpu.memory_space<vmem>>
            %dma_wait3A_232 = arith.constant 0 : i32
            %dma_wait3A_233 = arith.constant 0 : i32
            %dma_wait3A_234 = tpu.memref_slice %arg6[%dma_wait3A_232, %dma_wait3A_233] : memref<10240x128xf32, #tpu.memory_space<vmem_shared>> -> memref<10240x128xf32, #tpu.memory_space<vmem_shared>>
            tpu.wait_indirect_dma semaphore(%arg18 : memref<!tpu.dma_semaphore, #tpu.memory_space<semaphore_mem>>) src(%dma_wait3A_228 : memref<128x128xf32, #tpu.memory_space<vmem>>) dst(%dma_wait3A_234 : memref<10240x128xf32, #tpu.memory_space<vmem_shared>>)
            %add3A_235 = arith.constant 1 : i32
            %add3A_236 = arith.addi %scan3A_94, %add3A_235 : i32
            %mul3A_237 = arith.constant 8 : i32
            %mul3A_238 = arith.muli %add3A_236, %mul3A_237 : i32
            %add3A_239 = arith.addi %mul3A_4, %mul3A_238 : i32
            %dma_wait3A_240 = arith.constant 0 : i32
            %dma_wait3A_241 = arith.constant 0 : i32
            %dma_wait3A_242 = tpu.memref_slice %arg7[%select_n3A_122, %dma_wait3A_240, %dma_wait3A_241] : memref<2x8x128xi32, #tpu.memory_space<vmem>> -> memref<1x8x128xi32, #tpu.memory_space<vmem>>
            %dma_wait3A_243 = tpu.memref_squeeze %dma_wait3A_242 : memref<1x8x128xi32, #tpu.memory_space<vmem>> -> memref<8x128xi32, #tpu.memory_space<vmem>>
            %dma_wait3A_244 = arith.constant 0 : i32
            %dma_wait3A_245 = tpu.memref_slice %arg3[%add3A_239, %dma_wait3A_244] : memref<2560x128xi32, #tpu.memory_space<hbm>> -> memref<8x128xi32, #tpu.memory_space<hbm>>
            %dma_wait3A_246 = arith.constant 0 : i32
            %dma_wait3A_247 = arith.constant 0 : i32
            %dma_wait3A_248 = tpu.memref_slice %arg7[%select_n3A_122, %dma_wait3A_246, %dma_wait3A_247] : memref<2x8x128xi32, #tpu.memory_space<vmem>> -> memref<1x8x128xi32, #tpu.memory_space<vmem>>
            %dma_wait3A_249 = tpu.memref_squeeze %dma_wait3A_248 : memref<1x8x128xi32, #tpu.memory_space<vmem>> -> memref<8x128xi32, #tpu.memory_space<vmem>>
            %dma_wait3A_250 = arith.constant 0 : i32
            %dma_wait3A_251 = tpu.memref_slice %arg3[%add3A_239, %dma_wait3A_250] : memref<2560x128xi32, #tpu.memory_space<hbm>> -> memref<8x128xi32, #tpu.memory_space<hbm>>
            tpu.wait_dma2 semaphore(%arg15 : memref<!tpu.dma_semaphore, #tpu.memory_space<semaphore_mem>>) src(%dma_wait3A_251 : memref<8x128xi32, #tpu.memory_space<hbm>>) dst(%dma_wait3A_249 : memref<8x128xi32, #tpu.memory_space<vmem>>)
            %add3A_252 = arith.constant 1 : i32
            %add3A_253 = arith.addi %scan3A_94, %add3A_252 : i32
            %mul3A_254 = arith.constant 8 : i32
            %mul3A_255 = arith.muli %add3A_253, %mul3A_254 : i32
            %add3A_256 = arith.addi %mul3A_4, %mul3A_255 : i32
            %dma_wait3A_257 = arith.constant 0 : i32
            %dma_wait3A_258 = arith.constant 0 : i32
            %dma_wait3A_259 = tpu.memref_slice %arg8[%select_n3A_122, %dma_wait3A_257, %dma_wait3A_258] : memref<2x8x128xi32, #tpu.memory_space<vmem>> -> memref<1x8x128xi32, #tpu.memory_space<vmem>>
            %dma_wait3A_260 = tpu.memref_squeeze %dma_wait3A_259 : memref<1x8x128xi32, #tpu.memory_space<vmem>> -> memref<8x128xi32, #tpu.memory_space<vmem>>
            %dma_wait3A_261 = arith.constant 0 : i32
            %dma_wait3A_262 = tpu.memref_slice %arg4[%add3A_256, %dma_wait3A_261] : memref<2560x128xi32, #tpu.memory_space<hbm>> -> memref<8x128xi32, #tpu.memory_space<hbm>>
            %dma_wait3A_263 = arith.constant 0 : i32
            %dma_wait3A_264 = arith.constant 0 : i32
            %dma_wait3A_265 = tpu.memref_slice %arg8[%select_n3A_122, %dma_wait3A_263, %dma_wait3A_264] : memref<2x8x128xi32, #tpu.memory_space<vmem>> -> memref<1x8x128xi32, #tpu.memory_space<vmem>>
            %dma_wait3A_266 = tpu.memref_squeeze %dma_wait3A_265 : memref<1x8x128xi32, #tpu.memory_space<vmem>> -> memref<8x128xi32, #tpu.memory_space<vmem>>
            %dma_wait3A_267 = arith.constant 0 : i32
            %dma_wait3A_268 = tpu.memref_slice %arg4[%add3A_256, %dma_wait3A_267] : memref<2560x128xi32, #tpu.memory_space<hbm>> -> memref<8x128xi32, #tpu.memory_space<hbm>>
            tpu.wait_dma2 semaphore(%arg16 : memref<!tpu.dma_semaphore, #tpu.memory_space<semaphore_mem>>) src(%dma_wait3A_268 : memref<8x128xi32, #tpu.memory_space<hbm>>) dst(%dma_wait3A_266 : memref<8x128xi32, #tpu.memory_space<vmem>>)
            %dma_start3A_269 = arith.constant 0 : i32
            %dma_start3A_270 = arith.constant 0 : i32
            %dma_start3A_271 = arith.constant 0 : i32
            %dma_start3A_272 = tpu.memref_slice %arg9[%cond3A_211, %dma_start3A_270, %dma_start3A_271] : memref<2x128x128xf32, #tpu.memory_space<vmem>> -> memref<1x128x128xf32, #tpu.memory_space<vmem>>
            %dma_start3A_273 = tpu.memref_squeeze %dma_start3A_272 : memref<1x128x128xf32, #tpu.memory_space<vmem>> -> memref<128x128xf32, #tpu.memory_space<vmem>>
            %dma_start3A_274 = arith.constant 0 : i32
            %dma_start3A_275 = tpu.memref_slice %arg7[%select_n3A_122, %dma_start3A_269, %dma_start3A_274] : memref<2x8x128xi32, #tpu.memory_space<vmem>> -> memref<1x1x128xi32, #tpu.memory_space<vmem>>
            %dma_start3A_276 = tpu.memref_squeeze %dma_start3A_275 : memref<1x1x128xi32, #tpu.memory_space<vmem>> -> memref<128xi32, #tpu.memory_space<vmem>>
            %dma_start3A_277 = arith.constant 0 : i32
            %dma_start3A_278 = arith.constant 0 : i32
            %dma_start3A_279 = tpu.memref_slice %arg2[%dma_start3A_277, %dma_start3A_278] : memref<10112x128xf32, #tpu.memory_space<hbm>> -> memref<10112x128xf32, #tpu.memory_space<hbm>>
            tpu.enqueue_indirect_dma source(%dma_start3A_279 : memref<10112x128xf32, #tpu.memory_space<hbm>>) target(%dma_start3A_273 : memref<128x128xf32, #tpu.memory_space<vmem>>) offsets(%dma_start3A_276 : memref<128xi32, #tpu.memory_space<vmem>>) semaphore(%arg12 : memref<!tpu.dma_semaphore, #tpu.memory_space<semaphore_mem>>)
          } else {
          }
          %dma_start3A_214 = arith.constant 0 : i32
          %dma_start3A_215 = arith.constant 0 : i32
          %dma_start3A_216 = arith.constant 0 : i32
          %dma_start3A_217 = tpu.memref_slice %arg9[%dma_start3A_214, %dma_start3A_215, %dma_start3A_216] : memref<2x128x128xf32, #tpu.memory_space<vmem>> -> memref<1x128x128xf32, #tpu.memory_space<vmem>>
          %dma_start3A_218 = tpu.memref_squeeze %dma_start3A_217 : memref<1x128x128xf32, #tpu.memory_space<vmem>> -> memref<128x128xf32, #tpu.memory_space<vmem>>
          %dma_start3A_219 = arith.constant 0 : i32
          %dma_start3A_220 = tpu.memref_slice %arg8[%select_n3A_104, %scan3A_129, %dma_start3A_219] : memref<2x8x128xi32, #tpu.memory_space<vmem>> -> memref<1x1x128xi32, #tpu.memory_space<vmem>>
          %dma_start3A_221 = tpu.memref_squeeze %dma_start3A_220 : memref<1x1x128xi32, #tpu.memory_space<vmem>> -> memref<128xi32, #tpu.memory_space<vmem>>
          %dma_start3A_222 = arith.constant 0 : i32
          %dma_start3A_223 = arith.constant 0 : i32
          %dma_start3A_224 = tpu.memref_slice %arg6[%dma_start3A_222, %dma_start3A_223] : memref<10240x128xf32, #tpu.memory_space<vmem_shared>> -> memref<10240x128xf32, #tpu.memory_space<vmem_shared>>
          tpu.enqueue_indirect_dma source(%dma_start3A_218 : memref<128x128xf32, #tpu.memory_space<vmem>>) target(%dma_start3A_224 : memref<10240x128xf32, #tpu.memory_space<vmem_shared>>) offsets(%dma_start3A_221 : memref<128xi32, #tpu.memory_space<vmem>>) semaphore(%arg17 : memref<!tpu.dma_semaphore, #tpu.memory_space<semaphore_mem>>) {add = true}
        } else {
        }
        %jit3A_151 = arith.constant 2 : i32
        %eq3A_152 = arith.constant 0 : i32
        %eq3A_153 = arith.cmpi eq, %jit3A_151, %eq3A_152 : i32
        %jit3A_154 = arith.constant 1 : i32
        %select_n3A_155 = arith.select %eq3A_153, %jit3A_154, %jit3A_151 : i32
        %rem3A_156 = arith.remsi %scan3A_129, %select_n3A_155 : i32
        %ne3A_157 = arith.constant 0 : i32
        %ne3A_158 = arith.cmpi ne, %rem3A_156, %ne3A_157 : i32
        %lt3A_159 = arith.constant 0 : i32
        %lt3A_160 = arith.cmpi slt, %rem3A_156, %lt3A_159 : i32
        %lt3A_161 = arith.constant 0 : i32
        %lt3A_162 = arith.cmpi slt, %select_n3A_155, %lt3A_161 : i32
        %ne3A_163 = arith.xori %lt3A_160, %lt3A_162 : i1
        %and3A_164 = arith.andi %ne3A_163, %ne3A_158 : i1
        %add3A_165 = arith.addi %rem3A_156, %select_n3A_155 : i32
        %select_n3A_166 = arith.select %and3A_164, %add3A_165, %rem3A_156 : i32
        %eq3A_167 = arith.constant 1 : i32
        %eq3A_168 = arith.cmpi eq, %select_n3A_166, %eq3A_167 : i32
        %convert_element_type3A_169 = arith.extui %eq3A_168 : i1 to i32
        %cond3A_170 = arith.constant 0 : i32
        %cond3A_171 = arith.cmpi ne, %convert_element_type3A_169, %cond3A_170 : i32
        scf.if %cond3A_171 {
          %dma_wait3A_172 = arith.constant 1 : i32
          %dma_wait3A_173 = arith.constant 0 : i32
          %dma_wait3A_174 = arith.constant 0 : i32
          %dma_wait3A_175 = tpu.memref_slice %arg9[%dma_wait3A_172, %dma_wait3A_173, %dma_wait3A_174] : memref<2x128x128xf32, #tpu.memory_space<vmem>> -> memref<1x128x128xf32, #tpu.memory_space<vmem>>
          %dma_wait3A_176 = tpu.memref_squeeze %dma_wait3A_175 : memref<1x128x128xf32, #tpu.memory_space<vmem>> -> memref<128x128xf32, #tpu.memory_space<vmem>>
          %dma_wait3A_177 = arith.constant 0 : i32
          %dma_wait3A_178 = tpu.memref_slice %arg7[%select_n3A_104, %scan3A_129, %dma_wait3A_177] : memref<2x8x128xi32, #tpu.memory_space<vmem>> -> memref<1x1x128xi32, #tpu.memory_space<vmem>>
          %dma_wait3A_179 = tpu.memref_squeeze %dma_wait3A_178 : memref<1x1x128xi32, #tpu.memory_space<vmem>> -> memref<128xi32, #tpu.memory_space<vmem>>
          %dma_wait3A_180 = arith.constant 0 : i32
          %dma_wait3A_181 = arith.constant 0 : i32
          %dma_wait3A_182 = tpu.memref_slice %arg2[%dma_wait3A_180, %dma_wait3A_181] : memref<10112x128xf32, #tpu.memory_space<hbm>> -> memref<10112x128xf32, #tpu.memory_space<hbm>>
          tpu.wait_indirect_dma semaphore(%arg12 : memref<!tpu.dma_semaphore, #tpu.memory_space<semaphore_mem>>) src(%dma_wait3A_182 : memref<10112x128xf32, #tpu.memory_space<hbm>>) dst(%dma_wait3A_176 : memref<128x128xf32, #tpu.memory_space<vmem>>)
          %eq3A_183 = arith.constant 1 : i32
          %eq3A_184 = arith.cmpi eq, %scan3A_129, %eq3A_183 : i32
          %add3A_185 = arith.constant 1 : i32
          %add3A_186 = arith.addi %scan3A_94, %add3A_185 : i32
          %lt3A_187 = arith.constant 10 : i32
          %lt3A_188 = arith.cmpi slt, %add3A_186, %lt3A_187 : i32
          %and3A_189 = arith.andi %eq3A_184, %lt3A_188 : i1
          %convert_element_type3A_190 = arith.extui %and3A_189 : i1 to i32
          %cond3A_191 = arith.constant 0 : i32
          %cond3A_192 = arith.cmpi ne, %convert_element_type3A_190, %cond3A_191 : i32
          scf.if %cond3A_192 {
            %add3A_225 = arith.constant 1 : i32
            %add3A_226 = arith.addi %scan3A_94, %add3A_225 : i32
            %mul3A_227 = arith.constant 8 : i32
            %mul3A_228 = arith.muli %add3A_226, %mul3A_227 : i32
            %add3A_229 = arith.addi %mul3A_4, %mul3A_228 : i32
            %dma_start3A_230 = arith.constant 0 : i32
            %dma_start3A_231 = arith.constant 0 : i32
            %dma_start3A_232 = tpu.memref_slice %arg7[%select_n3A_122, %dma_start3A_230, %dma_start3A_231] : memref<2x8x128xi32, #tpu.memory_space<vmem>> -> memref<1x8x128xi32, #tpu.memory_space<vmem>>
            %dma_start3A_233 = tpu.memref_squeeze %dma_start3A_232 : memref<1x8x128xi32, #tpu.memory_space<vmem>> -> memref<8x128xi32, #tpu.memory_space<vmem>>
            %dma_start3A_234 = arith.constant 0 : i32
            %dma_start3A_235 = tpu.memref_slice %arg3[%add3A_229, %dma_start3A_234] : memref<2560x128xi32, #tpu.memory_space<hbm>> -> memref<8x128xi32, #tpu.memory_space<hbm>>
            %dma_start3A_236 = arith.constant 0 : i32
            %dma_start3A_237 = arith.constant 0 : i32
            %dma_start3A_238 = tpu.memref_slice %arg7[%select_n3A_122, %dma_start3A_236, %dma_start3A_237] : memref<2x8x128xi32, #tpu.memory_space<vmem>> -> memref<1x8x128xi32, #tpu.memory_space<vmem>>
            %dma_start3A_239 = tpu.memref_squeeze %dma_start3A_238 : memref<1x8x128xi32, #tpu.memory_space<vmem>> -> memref<8x128xi32, #tpu.memory_space<vmem>>
            %dma_start3A_240 = arith.constant 0 : i32
            %dma_start3A_241 = tpu.memref_slice %arg3[%add3A_229, %dma_start3A_240] : memref<2560x128xi32, #tpu.memory_space<hbm>> -> memref<8x128xi32, #tpu.memory_space<hbm>>
            tpu.enqueue_dma source(%dma_start3A_241 : memref<8x128xi32, #tpu.memory_space<hbm>>) target(%dma_start3A_239 : memref<8x128xi32, #tpu.memory_space<vmem>>) target_semaphore(%arg15 : memref<!tpu.dma_semaphore, #tpu.memory_space<semaphore_mem>>)
            %add3A_242 = arith.constant 1 : i32
            %add3A_243 = arith.addi %scan3A_94, %add3A_242 : i32
            %mul3A_244 = arith.constant 8 : i32
            %mul3A_245 = arith.muli %add3A_243, %mul3A_244 : i32
            %add3A_246 = arith.addi %mul3A_4, %mul3A_245 : i32
            %dma_start3A_247 = arith.constant 0 : i32
            %dma_start3A_248 = arith.constant 0 : i32
            %dma_start3A_249 = tpu.memref_slice %arg8[%select_n3A_122, %dma_start3A_247, %dma_start3A_248] : memref<2x8x128xi32, #tpu.memory_space<vmem>> -> memref<1x8x128xi32, #tpu.memory_space<vmem>>
            %dma_start3A_250 = tpu.memref_squeeze %dma_start3A_249 : memref<1x8x128xi32, #tpu.memory_space<vmem>> -> memref<8x128xi32, #tpu.memory_space<vmem>>
            %dma_start3A_251 = arith.constant 0 : i32
            %dma_start3A_252 = tpu.memref_slice %arg4[%add3A_246, %dma_start3A_251] : memref<2560x128xi32, #tpu.memory_space<hbm>> -> memref<8x128xi32, #tpu.memory_space<hbm>>
            %dma_start3A_253 = arith.constant 0 : i32
            %dma_start3A_254 = arith.constant 0 : i32
            %dma_start3A_255 = tpu.memref_slice %arg8[%select_n3A_122, %dma_start3A_253, %dma_start3A_254] : memref<2x8x128xi32, #tpu.memory_space<vmem>> -> memref<1x8x128xi32, #tpu.memory_space<vmem>>
            %dma_start3A_256 = tpu.memref_squeeze %dma_start3A_255 : memref<1x8x128xi32, #tpu.memory_space<vmem>> -> memref<8x128xi32, #tpu.memory_space<vmem>>
            %dma_start3A_257 = arith.constant 0 : i32
            %dma_start3A_258 = tpu.memref_slice %arg4[%add3A_246, %dma_start3A_257] : memref<2560x128xi32, #tpu.memory_space<hbm>> -> memref<8x128xi32, #tpu.memory_space<hbm>>
            tpu.enqueue_dma source(%dma_start3A_258 : memref<8x128xi32, #tpu.memory_space<hbm>>) target(%dma_start3A_256 : memref<8x128xi32, #tpu.memory_space<vmem>>) target_semaphore(%arg16 : memref<!tpu.dma_semaphore, #tpu.memory_space<semaphore_mem>>)
          } else {
          }
          %add3A_193 = arith.constant 1 : i32
          %add3A_194 = arith.addi %scan3A_129, %add3A_193 : i32
          %lt3A_195 = arith.constant 8 : i32
          %lt3A_196 = arith.cmpi slt, %add3A_194, %lt3A_195 : i32
          %convert_element_type3A_197 = arith.extui %lt3A_196 : i1 to i32
          %cond3A_198 = arith.constant 0 : i32
          %cond3A_199 = arith.constant 0 : i32
          %cond3A_200 = arith.cmpi ne, %convert_element_type3A_197, %cond3A_199 : i32
          scf.if %cond3A_200 {
            %gt3A = arith.constant 0 : i32
            %gt3A_225 = arith.cmpi sgt, %scan3A_94, %gt3A : i32
            %ge3A = arith.constant 1 : i32
            %ge3A_226 = arith.cmpi sge, %scan3A_129, %ge3A : i32
            %or3A = arith.ori %gt3A_225, %ge3A_226 : i1
            %convert_element_type3A_227 = arith.extui %or3A : i1 to i32
            %cond3A_228 = arith.constant 0 : i32
            %cond3A_229 = arith.cmpi ne, %convert_element_type3A_227, %cond3A_228 : i32
            scf.if %cond3A_229 {
              %dma_wait3A_242 = arith.constant 0 : i32
              %dma_wait3A_243 = arith.constant 0 : i32
              %dma_wait3A_244 = tpu.memref_slice %arg9[%cond3A_198, %dma_wait3A_242, %dma_wait3A_243] : memref<2x128x128xf32, #tpu.memory_space<vmem>> -> memref<1x128x128xf32, #tpu.memory_space<vmem>>
              %dma_wait3A_245 = tpu.memref_squeeze %dma_wait3A_244 : memref<1x128x128xf32, #tpu.memory_space<vmem>> -> memref<128x128xf32, #tpu.memory_space<vmem>>
              %dma_wait3A_246 = arith.constant 0 : i32
              %dma_wait3A_247 = tpu.memref_slice %arg8[%select_n3A_104, %scan3A_129, %dma_wait3A_246] : memref<2x8x128xi32, #tpu.memory_space<vmem>> -> memref<1x1x128xi32, #tpu.memory_space<vmem>>
              %dma_wait3A_248 = tpu.memref_squeeze %dma_wait3A_247 : memref<1x1x128xi32, #tpu.memory_space<vmem>> -> memref<128xi32, #tpu.memory_space<vmem>>
              %dma_wait3A_249 = arith.constant 0 : i32
              %dma_wait3A_250 = arith.constant 0 : i32
              %dma_wait3A_251 = tpu.memref_slice %arg6[%dma_wait3A_249, %dma_wait3A_250] : memref<10240x128xf32, #tpu.memory_space<vmem_shared>> -> memref<10240x128xf32, #tpu.memory_space<vmem_shared>>
              tpu.wait_indirect_dma semaphore(%arg17 : memref<!tpu.dma_semaphore, #tpu.memory_space<semaphore_mem>>) src(%dma_wait3A_245 : memref<128x128xf32, #tpu.memory_space<vmem>>) dst(%dma_wait3A_251 : memref<10240x128xf32, #tpu.memory_space<vmem_shared>>)
            } else {
            }
            %add3A_230 = arith.constant 1 : i32
            %add3A_231 = arith.addi %scan3A_129, %add3A_230 : i32
            %dma_start3A_232 = arith.constant 0 : i32
            %dma_start3A_233 = arith.constant 0 : i32
            %dma_start3A_234 = tpu.memref_slice %arg9[%cond3A_198, %dma_start3A_232, %dma_start3A_233] : memref<2x128x128xf32, #tpu.memory_space<vmem>> -> memref<1x128x128xf32, #tpu.memory_space<vmem>>
            %dma_start3A_235 = tpu.memref_squeeze %dma_start3A_234 : memref<1x128x128xf32, #tpu.memory_space<vmem>> -> memref<128x128xf32, #tpu.memory_space<vmem>>
            %dma_start3A_236 = arith.constant 0 : i32
            %dma_start3A_237 = tpu.memref_slice %arg7[%select_n3A_104, %add3A_231, %dma_start3A_236] : memref<2x8x128xi32, #tpu.memory_space<vmem>> -> memref<1x1x128xi32, #tpu.memory_space<vmem>>
            %dma_start3A_238 = tpu.memref_squeeze %dma_start3A_237 : memref<1x1x128xi32, #tpu.memory_space<vmem>> -> memref<128xi32, #tpu.memory_space<vmem>>
            %dma_start3A_239 = arith.constant 0 : i32
            %dma_start3A_240 = arith.constant 0 : i32
            %dma_start3A_241 = tpu.memref_slice %arg2[%dma_start3A_239, %dma_start3A_240] : memref<10112x128xf32, #tpu.memory_space<hbm>> -> memref<10112x128xf32, #tpu.memory_space<hbm>>
            tpu.enqueue_indirect_dma source(%dma_start3A_241 : memref<10112x128xf32, #tpu.memory_space<hbm>>) target(%dma_start3A_235 : memref<128x128xf32, #tpu.memory_space<vmem>>) offsets(%dma_start3A_238 : memref<128xi32, #tpu.memory_space<vmem>>) semaphore(%arg11 : memref<!tpu.dma_semaphore, #tpu.memory_space<semaphore_mem>>)
          } else {
          }
          %add3A_201 = arith.constant 1 : i32
          %add3A_202 = arith.addi %scan3A_129, %add3A_201 : i32
          %eq3A_203 = arith.constant 8 : i32
          %eq3A_204 = arith.cmpi eq, %add3A_202, %eq3A_203 : i32
          %add3A_205 = arith.constant 1 : i32
          %add3A_206 = arith.addi %scan3A_94, %add3A_205 : i32
          %lt3A_207 = arith.constant 10 : i32
          %lt3A_208 = arith.cmpi slt, %add3A_206, %lt3A_207 : i32
          %and3A_209 = arith.andi %eq3A_204, %lt3A_208 : i1
          %convert_element_type3A_210 = arith.extui %and3A_209 : i1 to i32
          %cond3A_211 = arith.constant 0 : i32
          %cond3A_212 = arith.constant 0 : i32
          %cond3A_213 = arith.cmpi ne, %convert_element_type3A_210, %cond3A_212 : i32
          scf.if %cond3A_213 {
            %dma_wait3A_225 = arith.constant 0 : i32
            %dma_wait3A_226 = arith.constant 0 : i32
            %dma_wait3A_227 = tpu.memref_slice %arg9[%cond3A_211, %dma_wait3A_225, %dma_wait3A_226] : memref<2x128x128xf32, #tpu.memory_space<vmem>> -> memref<1x128x128xf32, #tpu.memory_space<vmem>>
            %dma_wait3A_228 = tpu.memref_squeeze %dma_wait3A_227 : memref<1x128x128xf32, #tpu.memory_space<vmem>> -> memref<128x128xf32, #tpu.memory_space<vmem>>
            %dma_wait3A_229 = arith.constant 0 : i32
            %dma_wait3A_230 = tpu.memref_slice %arg8[%select_n3A_104, %scan3A_129, %dma_wait3A_229] : memref<2x8x128xi32, #tpu.memory_space<vmem>> -> memref<1x1x128xi32, #tpu.memory_space<vmem>>
            %dma_wait3A_231 = tpu.memref_squeeze %dma_wait3A_230 : memref<1x1x128xi32, #tpu.memory_space<vmem>> -> memref<128xi32, #tpu.memory_space<vmem>>
            %dma_wait3A_232 = arith.constant 0 : i32
            %dma_wait3A_233 = arith.constant 0 : i32
            %dma_wait3A_234 = tpu.memref_slice %arg6[%dma_wait3A_232, %dma_wait3A_233] : memref<10240x128xf32, #tpu.memory_space<vmem_shared>> -> memref<10240x128xf32, #tpu.memory_space<vmem_shared>>
            tpu.wait_indirect_dma semaphore(%arg17 : memref<!tpu.dma_semaphore, #tpu.memory_space<semaphore_mem>>) src(%dma_wait3A_228 : memref<128x128xf32, #tpu.memory_space<vmem>>) dst(%dma_wait3A_234 : memref<10240x128xf32, #tpu.memory_space<vmem_shared>>)
            %add3A_235 = arith.constant 1 : i32
            %add3A_236 = arith.addi %scan3A_94, %add3A_235 : i32
            %mul3A_237 = arith.constant 8 : i32
            %mul3A_238 = arith.muli %add3A_236, %mul3A_237 : i32
            %add3A_239 = arith.addi %mul3A_4, %mul3A_238 : i32
            %dma_wait3A_240 = arith.constant 0 : i32
            %dma_wait3A_241 = arith.constant 0 : i32
            %dma_wait3A_242 = tpu.memref_slice %arg7[%select_n3A_122, %dma_wait3A_240, %dma_wait3A_241] : memref<2x8x128xi32, #tpu.memory_space<vmem>> -> memref<1x8x128xi32, #tpu.memory_space<vmem>>
            %dma_wait3A_243 = tpu.memref_squeeze %dma_wait3A_242 : memref<1x8x128xi32, #tpu.memory_space<vmem>> -> memref<8x128xi32, #tpu.memory_space<vmem>>
            %dma_wait3A_244 = arith.constant 0 : i32
            %dma_wait3A_245 = tpu.memref_slice %arg3[%add3A_239, %dma_wait3A_244] : memref<2560x128xi32, #tpu.memory_space<hbm>> -> memref<8x128xi32, #tpu.memory_space<hbm>>
            %dma_wait3A_246 = arith.constant 0 : i32
            %dma_wait3A_247 = arith.constant 0 : i32
            %dma_wait3A_248 = tpu.memref_slice %arg7[%select_n3A_122, %dma_wait3A_246, %dma_wait3A_247] : memref<2x8x128xi32, #tpu.memory_space<vmem>> -> memref<1x8x128xi32, #tpu.memory_space<vmem>>
            %dma_wait3A_249 = tpu.memref_squeeze %dma_wait3A_248 : memref<1x8x128xi32, #tpu.memory_space<vmem>> -> memref<8x128xi32, #tpu.memory_space<vmem>>
            %dma_wait3A_250 = arith.constant 0 : i32
            %dma_wait3A_251 = tpu.memref_slice %arg3[%add3A_239, %dma_wait3A_250] : memref<2560x128xi32, #tpu.memory_space<hbm>> -> memref<8x128xi32, #tpu.memory_space<hbm>>
            tpu.wait_dma2 semaphore(%arg15 : memref<!tpu.dma_semaphore, #tpu.memory_space<semaphore_mem>>) src(%dma_wait3A_251 : memref<8x128xi32, #tpu.memory_space<hbm>>) dst(%dma_wait3A_249 : memref<8x128xi32, #tpu.memory_space<vmem>>)
            %add3A_252 = arith.constant 1 : i32
            %add3A_253 = arith.addi %scan3A_94, %add3A_252 : i32
            %mul3A_254 = arith.constant 8 : i32
            %mul3A_255 = arith.muli %add3A_253, %mul3A_254 : i32
            %add3A_256 = arith.addi %mul3A_4, %mul3A_255 : i32
            %dma_wait3A_257 = arith.constant 0 : i32
            %dma_wait3A_258 = arith.constant 0 : i32
            %dma_wait3A_259 = tpu.memref_slice %arg8[%select_n3A_122, %dma_wait3A_257, %dma_wait3A_258] : memref<2x8x128xi32, #tpu.memory_space<vmem>> -> memref<1x8x128xi32, #tpu.memory_space<vmem>>
            %dma_wait3A_260 = tpu.memref_squeeze %dma_wait3A_259 : memref<1x8x128xi32, #tpu.memory_space<vmem>> -> memref<8x128xi32, #tpu.memory_space<vmem>>
            %dma_wait3A_261 = arith.constant 0 : i32
            %dma_wait3A_262 = tpu.memref_slice %arg4[%add3A_256, %dma_wait3A_261] : memref<2560x128xi32, #tpu.memory_space<hbm>> -> memref<8x128xi32, #tpu.memory_space<hbm>>
            %dma_wait3A_263 = arith.constant 0 : i32
            %dma_wait3A_264 = arith.constant 0 : i32
            %dma_wait3A_265 = tpu.memref_slice %arg8[%select_n3A_122, %dma_wait3A_263, %dma_wait3A_264] : memref<2x8x128xi32, #tpu.memory_space<vmem>> -> memref<1x8x128xi32, #tpu.memory_space<vmem>>
            %dma_wait3A_266 = tpu.memref_squeeze %dma_wait3A_265 : memref<1x8x128xi32, #tpu.memory_space<vmem>> -> memref<8x128xi32, #tpu.memory_space<vmem>>
            %dma_wait3A_267 = arith.constant 0 : i32
            %dma_wait3A_268 = tpu.memref_slice %arg4[%add3A_256, %dma_wait3A_267] : memref<2560x128xi32, #tpu.memory_space<hbm>> -> memref<8x128xi32, #tpu.memory_space<hbm>>
            tpu.wait_dma2 semaphore(%arg16 : memref<!tpu.dma_semaphore, #tpu.memory_space<semaphore_mem>>) src(%dma_wait3A_268 : memref<8x128xi32, #tpu.memory_space<hbm>>) dst(%dma_wait3A_266 : memref<8x128xi32, #tpu.memory_space<vmem>>)
            %dma_start3A_269 = arith.constant 0 : i32
            %dma_start3A_270 = arith.constant 0 : i32
            %dma_start3A_271 = arith.constant 0 : i32
            %dma_start3A_272 = tpu.memref_slice %arg9[%cond3A_211, %dma_start3A_270, %dma_start3A_271] : memref<2x128x128xf32, #tpu.memory_space<vmem>> -> memref<1x128x128xf32, #tpu.memory_space<vmem>>
            %dma_start3A_273 = tpu.memref_squeeze %dma_start3A_272 : memref<1x128x128xf32, #tpu.memory_space<vmem>> -> memref<128x128xf32, #tpu.memory_space<vmem>>
            %dma_start3A_274 = arith.constant 0 : i32
            %dma_start3A_275 = tpu.memref_slice %arg7[%select_n3A_122, %dma_start3A_269, %dma_start3A_274] : memref<2x8x128xi32, #tpu.memory_space<vmem>> -> memref<1x1x128xi32, #tpu.memory_space<vmem>>
            %dma_start3A_276 = tpu.memref_squeeze %dma_start3A_275 : memref<1x1x128xi32, #tpu.memory_space<vmem>> -> memref<128xi32, #tpu.memory_space<vmem>>
            %dma_start3A_277 = arith.constant 0 : i32
            %dma_start3A_278 = arith.constant 0 : i32
            %dma_start3A_279 = tpu.memref_slice %arg2[%dma_start3A_277, %dma_start3A_278] : memref<10112x128xf32, #tpu.memory_space<hbm>> -> memref<10112x128xf32, #tpu.memory_space<hbm>>
            tpu.enqueue_indirect_dma source(%dma_start3A_279 : memref<10112x128xf32, #tpu.memory_space<hbm>>) target(%dma_start3A_273 : memref<128x128xf32, #tpu.memory_space<vmem>>) offsets(%dma_start3A_276 : memref<128xi32, #tpu.memory_space<vmem>>) semaphore(%arg11 : memref<!tpu.dma_semaphore, #tpu.memory_space<semaphore_mem>>)
          } else {
          }
          %dma_start3A_214 = arith.constant 1 : i32
          %dma_start3A_215 = arith.constant 0 : i32
          %dma_start3A_216 = arith.constant 0 : i32
          %dma_start3A_217 = tpu.memref_slice %arg9[%dma_start3A_214, %dma_start3A_215, %dma_start3A_216] : memref<2x128x128xf32, #tpu.memory_space<vmem>> -> memref<1x128x128xf32, #tpu.memory_space<vmem>>
          %dma_start3A_218 = tpu.memref_squeeze %dma_start3A_217 : memref<1x128x128xf32, #tpu.memory_space<vmem>> -> memref<128x128xf32, #tpu.memory_space<vmem>>
          %dma_start3A_219 = arith.constant 0 : i32
          %dma_start3A_220 = tpu.memref_slice %arg8[%select_n3A_104, %scan3A_129, %dma_start3A_219] : memref<2x8x128xi32, #tpu.memory_space<vmem>> -> memref<1x1x128xi32, #tpu.memory_space<vmem>>
          %dma_start3A_221 = tpu.memref_squeeze %dma_start3A_220 : memref<1x1x128xi32, #tpu.memory_space<vmem>> -> memref<128xi32, #tpu.memory_space<vmem>>
          %dma_start3A_222 = arith.constant 0 : i32
          %dma_start3A_223 = arith.constant 0 : i32
          %dma_start3A_224 = tpu.memref_slice %arg6[%dma_start3A_222, %dma_start3A_223] : memref<10240x128xf32, #tpu.memory_space<vmem_shared>> -> memref<10240x128xf32, #tpu.memory_space<vmem_shared>>
          tpu.enqueue_indirect_dma source(%dma_start3A_218 : memref<128x128xf32, #tpu.memory_space<vmem>>) target(%dma_start3A_224 : memref<10240x128xf32, #tpu.memory_space<vmem_shared>>) offsets(%dma_start3A_221 : memref<128xi32, #tpu.memory_space<vmem>>) semaphore(%arg18 : memref<!tpu.dma_semaphore, #tpu.memory_space<semaphore_mem>>) {add = true}
        } else {
        }
      }
      %scan3A_128 = arith.constant 8 : i32
    }
    %scan3A_35 = arith.constant 10 : i32
    %dma_wait3A = arith.constant 0 : i32
    %dma_wait3A_36 = arith.constant 0 : i32
    %dma_wait3A_37 = arith.constant 7 : i32
    %dma_wait3A_38 = arith.constant 0 : i32
    %dma_wait3A_39 = arith.constant 0 : i32
    %dma_wait3A_40 = tpu.memref_slice %arg9[%dma_wait3A, %dma_wait3A_38, %dma_wait3A_39] : memref<2x128x128xf32, #tpu.memory_space<vmem>> -> memref<1x128x128xf32, #tpu.memory_space<vmem>>
    %dma_wait3A_41 = tpu.memref_squeeze %dma_wait3A_40 : memref<1x128x128xf32, #tpu.memory_space<vmem>> -> memref<128x128xf32, #tpu.memory_space<vmem>>
    %dma_wait3A_42 = arith.constant 0 : i32
    %dma_wait3A_43 = tpu.memref_slice %arg8[%dma_wait3A_36, %dma_wait3A_37, %dma_wait3A_42] : memref<2x8x128xi32, #tpu.memory_space<vmem>> -> memref<1x1x128xi32, #tpu.memory_space<vmem>>
    %dma_wait3A_44 = tpu.memref_squeeze %dma_wait3A_43 : memref<1x1x128xi32, #tpu.memory_space<vmem>> -> memref<128xi32, #tpu.memory_space<vmem>>
    %dma_wait3A_45 = arith.constant 0 : i32
    %dma_wait3A_46 = arith.constant 0 : i32
    %dma_wait3A_47 = tpu.memref_slice %arg6[%dma_wait3A_45, %dma_wait3A_46] : memref<10240x128xf32, #tpu.memory_space<vmem_shared>> -> memref<10240x128xf32, #tpu.memory_space<vmem_shared>>
    tpu.wait_indirect_dma semaphore(%arg17 : memref<!tpu.dma_semaphore, #tpu.memory_space<semaphore_mem>>) src(%dma_wait3A_41 : memref<128x128xf32, #tpu.memory_space<vmem>>) dst(%dma_wait3A_47 : memref<10240x128xf32, #tpu.memory_space<vmem_shared>>)
    %dma_wait3A_48 = arith.constant 1 : i32
    %dma_wait3A_49 = arith.constant 0 : i32
    %dma_wait3A_50 = arith.constant 6 : i32
    %dma_wait3A_51 = arith.constant 0 : i32
    %dma_wait3A_52 = arith.constant 0 : i32
    %dma_wait3A_53 = tpu.memref_slice %arg9[%dma_wait3A_48, %dma_wait3A_51, %dma_wait3A_52] : memref<2x128x128xf32, #tpu.memory_space<vmem>> -> memref<1x128x128xf32, #tpu.memory_space<vmem>>
    %dma_wait3A_54 = tpu.memref_squeeze %dma_wait3A_53 : memref<1x128x128xf32, #tpu.memory_space<vmem>> -> memref<128x128xf32, #tpu.memory_space<vmem>>
    %dma_wait3A_55 = arith.constant 0 : i32
    %dma_wait3A_56 = tpu.memref_slice %arg8[%dma_wait3A_49, %dma_wait3A_50, %dma_wait3A_55] : memref<2x8x128xi32, #tpu.memory_space<vmem>> -> memref<1x1x128xi32, #tpu.memory_space<vmem>>
    %dma_wait3A_57 = tpu.memref_squeeze %dma_wait3A_56 : memref<1x1x128xi32, #tpu.memory_space<vmem>> -> memref<128xi32, #tpu.memory_space<vmem>>
    %dma_wait3A_58 = arith.constant 0 : i32
    %dma_wait3A_59 = arith.constant 0 : i32
    %dma_wait3A_60 = tpu.memref_slice %arg6[%dma_wait3A_58, %dma_wait3A_59] : memref<10240x128xf32, #tpu.memory_space<vmem_shared>> -> memref<10240x128xf32, #tpu.memory_space<vmem_shared>>
    tpu.wait_indirect_dma semaphore(%arg18 : memref<!tpu.dma_semaphore, #tpu.memory_space<semaphore_mem>>) src(%dma_wait3A_54 : memref<128x128xf32, #tpu.memory_space<vmem>>) dst(%dma_wait3A_60 : memref<10240x128xf32, #tpu.memory_space<vmem_shared>>)
    %barrier3A_61 = arith.constant 0 : index
    tpu.barrier barrier_id(%barrier3A_61)
    %add3A_62 = arith.constant 0 : i32
    %add3A_63 = arith.addi %mul3A_0, %add3A_62 : i32
    %lt3A = arith.constant 10112 : i32
    %lt3A_64 = arith.cmpi slt, %add3A_63, %lt3A : i32
    %convert_element_type3A = arith.extui %lt3A_64 : i1 to i32
    %cond3A = arith.constant 0 : i32
    %cond3A_65 = arith.cmpi ne, %convert_element_type3A, %cond3A : i32
    scf.if %cond3A_65 {
      "tpu.region"() ({
        %run_scoped3A_94 = tpu.sem_alloc : memref<!tpu.dma_semaphore, #tpu.memory_space<semaphore_mem>>
        %dma_start3A_95 = arith.constant 0 : i32
        %dma_start3A_96 = tpu.memref_slice %arg5[%arg0, %add3A_63, %dma_start3A_95] : memref<2x10112x128xf32, #tpu.memory_space<hbm>> -> memref<1x128x128xf32, #tpu.memory_space<hbm>>
        %dma_start3A_97 = tpu.memref_squeeze %dma_start3A_96 : memref<1x128x128xf32, #tpu.memory_space<hbm>> -> memref<128x128xf32, #tpu.memory_space<hbm>>
        %dma_start3A_98 = arith.constant 0 : i32
        %dma_start3A_99 = tpu.memref_slice %arg6[%add3A_63, %dma_start3A_98] : memref<10240x128xf32, #tpu.memory_space<vmem_shared>> -> memref<128x128xf32, #tpu.memory_space<vmem_shared>>
        tpu.enqueue_dma source(%dma_start3A_99 : memref<128x128xf32, #tpu.memory_space<vmem_shared>>) target(%dma_start3A_97 : memref<128x128xf32, #tpu.memory_space<hbm>>) target_semaphore(%run_scoped3A_94 : memref<!tpu.dma_semaphore, #tpu.memory_space<semaphore_mem>>)
        %dma_wait3A_100 = arith.constant 0 : i32
        %dma_wait3A_101 = tpu.memref_slice %arg5[%arg0, %add3A_63, %dma_wait3A_100] : memref<2x10112x128xf32, #tpu.memory_space<hbm>> -> memref<1x128x128xf32, #tpu.memory_space<hbm>>
        %dma_wait3A_102 = tpu.memref_squeeze %dma_wait3A_101 : memref<1x128x128xf32, #tpu.memory_space<hbm>> -> memref<128x128xf32, #tpu.memory_space<hbm>>
        %dma_wait3A_103 = arith.constant 0 : i32
        %dma_wait3A_104 = tpu.memref_slice %arg6[%add3A_63, %dma_wait3A_103] : memref<10240x128xf32, #tpu.memory_space<vmem_shared>> -> memref<128x128xf32, #tpu.memory_space<vmem_shared>>
        tpu.wait_dma2 semaphore(%run_scoped3A_94 : memref<!tpu.dma_semaphore, #tpu.memory_space<semaphore_mem>>) src(%dma_wait3A_104 : memref<128x128xf32, #tpu.memory_space<vmem_shared>>) dst(%dma_wait3A_102 : memref<128x128xf32, #tpu.memory_space<hbm>>)
        tpu.yield
      }) : () -> ()
    } else {
    }
    %add3A_66 = arith.constant 128 : i32
    %add3A_67 = arith.addi %mul3A_0, %add3A_66 : i32
    %lt3A_68 = arith.constant 10112 : i32
    %lt3A_69 = arith.cmpi slt, %add3A_67, %lt3A_68 : i32
    %convert_element_type3A_70 = arith.extui %lt3A_69 : i1 to i32
    %cond3A_71 = arith.constant 0 : i32
    %cond3A_72 = arith.cmpi ne, %convert_element_type3A_70, %cond3A_71 : i32
    scf.if %cond3A_72 {
      "tpu.region"() ({
        %run_scoped3A_94 = tpu.sem_alloc : memref<!tpu.dma_semaphore, #tpu.memory_space<semaphore_mem>>
        %dma_start3A_95 = arith.constant 0 : i32
        %dma_start3A_96 = tpu.memref_slice %arg5[%arg0, %add3A_67, %dma_start3A_95] : memref<2x10112x128xf32, #tpu.memory_space<hbm>> -> memref<1x128x128xf32, #tpu.memory_space<hbm>>
        %dma_start3A_97 = tpu.memref_squeeze %dma_start3A_96 : memref<1x128x128xf32, #tpu.memory_space<hbm>> -> memref<128x128xf32, #tpu.memory_space<hbm>>
        %dma_start3A_98 = arith.constant 0 : i32
        %dma_start3A_99 = tpu.memref_slice %arg6[%add3A_67, %dma_start3A_98] : memref<10240x128xf32, #tpu.memory_space<vmem_shared>> -> memref<128x128xf32, #tpu.memory_space<vmem_shared>>
        tpu.enqueue_dma source(%dma_start3A_99 : memref<128x128xf32, #tpu.memory_space<vmem_shared>>) target(%dma_start3A_97 : memref<128x128xf32, #tpu.memory_space<hbm>>) target_semaphore(%run_scoped3A_94 : memref<!tpu.dma_semaphore, #tpu.memory_space<semaphore_mem>>)
        %dma_wait3A_100 = arith.constant 0 : i32
        %dma_wait3A_101 = tpu.memref_slice %arg5[%arg0, %add3A_67, %dma_wait3A_100] : memref<2x10112x128xf32, #tpu.memory_space<hbm>> -> memref<1x128x128xf32, #tpu.memory_space<hbm>>
        %dma_wait3A_102 = tpu.memref_squeeze %dma_wait3A_101 : memref<1x128x128xf32, #tpu.memory_space<hbm>> -> memref<128x128xf32, #tpu.memory_space<hbm>>
        %dma_wait3A_103 = arith.constant 0 : i32
        %dma_wait3A_104 = tpu.memref_slice %arg6[%add3A_67, %dma_wait3A_103] : memref<10240x128xf32, #tpu.memory_space<vmem_shared>> -> memref<128x128xf32, #tpu.memory_space<vmem_shared>>
        tpu.wait_dma2 semaphore(%run_scoped3A_94 : memref<!tpu.dma_semaphore, #tpu.memory_space<semaphore_mem>>) src(%dma_wait3A_104 : memref<128x128xf32, #tpu.memory_space<vmem_shared>>) dst(%dma_wait3A_102 : memref<128x128xf32, #tpu.memory_space<hbm>>)
        tpu.yield
      }) : () -> ()
    } else {
    }
    %add3A_73 = arith.constant 256 : i32
    %add3A_74 = arith.addi %mul3A_0, %add3A_73 : i32
    %lt3A_75 = arith.constant 10112 : i32
    %lt3A_76 = arith.cmpi slt, %add3A_74, %lt3A_75 : i32
    %convert_element_type3A_77 = arith.extui %lt3A_76 : i1 to i32
    %cond3A_78 = arith.constant 0 : i32
    %cond3A_79 = arith.cmpi ne, %convert_element_type3A_77, %cond3A_78 : i32
    scf.if %cond3A_79 {
      "tpu.region"() ({
        %run_scoped3A_94 = tpu.sem_alloc : memref<!tpu.dma_semaphore, #tpu.memory_space<semaphore_mem>>
        %dma_start3A_95 = arith.constant 0 : i32
        %dma_start3A_96 = tpu.memref_slice %arg5[%arg0, %add3A_74, %dma_start3A_95] : memref<2x10112x128xf32, #tpu.memory_space<hbm>> -> memref<1x128x128xf32, #tpu.memory_space<hbm>>
        %dma_start3A_97 = tpu.memref_squeeze %dma_start3A_96 : memref<1x128x128xf32, #tpu.memory_space<hbm>> -> memref<128x128xf32, #tpu.memory_space<hbm>>
        %dma_start3A_98 = arith.constant 0 : i32
        %dma_start3A_99 = tpu.memref_slice %arg6[%add3A_74, %dma_start3A_98] : memref<10240x128xf32, #tpu.memory_space<vmem_shared>> -> memref<128x128xf32, #tpu.memory_space<vmem_shared>>
        tpu.enqueue_dma source(%dma_start3A_99 : memref<128x128xf32, #tpu.memory_space<vmem_shared>>) target(%dma_start3A_97 : memref<128x128xf32, #tpu.memory_space<hbm>>) target_semaphore(%run_scoped3A_94 : memref<!tpu.dma_semaphore, #tpu.memory_space<semaphore_mem>>)
        %dma_wait3A_100 = arith.constant 0 : i32
        %dma_wait3A_101 = tpu.memref_slice %arg5[%arg0, %add3A_74, %dma_wait3A_100] : memref<2x10112x128xf32, #tpu.memory_space<hbm>> -> memref<1x128x128xf32, #tpu.memory_space<hbm>>
        %dma_wait3A_102 = tpu.memref_squeeze %dma_wait3A_101 : memref<1x128x128xf32, #tpu.memory_space<hbm>> -> memref<128x128xf32, #tpu.memory_space<hbm>>
        %dma_wait3A_103 = arith.constant 0 : i32
        %dma_wait3A_104 = tpu.memref_slice %arg6[%add3A_74, %dma_wait3A_103] : memref<10240x128xf32, #tpu.memory_space<vmem_shared>> -> memref<128x128xf32, #tpu.memory_space<vmem_shared>>
        tpu.wait_dma2 semaphore(%run_scoped3A_94 : memref<!tpu.dma_semaphore, #tpu.memory_space<semaphore_mem>>) src(%dma_wait3A_104 : memref<128x128xf32, #tpu.memory_space<vmem_shared>>) dst(%dma_wait3A_102 : memref<128x128xf32, #tpu.memory_space<hbm>>)
        tpu.yield
      }) : () -> ()
    } else {
    }
    %add3A_80 = arith.constant 384 : i32
    %add3A_81 = arith.addi %mul3A_0, %add3A_80 : i32
    %lt3A_82 = arith.constant 10112 : i32
    %lt3A_83 = arith.cmpi slt, %add3A_81, %lt3A_82 : i32
    %convert_element_type3A_84 = arith.extui %lt3A_83 : i1 to i32
    %cond3A_85 = arith.constant 0 : i32
    %cond3A_86 = arith.cmpi ne, %convert_element_type3A_84, %cond3A_85 : i32
    scf.if %cond3A_86 {
      "tpu.region"() ({
        %run_scoped3A_94 = tpu.sem_alloc : memref<!tpu.dma_semaphore, #tpu.memory_space<semaphore_mem>>
        %dma_start3A_95 = arith.constant 0 : i32
        %dma_start3A_96 = tpu.memref_slice %arg5[%arg0, %add3A_81, %dma_start3A_95] : memref<2x10112x128xf32, #tpu.memory_space<hbm>> -> memref<1x128x128xf32, #tpu.memory_space<hbm>>
        %dma_start3A_97 = tpu.memref_squeeze %dma_start3A_96 : memref<1x128x128xf32, #tpu.memory_space<hbm>> -> memref<128x128xf32, #tpu.memory_space<hbm>>
        %dma_start3A_98 = arith.constant 0 : i32
        %dma_start3A_99 = tpu.memref_slice %arg6[%add3A_81, %dma_start3A_98] : memref<10240x128xf32, #tpu.memory_space<vmem_shared>> -> memref<128x128xf32, #tpu.memory_space<vmem_shared>>
        tpu.enqueue_dma source(%dma_start3A_99 : memref<128x128xf32, #tpu.memory_space<vmem_shared>>) target(%dma_start3A_97 : memref<128x128xf32, #tpu.memory_space<hbm>>) target_semaphore(%run_scoped3A_94 : memref<!tpu.dma_semaphore, #tpu.memory_space<semaphore_mem>>)
        %dma_wait3A_100 = arith.constant 0 : i32
        %dma_wait3A_101 = tpu.memref_slice %arg5[%arg0, %add3A_81, %dma_wait3A_100] : memref<2x10112x128xf32, #tpu.memory_space<hbm>> -> memref<1x128x128xf32, #tpu.memory_space<hbm>>
        %dma_wait3A_102 = tpu.memref_squeeze %dma_wait3A_101 : memref<1x128x128xf32, #tpu.memory_space<hbm>> -> memref<128x128xf32, #tpu.memory_space<hbm>>
        %dma_wait3A_103 = arith.constant 0 : i32
        %dma_wait3A_104 = tpu.memref_slice %arg6[%add3A_81, %dma_wait3A_103] : memref<10240x128xf32, #tpu.memory_space<vmem_shared>> -> memref<128x128xf32, #tpu.memory_space<vmem_shared>>
        tpu.wait_dma2 semaphore(%run_scoped3A_94 : memref<!tpu.dma_semaphore, #tpu.memory_space<semaphore_mem>>) src(%dma_wait3A_104 : memref<128x128xf32, #tpu.memory_space<vmem_shared>>) dst(%dma_wait3A_102 : memref<128x128xf32, #tpu.memory_space<hbm>>)
        tpu.yield
      }) : () -> ()
    } else {
    }
    %add3A_87 = arith.constant 512 : i32
    %add3A_88 = arith.addi %mul3A_0, %add3A_87 : i32
    %lt3A_89 = arith.constant 10112 : i32
    %lt3A_90 = arith.cmpi slt, %add3A_88, %lt3A_89 : i32
    %convert_element_type3A_91 = arith.extui %lt3A_90 : i1 to i32
    %cond3A_92 = arith.constant 0 : i32
    %cond3A_93 = arith.cmpi ne, %convert_element_type3A_91, %cond3A_92 : i32
    scf.if %cond3A_93 {
      "tpu.region"() ({
        %run_scoped3A_94 = tpu.sem_alloc : memref<!tpu.dma_semaphore, #tpu.memory_space<semaphore_mem>>
        %dma_start3A_95 = arith.constant 0 : i32
        %dma_start3A_96 = tpu.memref_slice %arg5[%arg0, %add3A_88, %dma_start3A_95] : memref<2x10112x128xf32, #tpu.memory_space<hbm>> -> memref<1x128x128xf32, #tpu.memory_space<hbm>>
        %dma_start3A_97 = tpu.memref_squeeze %dma_start3A_96 : memref<1x128x128xf32, #tpu.memory_space<hbm>> -> memref<128x128xf32, #tpu.memory_space<hbm>>
        %dma_start3A_98 = arith.constant 0 : i32
        %dma_start3A_99 = tpu.memref_slice %arg6[%add3A_88, %dma_start3A_98] : memref<10240x128xf32, #tpu.memory_space<vmem_shared>> -> memref<128x128xf32, #tpu.memory_space<vmem_shared>>
        tpu.enqueue_dma source(%dma_start3A_99 : memref<128x128xf32, #tpu.memory_space<vmem_shared>>) target(%dma_start3A_97 : memref<128x128xf32, #tpu.memory_space<hbm>>) target_semaphore(%run_scoped3A_94 : memref<!tpu.dma_semaphore, #tpu.memory_space<semaphore_mem>>)
        %dma_wait3A_100 = arith.constant 0 : i32
        %dma_wait3A_101 = tpu.memref_slice %arg5[%arg0, %add3A_88, %dma_wait3A_100] : memref<2x10112x128xf32, #tpu.memory_space<hbm>> -> memref<1x128x128xf32, #tpu.memory_space<hbm>>
        %dma_wait3A_102 = tpu.memref_squeeze %dma_wait3A_101 : memref<1x128x128xf32, #tpu.memory_space<hbm>> -> memref<128x128xf32, #tpu.memory_space<hbm>>
        %dma_wait3A_103 = arith.constant 0 : i32
        %dma_wait3A_104 = tpu.memref_slice %arg6[%add3A_88, %dma_wait3A_103] : memref<10240x128xf32, #tpu.memory_space<vmem_shared>> -> memref<128x128xf32, #tpu.memory_space<vmem_shared>>
        tpu.wait_dma2 semaphore(%run_scoped3A_94 : memref<!tpu.dma_semaphore, #tpu.memory_space<semaphore_mem>>) src(%dma_wait3A_104 : memref<128x128xf32, #tpu.memory_space<vmem_shared>>) dst(%dma_wait3A_102 : memref<128x128xf32, #tpu.memory_space<hbm>>)
        tpu.yield
      }) : () -> ()
    } else {
    }
    return
  }
}

module attributes {stable_mosaic.version = 14 : i64} {
  func.func @_mm1_body(%arg0: memref<10112x128xf32, #tpu.memory_space<vmem>>, %arg1: memref<128x128xf32, #tpu.memory_space<vmem>>, %arg2: memref<10112x128xf32, #tpu.memory_space<vmem>>) attributes {dimension_semantics = [], scalar_prefetch = 0 : i64, scratch_operands = 0 : i64, tpu.core_type = #tpu.core_type<tc>} {
    %get3A = arith.constant 0 : index
    %get3A_0 = arith.constant 0 : index
    %get3A_1 = vector.load %arg0[%get3A, %get3A_0] : memref<10112x128xf32, #tpu.memory_space<vmem>>, vector<10112x128xf32>
    %get3A_2 = arith.constant 0 : index
    %get3A_3 = arith.constant 0 : index
    %get3A_4 = vector.load %arg1[%get3A_2, %get3A_3] : memref<128x128xf32, #tpu.memory_space<vmem>>, vector<128x128xf32>
    %dot_general3A = arith.constant dense<0.000000e+00> : vector<10112x128xf32>
    %dot_general3A_5 = tpu.matmul %get3A_1, %get3A_4, %dot_general3A {dimension_numbers = #tpu.dot_dimension_numbers<[1], [0], [0], [1], [0, 0, 1, 1], [], []>, transpose_lhs_hint = false} : vector<10112x128xf32>, vector<128x128xf32>, vector<10112x128xf32> -> vector<10112x128xf32>
    %swap3A = arith.constant 0 : index
    %swap3A_6 = arith.constant 0 : index
    %swap3A_7 = vector.load %arg2[%swap3A, %swap3A_6] : memref<10112x128xf32, #tpu.memory_space<vmem>>, vector<10112x128xf32>
    tpu.vector_store %arg2[%swap3A, %swap3A_6], %dot_general3A_5 {strides = array<i32>} : memref<10112x128xf32, #tpu.memory_space<vmem>>, vector<10112x128xf32>,
    return
  }
}

module attributes {stable_mosaic.version = 14 : i64} {
  func.func @_combine_body(%arg0: memref<2x10112x128xf32, #tpu.memory_space<vmem>>, %arg1: memref<2x10112x1xf32, #tpu.memory_space<vmem>>, %arg2: memref<10112x128xf32, #tpu.memory_space<vmem>>) attributes {dimension_semantics = [], scalar_prefetch = 0 : i64, scratch_operands = 0 : i64, tpu.core_type = #tpu.core_type<tc>} {
    %get3A = arith.constant 0 : index
    %get3A_0 = arith.constant 0 : index
    %get3A_1 = arith.constant 0 : index
    %get3A_2 = vector.load %arg1[%get3A, %get3A_0, %get3A_1] : memref<2x10112x1xf32, #tpu.memory_space<vmem>>, vector<1x10112x1xf32>
    %get3A_3 = vector.shape_cast %get3A_2 : vector<1x10112x1xf32> to vector<10112x1xf32>
    %get3A_4 = arith.constant 1 : index
    %get3A_5 = arith.constant 0 : index
    %get3A_6 = arith.constant 0 : index
    %get3A_7 = vector.load %arg1[%get3A_4, %get3A_5, %get3A_6] : memref<2x10112x1xf32, #tpu.memory_space<vmem>>, vector<1x10112x1xf32>
    %get3A_8 = vector.shape_cast %get3A_7 : vector<1x10112x1xf32> to vector<10112x1xf32>
    %add3A = arith.addf %get3A_3, %get3A_8 : vector<10112x1xf32>
    %gt3A = arith.constant 0.000000e+00 : f32
    %gt3A_9 = vector.broadcast %gt3A : f32 to vector<10112x1xf32>
    %gt3A_10 = arith.cmpf ogt, %add3A, %gt3A_9 : vector<10112x1xf32>
    %div3A = arith.constant 1.000000e+00 : f32
    %div3A_11 = vector.broadcast %div3A : f32 to vector<10112x1xf32>
    %div3A_12 = arith.divf %div3A_11, %add3A : vector<10112x1xf32>
    %jit3A = arith.constant 0.000000e+00 : f32
    %broadcast_in_dim3A = vector.broadcast %jit3A : f32 to vector<10112x1xf32>
    %select_n3A = arith.select %gt3A_10, %div3A_12, %broadcast_in_dim3A : vector<10112x1xi1>, vector<10112x1xf32>
    %get3A_13 = arith.constant 0 : index
    %get3A_14 = arith.constant 0 : index
    %get3A_15 = arith.constant 0 : index
    %get3A_16 = vector.load %arg0[%get3A_13, %get3A_14, %get3A_15] : memref<2x10112x128xf32, #tpu.memory_space<vmem>>, vector<1x10112x128xf32>
    %get3A_17 = vector.shape_cast %get3A_16 : vector<1x10112x128xf32> to vector<10112x128xf32>
    %get3A_18 = arith.constant 1 : index
    %get3A_19 = arith.constant 0 : index
    %get3A_20 = arith.constant 0 : index
    %get3A_21 = vector.load %arg0[%get3A_18, %get3A_19, %get3A_20] : memref<2x10112x128xf32, #tpu.memory_space<vmem>>, vector<1x10112x128xf32>
    %get3A_22 = vector.shape_cast %get3A_21 : vector<1x10112x128xf32> to vector<10112x128xf32>
    %add3A_23 = arith.addf %get3A_17, %get3A_22 : vector<10112x128xf32>
    %mul3A = vector.broadcast %select_n3A : vector<10112x1xf32> to vector<10112x128xf32>
    %mul3A_24 = arith.mulf %mul3A, %add3A_23 : vector<10112x128xf32>
    %swap3A = arith.constant 0 : index
    %swap3A_25 = arith.constant 0 : index
    %swap3A_26 = vector.load %arg2[%swap3A, %swap3A_25] : memref<10112x128xf32, #tpu.memory_space<vmem>>, vector<10112x128xf32>
    tpu.vector_store %arg2[%swap3A, %swap3A_25], %mul3A_24 {strides = array<i32>} : memref<10112x128xf32, #tpu.memory_space<vmem>>, vector<10112x128xf32>,
    return
  }
}

module attributes {stable_mosaic.version = 14 : i64} {
  func.func @_mid_body(%arg0: memref<2x10112x128xf32, #tpu.memory_space<vmem>>, %arg1: memref<2x10112x1xf32, #tpu.memory_space<vmem>>, %arg2: memref<1x128xf32, #tpu.memory_space<vmem>>, %arg3: memref<128x128xf32, #tpu.memory_space<vmem>>, %arg4: memref<10112x128xf32, #tpu.memory_space<vmem>>) attributes {dimension_semantics = [], scalar_prefetch = 0 : i64, scratch_operands = 0 : i64, tpu.core_type = #tpu.core_type<tc>} {
    %get3A = arith.constant 0 : index
    %get3A_0 = arith.constant 0 : index
    %get3A_1 = arith.constant 0 : index
    %get3A_2 = vector.load %arg1[%get3A, %get3A_0, %get3A_1] : memref<2x10112x1xf32, #tpu.memory_space<vmem>>, vector<1x10112x1xf32>
    %get3A_3 = vector.shape_cast %get3A_2 : vector<1x10112x1xf32> to vector<10112x1xf32>
    %get3A_4 = arith.constant 1 : index
    %get3A_5 = arith.constant 0 : index
    %get3A_6 = arith.constant 0 : index
    %get3A_7 = vector.load %arg1[%get3A_4, %get3A_5, %get3A_6] : memref<2x10112x1xf32, #tpu.memory_space<vmem>>, vector<1x10112x1xf32>
    %get3A_8 = vector.shape_cast %get3A_7 : vector<1x10112x1xf32> to vector<10112x1xf32>
    %add3A = arith.addf %get3A_3, %get3A_8 : vector<10112x1xf32>
    %gt3A = arith.constant 0.000000e+00 : f32
    %gt3A_9 = vector.broadcast %gt3A : f32 to vector<10112x1xf32>
    %gt3A_10 = arith.cmpf ogt, %add3A, %gt3A_9 : vector<10112x1xf32>
    %div3A = arith.constant 1.000000e+00 : f32
    %div3A_11 = vector.broadcast %div3A : f32 to vector<10112x1xf32>
    %div3A_12 = arith.divf %div3A_11, %add3A : vector<10112x1xf32>
    %jit3A = arith.constant 0.000000e+00 : f32
    %broadcast_in_dim3A = vector.broadcast %jit3A : f32 to vector<10112x1xf32>
    %select_n3A = arith.select %gt3A_10, %div3A_12, %broadcast_in_dim3A : vector<10112x1xi1>, vector<10112x1xf32>
    %get3A_13 = arith.constant 0 : index
    %get3A_14 = arith.constant 0 : index
    %get3A_15 = arith.constant 0 : index
    %get3A_16 = vector.load %arg0[%get3A_13, %get3A_14, %get3A_15] : memref<2x10112x128xf32, #tpu.memory_space<vmem>>, vector<1x10112x128xf32>
    %get3A_17 = vector.shape_cast %get3A_16 : vector<1x10112x128xf32> to vector<10112x128xf32>
    %get3A_18 = arith.constant 1 : index
    %get3A_19 = arith.constant 0 : index
    %get3A_20 = arith.constant 0 : index
    %get3A_21 = vector.load %arg0[%get3A_18, %get3A_19, %get3A_20] : memref<2x10112x128xf32, #tpu.memory_space<vmem>>, vector<1x10112x128xf32>
    %get3A_22 = vector.shape_cast %get3A_21 : vector<1x10112x128xf32> to vector<10112x128xf32>
    %add3A_23 = arith.addf %get3A_17, %get3A_22 : vector<10112x128xf32>
    %mul3A = vector.broadcast %select_n3A : vector<10112x1xf32> to vector<10112x128xf32>
    %mul3A_24 = arith.mulf %mul3A, %add3A_23 : vector<10112x128xf32>
    %get3A_25 = arith.constant 0 : index
    %get3A_26 = arith.constant 0 : index
    %get3A_27 = vector.load %arg2[%get3A_25, %get3A_26] : memref<1x128xf32, #tpu.memory_space<vmem>>, vector<1x128xf32>
    %add3A_28 = vector.broadcast %get3A_27 : vector<1x128xf32> to vector<10112x128xf32>
    %add3A_29 = arith.addf %mul3A_24, %add3A_28 : vector<10112x128xf32>
    %max3A = arith.constant 0.000000e+00 : f32
    %max3A_30 = vector.broadcast %max3A : f32 to vector<10112x128xf32>
    %max3A_31 = arith.maximumf %add3A_29, %max3A_30 : vector<10112x128xf32>
    %get3A_32 = arith.constant 0 : index
    %get3A_33 = arith.constant 0 : index
    %get3A_34 = vector.load %arg3[%get3A_32, %get3A_33] : memref<128x128xf32, #tpu.memory_space<vmem>>, vector<128x128xf32>
    %dot_general3A = arith.constant dense<0.000000e+00> : vector<10112x128xf32>
    %dot_general3A_35 = tpu.matmul %max3A_31, %get3A_34, %dot_general3A {dimension_numbers = #tpu.dot_dimension_numbers<[1], [0], [0], [1], [0, 0, 1, 1], [], []>, transpose_lhs_hint = false} : vector<10112x128xf32>, vector<128x128xf32>, vector<10112x128xf32> -> vector<10112x128xf32>
    %swap3A = arith.constant 0 : index
    %swap3A_36 = arith.constant 0 : index
    %swap3A_37 = vector.load %arg4[%swap3A, %swap3A_36] : memref<10112x128xf32, #tpu.memory_space<vmem>>, vector<10112x128xf32>
    tpu.vector_store %arg4[%swap3A, %swap3A_36], %dot_general3A_35 {strides = array<i32>} : memref<10112x128xf32, #tpu.memory_space<vmem>>, vector<10112x128xf32>,
    return
  }
}

module attributes {stable_mosaic.version = 14 : i64} {
  func.func @_final_body(%arg0: memref<2x10112x128xf32, #tpu.memory_space<vmem>>, %arg1: memref<2x10112x1xf32, #tpu.memory_space<vmem>>, %arg2: memref<1x128xf32, #tpu.memory_space<vmem>>, %arg3: memref<10112x128xf32, #tpu.memory_space<vmem>>) attributes {dimension_semantics = [], scalar_prefetch = 0 : i64, scratch_operands = 0 : i64, tpu.core_type = #tpu.core_type<tc>} {
    %get3A = arith.constant 0 : index
    %get3A_0 = arith.constant 0 : index
    %get3A_1 = arith.constant 0 : index
    %get3A_2 = vector.load %arg1[%get3A, %get3A_0, %get3A_1] : memref<2x10112x1xf32, #tpu.memory_space<vmem>>, vector<1x10112x1xf32>
    %get3A_3 = vector.shape_cast %get3A_2 : vector<1x10112x1xf32> to vector<10112x1xf32>
    %get3A_4 = arith.constant 1 : index
    %get3A_5 = arith.constant 0 : index
    %get3A_6 = arith.constant 0 : index
    %get3A_7 = vector.load %arg1[%get3A_4, %get3A_5, %get3A_6] : memref<2x10112x1xf32, #tpu.memory_space<vmem>>, vector<1x10112x1xf32>
    %get3A_8 = vector.shape_cast %get3A_7 : vector<1x10112x1xf32> to vector<10112x1xf32>
    %add3A = arith.addf %get3A_3, %get3A_8 : vector<10112x1xf32>
    %gt3A = arith.constant 0.000000e+00 : f32
    %gt3A_9 = vector.broadcast %gt3A : f32 to vector<10112x1xf32>
    %gt3A_10 = arith.cmpf ogt, %add3A, %gt3A_9 : vector<10112x1xf32>
    %div3A = arith.constant 1.000000e+00 : f32
    %div3A_11 = vector.broadcast %div3A : f32 to vector<10112x1xf32>
    %div3A_12 = arith.divf %div3A_11, %add3A : vector<10112x1xf32>
    %jit3A = arith.constant 0.000000e+00 : f32
    %broadcast_in_dim3A = vector.broadcast %jit3A : f32 to vector<10112x1xf32>
    %select_n3A = arith.select %gt3A_10, %div3A_12, %broadcast_in_dim3A : vector<10112x1xi1>, vector<10112x1xf32>
    %get3A_13 = arith.constant 0 : index
    %get3A_14 = arith.constant 0 : index
    %get3A_15 = arith.constant 0 : index
    %get3A_16 = vector.load %arg0[%get3A_13, %get3A_14, %get3A_15] : memref<2x10112x128xf32, #tpu.memory_space<vmem>>, vector<1x10112x128xf32>
    %get3A_17 = vector.shape_cast %get3A_16 : vector<1x10112x128xf32> to vector<10112x128xf32>
    %get3A_18 = arith.constant 1 : index
    %get3A_19 = arith.constant 0 : index
    %get3A_20 = arith.constant 0 : index
    %get3A_21 = vector.load %arg0[%get3A_18, %get3A_19, %get3A_20] : memref<2x10112x128xf32, #tpu.memory_space<vmem>>, vector<1x10112x128xf32>
    %get3A_22 = vector.shape_cast %get3A_21 : vector<1x10112x128xf32> to vector<10112x128xf32>
    %add3A_23 = arith.addf %get3A_17, %get3A_22 : vector<10112x128xf32>
    %mul3A = vector.broadcast %select_n3A : vector<10112x1xf32> to vector<10112x128xf32>
    %mul3A_24 = arith.mulf %mul3A, %add3A_23 : vector<10112x128xf32>
    %get3A_25 = arith.constant 0 : index
    %get3A_26 = arith.constant 0 : index
    %get3A_27 = vector.load %arg2[%get3A_25, %get3A_26] : memref<1x128xf32, #tpu.memory_space<vmem>>, vector<1x128xf32>
    %add3A_28 = vector.broadcast %get3A_27 : vector<1x128xf32> to vector<10112x128xf32>
    %add3A_29 = arith.addf %mul3A_24, %add3A_28 : vector<10112x128xf32>
    %swap3A = arith.constant 0 : index
    %swap3A_30 = arith.constant 0 : index
    %swap3A_31 = vector.load %arg3[%swap3A, %swap3A_30] : memref<10112x128xf32, #tpu.memory_space<vmem>>, vector<10112x128xf32>
    tpu.vector_store %arg3[%swap3A, %swap3A_30], %add3A_29 {strides = array<i32>} : memref<10112x128xf32, #tpu.memory_space<vmem>>, vector<10112x128xf32>,
    return
  }
}

</mosaic_0001>

<sc_bundles>
// kernel: kernel.12.cloned.1.call-start
scs
__scs_entry_jumppad:
0x0: {  	(pc) =	sbr.rel $0x88, $3  }
0x1: {  	(tag) =	ssettag $0x0;
	lr =	simm.s32 $0x1  }
0x2: {  	[smem:$0x3F9B] =	sst lr;
	_ =	strace $0xD0000000  }
0x3: {  	_ = 	snop  }
0x4: {  	_ = 	snop  }
0x5: {  	_ = 	snop  }
0x6: {  	_ = 	snop  }
0x7: {  	_ = 	snop  }
__scs_overlays_trampoline_lowered:
0x8: {  	[smem:$0x3FAA] =	sst s0  }
0x9: {  	[smem:$0x3FAB] =	sst s1  }
0xa: {  	[smem:$0x3FAC] =	sst s2  }
0xb: {  	[smem:$0x3FAD] =	sst s3  }
0xc: {  	[smem:$0x3FAE] =	sst s4  }
0xd: {  	[smem:$0x3FAF] =	sst s5  }
0xe: {  	[smem:$0x3FB0] =	sst s6  }
0xf: {  	[smem:$0x3FB1] =	sst s7  }
0x10: {  	[smem:$0x3FB2] =	sst s8  }
0x11: {  	[smem:$0x3FB3] =	sst s9;
	s0 =	simm.s32 @!p0 $0x0  }
0x12: {  	s1 =	sld [smem:$0x3F99];
	s0 =	simm.s32 @p0 $0x1  }
0x13: {  	[smem:$0x3FB4] =	sst s0;
	s0 =	simm.s32 @!p1 $0x0  }
0x14: {  	s2 =	sld [smem:$0x3F98];
	s0 =	simm.s32 @p1 $0x1  }
0x15: {  	[smem:$0x3FB5] =	sst s0;
	s0 =	simm.s32 @!p2 $0x0  }
0x16: {  	s3 =	sld [smem:$0x3FDB];
	s0 =	simm.s32 @p2 $0x1  }
0x17: {  	s4 =	simm.s32 $0x1BF5;
	[smem:$0x3FB7] =	sst s0  }
0x18: {  	s0 =	sld [smem:$0x3F9A];
	_ =	swait.ge [sflag:s4], $0x0  }
0x19: {  	s7 =	sld [smem:$0x3F9B]  }
0x1a: {  	s8 =	sadd.s32 $0xFFFFE003, lr  }
0x1b: {  	s9 =	sadd.s32 $0xFFFFFEF7, lr;
	s5 =	simm.s32 $0xFFFFFFFF;
	p2 =	slt.u32 s8, $0xFFFFF086  }
0x1c: {  	p1 =	slt.u32 s9, $0xF7A;
	s5 =	simm.s32 @!p2 $0x0  }
0x1d: {  	s5 =	simm.s32 @p1 $0x1;
	p0 =	seq.s32 s7, s2  }
0x1e: {  	s7 =	smul.u32 @!p0 $0xF7A, s2;
	p2 =	seq.s32 @!p0 s5, $0x0  }
0x1f: {  	s9 =	smul.u32 $0xF7A, s1;
	s8 =	simm.s32 @!p0 $0x1BF5;
	p2 =	por !p2, p0  }
0x20: {  	[sflag:s8] =	ssyncset.s32 @!p0 $0xFFFFF086;
	s6 =	sadd.s32 @!p0 s3, s7;
	s7 =	simm.s32 @!p0 $0x108  }
0x21: {  	s3 =	sadd.s32 s3, s9;
	s6 =	sadd.s32 @!p0 $0x88, s6;
	s7 =	simm.s32 @p2 $0x1082  }
0x22: {  	[simem:s7], [sflag:s8] =	dma.local @!p0 [hbm:s6], $0xF7A  }
0x23: {  	s9 =	sor.u32 $0xD0000000, s2;
	s6 =	simm.s32 $0x108;
	_ =	swait.ge @!p0 [sflag:s8], $0x0  }
0x24: {  	s3 =	sadd.s32 $0x88, s3;
	s6 =	simm.s32 @!p1 $0x1082;
	[sflag:s4] =	ssyncset.s32 $0xFFFFF086  }
0x25: {  	[simem:s6], [sflag:s4] =	dma.local [hbm:s3], $0xF7A  }
0x26: {  	[smem:$0x3F9B] =	sst s1;
	(tag) =	ssettag s2;
	_ =	strace s9  }
0x27: {  	s1 =	sld [smem:$0x3FAB]  }
0x28: {  	s2 =	sld [smem:$0x3FAC]  }
0x29: {  	s4 =	sld [smem:$0x3FAE]  }
0x2a: {  	p0 =	seq.s32 s5, $0x0;
	s5 =	sld [smem:$0x3FAF]  }
0x2b: {  	s6 =	sld [smem:$0x3FB0]  }
0x2c: {  	s7 =	sld [smem:$0x3FB1]  }
0x2d: {  	s3 =	simm.s32 $0x108;
	s8 =	sld [smem:$0x3FB2]  }
0x2e: {  	s3 =	simm.s32 @!p0 $0x1082;
	s9 =	sld [smem:$0x3FB3]  }
0x2f: {  	lr =	sadd.s32 s0, s3;
	s0 =	sld [smem:$0x3FAA]  }
0x30: {  	s3 =	sld [smem:$0x3FAD]  }
0x31: {  	[smem:$0x3FB6] =	sst s10  }
0x32: {  	s10 =	sld [smem:$0x3FB4];
	_ =	sdelay $0x3  }
0x33: {  	p0 =	seq.s32 s10, $0x1;
	s10 =	sld [smem:$0x3FB6];
	_ =	sdelay $0x3  }
0x34: {  	[smem:$0x3FB6] =	sst s10  }
0x35: {  	s10 =	sld [smem:$0x3FB5];
	_ =	sdelay $0x3  }
0x36: {  	p1 =	seq.s32 s10, $0x1;
	s10 =	sld [smem:$0x3FB6];
	_ =	sdelay $0x3  }
0x37: {  	[smem:$0x3FB6] =	sst s10  }
0x38: {  	s10 =	sld [smem:$0x3FB7]  }
0x39: {  	_ = 	snop;
	(pc) =	sbr.ind lr, $3  }
0x3a: {  	_ = 	snop  }
0x3b: {  	_ = 	snop  }
0x3c: {  	p2 =	seq.s32 s10, $0x1;
	s10 =	sld [smem:$0x3FB6]  }
0x3d: {  	_ =	shalt  }
0x3e: {  	_ =	shalt  }
0x3f: {  	_ =	shalt  }
0x40: {  	_ =	shalt  }
0x41: {  	_ =	shalt  }
0x42: {  	_ =	shalt  }
0x43: {  	_ =	shalt  }
0x44: {  	_ =	shalt  }
0x45: {  	_ =	shalt  }
0x46: {  	_ =	shalt  }
0x47: {  	_ =	shalt  }
0x48: {  	_ =	shalt  }
0x49: {  	_ =	shalt  }
0x4a: {  	_ =	shalt  }
0x4b: {  	_ =	shalt  }
0x4c: {  	_ =	shalt  }
0x4d: {  	_ =	shalt  }
0x4e: {  	_ =	shalt  }
0x4f: {  	_ =	shalt  }
0x50: {  	_ =	shalt  }
0x51: {  	_ =	shalt  }
0x52: {  	_ =	shalt  }
0x53: {  	_ =	shalt  }
0x54: {  	_ =	shalt  }
0x55: {  	_ =	shalt  }
0x56: {  	_ =	shalt  }
0x57: {  	_ =	shalt  }
0x58: {  	_ =	shalt  }
0x59: {  	_ =	shalt  }
0x5a: {  	_ =	shalt  }
0x5b: {  	_ =	shalt  }
0x5c: {  	_ =	shalt  }
0x5d: {  	_ =	shalt  }
0x5e: {  	_ =	shalt  }
0x5f: {  	_ =	shalt  }
0x60: {  	_ =	shalt  }
0x61: {  	_ =	shalt  }
0x62: {  	_ =	shalt  }
0x63: {  	_ =	shalt  }
0x64: {  	_ =	shalt  }
0x65: {  	_ =	shalt  }
0x66: {  	_ =	shalt  }
0x67: {  	_ =	shalt  }
0x68: {  	_ =	shalt  }
0x69: {  	_ =	shalt  }
0x6a: {  	_ =	shalt  }
0x6b: {  	_ =	shalt  }
0x6c: {  	_ =	shalt  }
0x6d: {  	_ =	shalt  }
0x6e: {  	_ =	shalt  }
0x6f: {  	_ =	shalt  }
0x70: {  	_ =	shalt  }
0x71: {  	_ =	shalt  }
0x72: {  	_ =	shalt  }
0x73: {  	_ =	shalt  }
0x74: {  	_ =	shalt  }
0x75: {  	_ =	shalt  }
0x76: {  	_ =	shalt  }
0x77: {  	_ =	shalt  }
0x78: {  	_ =	shalt  }
0x79: {  	_ =	shalt  }
0x7a: {  	_ =	shalt  }
0x7b: {  	_ =	shalt  }
0x7c: {  	_ =	shalt  }
0x7d: {  	_ =	shalt  }
0x7e: {  	_ =	shalt  }
0x7f: {  	_ =	shalt  }
0x80: {  	_ =	shalt  }
0x81: {  	_ =	shalt  }
0x82: {  	_ =	shalt  }
0x83: {  	_ =	shalt  }
0x84: {  	_ =	shalt  }
0x85: {  	_ =	shalt  }
0x86: {  	_ =	shalt  }
0x87: {  	_ =	shalt  }
.Lfunc_end0:
.L_simem_size_0:
called_computation_lowered:
.L_overlay_start_0:
0x88: {  	s2 =	sld [smem:$0x3FD9]  }
0x89: {  	s3 =	sld [smem:$0x3FFE];
	_ =	sdelay $0x1  }
0x8a: {  	s1 =	srdreg.scid  }
0x8b: {  	s0 =	sand.u32 $0x1, s1  }
0x8c: {  	s17 =	sshll.u32 s0, $0xA;
	s2 =	sadd.s32 s3, s2  }
0x8d: {  	s2 =	sadd.s32 s2, s17  }
0x8e: {  	[smem:$0x3FC2] =	sst s2  }
0x8f: {  	_ = 	snop  }
0x90: {  	s2 =	sld [smem:$0x3FD0];
	(tm) =	ssettm $0x1  }
0x91: {  	s18 =	sld [smem:$0x3FFB];
	_ =	sdelay $0x3  }
0x92: {  	_ =	strace s18  }
0x93: {  	s3 =	sld [smem:$0x3FFC];
	_ =	sdelay $0x3  }
0x94: {  	_ =	strace s3  }
0x95: {  	s3 =	sld [smem:$0x3FFD];
	_ =	sdelay $0x3  }
0x96: {  	_ =	strace s3  }
0x97: {  	_ =	strace $0x8FFFFFFF  }
0x98: {  	s19 =	sld [smem:$0x3FDB];
	_ =	sdelay $0x1  }
0x99: {  	s4 =	simm.s32 $_scs_section_size  }
0x9a: {  	s5 =	simm.s32 $_size__tile_overlayer_lowered;
	s6 =	simm.s32 $_tile_overlayer_lowered  }
0x9b: {  	s22 =	simm.s32 $0x1BFF;
	s21 =	sshll.u32 s6, $0x1;
	s3 =	sadd.s32 s4, s19  }
0x9c: {  	s7 =	simm.s32 $0x0;
	s20 =	sshll.u32 s5, $0x1;
	s5 =	sadd.s32 s21, s3  }
0x9d: {  	[timem:s7], [sflag:s22] =	dma.local [hbm:s5], s20  }
0x9e: {  	_ =	swait.ge [sflag:s22], s20  }
0x9f: {  	s4 =	ssub.s32 $0x0, s20;
	[sflag:s22] =	ssyncset.done $0x0  }
0xa0: {  	[sflag:s22] =	ssyncadd.s32 s4;
	_ =	sdelay $0x1  }
0xa1: {  	s23 =	simm.s32 $0x1B8B  }
0xa2: {  	_ =	swait.ge [sflag:s23], $0x1  }
0xa3: {  	[sflag:s23] =	ssyncset.done $0x0  }
0xa4: {  	s25 =	simm.s32 $0x1B8E;
	s24 =	sld [smem:$0x3FFE];
	[sflag:s23] =	ssyncadd.s32 $0xFFFFFFFF  }
0xa5: {  	s26 =	simm.s32 $execute0_lowered;
	[smem:$0x3FD2] =	sst s25  }
0xa6: {  	s5 =	sshll.u32 s26, $0x1;
	_ =	strace $0x80000046;
	[dreg:$0x1] =	wrdreg $0xFFFFFFFF  }
0xa7: {  	s28 =	simm.s32 $_size_execute0_lowered;
	s3 =	sadd.s32 s3, s5;
	[dreg:$0x0] =	wrdreg $0x0  }
0xa8: {  	s5 =	sshll.u32 s28, $0x1;
	[dreg:$0x2] =	wrdreg s3  }
0xa9: {  	[dreg:$0x3] =	wrdreg s5  }
0xaa: {  	[dreg:$0x4] =	wrdreg $0xC0  }
0xab: {  	_ =	task [dreg:s7], $0x5FFFF  }
0xac: {  	[dreg:$0x1] =	wrdreg $0xFFFFFFFF  }
0xad: {  	[dreg:$0x0] =	wrdreg $0x60  }
0xae: {  	[dreg:$0x2] =	wrdreg s24  }
0xaf: {  	[dreg:$0x3] =	wrdreg s2  }
0xb0: {  	[dreg:$0x4] =	wrdreg $0x0  }
0xb1: {  	[dreg:$0x5] =	wrdreg $0x2800  }
0xb2: {  	[dreg:$0x6] =	wrdreg $0x9  }
0xb3: {  	_ =	task.clear_ibuf [dreg:s7], $0x7FFFF;
	_ =	strace $0x90000046  }
0xb4: {  	s29 =	simm.s32 $0x9;
	_ =	strace $0x80000048  }
0xb5: {  	_ =	swait.ge [sflag:s29], $0x1  }
0xb6: {  	[sflag:s29] =	ssyncadd.s32 $0xFFFFFFFF  }
0xb7: {  	_ =	strace $0x90000048  }
0xb8: {  	_ =	sfence  }
0xb9: {  	s30 =	sld [smem:$0x0];
	_ =	sdelay $0x2  }
0xba: {  	s31 =	sshll.u32 s1, $0xD;
	s1 =	sshrl.u32 s1, $0x2  }
0xbb: {  	s3 =	sand.u32 $0x4000, s31;
	s1 =	sadd.s32 s1, s30  }
0xbc: {  	s0 =	sor.u32 s3, s0;
	s1 =	sshll.u32 s1, $0x11  }
0xbd: {  	s0 =	sor.u32 s1, s0  }
0xbe: {  	s0 =	sadd.s32 $0x8F2B, s0  }
0xbf: {  	[sflag:s0] =	ssyncadd.remote.s32 $0x1  }
0xc0: {  	_ =	sfence.sel $0xFFFF  }
0xc1: {  	[dreg:$0x0] =	wrdreg $0xFFFFFFFF;
	(pc) =	sbr.abs _section_cstart, $3  }
0xc2: {  	[dreg:$0x1] =	wrdreg $0xFFFFFFFF  }
0xc3: {  	_ =	task.clear_ibuf [dreg:s7], $0x2FFFF;
	_ =	strace $0x9FFFFFFF  }
0xc4: {  	(tm) =	ssettm $0x7FFFFFFF  }
0xc5: {  	_ =	shalt  }
tec
execute0_lowered:
.L_overlay_start_1:
0x0: {  	(tag) =	ssettag $0x1  }
0x1: {  	s0 =	rddreg [dreg:$0x0]  }
0x2: {  	s1 =	rddreg [dreg:$0x1]  }
0x3: {  	s2 =	rddreg [dreg:$0x2]  }
0x4: {  	s3 =	rddreg [dreg:$0x3];
	s5 =	srdreg.scid  }
0x5: {  	s9 =	stileid.u32;
	s4 =	simm.s32 $0x0;
	s13 =	simm.s32 $0x1  }
0x6: {  	s14 =	simm.s32 $0x500;
	s15 =	simm.s32 $0x900;
	s16 =	simm.s32 $0x80  }
0x7: {  	s17 =	simm.s32 $0xD00;
	s18 =	simm.s32 $0x580;
	s19 =	simm.s32 $0x980  }
0x8: {  	s20 =	simm.s32 $0x600;
	s28 =	simm.s32 $0xB80;
	s29 =	simm.s32 $0x800  }
0x9: {  	s30 =	simm.s32 $0xC00;
	s31 =	simm.s32 $0x880;
	s12 =	simm.s32 $0x10  }
0xa: {  	s5 =	sand.u32 $0x1, s5;
	s7 =	smul.u32 $0x500, s9;
	[smem:$0x7FF] =	sst s4  }
0xb: {  	s9 =	smul.u32 $0x280, s9;
	s6 =	sshll.u32 s5, $0x7;
	_ =	strace $0x80000047  }
0xc: {  	s8 =	smul.u32 $0x5000, s5;
	s5 =	ssub.s32 $0x2, s5;
	s6 =	sor.u32 s6, s7  }
0xd: {  	s21 =	sshrl.u32 s5, $0x1;
	s22 =	sadd.s32 s9, s2;
	s9 =	sadd.s32 s9, s3  }
0xe: {  	s6 =	sshrl.u32 s6, $0x3;
	s11 =	sadd.s32 s8, s0;
	s10 =	ssub.s32 s5, s21  }
0xf: {  	s24 =	sadd.s32 s8, s1;
	s21 =	simm.s32 $0xA00;
	s5 =	simm.s32 $0x0  }
0x10: {  	[dreg:$0x5] =	wrdreg s9;
	s0 =	sadd.s32 s6, s0;
	s25 =	smax.u32 s10, $0x1  }
0x11: {  	s10 =	sadd.s32 s7, s24;
	s26 =	sadd.s32 s7, s11;
	s7 =	smov.u32 s22  }
0x12: {  	s22 =	simm.s32 $0x680;
	s24 =	simm.s32 $0x700;
	s23 =	sadd.s32 $0xDE00, s0  }
0x13: {  	s0 =	sadd.s32 $0xD400, s0;
	[dreg:$0x8] =	wrdreg s25;
	s11 =	sadd.s32 $0x3400, s26  }
0x14: {  	s25 =	simm.s32 $0xB00;
	s26 =	simm.s32 $0x780;
	[dreg:$0x6] =	wrdreg s23  }
0x15: {  	v0 =	vimm.f32 $1.000000000e+00;
	v1 =	vimm.f32 $0.0e+00;
	[dreg:$0x7] =	wrdreg s0;
	s23 =	simm.s32 $0xA80;
	s0 =	simm.s32 $0xC80  }
.LBB2_1:
0x16: {  	[tilespmem:$0xD00] =	vst v0  }
0x17: {  	[tilespmem:$0xD10] =	vst v0  }
0x18: {  	[tilespmem:$0xD20] =	vst v0  }
0x19: {  	[tilespmem:$0xD30] =	vst v0  }
0x1a: {  	[tilespmem:$0xD40] =	vst v0  }
0x1b: {  	[tilespmem:$0xD50] =	vst v0  }
0x1c: {  	[tilespmem:$0xD60] =	vst v0  }
0x1d: {  	[tilespmem:$0xD70] =	vst v0  }
0x1e: {  	[tilespmem:$0xD80] =	vst v1  }
0x1f: {  	[tilespmem:$0xD90] =	vst v1  }
0x20: {  	[tilespmem:$0xDA0] =	vst v1  }
0x21: {  	[tilespmem:$0xDB0] =	vst v1  }
0x22: {  	[tilespmem:$0xDC0] =	vst v1  }
0x23: {  	[tilespmem:$0xDD0] =	vst v1  }
0x24: {  	[tilespmem:$0xDE0] =	vst v1  }
0x25: {  	[tilespmem:$0xDF0] =	vst v1  }
0x26: {  	[tilespmem:$0xE00] =	vst v1  }
0x27: {  	[tilespmem:$0xE10] =	vst v1  }
0x28: {  	[tilespmem:$0xE20] =	vst v1  }
0x29: {  	[tilespmem:$0xE30] =	vst v1  }
0x2a: {  	[tilespmem:$0xE40] =	vst v1  }
0x2b: {  	[tilespmem:$0xE50] =	vst v1  }
0x2c: {  	[tilespmem:$0xE60] =	vst v1  }
0x2d: {  	[tilespmem:$0xE70] =	vst v1  }
0x2e: {  	[tilespmem:$0xE80] =	vst v1  }
0x2f: {  	[tilespmem:$0xE90] =	vst v1  }
0x30: {  	[tilespmem:$0xEA0] =	vst v1  }
0x31: {  	[tilespmem:$0xEB0] =	vst v1  }
0x32: {  	[tilespmem:$0xEC0] =	vst v1  }
0x33: {  	[tilespmem:$0xED0] =	vst v1  }
0x34: {  	[tilespmem:$0xEE0] =	vst v1  }
0x35: {  	[tilespmem:$0xEF0] =	vst v1  }
0x36: {  	[tilespmem:$0xF00] =	vst v1  }
0x37: {  	[tilespmem:$0xF10] =	vst v1  }
0x38: {  	[tilespmem:$0xF20] =	vst v1  }
0x39: {  	[tilespmem:$0xF30] =	vst v1  }
0x3a: {  	[tilespmem:$0xF40] =	vst v1  }
0x3b: {  	[tilespmem:$0xF50] =	vst v1  }
0x3c: {  	[tilespmem:$0xF60] =	vst v1  }
0x3d: {  	[tilespmem:$0xF70] =	vst v1  }
0x3e: {  	[tilespmem:$0xF80] =	vst v1  }
0x3f: {  	[tilespmem:$0xF90] =	vst v1  }
0x40: {  	[tilespmem:$0xFA0] =	vst v1  }
0x41: {  	[tilespmem:$0xFB0] =	vst v1  }
0x42: {  	[tilespmem:$0xFC0] =	vst v1  }
0x43: {  	[tilespmem:$0xFD0] =	vst v1  }
0x44: {  	[tilespmem:$0xFE0] =	vst v1  }
0x45: {  	[dreg:$0x9] =	wrdreg s5;
	[tilespmem:$0xFF0] =	vst v1;
	s1 =	simm.s32 $0xD80  }
0x46: {  	[spmem:s7] =	stream.linear.scatter [tilespmem:s1], [sflag:$0x1], $0x280, $0x38;
	[tilespmem:$0x1000] =	vst v63  }
0x47: {  	_ =	swait.ge [sflag:s13], $0x280  }
0x48: {  	[sflag:s13] =	ssyncset.done $0x0  }
0x49: {  	[sflag:s13] =	ssyncadd.s32 $0xFFFFFD80  }
0x4a: {  	[spmem:s9] =	stream.linear.scatter [tilespmem:s1], [sflag:$0x1], $0x280, $0x38;
	[tilespmem:$0x1000] =	vst v63  }
0x4b: {  	_ =	swait.ge [sflag:s13], $0x280  }
0x4c: {  	[sflag:s13] =	ssyncset.done $0x0  }
0x4d: {  	[sflag:s13] =	ssyncadd.s32 $0xFFFFFD80  }
0x4e: {  	s8 =	sadd.s32 $0x0, s11;
	[bflag:$0x0] =	sbarrier.arrive $0xFFFF  }
0x4f: {  	[tilespmem:s14], [sflag:$0x1] =	stream.linear.gather [hbm4b:s8+s4], $0x400, $0x38;
	[tilespmem:$0x1000] =	vst v63  }
0x50: {  	_ =	swait.ge [sflag:s13], $0x400  }
0x51: {  	[sflag:s13] =	ssyncset.done $0x0  }
0x52: {  	s9 =	sadd.s32 $0x0, s10;
	[sflag:s13] =	ssyncadd.s32 $0xFFFFFC00  }
0x53: {  	[tilespmem:s15], [sflag:$0x1] =	stream.linear.gather [hbm4b:s9+s4], $0x400, $0x38;
	[tilespmem:$0x1000] =	vst v63  }
0x54: {  	_ =	swait.ge [sflag:s13], $0x400  }
0x55: {  	[sflag:s13] =	ssyncset.done $0x0  }
0x56: {  	[sflag:s13] =	ssyncadd.s32 $0xFFFFFC00  }
0x57: {  	[spmem:s2] =	stream.indirect.scatter.add.f32 [tilespmem:s17], [sflag:$0x1], $0x1, s14, s16, $0xb8;
	[tilespmem:$0x1000] =	vst v63  }
0x58: {  	_ =	swait.ge [sflag:s13], $0x80  }
0x59: {  	[sflag:s13] =	ssyncset.done $0x0  }
0x5a: {  	[sflag:s13] =	ssyncadd.s32 $0xFFFFFF80  }
0x5b: {  	[spmem:s3] =	stream.indirect.scatter.add.f32 [tilespmem:s17], [sflag:$0x1], $0x1, s15, s16, $0xb8;
	[tilespmem:$0x1000] =	vst v63  }
0x5c: {  	_ =	swait.ge [sflag:s13], $0x80  }
0x5d: {  	[sflag:s13] =	ssyncset.done $0x0  }
0x5e: {  	[sflag:s13] =	ssyncadd.s32 $0xFFFFFF80  }
0x5f: {  	[spmem:s2] =	stream.indirect.scatter.add.f32 [tilespmem:s17], [sflag:$0x1], $0x1, s18, s16, $0xb8;
	[tilespmem:$0x1000] =	vst v63  }
0x60: {  	_ =	swait.ge [sflag:s13], $0x80  }
0x61: {  	[sflag:s13] =	ssyncset.done $0x0  }
0x62: {  	[sflag:s13] =	ssyncadd.s32 $0xFFFFFF80  }
0x63: {  	[spmem:s3] =	stream.indirect.scatter.add.f32 [tilespmem:s17], [sflag:$0x1], $0x1, s19, s16, $0xb8;
	[tilespmem:$0x1000] =	vst v63  }
0x64: {  	_ =	swait.ge [sflag:s13], $0x80  }
0x65: {  	[sflag:s13] =	ssyncset.done $0x0  }
0x66: {  	[sflag:s13] =	ssyncadd.s32 $0xFFFFFF80  }
0x67: {  	[spmem:s2] =	stream.indirect.scatter.add.f32 [tilespmem:s17], [sflag:$0x1], $0x1, s20, s16, $0xb8;
	[tilespmem:$0x1000] =	vst v63  }
0x68: {  	_ =	swait.ge [sflag:s13], $0x80  }
0x69: {  	[sflag:s13] =	ssyncset.done $0x0  }
0x6a: {  	[sflag:s13] =	ssyncadd.s32 $0xFFFFFF80  }
0x6b: {  	[spmem:s3] =	stream.indirect.scatter.add.f32 [tilespmem:s17], [sflag:$0x1], $0x1, s21, s16, $0xb8;
	[tilespmem:$0x1000] =	vst v63  }
0x6c: {  	_ =	swait.ge [sflag:s13], $0x80  }
0x6d: {  	[sflag:s13] =	ssyncset.done $0x0  }
0x6e: {  	[sflag:s13] =	ssyncadd.s32 $0xFFFFFF80  }
0x6f: {  	[spmem:s2] =	stream.indirect.scatter.add.f32 [tilespmem:s17], [sflag:$0x1], $0x1, s22, s16, $0xb8;
	[tilespmem:$0x1000] =	vst v63  }
0x70: {  	_ =	swait.ge [sflag:s13], $0x80  }
0x71: {  	[sflag:s13] =	ssyncset.done $0x0  }
0x72: {  	[sflag:s13] =	ssyncadd.s32 $0xFFFFFF80  }
0x73: {  	[spmem:s3] =	stream.indirect.scatter.add.f32 [tilespmem:s17], [sflag:$0x1], $0x1, s23, s16, $0xb8;
	[tilespmem:$0x1000] =	vst v63  }
0x74: {  	_ =	swait.ge [sflag:s13], $0x80  }
0x75: {  	[sflag:s13] =	ssyncset.done $0x0  }
0x76: {  	[sflag:s13] =	ssyncadd.s32 $0xFFFFFF80  }
0x77: {  	[spmem:s2] =	stream.indirect.scatter.add.f32 [tilespmem:s17], [sflag:$0x1], $0x1, s24, s16, $0xb8;
	[tilespmem:$0x1000] =	vst v63  }
0x78: {  	_ =	swait.ge [sflag:s13], $0x80  }
0x79: {  	[sflag:s13] =	ssyncset.done $0x0  }
0x7a: {  	[sflag:s13] =	ssyncadd.s32 $0xFFFFFF80  }
0x7b: {  	[spmem:s3] =	stream.indirect.scatter.add.f32 [tilespmem:s17], [sflag:$0x1], $0x1, s25, s16, $0xb8;
	[tilespmem:$0x1000] =	vst v63  }
0x7c: {  	_ =	swait.ge [sflag:s13], $0x80  }
0x7d: {  	[sflag:s13] =	ssyncset.done $0x0  }
0x7e: {  	[sflag:s13] =	ssyncadd.s32 $0xFFFFFF80  }
0x7f: {  	[spmem:s2] =	stream.indirect.scatter.add.f32 [tilespmem:s17], [sflag:$0x1], $0x1, s26, s16, $0xb8;
	[tilespmem:$0x1000] =	vst v63  }
0x80: {  	_ =	swait.ge [sflag:s13], $0x80  }
0x81: {  	[sflag:s13] =	ssyncset.done $0x0  }
0x82: {  	[sflag:s13] =	ssyncadd.s32 $0xFFFFFF80  }
0x83: {  	[spmem:s3] =	stream.indirect.scatter.add.f32 [tilespmem:s17], [sflag:$0x1], $0x1, s28, s16, $0xb8;
	[tilespmem:$0x1000] =	vst v63  }
0x84: {  	_ =	swait.ge [sflag:s13], $0x80  }
0x85: {  	[sflag:s13] =	ssyncset.done $0x0  }
0x86: {  	[sflag:s13] =	ssyncadd.s32 $0xFFFFFF80  }
0x87: {  	[spmem:s2] =	stream.indirect.scatter.add.f32 [tilespmem:s17], [sflag:$0x1], $0x1, s29, s16, $0xb8;
	[tilespmem:$0x1000] =	vst v63  }
0x88: {  	_ =	swait.ge [sflag:s13], $0x80  }
0x89: {  	[sflag:s13] =	ssyncset.done $0x0  }
0x8a: {  	[sflag:s13] =	ssyncadd.s32 $0xFFFFFF80  }
0x8b: {  	[spmem:s3] =	stream.indirect.scatter.add.f32 [tilespmem:s17], [sflag:$0x1], $0x1, s30, s16, $0xb8;
	[tilespmem:$0x1000] =	vst v63  }
0x8c: {  	_ =	swait.ge [sflag:s13], $0x80  }
0x8d: {  	[sflag:s13] =	ssyncset.done $0x0  }
0x8e: {  	[sflag:s13] =	ssyncadd.s32 $0xFFFFFF80  }
0x8f: {  	[spmem:s2] =	stream.indirect.scatter.add.f32 [tilespmem:s17], [sflag:$0x1], $0x1, s31, s16, $0xb8;
	[tilespmem:$0x1000] =	vst v63  }
0x90: {  	_ =	swait.ge [sflag:s13], $0x80  }
0x91: {  	[sflag:s13] =	ssyncset.done $0x0  }
0x92: {  	[sflag:s13] =	ssyncadd.s32 $0xFFFFFF80  }
0x93: {  	[spmem:s3] =	stream.indirect.scatter.add.f32 [tilespmem:s17], [sflag:$0x1], $0x1, s0, s16, $0xb8;
	[tilespmem:$0x1000] =	vst v63  }
0x94: {  	s6 =	smov.u32 s7;
	_ =	swait.ge [sflag:s13], $0x80  }
0x95: {  	s8 =	simm.s32 $0x80;
	s9 =	simm.s32 $0x100;
	[sflag:s13] =	ssyncset.done $0x0  }
.LBB2_2:
0x96: {  	s7 =	sadd.s32 s8, s11  }
0x97: {  	[sflag:s13] =	ssyncadd.s32 $0xFFFFFF80;
	s5 =	smov.u32 s9;
	s1 =	sadd.s32 $0x80, s9  }
0x98: {  	[tilespmem:s14], [sflag:$0x1] =	stream.linear.gather [hbm4b:s7+s4], $0x400, $0x38;
	[tilespmem:$0x1000] =	vst v63  }
0x99: {  	p0 =	sne.s32 s9, $0x480;
	_ =	swait.ge [sflag:s13], $0x400  }
0x9a: {  	[sflag:s13] =	ssyncset.done $0x0  }
0x9b: {  	s7 =	sadd.s32 s8, s10;
	s8 =	smov.u32 s5;
	[sflag:s13] =	ssyncadd.s32 $0xFFFFFC00  }
0x9c: {  	[tilespmem:s15], [sflag:$0x1] =	stream.linear.gather [hbm4b:s7+s4], $0x400, $0x38;
	[tilespmem:$0x1000] =	vst v63  }
0x9d: {  	_ =	swait.ge [sflag:s13], $0x400  }
0x9e: {  	[sflag:s13] =	ssyncset.done $0x0  }
0x9f: {  	[sflag:s13] =	ssyncadd.s32 $0xFFFFFC00  }
0xa0: {  	[spmem:s2] =	stream.indirect.scatter.add.f32 [tilespmem:s17], [sflag:$0x1], $0x1, s14, s16, $0xb8;
	[tilespmem:$0x1000] =	vst v63  }
0xa1: {  	_ =	swait.ge [sflag:s13], $0x80  }
0xa2: {  	[sflag:s13] =	ssyncset.done $0x0  }
0xa3: {  	[sflag:s13] =	ssyncadd.s32 $0xFFFFFF80  }
0xa4: {  	[spmem:s3] =	stream.indirect.scatter.add.f32 [tilespmem:s17], [sflag:$0x1], $0x1, s15, s16, $0xb8;
	[tilespmem:$0x1000] =	vst v63  }
0xa5: {  	_ =	swait.ge [sflag:s13], $0x80  }
0xa6: {  	[sflag:s13] =	ssyncset.done $0x0  }
0xa7: {  	[sflag:s13] =	ssyncadd.s32 $0xFFFFFF80  }
0xa8: {  	[spmem:s2] =	stream.indirect.scatter.add.f32 [tilespmem:s17], [sflag:$0x1], $0x1, s18, s16, $0xb8;
	[tilespmem:$0x1000] =	vst v63  }
0xa9: {  	_ =	swait.ge [sflag:s13], $0x80  }
0xaa: {  	[sflag:s13] =	ssyncset.done $0x0  }
0xab: {  	[sflag:s13] =	ssyncadd.s32 $0xFFFFFF80  }
0xac: {  	[spmem:s3] =	stream.indirect.scatter.add.f32 [tilespmem:s17], [sflag:$0x1], $0x1, s19, s16, $0xb8;
	[tilespmem:$0x1000] =	vst v63  }
0xad: {  	_ =	swait.ge [sflag:s13], $0x80  }
0xae: {  	[sflag:s13] =	ssyncset.done $0x0  }
0xaf: {  	[sflag:s13] =	ssyncadd.s32 $0xFFFFFF80  }
0xb0: {  	[spmem:s2] =	stream.indirect.scatter.add.f32 [tilespmem:s17], [sflag:$0x1], $0x1, s20, s16, $0xb8;
	[tilespmem:$0x1000] =	vst v63  }
0xb1: {  	_ =	swait.ge [sflag:s13], $0x80  }
0xb2: {  	[sflag:s13] =	ssyncset.done $0x0  }
0xb3: {  	[sflag:s13] =	ssyncadd.s32 $0xFFFFFF80  }
0xb4: {  	[spmem:s3] =	stream.indirect.scatter.add.f32 [tilespmem:s17], [sflag:$0x1], $0x1, s21, s16, $0xb8;
	[tilespmem:$0x1000] =	vst v63  }
0xb5: {  	_ =	swait.ge [sflag:s13], $0x80  }
0xb6: {  	[sflag:s13] =	ssyncset.done $0x0  }
0xb7: {  	[sflag:s13] =	ssyncadd.s32 $0xFFFFFF80  }
0xb8: {  	[spmem:s2] =	stream.indirect.scatter.add.f32 [tilespmem:s17], [sflag:$0x1], $0x1, s22, s16, $0xb8;
	[tilespmem:$0x1000] =	vst v63  }
0xb9: {  	_ =	swait.ge [sflag:s13], $0x80  }
0xba: {  	[sflag:s13] =	ssyncset.done $0x0  }
0xbb: {  	[sflag:s13] =	ssyncadd.s32 $0xFFFFFF80  }
0xbc: {  	[spmem:s3] =	stream.indirect.scatter.add.f32 [tilespmem:s17], [sflag:$0x1], $0x1, s23, s16, $0xb8;
	[tilespmem:$0x1000] =	vst v63  }
0xbd: {  	_ =	swait.ge [sflag:s13], $0x80  }
0xbe: {  	[sflag:s13] =	ssyncset.done $0x0  }
0xbf: {  	[sflag:s13] =	ssyncadd.s32 $0xFFFFFF80  }
0xc0: {  	[spmem:s2] =	stream.indirect.scatter.add.f32 [tilespmem:s17], [sflag:$0x1], $0x1, s24, s16, $0xb8;
	[tilespmem:$0x1000] =	vst v63  }
0xc1: {  	_ =	swait.ge [sflag:s13], $0x80  }
0xc2: {  	[sflag:s13] =	ssyncset.done $0x0  }
0xc3: {  	[sflag:s13] =	ssyncadd.s32 $0xFFFFFF80  }
0xc4: {  	[spmem:s3] =	stream.indirect.scatter.add.f32 [tilespmem:s17], [sflag:$0x1], $0x1, s25, s16, $0xb8;
	[tilespmem:$0x1000] =	vst v63  }
0xc5: {  	_ =	swait.ge [sflag:s13], $0x80  }
0xc6: {  	[sflag:s13] =	ssyncset.done $0x0  }
0xc7: {  	[sflag:s13] =	ssyncadd.s32 $0xFFFFFF80  }
0xc8: {  	[spmem:s2] =	stream.indirect.scatter.add.f32 [tilespmem:s17], [sflag:$0x1], $0x1, s26, s16, $0xb8;
	[tilespmem:$0x1000] =	vst v63  }
0xc9: {  	_ =	swait.ge [sflag:s13], $0x80  }
0xca: {  	[sflag:s13] =	ssyncset.done $0x0  }
0xcb: {  	[sflag:s13] =	ssyncadd.s32 $0xFFFFFF80  }
0xcc: {  	[spmem:s3] =	stream.indirect.scatter.add.f32 [tilespmem:s17], [sflag:$0x1], $0x1, s28, s16, $0xb8;
	[tilespmem:$0x1000] =	vst v63  }
0xcd: {  	_ =	swait.ge [sflag:s13], $0x80  }
0xce: {  	[sflag:s13] =	ssyncset.done $0x0  }
0xcf: {  	[sflag:s13] =	ssyncadd.s32 $0xFFFFFF80  }
0xd0: {  	[spmem:s2] =	stream.indirect.scatter.add.f32 [tilespmem:s17], [sflag:$0x1], $0x1, s29, s16, $0xb8;
	[tilespmem:$0x1000] =	vst v63  }
0xd1: {  	_ =	swait.ge [sflag:s13], $0x80  }
0xd2: {  	[sflag:s13] =	ssyncset.done $0x0  }
0xd3: {  	[sflag:s13] =	ssyncadd.s32 $0xFFFFFF80  }
0xd4: {  	[spmem:s3] =	stream.indirect.scatter.add.f32 [tilespmem:s17], [sflag:$0x1], $0x1, s30, s16, $0xb8;
	[tilespmem:$0x1000] =	vst v63  }
0xd5: {  	_ =	swait.ge [sflag:s13], $0x80  }
0xd6: {  	[sflag:s13] =	ssyncset.done $0x0  }
0xd7: {  	[sflag:s13] =	ssyncadd.s32 $0xFFFFFF80  }
0xd8: {  	[spmem:s2] =	stream.indirect.scatter.add.f32 [tilespmem:s17], [sflag:$0x1], $0x1, s31, s16, $0xb8;
	[tilespmem:$0x1000] =	vst v63  }
0xd9: {  	_ =	swait.ge [sflag:s13], $0x80  }
.Ltmp0:
0xda: {  	[sflag:s13] =	ssyncset.done $0x0;
	(pc) =	sbr.rel @p0 .LBB2_2-.Ltmp0, $4  }
0xdb: {  	[sflag:s13] =	ssyncadd.s32 $0xFFFFFF80  }
0xdc: {  	[spmem:s3] =	stream.indirect.scatter.add.f32 [tilespmem:s17], [sflag:$0x1], $0x1, s0, s16, $0xb8;
	[tilespmem:$0x1000] =	vst v63  }
0xdd: {  	_ =	swait.ge [sflag:s13], $0x80  }
0xde: {  	s9 =	smov.u32 s1;
	[sflag:s13] =	ssyncset.done $0x0  }
0xdf: {  	s1 =	sadd.s32 s8, s11;
	[sflag:s13] =	ssyncadd.s32 $0xFFFFFF80  }
0xe0: {  	[tilespmem:s14], [sflag:$0x1] =	stream.linear.gather [hbm4b:s1+s4], $0x400, $0x38;
	[tilespmem:$0x1000] =	vst v63  }
0xe1: {  	_ =	swait.ge [sflag:s13], $0x400  }
0xe2: {  	[sflag:s13] =	ssyncset.done $0x0  }
0xe3: {  	s7 =	sadd.s32 s8, s10;
	[sflag:s13] =	ssyncadd.s32 $0xFFFFFC00  }
0xe4: {  	[tilespmem:s15], [sflag:$0x1] =	stream.linear.gather [hbm4b:s7+s4], $0x400, $0x38;
	[tilespmem:$0x1000] =	vst v63  }
0xe5: {  	_ =	swait.ge [sflag:s13], $0x400  }
0xe6: {  	[sflag:s13] =	ssyncset.done $0x0  }
0xe7: {  	[sflag:s13] =	ssyncadd.s32 $0xFFFFFC00  }
0xe8: {  	[spmem:s2] =	stream.indirect.scatter.add.f32 [tilespmem:s17], [sflag:$0x1], $0x1, s14, s16, $0xb8;
	[tilespmem:$0x1000] =	vst v63  }
0xe9: {  	_ =	swait.ge [sflag:s13], $0x80  }
0xea: {  	[sflag:s13] =	ssyncset.done $0x0  }
0xeb: {  	[sflag:s13] =	ssyncadd.s32 $0xFFFFFF80  }
0xec: {  	[spmem:s3] =	stream.indirect.scatter.add.f32 [tilespmem:s17], [sflag:$0x1], $0x1, s15, s16, $0xb8;
	[tilespmem:$0x1000] =	vst v63  }
0xed: {  	_ =	swait.ge [sflag:s13], $0x80  }
0xee: {  	[sflag:s13] =	ssyncset.done $0x0  }
0xef: {  	[sflag:s13] =	ssyncadd.s32 $0xFFFFFF80  }
0xf0: {  	[spmem:s2] =	stream.indirect.scatter.add.f32 [tilespmem:s17], [sflag:$0x1], $0x1, s18, s16, $0xb8;
	[tilespmem:$0x1000] =	vst v63  }
0xf1: {  	_ =	swait.ge [sflag:s13], $0x80  }
0xf2: {  	[sflag:s13] =	ssyncset.done $0x0  }
0xf3: {  	[sflag:s13] =	ssyncadd.s32 $0xFFFFFF80  }
0xf4: {  	[spmem:s3] =	stream.indirect.scatter.add.f32 [tilespmem:s17], [sflag:$0x1], $0x1, s19, s16, $0xb8;
	[tilespmem:$0x1000] =	vst v63  }
0xf5: {  	_ =	swait.ge [sflag:s13], $0x80  }
0xf6: {  	[sflag:s13] =	ssyncset.done $0x0  }
0xf7: {  	[sflag:s13] =	ssyncadd.s32 $0xFFFFFF80  }
0xf8: {  	[spmem:s2] =	stream.indirect.scatter.add.f32 [tilespmem:s17], [sflag:$0x1], $0x1, s20, s16, $0xb8;
	[tilespmem:$0x1000] =	vst v63  }
0xf9: {  	_ =	swait.ge [sflag:s13], $0x80  }
0xfa: {  	[sflag:s13] =	ssyncset.done $0x0  }
0xfb: {  	[sflag:s13] =	ssyncadd.s32 $0xFFFFFF80  }
0xfc: {  	[spmem:s3] =	stream.indirect.scatter.add.f32 [tilespmem:s17], [sflag:$0x1], $0x1, s21, s16, $0xb8;
	[tilespmem:$0x1000] =	vst v63  }
0xfd: {  	_ =	swait.ge [sflag:s13], $0x80  }
0xfe: {  	[sflag:s13] =	ssyncset.done $0x0  }
0xff: {  	[sflag:s13] =	ssyncadd.s32 $0xFFFFFF80  }
0x100: {  	[spmem:s2] =	stream.indirect.scatter.add.f32 [tilespmem:s17], [sflag:$0x1], $0x1, s22, s16, $0xb8;
	[tilespmem:$0x1000] =	vst v63  }
0x101: {  	_ =	swait.ge [sflag:s13], $0x80  }
0x102: {  	[sflag:s13] =	ssyncset.done $0x0  }
0x103: {  	[sflag:s13] =	ssyncadd.s32 $0xFFFFFF80  }
0x104: {  	[spmem:s3] =	stream.indirect.scatter.add.f32 [tilespmem:s17], [sflag:$0x1], $0x1, s23, s16, $0xb8;
	[tilespmem:$0x1000] =	vst v63  }
0x105: {  	_ =	swait.ge [sflag:s13], $0x80  }
0x106: {  	[sflag:s13] =	ssyncset.done $0x0  }
0x107: {  	[sflag:s13] =	ssyncadd.s32 $0xFFFFFF80  }
0x108: {  	[spmem:s2] =	stream.indirect.scatter.add.f32 [tilespmem:s17], [sflag:$0x1], $0x1, s24, s16, $0xb8;
	[tilespmem:$0x1000] =	vst v63  }
0x109: {  	_ =	swait.ge [sflag:s13], $0x80  }
0x10a: {  	[sflag:s13] =	ssyncset.done $0x0  }
0x10b: {  	[sflag:s13] =	ssyncadd.s32 $0xFFFFFF80  }
0x10c: {  	[spmem:s3] =	stream.indirect.scatter.add.f32 [tilespmem:s17], [sflag:$0x1], $0x1, s25, s16, $0xb8;
	[tilespmem:$0x1000] =	vst v63  }
0x10d: {  	_ =	swait.ge [sflag:s13], $0x80  }
0x10e: {  	[sflag:s13] =	ssyncset.done $0x0  }
0x10f: {  	[sflag:s13] =	ssyncadd.s32 $0xFFFFFF80  }
0x110: {  	[spmem:s2] =	stream.indirect.scatter.add.f32 [tilespmem:s17], [sflag:$0x1], $0x1, s26, s16, $0xb8;
	[tilespmem:$0x1000] =	vst v63  }
0x111: {  	_ =	swait.ge [sflag:s13], $0x80  }
0x112: {  	[sflag:s13] =	ssyncset.done $0x0  }
0x113: {  	[sflag:s13] =	ssyncadd.s32 $0xFFFFFF80  }
0x114: {  	[spmem:s3] =	stream.indirect.scatter.add.f32 [tilespmem:s17], [sflag:$0x1], $0x1, s28, s16, $0xb8;
	[tilespmem:$0x1000] =	vst v63  }
0x115: {  	_ =	swait.ge [sflag:s13], $0x80  }
0x116: {  	[sflag:s13] =	ssyncset.done $0x0  }
0x117: {  	[sflag:s13] =	ssyncadd.s32 $0xFFFFFF80  }
0x118: {  	[spmem:s2] =	stream.indirect.scatter.add.f32 [tilespmem:s17], [sflag:$0x1], $0x1, s29, s16, $0xb8;
	[tilespmem:$0x1000] =	vst v63  }
0x119: {  	_ =	swait.ge [sflag:s13], $0x80  }
0x11a: {  	[sflag:s13] =	ssyncset.done $0x0  }
0x11b: {  	[sflag:s13] =	ssyncadd.s32 $0xFFFFFF80  }
0x11c: {  	[spmem:s3] =	stream.indirect.scatter.add.f32 [tilespmem:s17], [sflag:$0x1], $0x1, s30, s16, $0xb8;
	[tilespmem:$0x1000] =	vst v63  }
0x11d: {  	_ =	swait.ge [sflag:s13], $0x80  }
0x11e: {  	[sflag:s13] =	ssyncset.done $0x0  }
0x11f: {  	[sflag:s13] =	ssyncadd.s32 $0xFFFFFF80  }
0x120: {  	[spmem:s2] =	stream.indirect.scatter.add.f32 [tilespmem:s17], [sflag:$0x1], $0x1, s31, s16, $0xb8;
	[tilespmem:$0x1000] =	vst v63  }
0x121: {  	_ =	swait.ge [sflag:s13], $0x80  }
0x122: {  	[sflag:s13] =	ssyncset.done $0x0  }
0x123: {  	[sflag:s13] =	ssyncadd.s32 $0xFFFFFF80  }
0x124: {  	[spmem:s3] =	stream.indirect.scatter.add.f32 [tilespmem:s17], [sflag:$0x1], $0x1, s0, s16, $0xb8;
	[tilespmem:$0x1000] =	vst v63  }
0x125: {  	_ =	swait.ge [sflag:s13], $0x80  }
0x126: {  	[sflag:s13] =	ssyncset.done $0x0  }
0x127: {  	s8 =	stileid.u32;
	[sflag:s13] =	ssyncadd.s32 $0xFFFFFF80  }
0x128: {  	s5 =	sshrl.u32 s6, $0x3;
	s1 =	sshll.u32 s8, $0x6;
	[bflag:$0x0] =	sbarrier.arrive $0xFFFF  }
0x129: {  	s8 =	simm.s32 $0x20;
	s1 =	sor.u32 $0x1C01, s1;
	s9 =	rddreg [dreg:$0x6]  }
0x12a: {  	[hbm:s9@s8], [sflag:s1] =	dma.strided [spmem:s5@s12], $0x50, s13, $0x10   }
0x12b: {  	_ =	swait.ge [sflag:s13], $0x50  }
0x12c: {  	s7 =	smov.u32 s6;
	[sflag:s13] =	ssyncset.done $0x0;
	s9 =	rddreg [dreg:$0x5]  }
0x12d: {  	s6 =	rddreg [dreg:$0x7];
	[sflag:s13] =	ssyncadd.s32 $0xFFFFFFB0;
	s5 =	sshrl.u32 s9, $0x3  }
0x12e: {  	[hbm:s6@s8], [sflag:s1] =	dma.strided [spmem:s5@s12], $0x50, s13, $0x10   }
0x12f: {  	_ =	swait.ge [sflag:s13], $0x50  }
0x130: {  	s6 =	rddreg [dreg:$0x9]  }
0x131: {  	s8 =	rddreg [dreg:$0x8];
	s5 =	sadd.s32 $0x1, s6  }
0x132: {  	p0 =	sne.s32 s5, s8  }
.Ltmp1:
0x133: {  	_ = 	snop;
	(pc) =	sbr.rel @p0 .LBB2_1-.Ltmp1, $3  }
0x134: {  	_ =	sdelay $0x1  }
0x135: {  	[sflag:s13] =	ssyncset.done $0x0  }
0x136: {  	[sflag:s13] =	ssyncadd.s32 $0xFFFFFFB0  }
0x137: {  	_ =	sfence.sel $0x180000  }
0x138: {  	[bflag:$0x0] =	sbarrier.arrive $0xFFFF  }
0x139: {  	_ =	strace $0x90000047  }
0x13a: {  	s0 =	stileid.u32;
	[bflag:$0x2] =	sbarrier.arrive $0xFFFF  }
0x13b: {  	p0 =	sne.s32 s0, $0x0;
	s0 =	rddreg [dreg:$0x4]  }
0x13c: {  	s0 =	sadd.s32 @!p0 $0x100000, s0  }
0x13d: {  	[sflag:s0] =	ssyncadd.tile.s32 @!p0 $0x1;
	_ =	shalt  }
.Lfunc_end2:
_tile_overlayer_lowered:
.L_overlay_start_2:
0x13e: {  	(tag) =	ssettag $0x2  }
0x13f: {  	s0 =	rddreg [dreg:$0x0];
	s2 =	stileid.u32  }
0x140: {  	s1 =	rddreg [dreg:$0x1];
	p0 =	sne.s32 s2, $0x0  }
0x141: {  	s3 =	rddreg [dreg:$0x2];
	[bflag:$0x3] =	sbarrier.arrive $0xFFFF;
	s2 =	simm.s32 @!p0 $0x1C01  }
0x142: {  	[timem:s3], [sflag:s2] =	dma.local @!p0 [hbm:s0], s1  }
0x143: {  	s0 =	simm.s32 @!p0 $0x1  }
0x144: {  	_ =	swait.ge @!p0 [sflag:s0], s1  }
0x145: {  	s1 =	ssub.s32 @!p0 $0x0, s1;
	[sflag:s0] =	ssyncset.done @!p0 $0x0  }
0x146: {  	[sflag:s0] =	ssyncadd.s32 @!p0 s1  }
0x147: {  	[bflag:$0x3] =	sbarrier.arrive $0xFFFF  }
0x148: {  	_ =	shalt  }

// kernel: kernel.15.cloned.1.call-start
scs
__scs_entry_jumppad:
0x0: {  	(pc) =	sbr.rel $0x88, $3  }
0x1: {  	(tag) =	ssettag $0x0;
	lr =	simm.s32 $0x1  }
0x2: {  	[smem:$0x3F9B] =	sst lr;
	_ =	strace $0xD0000000  }
0x3: {  	_ = 	snop  }
0x4: {  	_ = 	snop  }
0x5: {  	_ = 	snop  }
0x6: {  	_ = 	snop  }
0x7: {  	_ = 	snop  }
__scs_overlays_trampoline_lowered:
0x8: {  	[smem:$0x3FAA] =	sst s0  }
0x9: {  	[smem:$0x3FAB] =	sst s1  }
0xa: {  	[smem:$0x3FAC] =	sst s2  }
0xb: {  	[smem:$0x3FAD] =	sst s3  }
0xc: {  	[smem:$0x3FAE] =	sst s4  }
0xd: {  	[smem:$0x3FAF] =	sst s5  }
0xe: {  	[smem:$0x3FB0] =	sst s6  }
0xf: {  	[smem:$0x3FB1] =	sst s7  }
0x10: {  	[smem:$0x3FB2] =	sst s8  }
0x11: {  	[smem:$0x3FB3] =	sst s9;
	s0 =	simm.s32 @!p0 $0x0  }
0x12: {  	s1 =	sld [smem:$0x3F99];
	s0 =	simm.s32 @p0 $0x1  }
0x13: {  	[smem:$0x3FB4] =	sst s0;
	s0 =	simm.s32 @!p1 $0x0  }
0x14: {  	s2 =	sld [smem:$0x3F98];
	s0 =	simm.s32 @p1 $0x1  }
0x15: {  	[smem:$0x3FB5] =	sst s0;
	s0 =	simm.s32 @!p2 $0x0  }
0x16: {  	s3 =	sld [smem:$0x3FDB];
	s0 =	simm.s32 @p2 $0x1  }
0x17: {  	s4 =	simm.s32 $0x1BF5;
	[smem:$0x3FB7] =	sst s0  }
0x18: {  	s0 =	sld [smem:$0x3F9A];
	_ =	swait.ge [sflag:s4], $0x0  }
0x19: {  	s7 =	sld [smem:$0x3F9B]  }
0x1a: {  	s8 =	sadd.s32 $0xFFFFE003, lr  }
0x1b: {  	s9 =	sadd.s32 $0xFFFFFEF7, lr;
	s5 =	simm.s32 $0xFFFFFFFF;
	p2 =	slt.u32 s8, $0xFFFFF086  }
0x1c: {  	p1 =	slt.u32 s9, $0xF7A;
	s5 =	simm.s32 @!p2 $0x0  }
0x1d: {  	s5 =	simm.s32 @p1 $0x1;
	p0 =	seq.s32 s7, s2  }
0x1e: {  	s7 =	smul.u32 @!p0 $0xF7A, s2;
	p2 =	seq.s32 @!p0 s5, $0x0  }
0x1f: {  	s9 =	smul.u32 $0xF7A, s1;
	s8 =	simm.s32 @!p0 $0x1BF5;
	p2 =	por !p2, p0  }
0x20: {  	[sflag:s8] =	ssyncset.s32 @!p0 $0xFFFFF086;
	s6 =	sadd.s32 @!p0 s3, s7;
	s7 =	simm.s32 @!p0 $0x108  }
0x21: {  	s3 =	sadd.s32 s3, s9;
	s6 =	sadd.s32 @!p0 $0x88, s6;
	s7 =	simm.s32 @p2 $0x1082  }
0x22: {  	[simem:s7], [sflag:s8] =	dma.local @!p0 [hbm:s6], $0xF7A  }
0x23: {  	s9 =	sor.u32 $0xD0000000, s2;
	s6 =	simm.s32 $0x108;
	_ =	swait.ge @!p0 [sflag:s8], $0x0  }
0x24: {  	s3 =	sadd.s32 $0x88, s3;
	s6 =	simm.s32 @!p1 $0x1082;
	[sflag:s4] =	ssyncset.s32 $0xFFFFF086  }
0x25: {  	[simem:s6], [sflag:s4] =	dma.local [hbm:s3], $0xF7A  }
0x26: {  	[smem:$0x3F9B] =	sst s1;
	(tag) =	ssettag s2;
	_ =	strace s9  }
0x27: {  	s1 =	sld [smem:$0x3FAB]  }
0x28: {  	s2 =	sld [smem:$0x3FAC]  }
0x29: {  	s4 =	sld [smem:$0x3FAE]  }
0x2a: {  	p0 =	seq.s32 s5, $0x0;
	s5 =	sld [smem:$0x3FAF]  }
0x2b: {  	s6 =	sld [smem:$0x3FB0]  }
0x2c: {  	s7 =	sld [smem:$0x3FB1]  }
0x2d: {  	s3 =	simm.s32 $0x108;
	s8 =	sld [smem:$0x3FB2]  }
0x2e: {  	s3 =	simm.s32 @!p0 $0x1082;
	s9 =	sld [smem:$0x3FB3]  }
0x2f: {  	lr =	sadd.s32 s0, s3;
	s0 =	sld [smem:$0x3FAA]  }
0x30: {  	s3 =	sld [smem:$0x3FAD]  }
0x31: {  	[smem:$0x3FB6] =	sst s10  }
0x32: {  	s10 =	sld [smem:$0x3FB4];
	_ =	sdelay $0x3  }
0x33: {  	p0 =	seq.s32 s10, $0x1;
	s10 =	sld [smem:$0x3FB6];
	_ =	sdelay $0x3  }
0x34: {  	[smem:$0x3FB6] =	sst s10  }
0x35: {  	s10 =	sld [smem:$0x3FB5];
	_ =	sdelay $0x3  }
0x36: {  	p1 =	seq.s32 s10, $0x1;
	s10 =	sld [smem:$0x3FB6];
	_ =	sdelay $0x3  }
0x37: {  	[smem:$0x3FB6] =	sst s10  }
0x38: {  	s10 =	sld [smem:$0x3FB7]  }
0x39: {  	_ = 	snop;
	(pc) =	sbr.ind lr, $3  }
0x3a: {  	_ = 	snop  }
0x3b: {  	_ = 	snop  }
0x3c: {  	p2 =	seq.s32 s10, $0x1;
	s10 =	sld [smem:$0x3FB6]  }
0x3d: {  	_ =	shalt  }
0x3e: {  	_ =	shalt  }
0x3f: {  	_ =	shalt  }
0x40: {  	_ =	shalt  }
0x41: {  	_ =	shalt  }
0x42: {  	_ =	shalt  }
0x43: {  	_ =	shalt  }
0x44: {  	_ =	shalt  }
0x45: {  	_ =	shalt  }
0x46: {  	_ =	shalt  }
0x47: {  	_ =	shalt  }
0x48: {  	_ =	shalt  }
0x49: {  	_ =	shalt  }
0x4a: {  	_ =	shalt  }
0x4b: {  	_ =	shalt  }
0x4c: {  	_ =	shalt  }
0x4d: {  	_ =	shalt  }
0x4e: {  	_ =	shalt  }
0x4f: {  	_ =	shalt  }
0x50: {  	_ =	shalt  }
0x51: {  	_ =	shalt  }
0x52: {  	_ =	shalt  }
0x53: {  	_ =	shalt  }
0x54: {  	_ =	shalt  }
0x55: {  	_ =	shalt  }
0x56: {  	_ =	shalt  }
0x57: {  	_ =	shalt  }
0x58: {  	_ =	shalt  }
0x59: {  	_ =	shalt  }
0x5a: {  	_ =	shalt  }
0x5b: {  	_ =	shalt  }
0x5c: {  	_ =	shalt  }
0x5d: {  	_ =	shalt  }
0x5e: {  	_ =	shalt  }
0x5f: {  	_ =	shalt  }
0x60: {  	_ =	shalt  }
0x61: {  	_ =	shalt  }
0x62: {  	_ =	shalt  }
0x63: {  	_ =	shalt  }
0x64: {  	_ =	shalt  }
0x65: {  	_ =	shalt  }
0x66: {  	_ =	shalt  }
0x67: {  	_ =	shalt  }
0x68: {  	_ =	shalt  }
0x69: {  	_ =	shalt  }
0x6a: {  	_ =	shalt  }
0x6b: {  	_ =	shalt  }
0x6c: {  	_ =	shalt  }
0x6d: {  	_ =	shalt  }
0x6e: {  	_ =	shalt  }
0x6f: {  	_ =	shalt  }
0x70: {  	_ =	shalt  }
0x71: {  	_ =	shalt  }
0x72: {  	_ =	shalt  }
0x73: {  	_ =	shalt  }
0x74: {  	_ =	shalt  }
0x75: {  	_ =	shalt  }
0x76: {  	_ =	shalt  }
0x77: {  	_ =	shalt  }
0x78: {  	_ =	shalt  }
0x79: {  	_ =	shalt  }
0x7a: {  	_ =	shalt  }
0x7b: {  	_ =	shalt  }
0x7c: {  	_ =	shalt  }
0x7d: {  	_ =	shalt  }
0x7e: {  	_ =	shalt  }
0x7f: {  	_ =	shalt  }
0x80: {  	_ =	shalt  }
0x81: {  	_ =	shalt  }
0x82: {  	_ =	shalt  }
0x83: {  	_ =	shalt  }
0x84: {  	_ =	shalt  }
0x85: {  	_ =	shalt  }
0x86: {  	_ =	shalt  }
0x87: {  	_ =	shalt  }
.Lfunc_end0:
.L_simem_size_0:
called_computation.1_lowered:
.L_overlay_start_0:
0x88: {  	s2 =	sld [smem:$0x3FD9]  }
0x89: {  	s3 =	sld [smem:$0x3FFE];
	_ =	sdelay $0x1  }
0x8a: {  	s1 =	srdreg.scid  }
0x8b: {  	s0 =	sand.u32 $0x1, s1  }
0x8c: {  	s17 =	sshll.u32 s0, $0xA;
	s2 =	sadd.s32 s3, s2  }
0x8d: {  	s2 =	sadd.s32 s2, s17  }
0x8e: {  	[smem:$0x3FC2] =	sst s2  }
0x8f: {  	_ = 	snop  }
0x90: {  	s18 =	sld [smem:$0x3FD0];
	(tm) =	ssettm $0x1  }
0x91: {  	s19 =	sld [smem:$0x3FFB];
	_ =	sdelay $0x3  }
0x92: {  	_ =	strace s19  }
0x93: {  	s2 =	sld [smem:$0x3FFC];
	_ =	sdelay $0x3  }
0x94: {  	_ =	strace s2  }
0x95: {  	s2 =	sld [smem:$0x3FFD];
	_ =	sdelay $0x3  }
0x96: {  	_ =	strace s2  }
0x97: {  	_ =	strace $0x8FFFFFFF  }
0x98: {  	s20 =	sld [smem:$0x3FDB];
	_ =	sdelay $0x1  }
0x99: {  	s4 =	simm.s32 $_scs_section_size  }
0x9a: {  	s5 =	simm.s32 $_size__tile_overlayer_lowered;
	s6 =	simm.s32 $_tile_overlayer_lowered  }
0x9b: {  	s7 =	simm.s32 $0x1BFF;
	s21 =	sshll.u32 s6, $0x1;
	s4 =	sadd.s32 s4, s20  }
0x9c: {  	s22 =	simm.s32 $0x0;
	s5 =	sshll.u32 s5, $0x1;
	s6 =	sadd.s32 s21, s4  }
0x9d: {  	[timem:s22], [sflag:s7] =	dma.local [hbm:s6], s5  }
0x9e: {  	_ =	swait.ge [sflag:s7], s5  }
0x9f: {  	s5 =	ssub.s32 $0x0, s5;
	[sflag:s7] =	ssyncset.done $0x0  }
0xa0: {  	[sflag:s7] =	ssyncadd.s32 s5;
	_ =	sdelay $0x1  }
0xa1: {  	s23 =	simm.s32 $0x1B8B  }
0xa2: {  	_ =	swait.ge [sflag:s23], $0x1  }
0xa3: {  	[sflag:s23] =	ssyncset.done $0x0  }
0xa4: {  	[sflag:s23] =	ssyncadd.s32 $0xFFFFFFFF  }
0xa5: {  	s5 =	sld [smem:$0x0]  }
0xa6: {  	s6 =	sand.u32 $0xFFFFFFFE, s1  }
0xa7: {  	p0 =	sne.s32 s1, s6  }
0xa8: {  	s6 =	sshll.u32 @p0 s6, $0xE  }
0xa9: {  	s6 =	sadd.s32 @p0 $0x11B8D, s6;
	s7 =	sshll.u32 @p0 s5, $0x11  }
0xaa: {  	s6 =	sor.u32 @p0 s7, s6  }
0xab: {  	[sflag:s6] =	ssyncadd.remote.s32 @p0 $0x1;
	_ =	sdelay $0x1  }
0xac: {  	s6 =	simm.s32 @p0 $0x1B8D  }
0xad: {  	_ =	swait.eq @p0 [sflag:s6], $0x1  }
0xae: {  	[sflag:s6] =	ssyncadd.s32 @p0 $0xFFFFFFFF  }
0xaf: {  	s7 =	sshll.u32 @!p0 s1, $0xE  }
0xb0: {  	s7 =	sor.u32 @!p0 $0x4000, s7;
	s6 =	simm.s32 @!p0 $0x1B8D  }
0xb1: {  	s5 =	sshll.u32 @!p0 s5, $0x11;
	s7 =	sadd.s32 @!p0 $0x11B8D, s7;
	_ =	swait.eq @!p0 [sflag:s6], $0x1  }
0xb2: {  	s5 =	sor.u32 @!p0 s5, s7;
	[sflag:s6] =	ssyncadd.s32 @!p0 $0xFFFFFFFF  }
0xb3: {  	s25 =	simm.s32 $0x1B8E;
	s24 =	sld [smem:$0x3FFE];
	[sflag:s5] =	ssyncadd.remote.s32 @!p0 $0x1  }
0xb4: {  	s26 =	simm.s32 $execute0_lowered;
	[smem:$0x3FD2] =	sst s25  }
0xb5: {  	s6 =	sshll.u32 s26, $0x1;
	_ =	strace $0x80000049;
	[dreg:$0x1] =	wrdreg $0xFFFFFFFF  }
0xb6: {  	s28 =	simm.s32 $_size_execute0_lowered;
	s4 =	sadd.s32 s4, s6;
	[dreg:$0x0] =	wrdreg $0x0  }
0xb7: {  	s6 =	sshll.u32 s28, $0x1;
	[dreg:$0x2] =	wrdreg s4  }
0xb8: {  	[dreg:$0x3] =	wrdreg s6  }
0xb9: {  	[dreg:$0x4] =	wrdreg $0xC0  }
0xba: {  	_ =	task [dreg:s22], $0x5FFFF  }
0xbb: {  	[dreg:$0x1] =	wrdreg $0xFFFFFFFF  }
0xbc: {  	[dreg:$0x0] =	wrdreg $0x60  }
0xbd: {  	[dreg:$0x2] =	wrdreg s24  }
0xbe: {  	[dreg:$0x3] =	wrdreg s18  }
0xbf: {  	[dreg:$0x4] =	wrdreg $0x0  }
0xc0: {  	[dreg:$0x5] =	wrdreg $0xA  }
0xc1: {  	_ =	task.clear_ibuf [dreg:s22], $0x6FFFF;
	_ =	strace $0x90000049  }
0xc2: {  	s29 =	simm.s32 $0xA;
	_ =	strace $0x8000004B  }
0xc3: {  	_ =	swait.ge [sflag:s29], $0x1  }
0xc4: {  	[sflag:s29] =	ssyncadd.s32 $0xFFFFFFFF  }
0xc5: {  	_ =	strace $0x9000004B  }
0xc6: {  	_ =	sfence  }
0xc7: {  	s30 =	sld [smem:$0x0];
	_ =	sdelay $0x2  }
0xc8: {  	s31 =	sshll.u32 s1, $0xD;
	s1 =	sshrl.u32 s1, $0x2  }
0xc9: {  	s4 =	sand.u32 $0x4000, s31;
	s1 =	sadd.s32 s1, s30  }
0xca: {  	s0 =	sor.u32 s4, s0;
	s1 =	sshll.u32 s1, $0x11  }
0xcb: {  	s0 =	sor.u32 s1, s0  }
0xcc: {  	s0 =	sadd.s32 $0x8F2B, s0  }
0xcd: {  	[sflag:s0] =	ssyncadd.remote.s32 $0x1  }
0xce: {  	_ =	sfence.sel $0xFFFF  }
0xcf: {  	[dreg:$0x0] =	wrdreg $0xFFFFFFFF;
	(pc) =	sbr.abs _section_cstart, $3  }
0xd0: {  	[dreg:$0x1] =	wrdreg $0xFFFFFFFF  }
0xd1: {  	_ =	task.clear_ibuf [dreg:s22], $0x2FFFF;
	_ =	strace $0x9FFFFFFF  }
0xd2: {  	(tm) =	ssettm $0x7FFFFFFF  }
0xd3: {  	_ =	shalt  }
tec
execute0_lowered:
.L_overlay_start_1:
0x0: {  	(tag) =	ssettag $0x1  }
0x1: {  	s0 =	rddreg [dreg:$0x0]  }
0x2: {  	s2 =	rddreg [dreg:$0x1]  }
0x3: {  	s1 =	rddreg [dreg:$0x2];
	s4 =	srdreg.scid  }
0x4: {  	s3 =	simm.s32 $0x0;
	s22 =	stileid.u32;
	s28 =	simm.s32 $0x19000  }
0x5: {  	s29 =	simm.s32 $0x2;
	s30 =	simm.s32 $0x5;
	s31 =	simm.s32 $0x6  }
0x6: {  	s6 =	sand.u32 $0x1, s4;
	[smem:$0x7FF] =	sst s3;
	s7 =	smul.u32 $0x50000, s22  }
0x7: {  	s8 =	sadd.s32 $0x3400, s0;
	s12 =	smul.u32 $0x14000, s22;
	p0 =	seq.s32 s22, $0xF  }
0x8: {  	s4 =	sshll.u32 s6, $0x4;
	_ =	strace $0x8000004A;
	s11 =	smul.u32 $0x13C000, s6  }
0x9: {  	s20 =	ssub.s32 $0x2, s6;
	s6 =	smul.u32 $0xA0, s6;
	s5 =	sor.u32 s22, s4  }
0xa: {  	s4 =	sadd.s32 $0xE800, s0;
	s0 =	sadd.s32 $0x36000, s0;
	s10 =	sshrl.u32 s20, $0x1  }
0xb: {  	s7 =	sshrl.u32 s7, $0x2;
	s25 =	sadd.s32 $0x4000, s12;
	s14 =	sadd.s32 $0x8000, s12  }
0xc: {  	s18 =	sadd.s32 $0xC000, s12;
	s9 =	smul.u32 $0x500, s5;
	s13 =	ssub.s32 s20, s10  }
0xd: {  	s5 =	sadd.s32 s7, s1;
	s24 =	sadd.s32 s12, s11;
	s26 =	sadd.s32 s11, s25  }
0xe: {  	s16 =	sadd.s32 s11, s14;
	s20 =	smul.u32 $0xA, s22;
	s19 =	sadd.s32 s14, s1  }
0xf: {  	s7 =	sshrl.u32 s24, $0x3;
	s15 =	sshrl.u32 s26, $0x3;
	s17 =	sshrl.u32 s16, $0x3  }
0x10: {  	s16 =	sadd.s32 $0x10000, s12;
	s13 =	smax.u32 s13, $0x1;
	s21 =	sadd.s32 s8, s9  }
0x11: {  	s23 =	sadd.s32 s2, s9;
	s7 =	sadd.s32 s0, s7;
	[dreg:$0x4] =	wrdreg s21  }
0x12: {  	s9 =	sadd.s32 s0, s17;
	s6 =	sadd.s32 s20, s6;
	[dreg:$0x5] =	wrdreg s23  }
0x13: {  	s17 =	simm.s32 $0x7;
	s20 =	simm.s32 $0x80;
	[dreg:$0x6] =	wrdreg s7  }
0x14: {  	s7 =	sadd.s32 s0, s15;
	[dreg:$0x8] =	wrdreg s9;
	s15 =	sadd.s32 s11, s18  }
0x15: {  	s23 =	sadd.s32 s11, s16;
	s9 =	sadd.s32 s18, s1;
	s26 =	sshll.u32 s6, $0x7  }
0x16: {  	s6 =	sadd.s32 s16, s1;
	s16 =	simm.s32 $0x1D000;
	s18 =	simm.s32 $0x14000  }
0x17: {  	[dreg:$0x7] =	wrdreg s7;
	s7 =	sadd.s32 s25, s1;
	s21 =	sshrl.u32 s15, $0x3  }
0x18: {  	s25 =	sshrl.u32 s23, $0x3;
	s8 =	sadd.s32 s26, s8;
	s23 =	sshrl.u32 s19, $0x3  }
.Ltmp0:
0x19: {  	s24 =	sadd.s32 s0, s21;
	s0 =	sadd.s32 s0, s25;
	(pc) =	sbr.rel .LBB2_1-.Ltmp0, $4  }
0x1a: {  	s14 =	sadd.s32 $0x80, s8;
	s21 =	simm.s32 $0x15000;
	[dreg:$0x9] =	wrdreg s24  }
0x1b: {  	s22 =	sshrl.u32 s7, $0x3;
	s25 =	sshrl.u32 @!p0 s6, $0x3;
	[dreg:$0xa] =	wrdreg s0  }
0x1c: {  	s0 =	sadd.s32 s26, s2;
	s24 =	sshrl.u32 s9, $0x3;
	s26 =	simm.s32 $0x1  }
0x1d: {  	v0 =	vimm.f32 $0.0e+00;
	s2 =	simm.s32 $0x4;
	s15 =	sadd.s32 $0x80, s0;
	s0 =	simm.s32 $0x3  }
.LBB2_7:
0x1e: {  	s6 =	sadd.s32 $0x14B80, s8  }
0x1f: {  	[spmem:s1] =	stream.indirect.scatter.add.f32 [tilespmem:s28], [sflag:$0x6], $0x80, s6, s20, $0xb8;
	[tilespmem:$0x1D800] =	vst v63  }
.LBB2_9:
0x20: {  	_ =	swait.ge [sflag:s30], $0x4000  }
0x21: {  	[sflag:s30] =	ssyncset.done $0x0  }
0x22: {  	[sflag:s30] =	ssyncadd.s32 $0xFFFFC000  }
0x23: {  	_ =	swait.ge [sflag:s31], $0x4000  }
0x24: {  	[sflag:s31] =	ssyncset.done $0x0  }
0x25: {  	s6 =	stileid.u32;
	[sflag:s31] =	ssyncadd.s32 $0xFFFFC000  }
0x26: {  	s6 =	sshll.u32 s6, $0x6;
	[bflag:$0x0] =	sbarrier.arrive $0xFFFF  }
0x27: {  	s7 =	sshrl.u32 s5, $0x3;
	s6 =	sor.u32 $0x1C07, s6;
	s8 =	rddreg [dreg:$0x6]  }
0x28: {  	[hbm:s8], [sflag:s6] =	dma.local [spmem:s7], $0x800  }
0x29: {  	_ =	swait.ge [sflag:s17], $0x800  }
0x2a: {  	[sflag:s17] =	ssyncset.done $0x0  }
0x2b: {  	s11 =	rddreg [dreg:$0x7];
	[sflag:s17] =	ssyncadd.s32 $0xFFFFF800  }
0x2c: {  	[hbm:s11], [sflag:s6] =	dma.local [spmem:s22], $0x800  }
0x2d: {  	_ =	swait.ge [sflag:s17], $0x800  }
0x2e: {  	[sflag:s17] =	ssyncset.done $0x0  }
0x2f: {  	s12 =	rddreg [dreg:$0x8];
	[sflag:s17] =	ssyncadd.s32 $0xFFFFF800  }
0x30: {  	[hbm:s12], [sflag:s6] =	dma.local [spmem:s23], $0x800  }
0x31: {  	_ =	swait.ge [sflag:s17], $0x800  }
0x32: {  	[sflag:s17] =	ssyncset.done $0x0  }
0x33: {  	s19 =	rddreg [dreg:$0x9];
	[sflag:s17] =	ssyncadd.s32 $0xFFFFF800  }
0x34: {  	[hbm:s19], [sflag:s6] =	dma.local [spmem:s24], $0x800  }
0x35: {  	_ =	swait.ge [sflag:s17], $0x800  }
0x36: {  	s3 =	sadd.s32 $0x1, s3;
	[sflag:s17] =	ssyncset.done $0x0  }
0x37: {  	p1 =	sne.s32 s3, s13;
	s7 =	rddreg [dreg:$0xa];
	[sflag:s17] =	ssyncadd.s32 $0xFFFFF800  }
0x38: {  	[hbm:s7], [sflag:s6] =	dma.local @!p0 [spmem:s25], $0x800  }
.Ltmp1:
0x39: {  	_ = 	snop;
	(pc) =	sbr.rel @!p1 .LBB2_10-.Ltmp1, $4  }
0x3a: {  	s6 =	simm.s32 @!p0 $0x7  }
0x3b: {  	_ =	swait.ge @!p0 [sflag:s6], $0x800  }
0x3c: {  	[sflag:s6] =	ssyncset.done @!p0 $0x0  }
0x3d: {  	[sflag:s6] =	ssyncadd.s32 @!p0 $0xFFFFF800  }
.LBB2_1:
0x3e: {  	s6 =	simm.s32 $0x0;
	s7 =	simm.s32 $0x200  }
.LBB2_2:
0x3f: {  	p1 =	sne.s32 s7, $0x1E00;
	[tilespmem:s6+$0x1D070] =	vst v0  }
0x40: {  	[tilespmem:s6+$0x1D000] =	vst v0  }
0x41: {  	[tilespmem:s6+$0x1D010] =	vst v0  }
.Ltmp2:
0x42: {  	[tilespmem:s6+$0x1D020] =	vst v0;
	(pc) =	sbr.rel @p1 .LBB2_2-.Ltmp2, $4  }
0x43: {  	[tilespmem:s6+$0x1D030] =	vst v0  }
0x44: {  	[tilespmem:s6+$0x1D040] =	vst v0  }
0x45: {  	[tilespmem:s6+$0x1D050] =	vst v0  }
0x46: {  	[tilespmem:s6+$0x1D060] =	vst v0;
	s6 =	sshra.s32 s7, $0x2;
	s7 =	sadd.s32 $0x200, s7  }
0x47: {  	[tilespmem:s6+$0x1D070] =	vst v0  }
0x48: {  	[tilespmem:s6+$0x1D000] =	vst v0  }
0x49: {  	[tilespmem:s6+$0x1D010] =	vst v0  }
0x4a: {  	[tilespmem:s6+$0x1D020] =	vst v0  }
0x4b: {  	[tilespmem:s6+$0x1D030] =	vst v0  }
0x4c: {  	[tilespmem:s6+$0x1D040] =	vst v0  }
0x4d: {  	[tilespmem:s6+$0x1D050] =	vst v0  }
0x4e: {  	[tilespmem:s6+$0x1D060] =	vst v0;
	s19 =	sadd.s32 $0x0, s5  }
0x4f: {  	[spmem:s19] =	stream.linear.scatter [tilespmem:s16], [sflag:$0x7], $0x800, $0x38;
	[tilespmem:$0x1D800] =	vst v63  }
0x50: {  	s6 =	simm.s32 $0x2000;
	_ =	swait.ge [sflag:s17], $0x800  }
.LBB2_4:
0x51: {  	s7 =	sshra.s32 s6, $0x2;
	[sflag:s17] =	ssyncset.done $0x0;
	p1 =	sne.s32 s6, $0x4E000  }
.Ltmp3:
0x52: {  	s7 =	sadd.s32 s7, s5;
	[sflag:s17] =	ssyncadd.s32 $0xFFFFF800;
	(pc) =	sbr.rel @p1 .LBB2_4-.Ltmp3, $3  }
0x53: {  	[spmem:s7] =	stream.linear.scatter [tilespmem:s16], [sflag:$0x7], $0x800, $0x38;
	[tilespmem:$0x1D800] =	vst v63  }
0x54: {  	s6 =	sadd.s32 $0x2000, s6;
	_ =	sdelay $0x1  }
0x55: {  	_ =	swait.ge [sflag:s17], $0x800  }
0x56: {  	[sflag:s17] =	ssyncset.done $0x0  }
0x57: {  	[sflag:s17] =	ssyncadd.s32 $0xFFFFF800  }
0x58: {  	[bflag:$0x0] =	sbarrier.arrive $0xFFFF  }
0x59: {  	s19 =	simm.s32 $0x0;
	s6 =	rddreg [dreg:$0x4]  }
0x5a: {  	[tilespmem:s18], [sflag:$0x7] =	stream.linear.gather [hbm4b:s6+s19], $0x400, $0x38;
	[tilespmem:$0x1D800] =	vst v63  }
0x5b: {  	_ =	swait.ge [sflag:s17], $0x400  }
0x5c: {  	[sflag:s17] =	ssyncset.done $0x0  }
0x5d: {  	s7 =	simm.s32 $0x14800;
	s12 =	rddreg [dreg:$0x5];
	[sflag:s17] =	ssyncadd.s32 $0xFFFFFC00  }
0x5e: {  	[tilespmem:s7], [sflag:$0x7] =	stream.linear.gather [hbm4b:s12+s19], $0x400, $0x38;
	[tilespmem:$0x1D800] =	vst v63  }
0x5f: {  	_ =	swait.ge [sflag:s17], $0x400  }
0x60: {  	[sflag:s17] =	ssyncset.done $0x0  }
0x61: {  	s6 =	simm.s32 $0x1;
	s7 =	simm.s32 $0x0;
	[sflag:s17] =	ssyncadd.s32 $0xFFFFFC00  }
0x62: {  	[tilespmem:s21], [sflag:$0x1] =	stream.indirect.gather [hbm4b:s4+s20], $0x80, s18, s20, $0xb8;
	[tilespmem:$0x1D800] =	vst v63  }
.LBB2_6:
0x63: {  	_ =	swait.ge [sflag:s26], $0x4000  }
0x64: {  	p1 =	seq.s32 s19, $0x0;
	[sflag:s26] =	ssyncset.done $0x0  }
0x65: {  	s9 =	simm.s32 @!p1 $0x6;
	[sflag:s26] =	ssyncadd.s32 $0xFFFFC000  }
0x66: {  	s8 =	sshrl.u32 s7, $0x2;
	_ =	swait.ge @!p1 [sflag:s9], $0x4000  }
0x67: {  	s8 =	sand.u32 $0x400, s8;
	[sflag:s9] =	ssyncset.done @!p1 $0x0  }
0x68: {  	s11 =	sadd.s32 $0x14080, s8;
	[sflag:s9] =	ssyncadd.s32 @!p1 $0xFFFFC000  }
0x69: {  	[tilespmem:s28], [sflag:$0x2] =	stream.indirect.gather [hbm4b:s4+s20], $0x80, s11, s20, $0xb8;
	[tilespmem:$0x1D800] =	vst v63  }
0x6a: {  	s10 =	sshll.u32 s6, $0xA;
	s12 =	sor.u32 $0x14800, s8  }
0x6b: {  	[spmem:s1] =	stream.indirect.scatter.add.f32 [tilespmem:s21], [sflag:$0x5], $0x80, s12, s20, $0xb8;
	[tilespmem:$0x1D800] =	vst v63  }
0x6c: {  	s10 =	sand.u32 $0x400, s10;
	_ =	swait.ge [sflag:s29], $0x4000  }
0x6d: {  	s9 =	sor.u32 $0x14000, s10;
	p1 =	seq.s32 s19, $0x480;
	[sflag:s29] =	ssyncset.done $0x0  }
0x6e: {  	s11 =	sadd.s32 s19, s14;
	s12 =	simm.s32 @!p1 $0x0;
	[sflag:s29] =	ssyncadd.s32 $0xFFFFC000  }
0x6f: {  	[tilespmem:s9], [sflag:$0x3] =	stream.linear.gather @!p1 [hbm4b:s11+s12], $0x400, $0x38;
	[tilespmem:$0x1D800] =	vst v63  }
0x70: {  	s10 =	sor.u32 $0x14800, s10;
	s11 =	sadd.s32 s19, s15  }
0x71: {  	[tilespmem:s10], [sflag:$0x4] =	stream.linear.gather @!p1 [hbm4b:s11+s12], $0x400, $0x38;
	[tilespmem:$0x1D800] =	vst v63  }
0x72: {  	_ =	swait.ge [sflag:s30], $0x4000  }
0x73: {  	[sflag:s30] =	ssyncset.done $0x0  }
0x74: {  	s11 =	sadd.s32 $0x14100, s8;
	[sflag:s30] =	ssyncadd.s32 $0xFFFFC000  }
0x75: {  	[tilespmem:s21], [sflag:$0x1] =	stream.indirect.gather [hbm4b:s4+s20], $0x80, s11, s20, $0xb8;
	[tilespmem:$0x1D800] =	vst v63  }
0x76: {  	s12 =	sadd.s32 $0x14880, s8  }
0x77: {  	[spmem:s1] =	stream.indirect.scatter.add.f32 [tilespmem:s28], [sflag:$0x6], $0x80, s12, s20, $0xb8;
	[tilespmem:$0x1D800] =	vst v63  }
0x78: {  	_ =	swait.ge [sflag:s26], $0x4000  }
0x79: {  	[sflag:s26] =	ssyncset.done $0x0  }
0x7a: {  	[sflag:s26] =	ssyncadd.s32 $0xFFFFC000  }
0x7b: {  	_ =	swait.ge [sflag:s31], $0x4000  }
0x7c: {  	[sflag:s31] =	ssyncset.done $0x0  }
0x7d: {  	s11 =	sadd.s32 $0x14180, s8;
	[sflag:s31] =	ssyncadd.s32 $0xFFFFC000  }
0x7e: {  	[tilespmem:s28], [sflag:$0x2] =	stream.indirect.gather [hbm4b:s4+s20], $0x80, s11, s20, $0xb8;
	[tilespmem:$0x1D800] =	vst v63  }
0x7f: {  	s12 =	sadd.s32 $0x14900, s8  }
0x80: {  	[spmem:s1] =	stream.indirect.scatter.add.f32 [tilespmem:s21], [sflag:$0x5], $0x80, s12, s20, $0xb8;
	[tilespmem:$0x1D800] =	vst v63  }
0x81: {  	_ =	swait.ge [sflag:s29], $0x4000  }
0x82: {  	[sflag:s29] =	ssyncset.done $0x0  }
0x83: {  	[sflag:s29] =	ssyncadd.s32 $0xFFFFC000  }
0x84: {  	_ =	swait.ge [sflag:s30], $0x4000  }
0x85: {  	[sflag:s30] =	ssyncset.done $0x0  }
0x86: {  	s11 =	sadd.s32 $0x14200, s8;
	[sflag:s30] =	ssyncadd.s32 $0xFFFFC000  }
0x87: {  	[tilespmem:s21], [sflag:$0x1] =	stream.indirect.gather [hbm4b:s4+s20], $0x80, s11, s20, $0xb8;
	[tilespmem:$0x1D800] =	vst v63  }
0x88: {  	s12 =	sadd.s32 $0x14980, s8  }
0x89: {  	[spmem:s1] =	stream.indirect.scatter.add.f32 [tilespmem:s28], [sflag:$0x6], $0x80, s12, s20, $0xb8;
	[tilespmem:$0x1D800] =	vst v63  }
0x8a: {  	_ =	swait.ge [sflag:s26], $0x4000  }
0x8b: {  	[sflag:s26] =	ssyncset.done $0x0  }
0x8c: {  	[sflag:s26] =	ssyncadd.s32 $0xFFFFC000  }
0x8d: {  	_ =	swait.ge [sflag:s31], $0x4000  }
0x8e: {  	[sflag:s31] =	ssyncset.done $0x0  }
0x8f: {  	s11 =	sadd.s32 $0x14280, s8;
	[sflag:s31] =	ssyncadd.s32 $0xFFFFC000  }
0x90: {  	[tilespmem:s28], [sflag:$0x2] =	stream.indirect.gather [hbm4b:s4+s20], $0x80, s11, s20, $0xb8;
	[tilespmem:$0x1D800] =	vst v63  }
0x91: {  	s12 =	sadd.s32 $0x14A00, s8  }
0x92: {  	[spmem:s1] =	stream.indirect.scatter.add.f32 [tilespmem:s21], [sflag:$0x5], $0x80, s12, s20, $0xb8;
	[tilespmem:$0x1D800] =	vst v63  }
0x93: {  	_ =	swait.ge [sflag:s29], $0x4000  }
0x94: {  	[sflag:s29] =	ssyncset.done $0x0  }
0x95: {  	[sflag:s29] =	ssyncadd.s32 $0xFFFFC000  }
0x96: {  	_ =	swait.ge [sflag:s30], $0x4000  }
0x97: {  	[sflag:s30] =	ssyncset.done $0x0  }
0x98: {  	s11 =	sadd.s32 $0x14300, s8;
	[sflag:s30] =	ssyncadd.s32 $0xFFFFC000  }
0x99: {  	[tilespmem:s21], [sflag:$0x1] =	stream.indirect.gather [hbm4b:s4+s20], $0x80, s11, s20, $0xb8;
	[tilespmem:$0x1D800] =	vst v63  }
0x9a: {  	s12 =	sadd.s32 $0x14A80, s8  }
0x9b: {  	[spmem:s1] =	stream.indirect.scatter.add.f32 [tilespmem:s28], [sflag:$0x6], $0x80, s12, s20, $0xb8;
	[tilespmem:$0x1D800] =	vst v63  }
0x9c: {  	_ =	swait.ge [sflag:s26], $0x4000  }
0x9d: {  	[sflag:s26] =	ssyncset.done $0x0  }
0x9e: {  	[sflag:s26] =	ssyncadd.s32 $0xFFFFC000  }
0x9f: {  	_ =	swait.ge [sflag:s31], $0x4000  }
0xa0: {  	[sflag:s31] =	ssyncset.done $0x0  }
0xa1: {  	p1 =	sne.s32 s19, $0x480;
	s11 =	sadd.s32 $0x14380, s8;
	[sflag:s31] =	ssyncadd.s32 $0xFFFFC000  }
0xa2: {  	[tilespmem:s28], [sflag:$0x2] =	stream.indirect.gather [hbm4b:s4+s20], $0x80, s11, s20, $0xb8;
	[tilespmem:$0x1D800] =	vst v63  }
.Ltmp4:
0xa3: {  	s12 =	sadd.s32 $0x14B00, s8;
	(pc) =	sbr.rel @!p1 .LBB2_7-.Ltmp4, $4  }
0xa4: {  	[spmem:s1] =	stream.indirect.scatter.add.f32 [tilespmem:s21], [sflag:$0x5], $0x80, s12, s20, $0xb8;
	[tilespmem:$0x1D800] =	vst v63  }
0xa5: {  	_ =	swait.ge [sflag:s29], $0x4000  }
0xa6: {  	[sflag:s29] =	ssyncset.done $0x0  }
0xa7: {  	[sflag:s29] =	ssyncadd.s32 $0xFFFFC000  }
0xa8: {  	_ =	swait.ge [sflag:s30], $0x4000  }
0xa9: {  	[sflag:s30] =	ssyncset.done $0x0  }
0xaa: {  	[sflag:s30] =	ssyncadd.s32 $0xFFFFC000  }
0xab: {  	_ =	swait.ge [sflag:s0], $0x400  }
0xac: {  	[sflag:s0] =	ssyncset.done $0x0  }
0xad: {  	s19 =	sadd.s32 $0x80, s19;
	[sflag:s0] =	ssyncadd.s32 $0xFFFFFC00  }
0xae: {  	p1 =	sne.s32 s19, $0x500;
	_ =	swait.ge [sflag:s2], $0x400  }
.Ltmp5:
0xaf: {  	[sflag:s2] =	ssyncset.done $0x0;
	(pc) =	sbr.rel @p1 .LBB2_6-.Ltmp5, $4  }
.Ltmp6:
0xb0: {  	[sflag:s2] =	ssyncadd.s32 $0xFFFFFC00;
	(pc) =	sbr.rel @!p1 .LBB2_9-.Ltmp6, $4  }
0xb1: {  	[tilespmem:s21], [sflag:$0x1] =	stream.indirect.gather [hbm4b:s4+s20], $0x80, s9, s20, $0xb8;
	[tilespmem:$0x1D800] =	vst v63  }
0xb2: {  	s8 =	sadd.s32 $0x14B80, s8;
	s7 =	sadd.s32 $0x1000, s7;
	s6 =	sadd.s32 $0x1, s6  }
0xb3: {  	[spmem:s1] =	stream.indirect.scatter.add.f32 [tilespmem:s28], [sflag:$0x6], $0x80, s8, s20, $0xb8;
	[tilespmem:$0x1D800] =	vst v63  }
0xb4: {  	_ = 	snop  }
.LBB2_10:
0xb5: {  	_ =	sfence.sel $0x180000  }
0xb6: {  	[bflag:$0x0] =	sbarrier.arrive $0xFFFF  }
0xb7: {  	_ =	strace $0x9000004A  }
0xb8: {  	s0 =	stileid.u32;
	[bflag:$0x2] =	sbarrier.arrive $0xFFFF  }
0xb9: {  	p0 =	sne.s32 s0, $0x0;
	s0 =	rddreg [dreg:$0x3]  }
0xba: {  	s0 =	sadd.s32 @!p0 $0x100000, s0  }
0xbb: {  	[sflag:s0] =	ssyncadd.tile.s32 @!p0 $0x1;
	_ =	shalt  }
.Lfunc_end2:
_tile_overlayer_lowered:
.L_overlay_start_2:
0xbc: {  	(tag) =	ssettag $0x2  }
0xbd: {  	s0 =	rddreg [dreg:$0x0];
	s2 =	stileid.u32  }
0xbe: {  	s1 =	rddreg [dreg:$0x1];
	p0 =	sne.s32 s2, $0x0  }
0xbf: {  	s3 =	rddreg [dreg:$0x2];
	[bflag:$0x3] =	sbarrier.arrive $0xFFFF;
	s2 =	simm.s32 @!p0 $0x1C07  }
0xc0: {  	[timem:s3], [sflag:s2] =	dma.local @!p0 [hbm:s0], s1  }
0xc1: {  	s0 =	simm.s32 @!p0 $0x7  }
0xc2: {  	_ =	swait.ge @!p0 [sflag:s0], s1  }
0xc3: {  	s1 =	ssub.s32 @!p0 $0x0, s1;
	[sflag:s0] =	ssyncset.done @!p0 $0x0  }
0xc4: {  	[sflag:s0] =	ssyncadd.s32 @!p0 s1  }
0xc5: {  	[bflag:$0x3] =	sbarrier.arrive $0xFFFF  }
0xc6: {  	_ =	shalt  }

// kernel: kernel.18.cloned.1.call-start
scs
__scs_entry_jumppad:
0x0: {  	(pc) =	sbr.rel $0x88, $3  }
0x1: {  	(tag) =	ssettag $0x0;
	lr =	simm.s32 $0x1  }
0x2: {  	[smem:$0x3F9B] =	sst lr;
	_ =	strace $0xD0000000  }
0x3: {  	_ = 	snop  }
0x4: {  	_ = 	snop  }
0x5: {  	_ = 	snop  }
0x6: {  	_ = 	snop  }
0x7: {  	_ = 	snop  }
__scs_overlays_trampoline_lowered:
0x8: {  	[smem:$0x3FAA] =	sst s0  }
0x9: {  	[smem:$0x3FAB] =	sst s1  }
0xa: {  	[smem:$0x3FAC] =	sst s2  }
0xb: {  	[smem:$0x3FAD] =	sst s3  }
0xc: {  	[smem:$0x3FAE] =	sst s4  }
0xd: {  	[smem:$0x3FAF] =	sst s5  }
0xe: {  	[smem:$0x3FB0] =	sst s6  }
0xf: {  	[smem:$0x3FB1] =	sst s7  }
0x10: {  	[smem:$0x3FB2] =	sst s8  }
0x11: {  	[smem:$0x3FB3] =	sst s9;
	s0 =	simm.s32 @!p0 $0x0  }
0x12: {  	s1 =	sld [smem:$0x3F99];
	s0 =	simm.s32 @p0 $0x1  }
0x13: {  	[smem:$0x3FB4] =	sst s0;
	s0 =	simm.s32 @!p1 $0x0  }
0x14: {  	s2 =	sld [smem:$0x3F98];
	s0 =	simm.s32 @p1 $0x1  }
0x15: {  	[smem:$0x3FB5] =	sst s0;
	s0 =	simm.s32 @!p2 $0x0  }
0x16: {  	s3 =	sld [smem:$0x3FDB];
	s0 =	simm.s32 @p2 $0x1  }
0x17: {  	s4 =	simm.s32 $0x1BF5;
	[smem:$0x3FB7] =	sst s0  }
0x18: {  	s0 =	sld [smem:$0x3F9A];
	_ =	swait.ge [sflag:s4], $0x0  }
0x19: {  	s7 =	sld [smem:$0x3F9B]  }
0x1a: {  	s8 =	sadd.s32 $0xFFFFE003, lr  }
0x1b: {  	s9 =	sadd.s32 $0xFFFFFEF7, lr;
	s5 =	simm.s32 $0xFFFFFFFF;
	p2 =	slt.u32 s8, $0xFFFFF086  }
0x1c: {  	p1 =	slt.u32 s9, $0xF7A;
	s5 =	simm.s32 @!p2 $0x0  }
0x1d: {  	s5 =	simm.s32 @p1 $0x1;
	p0 =	seq.s32 s7, s2  }
0x1e: {  	s7 =	smul.u32 @!p0 $0xF7A, s2;
	p2 =	seq.s32 @!p0 s5, $0x0  }
0x1f: {  	s9 =	smul.u32 $0xF7A, s1;
	s8 =	simm.s32 @!p0 $0x1BF5;
	p2 =	por !p2, p0  }
0x20: {  	[sflag:s8] =	ssyncset.s32 @!p0 $0xFFFFF086;
	s6 =	sadd.s32 @!p0 s3, s7;
	s7 =	simm.s32 @!p0 $0x108  }
0x21: {  	s3 =	sadd.s32 s3, s9;
	s6 =	sadd.s32 @!p0 $0x88, s6;
	s7 =	simm.s32 @p2 $0x1082  }
0x22: {  	[simem:s7], [sflag:s8] =	dma.local @!p0 [hbm:s6], $0xF7A  }
0x23: {  	s9 =	sor.u32 $0xD0000000, s2;
	s6 =	simm.s32 $0x108;
	_ =	swait.ge @!p0 [sflag:s8], $0x0  }
0x24: {  	s3 =	sadd.s32 $0x88, s3;
	s6 =	simm.s32 @!p1 $0x1082;
	[sflag:s4] =	ssyncset.s32 $0xFFFFF086  }
0x25: {  	[simem:s6], [sflag:s4] =	dma.local [hbm:s3], $0xF7A  }
0x26: {  	[smem:$0x3F9B] =	sst s1;
	(tag) =	ssettag s2;
	_ =	strace s9  }
0x27: {  	s1 =	sld [smem:$0x3FAB]  }
0x28: {  	s2 =	sld [smem:$0x3FAC]  }
0x29: {  	s4 =	sld [smem:$0x3FAE]  }
0x2a: {  	p0 =	seq.s32 s5, $0x0;
	s5 =	sld [smem:$0x3FAF]  }
0x2b: {  	s6 =	sld [smem:$0x3FB0]  }
0x2c: {  	s7 =	sld [smem:$0x3FB1]  }
0x2d: {  	s3 =	simm.s32 $0x108;
	s8 =	sld [smem:$0x3FB2]  }
0x2e: {  	s3 =	simm.s32 @!p0 $0x1082;
	s9 =	sld [smem:$0x3FB3]  }
0x2f: {  	lr =	sadd.s32 s0, s3;
	s0 =	sld [smem:$0x3FAA]  }
0x30: {  	s3 =	sld [smem:$0x3FAD]  }
0x31: {  	[smem:$0x3FB6] =	sst s10  }
0x32: {  	s10 =	sld [smem:$0x3FB4];
	_ =	sdelay $0x3  }
0x33: {  	p0 =	seq.s32 s10, $0x1;
	s10 =	sld [smem:$0x3FB6];
	_ =	sdelay $0x3  }
0x34: {  	[smem:$0x3FB6] =	sst s10  }
0x35: {  	s10 =	sld [smem:$0x3FB5];
	_ =	sdelay $0x3  }
0x36: {  	p1 =	seq.s32 s10, $0x1;
	s10 =	sld [smem:$0x3FB6];
	_ =	sdelay $0x3  }
0x37: {  	[smem:$0x3FB6] =	sst s10  }
0x38: {  	s10 =	sld [smem:$0x3FB7]  }
0x39: {  	_ = 	snop;
	(pc) =	sbr.ind lr, $3  }
0x3a: {  	_ = 	snop  }
0x3b: {  	_ = 	snop  }
0x3c: {  	p2 =	seq.s32 s10, $0x1;
	s10 =	sld [smem:$0x3FB6]  }
0x3d: {  	_ =	shalt  }
0x3e: {  	_ =	shalt  }
0x3f: {  	_ =	shalt  }
0x40: {  	_ =	shalt  }
0x41: {  	_ =	shalt  }
0x42: {  	_ =	shalt  }
0x43: {  	_ =	shalt  }
0x44: {  	_ =	shalt  }
0x45: {  	_ =	shalt  }
0x46: {  	_ =	shalt  }
0x47: {  	_ =	shalt  }
0x48: {  	_ =	shalt  }
0x49: {  	_ =	shalt  }
0x4a: {  	_ =	shalt  }
0x4b: {  	_ =	shalt  }
0x4c: {  	_ =	shalt  }
0x4d: {  	_ =	shalt  }
0x4e: {  	_ =	shalt  }
0x4f: {  	_ =	shalt  }
0x50: {  	_ =	shalt  }
0x51: {  	_ =	shalt  }
0x52: {  	_ =	shalt  }
0x53: {  	_ =	shalt  }
0x54: {  	_ =	shalt  }
0x55: {  	_ =	shalt  }
0x56: {  	_ =	shalt  }
0x57: {  	_ =	shalt  }
0x58: {  	_ =	shalt  }
0x59: {  	_ =	shalt  }
0x5a: {  	_ =	shalt  }
0x5b: {  	_ =	shalt  }
0x5c: {  	_ =	shalt  }
0x5d: {  	_ =	shalt  }
0x5e: {  	_ =	shalt  }
0x5f: {  	_ =	shalt  }
0x60: {  	_ =	shalt  }
0x61: {  	_ =	shalt  }
0x62: {  	_ =	shalt  }
0x63: {  	_ =	shalt  }
0x64: {  	_ =	shalt  }
0x65: {  	_ =	shalt  }
0x66: {  	_ =	shalt  }
0x67: {  	_ =	shalt  }
0x68: {  	_ =	shalt  }
0x69: {  	_ =	shalt  }
0x6a: {  	_ =	shalt  }
0x6b: {  	_ =	shalt  }
0x6c: {  	_ =	shalt  }
0x6d: {  	_ =	shalt  }
0x6e: {  	_ =	shalt  }
0x6f: {  	_ =	shalt  }
0x70: {  	_ =	shalt  }
0x71: {  	_ =	shalt  }
0x72: {  	_ =	shalt  }
0x73: {  	_ =	shalt  }
0x74: {  	_ =	shalt  }
0x75: {  	_ =	shalt  }
0x76: {  	_ =	shalt  }
0x77: {  	_ =	shalt  }
0x78: {  	_ =	shalt  }
0x79: {  	_ =	shalt  }
0x7a: {  	_ =	shalt  }
0x7b: {  	_ =	shalt  }
0x7c: {  	_ =	shalt  }
0x7d: {  	_ =	shalt  }
0x7e: {  	_ =	shalt  }
0x7f: {  	_ =	shalt  }
0x80: {  	_ =	shalt  }
0x81: {  	_ =	shalt  }
0x82: {  	_ =	shalt  }
0x83: {  	_ =	shalt  }
0x84: {  	_ =	shalt  }
0x85: {  	_ =	shalt  }
0x86: {  	_ =	shalt  }
0x87: {  	_ =	shalt  }
.Lfunc_end0:
.L_simem_size_0:
called_computation.2_lowered:
.L_overlay_start_0:
0x88: {  	s2 =	sld [smem:$0x3FD9]  }
0x89: {  	s3 =	sld [smem:$0x3FFE];
	_ =	sdelay $0x1  }
0x8a: {  	s1 =	srdreg.scid  }
0x8b: {  	s0 =	sand.u32 $0x1, s1  }
0x8c: {  	s17 =	sshll.u32 s0, $0xA;
	s2 =	sadd.s32 s3, s2  }
0x8d: {  	s2 =	sadd.s32 s2, s17  }
0x8e: {  	[smem:$0x3FC2] =	sst s2  }
0x8f: {  	_ = 	snop  }
0x90: {  	s2 =	sld [smem:$0x3FD0];
	(tm) =	ssettm $0x1  }
0x91: {  	s18 =	sld [smem:$0x3FFB];
	_ =	sdelay $0x3  }
0x92: {  	_ =	strace s18  }
0x93: {  	s3 =	sld [smem:$0x3FFC];
	_ =	sdelay $0x3  }
0x94: {  	_ =	strace s3  }
0x95: {  	s3 =	sld [smem:$0x3FFD];
	_ =	sdelay $0x3  }
0x96: {  	_ =	strace s3  }
0x97: {  	_ =	strace $0x8FFFFFFF  }
0x98: {  	s19 =	sld [smem:$0x3FDB];
	_ =	sdelay $0x1  }
0x99: {  	s4 =	simm.s32 $_scs_section_size  }
0x9a: {  	s5 =	simm.s32 $_size__tile_overlayer_lowered;
	s6 =	simm.s32 $_tile_overlayer_lowered  }
0x9b: {  	s22 =	simm.s32 $0x1BFF;
	s21 =	sshll.u32 s6, $0x1;
	s3 =	sadd.s32 s4, s19  }
0x9c: {  	s7 =	simm.s32 $0x0;
	s20 =	sshll.u32 s5, $0x1;
	s5 =	sadd.s32 s21, s3  }
0x9d: {  	[timem:s7], [sflag:s22] =	dma.local [hbm:s5], s20  }
0x9e: {  	_ =	swait.ge [sflag:s22], s20  }
0x9f: {  	s4 =	ssub.s32 $0x0, s20;
	[sflag:s22] =	ssyncset.done $0x0  }
0xa0: {  	[sflag:s22] =	ssyncadd.s32 s4;
	_ =	sdelay $0x1  }
0xa1: {  	s23 =	simm.s32 $0x1B8B  }
0xa2: {  	_ =	swait.ge [sflag:s23], $0x1  }
0xa3: {  	[sflag:s23] =	ssyncset.done $0x0  }
0xa4: {  	s25 =	simm.s32 $0x1B8E;
	s24 =	sld [smem:$0x3FFE];
	[sflag:s23] =	ssyncadd.s32 $0xFFFFFFFF  }
0xa5: {  	s26 =	simm.s32 $execute0_lowered;
	[smem:$0x3FD2] =	sst s25  }
0xa6: {  	s5 =	sshll.u32 s26, $0x1;
	_ =	strace $0x8000004C;
	[dreg:$0x1] =	wrdreg $0xFFFFFFFF  }
0xa7: {  	s28 =	simm.s32 $_size_execute0_lowered;
	s3 =	sadd.s32 s3, s5;
	[dreg:$0x0] =	wrdreg $0x0  }
0xa8: {  	s5 =	sshll.u32 s28, $0x1;
	[dreg:$0x2] =	wrdreg s3  }
0xa9: {  	[dreg:$0x3] =	wrdreg s5  }
0xaa: {  	[dreg:$0x4] =	wrdreg $0xC0  }
0xab: {  	_ =	task [dreg:s7], $0x5FFFF  }
0xac: {  	[dreg:$0x1] =	wrdreg $0xFFFFFFFF  }
0xad: {  	[dreg:$0x0] =	wrdreg $0x60  }
0xae: {  	[dreg:$0x2] =	wrdreg s24  }
0xaf: {  	[dreg:$0x3] =	wrdreg s2  }
0xb0: {  	[dreg:$0x4] =	wrdreg $0x0  }
0xb1: {  	[dreg:$0x5] =	wrdreg $0x9  }
0xb2: {  	_ =	task.clear_ibuf [dreg:s7], $0x6FFFF;
	_ =	strace $0x9000004C  }
0xb3: {  	s29 =	simm.s32 $0x9;
	_ =	strace $0x8000004E  }
0xb4: {  	_ =	swait.ge [sflag:s29], $0x1  }
0xb5: {  	[sflag:s29] =	ssyncadd.s32 $0xFFFFFFFF  }
0xb6: {  	_ =	strace $0x9000004E  }
0xb7: {  	_ =	sfence  }
0xb8: {  	s30 =	sld [smem:$0x0];
	_ =	sdelay $0x2  }
0xb9: {  	s31 =	sshll.u32 s1, $0xD;
	s1 =	sshrl.u32 s1, $0x2  }
0xba: {  	s3 =	sand.u32 $0x4000, s31;
	s1 =	sadd.s32 s1, s30  }
0xbb: {  	s0 =	sor.u32 s3, s0;
	s1 =	sshll.u32 s1, $0x11  }
0xbc: {  	s0 =	sor.u32 s1, s0  }
0xbd: {  	s0 =	sadd.s32 $0x8F2B, s0  }
0xbe: {  	[sflag:s0] =	ssyncadd.remote.s32 $0x1  }
0xbf: {  	_ =	sfence.sel $0xFFFF  }
0xc0: {  	[dreg:$0x0] =	wrdreg $0xFFFFFFFF;
	(pc) =	sbr.abs _section_cstart, $3  }
0xc1: {  	[dreg:$0x1] =	wrdreg $0xFFFFFFFF  }
0xc2: {  	_ =	task.clear_ibuf [dreg:s7], $0x2FFFF;
	_ =	strace $0x9FFFFFFF  }
0xc3: {  	(tm) =	ssettm $0x7FFFFFFF  }
tec
execute0_lowered:
.L_overlay_start_1:
0x0: {  	(tag) =	ssettag $0x1  }
0x1: {  	s0 =	rddreg [dreg:$0x0]  }
0x2: {  	s2 =	rddreg [dreg:$0x1]  }
0x3: {  	s1 =	rddreg [dreg:$0x2];
	s4 =	srdreg.scid  }
0x4: {  	s3 =	simm.s32 $0x0;
	s22 =	stileid.u32;
	s28 =	simm.s32 $0x19000  }
0x5: {  	s29 =	simm.s32 $0x2;
	s30 =	simm.s32 $0x5;
	s31 =	simm.s32 $0x6  }
0x6: {  	s6 =	sand.u32 $0x1, s4;
	[smem:$0x7FF] =	sst s3;
	s7 =	smul.u32 $0x50000, s22  }
0x7: {  	s8 =	sadd.s32 $0x3400, s0;
	s12 =	smul.u32 $0x14000, s22;
	p0 =	seq.s32 s22, $0xF  }
0x8: {  	s4 =	sshll.u32 s6, $0x4;
	_ =	strace $0x8000004D;
	s11 =	smul.u32 $0x13C000, s6  }
0x9: {  	s20 =	ssub.s32 $0x2, s6;
	s6 =	smul.u32 $0xA0, s6;
	s5 =	sor.u32 s22, s4  }
0xa: {  	s4 =	sadd.s32 $0xE800, s0;
	s0 =	sadd.s32 $0x36000, s0;
	s10 =	sshrl.u32 s20, $0x1  }
0xb: {  	s7 =	sshrl.u32 s7, $0x2;
	s25 =	sadd.s32 $0x4000, s12;
	s14 =	sadd.s32 $0x8000, s12  }
0xc: {  	s18 =	sadd.s32 $0xC000, s12;
	s9 =	smul.u32 $0x500, s5;
	s13 =	ssub.s32 s20, s10  }
0xd: {  	s5 =	sadd.s32 s7, s1;
	s24 =	sadd.s32 s12, s11;
	s26 =	sadd.s32 s11, s25  }
0xe: {  	s16 =	sadd.s32 s11, s14;
	s20 =	smul.u32 $0xA, s22;
	s19 =	sadd.s32 s14, s1  }
0xf: {  	s7 =	sshrl.u32 s24, $0x3;
	s15 =	sshrl.u32 s26, $0x3;
	s17 =	sshrl.u32 s16, $0x3  }
0x10: {  	s16 =	sadd.s32 $0x10000, s12;
	s13 =	smax.u32 s13, $0x1;
	s21 =	sadd.s32 s2, s9  }
0x11: {  	s23 =	sadd.s32 s8, s9;
	s7 =	sadd.s32 s0, s7;
	[dreg:$0x4] =	wrdreg s21  }
0x12: {  	s9 =	sadd.s32 s0, s17;
	s6 =	sadd.s32 s20, s6;
	[dreg:$0x5] =	wrdreg s23  }
0x13: {  	s17 =	simm.s32 $0x7;
	s20 =	simm.s32 $0x80;
	[dreg:$0x6] =	wrdreg s7  }
0x14: {  	s7 =	sadd.s32 s0, s15;
	[dreg:$0x8] =	wrdreg s9;
	s15 =	sadd.s32 s11, s18  }
0x15: {  	s23 =	sadd.s32 s11, s16;
	s9 =	sadd.s32 s18, s1;
	s26 =	sshll.u32 s6, $0x7  }
0x16: {  	s6 =	sadd.s32 s16, s1;
	s16 =	simm.s32 $0x1D000;
	s18 =	simm.s32 $0x14000  }
0x17: {  	[dreg:$0x7] =	wrdreg s7;
	s7 =	sadd.s32 s25, s1;
	s21 =	sshrl.u32 s15, $0x3  }
0x18: {  	s25 =	sshrl.u32 s23, $0x3;
	s2 =	sadd.s32 s26, s2;
	s23 =	sshrl.u32 s19, $0x3  }
.Ltmp0:
0x19: {  	s24 =	sadd.s32 s0, s21;
	s0 =	sadd.s32 s0, s25;
	(pc) =	sbr.rel .LBB2_1-.Ltmp0, $4  }
0x1a: {  	s14 =	sadd.s32 $0x80, s2;
	s21 =	simm.s32 $0x15000;
	s22 =	sshrl.u32 s7, $0x3  }
0x1b: {  	s25 =	sshrl.u32 @!p0 s6, $0x3;
	s2 =	simm.s32 $0x4;
	[dreg:$0x9] =	wrdreg s24  }
0x1c: {  	[dreg:$0xa] =	wrdreg s0;
	s0 =	sadd.s32 s26, s8;
	s24 =	sshrl.u32 s9, $0x3  }
0x1d: {  	v0 =	vimm.f32 $0.0e+00;
	s26 =	simm.s32 $0x1;
	s15 =	sadd.s32 $0x80, s0;
	s0 =	simm.s32 $0x3  }
.LBB2_7:
0x1e: {  	s6 =	sadd.s32 $0x14B80, s8  }
0x1f: {  	[spmem:s1] =	stream.indirect.scatter.add.f32 [tilespmem:s28], [sflag:$0x6], $0x80, s6, s20, $0xb8;
	[tilespmem:$0x1D800] =	vst v63  }
.LBB2_9:
0x20: {  	_ =	swait.ge [sflag:s30], $0x4000  }
0x21: {  	[sflag:s30] =	ssyncset.done $0x0  }
0x22: {  	[sflag:s30] =	ssyncadd.s32 $0xFFFFC000  }
0x23: {  	_ =	swait.ge [sflag:s31], $0x4000  }
0x24: {  	[sflag:s31] =	ssyncset.done $0x0  }
0x25: {  	s6 =	stileid.u32;
	[sflag:s31] =	ssyncadd.s32 $0xFFFFC000  }
0x26: {  	s6 =	sshll.u32 s6, $0x6;
	[bflag:$0x0] =	sbarrier.arrive $0xFFFF  }
0x27: {  	s7 =	sshrl.u32 s5, $0x3;
	s6 =	sor.u32 $0x1C07, s6;
	s8 =	rddreg [dreg:$0x6]  }
0x28: {  	[hbm:s8], [sflag:s6] =	dma.local [spmem:s7], $0x800  }
0x29: {  	_ =	swait.ge [sflag:s17], $0x800  }
0x2a: {  	[sflag:s17] =	ssyncset.done $0x0  }
0x2b: {  	s11 =	rddreg [dreg:$0x7];
	[sflag:s17] =	ssyncadd.s32 $0xFFFFF800  }
0x2c: {  	[hbm:s11], [sflag:s6] =	dma.local [spmem:s22], $0x800  }
0x2d: {  	_ =	swait.ge [sflag:s17], $0x800  }
0x2e: {  	[sflag:s17] =	ssyncset.done $0x0  }
0x2f: {  	s12 =	rddreg [dreg:$0x8];
	[sflag:s17] =	ssyncadd.s32 $0xFFFFF800  }
0x30: {  	[hbm:s12], [sflag:s6] =	dma.local [spmem:s23], $0x800  }
0x31: {  	_ =	swait.ge [sflag:s17], $0x800  }
0x32: {  	[sflag:s17] =	ssyncset.done $0x0  }
0x33: {  	s19 =	rddreg [dreg:$0x9];
	[sflag:s17] =	ssyncadd.s32 $0xFFFFF800  }
0x34: {  	[hbm:s19], [sflag:s6] =	dma.local [spmem:s24], $0x800  }
0x35: {  	_ =	swait.ge [sflag:s17], $0x800  }
0x36: {  	s3 =	sadd.s32 $0x1, s3;
	[sflag:s17] =	ssyncset.done $0x0  }
0x37: {  	p1 =	sne.s32 s3, s13;
	s7 =	rddreg [dreg:$0xa];
	[sflag:s17] =	ssyncadd.s32 $0xFFFFF800  }
0x38: {  	[hbm:s7], [sflag:s6] =	dma.local @!p0 [spmem:s25], $0x800  }
.Ltmp1:
0x39: {  	_ = 	snop;
	(pc) =	sbr.rel @!p1 .LBB2_10-.Ltmp1, $4  }
0x3a: {  	s6 =	simm.s32 @!p0 $0x7  }
0x3b: {  	_ =	swait.ge @!p0 [sflag:s6], $0x800  }
0x3c: {  	[sflag:s6] =	ssyncset.done @!p0 $0x0  }
0x3d: {  	[sflag:s6] =	ssyncadd.s32 @!p0 $0xFFFFF800  }
.LBB2_1:
0x3e: {  	s6 =	simm.s32 $0x0;
	s7 =	simm.s32 $0x200  }
.LBB2_2:
0x3f: {  	p1 =	sne.s32 s7, $0x1E00;
	[tilespmem:s6+$0x1D070] =	vst v0  }
0x40: {  	[tilespmem:s6+$0x1D000] =	vst v0  }
0x41: {  	[tilespmem:s6+$0x1D010] =	vst v0  }
.Ltmp2:
0x42: {  	[tilespmem:s6+$0x1D020] =	vst v0;
	(pc) =	sbr.rel @p1 .LBB2_2-.Ltmp2, $4  }
0x43: {  	[tilespmem:s6+$0x1D030] =	vst v0  }
0x44: {  	[tilespmem:s6+$0x1D040] =	vst v0  }
0x45: {  	[tilespmem:s6+$0x1D050] =	vst v0  }
0x46: {  	[tilespmem:s6+$0x1D060] =	vst v0;
	s6 =	sshra.s32 s7, $0x2;
	s7 =	sadd.s32 $0x200, s7  }
0x47: {  	[tilespmem:s6+$0x1D070] =	vst v0  }
0x48: {  	[tilespmem:s6+$0x1D000] =	vst v0  }
0x49: {  	[tilespmem:s6+$0x1D010] =	vst v0  }
0x4a: {  	[tilespmem:s6+$0x1D020] =	vst v0  }
0x4b: {  	[tilespmem:s6+$0x1D030] =	vst v0  }
0x4c: {  	[tilespmem:s6+$0x1D040] =	vst v0  }
0x4d: {  	[tilespmem:s6+$0x1D050] =	vst v0  }
0x4e: {  	[tilespmem:s6+$0x1D060] =	vst v0;
	s19 =	sadd.s32 $0x0, s5  }
0x4f: {  	[spmem:s19] =	stream.linear.scatter [tilespmem:s16], [sflag:$0x7], $0x800, $0x38;
	[tilespmem:$0x1D800] =	vst v63  }
0x50: {  	s6 =	simm.s32 $0x2000;
	_ =	swait.ge [sflag:s17], $0x800  }
.LBB2_4:
0x51: {  	s7 =	sshra.s32 s6, $0x2;
	[sflag:s17] =	ssyncset.done $0x0;
	p1 =	sne.s32 s6, $0x4E000  }
.Ltmp3:
0x52: {  	s7 =	sadd.s32 s7, s5;
	[sflag:s17] =	ssyncadd.s32 $0xFFFFF800;
	(pc) =	sbr.rel @p1 .LBB2_4-.Ltmp3, $3  }
0x53: {  	[spmem:s7] =	stream.linear.scatter [tilespmem:s16], [sflag:$0x7], $0x800, $0x38;
	[tilespmem:$0x1D800] =	vst v63  }
0x54: {  	s6 =	sadd.s32 $0x2000, s6;
	_ =	sdelay $0x1  }
0x55: {  	_ =	swait.ge [sflag:s17], $0x800  }
0x56: {  	[sflag:s17] =	ssyncset.done $0x0  }
0x57: {  	[sflag:s17] =	ssyncadd.s32 $0xFFFFF800  }
0x58: {  	[bflag:$0x0] =	sbarrier.arrive $0xFFFF  }
0x59: {  	s19 =	simm.s32 $0x0;
	s6 =	rddreg [dreg:$0x4]  }
0x5a: {  	[tilespmem:s18], [sflag:$0x7] =	stream.linear.gather [hbm4b:s6+s19], $0x400, $0x38;
	[tilespmem:$0x1D800] =	vst v63  }
0x5b: {  	_ =	swait.ge [sflag:s17], $0x400  }
0x5c: {  	[sflag:s17] =	ssyncset.done $0x0  }
0x5d: {  	s7 =	simm.s32 $0x14800;
	s12 =	rddreg [dreg:$0x5];
	[sflag:s17] =	ssyncadd.s32 $0xFFFFFC00  }
0x5e: {  	[tilespmem:s7], [sflag:$0x7] =	stream.linear.gather [hbm4b:s12+s19], $0x400, $0x38;
	[tilespmem:$0x1D800] =	vst v63  }
0x5f: {  	_ =	swait.ge [sflag:s17], $0x400  }
0x60: {  	[sflag:s17] =	ssyncset.done $0x0  }
0x61: {  	s6 =	simm.s32 $0x1;
	s7 =	simm.s32 $0x0;
	[sflag:s17] =	ssyncadd.s32 $0xFFFFFC00  }
0x62: {  	[tilespmem:s21], [sflag:$0x1] =	stream.indirect.gather [hbm4b:s4+s20], $0x80, s18, s20, $0xb8;
	[tilespmem:$0x1D800] =	vst v63  }
.LBB2_6:
0x63: {  	_ =	swait.ge [sflag:s26], $0x4000  }
0x64: {  	p1 =	seq.s32 s19, $0x0;
	[sflag:s26] =	ssyncset.done $0x0  }
0x65: {  	s9 =	simm.s32 @!p1 $0x6;
	[sflag:s26] =	ssyncadd.s32 $0xFFFFC000  }
0x66: {  	s8 =	sshrl.u32 s7, $0x2;
	_ =	swait.ge @!p1 [sflag:s9], $0x4000  }
0x67: {  	s8 =	sand.u32 $0x400, s8;
	[sflag:s9] =	ssyncset.done @!p1 $0x0  }
0x68: {  	s11 =	sadd.s32 $0x14080, s8;
	[sflag:s9] =	ssyncadd.s32 @!p1 $0xFFFFC000  }
0x69: {  	[tilespmem:s28], [sflag:$0x2] =	stream.indirect.gather [hbm4b:s4+s20], $0x80, s11, s20, $0xb8;
	[tilespmem:$0x1D800] =	vst v63  }
0x6a: {  	s10 =	sshll.u32 s6, $0xA;
	s12 =	sor.u32 $0x14800, s8  }
0x6b: {  	[spmem:s1] =	stream.indirect.scatter.add.f32 [tilespmem:s21], [sflag:$0x5], $0x80, s12, s20, $0xb8;
	[tilespmem:$0x1D800] =	vst v63  }
0x6c: {  	s10 =	sand.u32 $0x400, s10;
	_ =	swait.ge [sflag:s29], $0x4000  }
0x6d: {  	s9 =	sor.u32 $0x14000, s10;
	p1 =	seq.s32 s19, $0x480;
	[sflag:s29] =	ssyncset.done $0x0  }
0x6e: {  	s11 =	sadd.s32 s19, s14;
	s12 =	simm.s32 @!p1 $0x0;
	[sflag:s29] =	ssyncadd.s32 $0xFFFFC000  }
0x6f: {  	[tilespmem:s9], [sflag:$0x3] =	stream.linear.gather @!p1 [hbm4b:s11+s12], $0x400, $0x38;
	[tilespmem:$0x1D800] =	vst v63  }
0x70: {  	s10 =	sor.u32 $0x14800, s10;
	s11 =	sadd.s32 s19, s15  }
0x71: {  	[tilespmem:s10], [sflag:$0x4] =	stream.linear.gather @!p1 [hbm4b:s11+s12], $0x400, $0x38;
	[tilespmem:$0x1D800] =	vst v63  }
0x72: {  	_ =	swait.ge [sflag:s30], $0x4000  }
0x73: {  	[sflag:s30] =	ssyncset.done $0x0  }
0x74: {  	s11 =	sadd.s32 $0x14100, s8;
	[sflag:s30] =	ssyncadd.s32 $0xFFFFC000  }
0x75: {  	[tilespmem:s21], [sflag:$0x1] =	stream.indirect.gather [hbm4b:s4+s20], $0x80, s11, s20, $0xb8;
	[tilespmem:$0x1D800] =	vst v63  }
0x76: {  	s12 =	sadd.s32 $0x14880, s8  }
0x77: {  	[spmem:s1] =	stream.indirect.scatter.add.f32 [tilespmem:s28], [sflag:$0x6], $0x80, s12, s20, $0xb8;
	[tilespmem:$0x1D800] =	vst v63  }
0x78: {  	_ =	swait.ge [sflag:s26], $0x4000  }
0x79: {  	[sflag:s26] =	ssyncset.done $0x0  }
0x7a: {  	[sflag:s26] =	ssyncadd.s32 $0xFFFFC000  }
0x7b: {  	_ =	swait.ge [sflag:s31], $0x4000  }
0x7c: {  	[sflag:s31] =	ssyncset.done $0x0  }
0x7d: {  	s11 =	sadd.s32 $0x14180, s8;
	[sflag:s31] =	ssyncadd.s32 $0xFFFFC000  }
0x7e: {  	[tilespmem:s28], [sflag:$0x2] =	stream.indirect.gather [hbm4b:s4+s20], $0x80, s11, s20, $0xb8;
	[tilespmem:$0x1D800] =	vst v63  }
0x7f: {  	s12 =	sadd.s32 $0x14900, s8  }
0x80: {  	[spmem:s1] =	stream.indirect.scatter.add.f32 [tilespmem:s21], [sflag:$0x5], $0x80, s12, s20, $0xb8;
	[tilespmem:$0x1D800] =	vst v63  }
0x81: {  	_ =	swait.ge [sflag:s29], $0x4000  }
0x82: {  	[sflag:s29] =	ssyncset.done $0x0  }
0x83: {  	[sflag:s29] =	ssyncadd.s32 $0xFFFFC000  }
0x84: {  	_ =	swait.ge [sflag:s30], $0x4000  }
0x85: {  	[sflag:s30] =	ssyncset.done $0x0  }
0x86: {  	s11 =	sadd.s32 $0x14200, s8;
	[sflag:s30] =	ssyncadd.s32 $0xFFFFC000  }
0x87: {  	[tilespmem:s21], [sflag:$0x1] =	stream.indirect.gather [hbm4b:s4+s20], $0x80, s11, s20, $0xb8;
	[tilespmem:$0x1D800] =	vst v63  }
0x88: {  	s12 =	sadd.s32 $0x14980, s8  }
0x89: {  	[spmem:s1] =	stream.indirect.scatter.add.f32 [tilespmem:s28], [sflag:$0x6], $0x80, s12, s20, $0xb8;
	[tilespmem:$0x1D800] =	vst v63  }
0x8a: {  	_ =	swait.ge [sflag:s26], $0x4000  }
0x8b: {  	[sflag:s26] =	ssyncset.done $0x0  }
0x8c: {  	[sflag:s26] =	ssyncadd.s32 $0xFFFFC000  }
0x8d: {  	_ =	swait.ge [sflag:s31], $0x4000  }
0x8e: {  	[sflag:s31] =	ssyncset.done $0x0  }
0x8f: {  	s11 =	sadd.s32 $0x14280, s8;
	[sflag:s31] =	ssyncadd.s32 $0xFFFFC000  }
0x90: {  	[tilespmem:s28], [sflag:$0x2] =	stream.indirect.gather [hbm4b:s4+s20], $0x80, s11, s20, $0xb8;
	[tilespmem:$0x1D800] =	vst v63  }
0x91: {  	s12 =	sadd.s32 $0x14A00, s8  }
0x92: {  	[spmem:s1] =	stream.indirect.scatter.add.f32 [tilespmem:s21], [sflag:$0x5], $0x80, s12, s20, $0xb8;
	[tilespmem:$0x1D800] =	vst v63  }
0x93: {  	_ =	swait.ge [sflag:s29], $0x4000  }
0x94: {  	[sflag:s29] =	ssyncset.done $0x0  }
0x95: {  	[sflag:s29] =	ssyncadd.s32 $0xFFFFC000  }
0x96: {  	_ =	swait.ge [sflag:s30], $0x4000  }
0x97: {  	[sflag:s30] =	ssyncset.done $0x0  }
0x98: {  	s11 =	sadd.s32 $0x14300, s8;
	[sflag:s30] =	ssyncadd.s32 $0xFFFFC000  }
0x99: {  	[tilespmem:s21], [sflag:$0x1] =	stream.indirect.gather [hbm4b:s4+s20], $0x80, s11, s20, $0xb8;
	[tilespmem:$0x1D800] =	vst v63  }
0x9a: {  	s12 =	sadd.s32 $0x14A80, s8  }
0x9b: {  	[spmem:s1] =	stream.indirect.scatter.add.f32 [tilespmem:s28], [sflag:$0x6], $0x80, s12, s20, $0xb8;
	[tilespmem:$0x1D800] =	vst v63  }
0x9c: {  	_ =	swait.ge [sflag:s26], $0x4000  }
0x9d: {  	[sflag:s26] =	ssyncset.done $0x0  }
0x9e: {  	[sflag:s26] =	ssyncadd.s32 $0xFFFFC000  }
0x9f: {  	_ =	swait.ge [sflag:s31], $0x4000  }
0xa0: {  	[sflag:s31] =	ssyncset.done $0x0  }
0xa1: {  	p1 =	sne.s32 s19, $0x480;
	s11 =	sadd.s32 $0x14380, s8;
	[sflag:s31] =	ssyncadd.s32 $0xFFFFC000  }
0xa2: {  	[tilespmem:s28], [sflag:$0x2] =	stream.indirect.gather [hbm4b:s4+s20], $0x80, s11, s20, $0xb8;
	[tilespmem:$0x1D800] =	vst v63  }
.Ltmp4:
0xa3: {  	s12 =	sadd.s32 $0x14B00, s8;
	(pc) =	sbr.rel @!p1 .LBB2_7-.Ltmp4, $4  }
0xa4: {  	[spmem:s1] =	stream.indirect.scatter.add.f32 [tilespmem:s21], [sflag:$0x5], $0x80, s12, s20, $0xb8;
	[tilespmem:$0x1D800] =	vst v63  }
0xa5: {  	_ =	swait.ge [sflag:s29], $0x4000  }
0xa6: {  	[sflag:s29] =	ssyncset.done $0x0  }
0xa7: {  	[sflag:s29] =	ssyncadd.s32 $0xFFFFC000  }
0xa8: {  	_ =	swait.ge [sflag:s30], $0x4000  }
0xa9: {  	[sflag:s30] =	ssyncset.done $0x0  }
0xaa: {  	[sflag:s30] =	ssyncadd.s32 $0xFFFFC000  }
0xab: {  	_ =	swait.ge [sflag:s0], $0x400  }
0xac: {  	[sflag:s0] =	ssyncset.done $0x0  }
0xad: {  	s19 =	sadd.s32 $0x80, s19;
	[sflag:s0] =	ssyncadd.s32 $0xFFFFFC00  }
0xae: {  	p1 =	sne.s32 s19, $0x500;
	_ =	swait.ge [sflag:s2], $0x400  }
.Ltmp5:
0xaf: {  	[sflag:s2] =	ssyncset.done $0x0;
	(pc) =	sbr.rel @p1 .LBB2_6-.Ltmp5, $4  }
.Ltmp6:
0xb0: {  	[sflag:s2] =	ssyncadd.s32 $0xFFFFFC00;
	(pc) =	sbr.rel @!p1 .LBB2_9-.Ltmp6, $4  }
0xb1: {  	[tilespmem:s21], [sflag:$0x1] =	stream.indirect.gather [hbm4b:s4+s20], $0x80, s9, s20, $0xb8;
	[tilespmem:$0x1D800] =	vst v63  }
0xb2: {  	s8 =	sadd.s32 $0x14B80, s8;
	s7 =	sadd.s32 $0x1000, s7;
	s6 =	sadd.s32 $0x1, s6  }
0xb3: {  	[spmem:s1] =	stream.indirect.scatter.add.f32 [tilespmem:s28], [sflag:$0x6], $0x80, s8, s20, $0xb8;
	[tilespmem:$0x1D800] =	vst v63  }
0xb4: {  	_ = 	snop  }
.LBB2_10:
0xb5: {  	_ =	sfence.sel $0x180000  }
0xb6: {  	[bflag:$0x0] =	sbarrier.arrive $0xFFFF  }
0xb7: {  	_ =	strace $0x9000004D  }
0xb8: {  	s0 =	stileid.u32;
	[bflag:$0x2] =	sbarrier.arrive $0xFFFF  }
0xb9: {  	p0 =	sne.s32 s0, $0x0;
	s0 =	rddreg [dreg:$0x3]  }
0xba: {  	s0 =	sadd.s32 @!p0 $0x100000, s0  }
0xbb: {  	[sflag:s0] =	ssyncadd.tile.s32 @!p0 $0x1;
	_ =	shalt  }
.Lfunc_end2:
_tile_overlayer_lowered:
.L_overlay_start_2:
0xbc: {  	(tag) =	ssettag $0x2  }
0xbd: {  	s0 =	rddreg [dreg:$0x0];
	s2 =	stileid.u32  }
0xbe: {  	s1 =	rddreg [dreg:$0x1];
	p0 =	sne.s32 s2, $0x0  }
0xbf: {  	s3 =	rddreg [dreg:$0x2];
	[bflag:$0x3] =	sbarrier.arrive $0xFFFF;
	s2 =	simm.s32 @!p0 $0x1C07  }
0xc0: {  	[timem:s3], [sflag:s2] =	dma.local @!p0 [hbm:s0], s1  }
0xc1: {  	s0 =	simm.s32 @!p0 $0x7  }
0xc2: {  	_ =	swait.ge @!p0 [sflag:s0], s1  }
0xc3: {  	s1 =	ssub.s32 @!p0 $0x0, s1;
	[sflag:s0] =	ssyncset.done @!p0 $0x0  }
0xc4: {  	[sflag:s0] =	ssyncadd.s32 @!p0 s1  }
0xc5: {  	[bflag:$0x3] =	sbarrier.arrive $0xFFFF  }
0xc6: {  	_ =	shalt  }

// kernel: kernel.21.cloned.1.call-start
scs
__scs_entry_jumppad:
0x0: {  	(pc) =	sbr.rel $0x88, $3  }
0x1: {  	(tag) =	ssettag $0x0;
	lr =	simm.s32 $0x1  }
0x2: {  	[smem:$0x3F9B] =	sst lr;
	_ =	strace $0xD0000000  }
0x3: {  	_ = 	snop  }
0x4: {  	_ = 	snop  }
0x5: {  	_ = 	snop  }
0x6: {  	_ = 	snop  }
0x7: {  	_ = 	snop  }
__scs_overlays_trampoline_lowered:
0x8: {  	[smem:$0x3FAA] =	sst s0  }
0x9: {  	[smem:$0x3FAB] =	sst s1  }
0xa: {  	[smem:$0x3FAC] =	sst s2  }
0xb: {  	[smem:$0x3FAD] =	sst s3  }
0xc: {  	[smem:$0x3FAE] =	sst s4  }
0xd: {  	[smem:$0x3FAF] =	sst s5  }
0xe: {  	[smem:$0x3FB0] =	sst s6  }
0xf: {  	[smem:$0x3FB1] =	sst s7  }
0x10: {  	[smem:$0x3FB2] =	sst s8  }
0x11: {  	[smem:$0x3FB3] =	sst s9;
	s0 =	simm.s32 @!p0 $0x0  }
0x12: {  	s1 =	sld [smem:$0x3F99];
	s0 =	simm.s32 @p0 $0x1  }
0x13: {  	[smem:$0x3FB4] =	sst s0;
	s0 =	simm.s32 @!p1 $0x0  }
0x14: {  	s2 =	sld [smem:$0x3F98];
	s0 =	simm.s32 @p1 $0x1  }
0x15: {  	[smem:$0x3FB5] =	sst s0;
	s0 =	simm.s32 @!p2 $0x0  }
0x16: {  	s3 =	sld [smem:$0x3FDB];
	s0 =	simm.s32 @p2 $0x1  }
0x17: {  	s4 =	simm.s32 $0x1BF5;
	[smem:$0x3FB7] =	sst s0  }
0x18: {  	s0 =	sld [smem:$0x3F9A];
	_ =	swait.ge [sflag:s4], $0x0  }
0x19: {  	s7 =	sld [smem:$0x3F9B]  }
0x1a: {  	s8 =	sadd.s32 $0xFFFFE003, lr  }
0x1b: {  	s9 =	sadd.s32 $0xFFFFFEF7, lr;
	s5 =	simm.s32 $0xFFFFFFFF;
	p2 =	slt.u32 s8, $0xFFFFF086  }
0x1c: {  	p1 =	slt.u32 s9, $0xF7A;
	s5 =	simm.s32 @!p2 $0x0  }
0x1d: {  	s5 =	simm.s32 @p1 $0x1;
	p0 =	seq.s32 s7, s2  }
0x1e: {  	s7 =	smul.u32 @!p0 $0xF7A, s2;
	p2 =	seq.s32 @!p0 s5, $0x0  }
0x1f: {  	s9 =	smul.u32 $0xF7A, s1;
	s8 =	simm.s32 @!p0 $0x1BF5;
	p2 =	por !p2, p0  }
0x20: {  	[sflag:s8] =	ssyncset.s32 @!p0 $0xFFFFF086;
	s6 =	sadd.s32 @!p0 s3, s7;
	s7 =	simm.s32 @!p0 $0x108  }
0x21: {  	s3 =	sadd.s32 s3, s9;
	s6 =	sadd.s32 @!p0 $0x88, s6;
	s7 =	simm.s32 @p2 $0x1082  }
0x22: {  	[simem:s7], [sflag:s8] =	dma.local @!p0 [hbm:s6], $0xF7A  }
0x23: {  	s9 =	sor.u32 $0xD0000000, s2;
	s6 =	simm.s32 $0x108;
	_ =	swait.ge @!p0 [sflag:s8], $0x0  }
0x24: {  	s3 =	sadd.s32 $0x88, s3;
	s6 =	simm.s32 @!p1 $0x1082;
	[sflag:s4] =	ssyncset.s32 $0xFFFFF086  }
0x25: {  	[simem:s6], [sflag:s4] =	dma.local [hbm:s3], $0xF7A  }
0x26: {  	[smem:$0x3F9B] =	sst s1;
	(tag) =	ssettag s2;
	_ =	strace s9  }
0x27: {  	s1 =	sld [smem:$0x3FAB]  }
0x28: {  	s2 =	sld [smem:$0x3FAC]  }
0x29: {  	s4 =	sld [smem:$0x3FAE]  }
0x2a: {  	p0 =	seq.s32 s5, $0x0;
	s5 =	sld [smem:$0x3FAF]  }
0x2b: {  	s6 =	sld [smem:$0x3FB0]  }
0x2c: {  	s7 =	sld [smem:$0x3FB1]  }
0x2d: {  	s3 =	simm.s32 $0x108;
	s8 =	sld [smem:$0x3FB2]  }
0x2e: {  	s3 =	simm.s32 @!p0 $0x1082;
	s9 =	sld [smem:$0x3FB3]  }
0x2f: {  	lr =	sadd.s32 s0, s3;
	s0 =	sld [smem:$0x3FAA]  }
0x30: {  	s3 =	sld [smem:$0x3FAD]  }
0x31: {  	[smem:$0x3FB6] =	sst s10  }
0x32: {  	s10 =	sld [smem:$0x3FB4];
	_ =	sdelay $0x3  }
0x33: {  	p0 =	seq.s32 s10, $0x1;
	s10 =	sld [smem:$0x3FB6];
	_ =	sdelay $0x3  }
0x34: {  	[smem:$0x3FB6] =	sst s10  }
0x35: {  	s10 =	sld [smem:$0x3FB5];
	_ =	sdelay $0x3  }
0x36: {  	p1 =	seq.s32 s10, $0x1;
	s10 =	sld [smem:$0x3FB6];
	_ =	sdelay $0x3  }
0x37: {  	[smem:$0x3FB6] =	sst s10  }
0x38: {  	s10 =	sld [smem:$0x3FB7]  }
0x39: {  	_ = 	snop;
	(pc) =	sbr.ind lr, $3  }
0x3a: {  	_ = 	snop  }
0x3b: {  	_ = 	snop  }
0x3c: {  	p2 =	seq.s32 s10, $0x1;
	s10 =	sld [smem:$0x3FB6]  }
0x3d: {  	_ =	shalt  }
0x3e: {  	_ =	shalt  }
0x3f: {  	_ =	shalt  }
0x40: {  	_ =	shalt  }
0x41: {  	_ =	shalt  }
0x42: {  	_ =	shalt  }
0x43: {  	_ =	shalt  }
0x44: {  	_ =	shalt  }
0x45: {  	_ =	shalt  }
0x46: {  	_ =	shalt  }
0x47: {  	_ =	shalt  }
0x48: {  	_ =	shalt  }
0x49: {  	_ =	shalt  }
0x4a: {  	_ =	shalt  }
0x4b: {  	_ =	shalt  }
0x4c: {  	_ =	shalt  }
0x4d: {  	_ =	shalt  }
0x4e: {  	_ =	shalt  }
0x4f: {  	_ =	shalt  }
0x50: {  	_ =	shalt  }
0x51: {  	_ =	shalt  }
0x52: {  	_ =	shalt  }
0x53: {  	_ =	shalt  }
0x54: {  	_ =	shalt  }
0x55: {  	_ =	shalt  }
0x56: {  	_ =	shalt  }
0x57: {  	_ =	shalt  }
0x58: {  	_ =	shalt  }
0x59: {  	_ =	shalt  }
0x5a: {  	_ =	shalt  }
0x5b: {  	_ =	shalt  }
0x5c: {  	_ =	shalt  }
0x5d: {  	_ =	shalt  }
0x5e: {  	_ =	shalt  }
0x5f: {  	_ =	shalt  }
0x60: {  	_ =	shalt  }
0x61: {  	_ =	shalt  }
0x62: {  	_ =	shalt  }
0x63: {  	_ =	shalt  }
0x64: {  	_ =	shalt  }
0x65: {  	_ =	shalt  }
0x66: {  	_ =	shalt  }
0x67: {  	_ =	shalt  }
0x68: {  	_ =	shalt  }
0x69: {  	_ =	shalt  }
0x6a: {  	_ =	shalt  }
0x6b: {  	_ =	shalt  }
0x6c: {  	_ =	shalt  }
0x6d: {  	_ =	shalt  }
0x6e: {  	_ =	shalt  }
0x6f: {  	_ =	shalt  }
0x70: {  	_ =	shalt  }
0x71: {  	_ =	shalt  }
0x72: {  	_ =	shalt  }
0x73: {  	_ =	shalt  }
0x74: {  	_ =	shalt  }
0x75: {  	_ =	shalt  }
0x76: {  	_ =	shalt  }
0x77: {  	_ =	shalt  }
0x78: {  	_ =	shalt  }
0x79: {  	_ =	shalt  }
0x7a: {  	_ =	shalt  }
0x7b: {  	_ =	shalt  }
0x7c: {  	_ =	shalt  }
0x7d: {  	_ =	shalt  }
0x7e: {  	_ =	shalt  }
0x7f: {  	_ =	shalt  }
0x80: {  	_ =	shalt  }
0x81: {  	_ =	shalt  }
0x82: {  	_ =	shalt  }
0x83: {  	_ =	shalt  }
0x84: {  	_ =	shalt  }
0x85: {  	_ =	shalt  }
0x86: {  	_ =	shalt  }
0x87: {  	_ =	shalt  }
.Lfunc_end0:
.L_simem_size_0:
called_computation.3_lowered:
.L_overlay_start_0:
0x88: {  	s2 =	sld [smem:$0x3FD9]  }
0x89: {  	s3 =	sld [smem:$0x3FFE];
	_ =	sdelay $0x1  }
0x8a: {  	s1 =	srdreg.scid  }
0x8b: {  	s0 =	sand.u32 $0x1, s1  }
0x8c: {  	s17 =	sshll.u32 s0, $0xA;
	s2 =	sadd.s32 s3, s2  }
0x8d: {  	s2 =	sadd.s32 s2, s17  }
0x8e: {  	[smem:$0x3FC2] =	sst s2  }
0x8f: {  	_ = 	snop  }
0x90: {  	s2 =	sld [smem:$0x3FD0];
	(tm) =	ssettm $0x1  }
0x91: {  	s18 =	sld [smem:$0x3FFB];
	_ =	sdelay $0x3  }
0x92: {  	_ =	strace s18  }
0x93: {  	s3 =	sld [smem:$0x3FFC];
	_ =	sdelay $0x3  }
0x94: {  	_ =	strace s3  }
0x95: {  	s3 =	sld [smem:$0x3FFD];
	_ =	sdelay $0x3  }
0x96: {  	_ =	strace s3  }
0x97: {  	_ =	strace $0x8FFFFFFF  }
0x98: {  	s19 =	sld [smem:$0x3FDB];
	_ =	sdelay $0x1  }
0x99: {  	s4 =	simm.s32 $_scs_section_size  }
0x9a: {  	s5 =	simm.s32 $_size__tile_overlayer_lowered;
	s6 =	simm.s32 $_tile_overlayer_lowered  }
0x9b: {  	s22 =	simm.s32 $0x1BFF;
	s21 =	sshll.u32 s6, $0x1;
	s3 =	sadd.s32 s4, s19  }
0x9c: {  	s7 =	simm.s32 $0x0;
	s20 =	sshll.u32 s5, $0x1;
	s5 =	sadd.s32 s21, s3  }
0x9d: {  	[timem:s7], [sflag:s22] =	dma.local [hbm:s5], s20  }
0x9e: {  	_ =	swait.ge [sflag:s22], s20  }
0x9f: {  	s4 =	ssub.s32 $0x0, s20;
	[sflag:s22] =	ssyncset.done $0x0  }
0xa0: {  	[sflag:s22] =	ssyncadd.s32 s4;
	_ =	sdelay $0x1  }
0xa1: {  	s23 =	simm.s32 $0x1B8B  }
0xa2: {  	_ =	swait.ge [sflag:s23], $0x1  }
0xa3: {  	[sflag:s23] =	ssyncset.done $0x0  }
0xa4: {  	s25 =	simm.s32 $0x1B8E;
	s24 =	sld [smem:$0x3FFE];
	[sflag:s23] =	ssyncadd.s32 $0xFFFFFFFF  }
0xa5: {  	s26 =	simm.s32 $execute0_lowered;
	[smem:$0x3FD2] =	sst s25  }
0xa6: {  	s5 =	sshll.u32 s26, $0x1;
	_ =	strace $0x8000004F;
	[dreg:$0x1] =	wrdreg $0xFFFFFFFF  }
0xa7: {  	s28 =	simm.s32 $_size_execute0_lowered;
	s3 =	sadd.s32 s3, s5;
	[dreg:$0x0] =	wrdreg $0x0  }
0xa8: {  	s5 =	sshll.u32 s28, $0x1;
	[dreg:$0x2] =	wrdreg s3  }
0xa9: {  	[dreg:$0x3] =	wrdreg s5  }
0xaa: {  	[dreg:$0x4] =	wrdreg $0xC0  }
0xab: {  	_ =	task [dreg:s7], $0x5FFFF  }
0xac: {  	[dreg:$0x1] =	wrdreg $0xFFFFFFFF  }
0xad: {  	[dreg:$0x0] =	wrdreg $0x60  }
0xae: {  	[dreg:$0x2] =	wrdreg s24  }
0xaf: {  	[dreg:$0x3] =	wrdreg s2  }
0xb0: {  	[dreg:$0x4] =	wrdreg $0x0  }
0xb1: {  	[dreg:$0x5] =	wrdreg $0x9  }
0xb2: {  	_ =	task.clear_ibuf [dreg:s7], $0x6FFFF;
	_ =	strace $0x9000004F  }
0xb3: {  	s29 =	simm.s32 $0x9;
	_ =	strace $0x80000051  }
0xb4: {  	_ =	swait.ge [sflag:s29], $0x1  }
0xb5: {  	[sflag:s29] =	ssyncadd.s32 $0xFFFFFFFF  }
0xb6: {  	_ =	strace $0x90000051  }
0xb7: {  	_ =	sfence  }
0xb8: {  	s30 =	sld [smem:$0x0];
	_ =	sdelay $0x2  }
0xb9: {  	s31 =	sshll.u32 s1, $0xD;
	s1 =	sshrl.u32 s1, $0x2  }
0xba: {  	s3 =	sand.u32 $0x4000, s31;
	s1 =	sadd.s32 s1, s30  }
0xbb: {  	s0 =	sor.u32 s3, s0;
	s1 =	sshll.u32 s1, $0x11  }
0xbc: {  	s0 =	sor.u32 s1, s0  }
0xbd: {  	s0 =	sadd.s32 $0x8F2B, s0  }
0xbe: {  	[sflag:s0] =	ssyncadd.remote.s32 $0x1  }
0xbf: {  	_ =	sfence.sel $0xFFFF  }
0xc0: {  	[dreg:$0x0] =	wrdreg $0xFFFFFFFF;
	(pc) =	sbr.abs _section_cstart, $3  }
0xc1: {  	[dreg:$0x1] =	wrdreg $0xFFFFFFFF  }
0xc2: {  	_ =	task.clear_ibuf [dreg:s7], $0x2FFFF;
	_ =	strace $0x9FFFFFFF  }
0xc3: {  	(tm) =	ssettm $0x7FFFFFFF  }
tec
execute0_lowered:
.L_overlay_start_1:
0x0: {  	(tag) =	ssettag $0x1  }
0x1: {  	s0 =	rddreg [dreg:$0x0]  }
0x2: {  	s2 =	rddreg [dreg:$0x1]  }
0x3: {  	s1 =	rddreg [dreg:$0x2];
	s4 =	srdreg.scid  }
0x4: {  	s3 =	simm.s32 $0x0;
	s22 =	stileid.u32;
	s28 =	simm.s32 $0x19000  }
0x5: {  	s29 =	simm.s32 $0x2;
	s30 =	simm.s32 $0x5;
	s31 =	simm.s32 $0x6  }
0x6: {  	s6 =	sand.u32 $0x1, s4;
	[smem:$0x7FF] =	sst s3;
	s7 =	smul.u32 $0x50000, s22  }
0x7: {  	s8 =	sadd.s32 $0x3400, s0;
	s12 =	smul.u32 $0x14000, s22;
	p0 =	seq.s32 s22, $0xF  }
0x8: {  	s4 =	sshll.u32 s6, $0x4;
	_ =	strace $0x80000050;
	s11 =	smul.u32 $0x13C000, s6  }
0x9: {  	s20 =	ssub.s32 $0x2, s6;
	s6 =	smul.u32 $0xA0, s6;
	s5 =	sor.u32 s22, s4  }
0xa: {  	s4 =	sadd.s32 $0xD400, s0;
	s0 =	sadd.s32 $0x34C00, s0;
	s10 =	sshrl.u32 s20, $0x1  }
0xb: {  	s7 =	sshrl.u32 s7, $0x2;
	s25 =	sadd.s32 $0x4000, s12;
	s14 =	sadd.s32 $0x8000, s12  }
0xc: {  	s18 =	sadd.s32 $0xC000, s12;
	s9 =	smul.u32 $0x500, s5;
	s13 =	ssub.s32 s20, s10  }
0xd: {  	s5 =	sadd.s32 s7, s1;
	s24 =	sadd.s32 s12, s11;
	s26 =	sadd.s32 s11, s25  }
0xe: {  	s16 =	sadd.s32 s11, s14;
	s20 =	smul.u32 $0xA, s22;
	s19 =	sadd.s32 s14, s1  }
0xf: {  	s7 =	sshrl.u32 s24, $0x3;
	s15 =	sshrl.u32 s26, $0x3;
	s17 =	sshrl.u32 s16, $0x3  }
0x10: {  	s16 =	sadd.s32 $0x10000, s12;
	s13 =	smax.u32 s13, $0x1;
	s21 =	sadd.s32 s8, s9  }
0x11: {  	s23 =	sadd.s32 s2, s9;
	s7 =	sadd.s32 s0, s7;
	[dreg:$0x4] =	wrdreg s21  }
0x12: {  	s9 =	sadd.s32 s0, s17;
	s6 =	sadd.s32 s20, s6;
	[dreg:$0x5] =	wrdreg s23  }
0x13: {  	s17 =	simm.s32 $0x7;
	s20 =	simm.s32 $0x80;
	[dreg:$0x6] =	wrdreg s7  }
0x14: {  	s7 =	sadd.s32 s0, s15;
	[dreg:$0x8] =	wrdreg s9;
	s15 =	sadd.s32 s11, s18  }
0x15: {  	s23 =	sadd.s32 s11, s16;
	s9 =	sadd.s32 s18, s1;
	s26 =	sshll.u32 s6, $0x7  }
0x16: {  	s6 =	sadd.s32 s16, s1;
	s16 =	simm.s32 $0x1D000;
	s18 =	simm.s32 $0x14000  }
0x17: {  	[dreg:$0x7] =	wrdreg s7;
	s7 =	sadd.s32 s25, s1;
	s21 =	sshrl.u32 s15, $0x3  }
0x18: {  	s25 =	sshrl.u32 s23, $0x3;
	s8 =	sadd.s32 s26, s8;
	s23 =	sshrl.u32 s19, $0x3  }
.Ltmp0:
0x19: {  	s24 =	sadd.s32 s0, s21;
	s0 =	sadd.s32 s0, s25;
	(pc) =	sbr.rel .LBB2_1-.Ltmp0, $4  }
0x1a: {  	s14 =	sadd.s32 $0x80, s8;
	s21 =	simm.s32 $0x15000;
	[dreg:$0x9] =	wrdreg s24  }
0x1b: {  	s22 =	sshrl.u32 s7, $0x3;
	s25 =	sshrl.u32 @!p0 s6, $0x3;
	[dreg:$0xa] =	wrdreg s0  }
0x1c: {  	s0 =	sadd.s32 s26, s2;
	s24 =	sshrl.u32 s9, $0x3;
	s26 =	simm.s32 $0x1  }
0x1d: {  	v0 =	vimm.f32 $0.0e+00;
	s2 =	simm.s32 $0x4;
	s15 =	sadd.s32 $0x80, s0;
	s0 =	simm.s32 $0x3  }
.LBB2_7:
0x1e: {  	s6 =	sadd.s32 $0x14B80, s8  }
0x1f: {  	[spmem:s1] =	stream.indirect.scatter.add.f32 [tilespmem:s28], [sflag:$0x6], $0x80, s6, s20, $0xb8;
	[tilespmem:$0x1D800] =	vst v63  }
.LBB2_9:
0x20: {  	_ =	swait.ge [sflag:s30], $0x4000  }
0x21: {  	[sflag:s30] =	ssyncset.done $0x0  }
0x22: {  	[sflag:s30] =	ssyncadd.s32 $0xFFFFC000  }
0x23: {  	_ =	swait.ge [sflag:s31], $0x4000  }
0x24: {  	[sflag:s31] =	ssyncset.done $0x0  }
0x25: {  	s6 =	stileid.u32;
	[sflag:s31] =	ssyncadd.s32 $0xFFFFC000  }
0x26: {  	s6 =	sshll.u32 s6, $0x6;
	[bflag:$0x0] =	sbarrier.arrive $0xFFFF  }
0x27: {  	s7 =	sshrl.u32 s5, $0x3;
	s6 =	sor.u32 $0x1C07, s6;
	s8 =	rddreg [dreg:$0x6]  }
0x28: {  	[hbm:s8], [sflag:s6] =	dma.local [spmem:s7], $0x800  }
0x29: {  	_ =	swait.ge [sflag:s17], $0x800  }
0x2a: {  	[sflag:s17] =	ssyncset.done $0x0  }
0x2b: {  	s11 =	rddreg [dreg:$0x7];
	[sflag:s17] =	ssyncadd.s32 $0xFFFFF800  }
0x2c: {  	[hbm:s11], [sflag:s6] =	dma.local [spmem:s22], $0x800  }
0x2d: {  	_ =	swait.ge [sflag:s17], $0x800  }
0x2e: {  	[sflag:s17] =	ssyncset.done $0x0  }
0x2f: {  	s12 =	rddreg [dreg:$0x8];
	[sflag:s17] =	ssyncadd.s32 $0xFFFFF800  }
0x30: {  	[hbm:s12], [sflag:s6] =	dma.local [spmem:s23], $0x800  }
0x31: {  	_ =	swait.ge [sflag:s17], $0x800  }
0x32: {  	[sflag:s17] =	ssyncset.done $0x0  }
0x33: {  	s19 =	rddreg [dreg:$0x9];
	[sflag:s17] =	ssyncadd.s32 $0xFFFFF800  }
0x34: {  	[hbm:s19], [sflag:s6] =	dma.local [spmem:s24], $0x800  }
0x35: {  	_ =	swait.ge [sflag:s17], $0x800  }
0x36: {  	s3 =	sadd.s32 $0x1, s3;
	[sflag:s17] =	ssyncset.done $0x0  }
0x37: {  	p1 =	sne.s32 s3, s13;
	s7 =	rddreg [dreg:$0xa];
	[sflag:s17] =	ssyncadd.s32 $0xFFFFF800  }
0x38: {  	[hbm:s7], [sflag:s6] =	dma.local @!p0 [spmem:s25], $0x800  }
.Ltmp1:
0x39: {  	_ = 	snop;
	(pc) =	sbr.rel @!p1 .LBB2_10-.Ltmp1, $4  }
0x3a: {  	s6 =	simm.s32 @!p0 $0x7  }
0x3b: {  	_ =	swait.ge @!p0 [sflag:s6], $0x800  }
0x3c: {  	[sflag:s6] =	ssyncset.done @!p0 $0x0  }
0x3d: {  	[sflag:s6] =	ssyncadd.s32 @!p0 $0xFFFFF800  }
.LBB2_1:
0x3e: {  	s6 =	simm.s32 $0x0;
	s7 =	simm.s32 $0x200  }
.LBB2_2:
0x3f: {  	p1 =	sne.s32 s7, $0x1E00;
	[tilespmem:s6+$0x1D070] =	vst v0  }
0x40: {  	[tilespmem:s6+$0x1D000] =	vst v0  }
0x41: {  	[tilespmem:s6+$0x1D010] =	vst v0  }
.Ltmp2:
0x42: {  	[tilespmem:s6+$0x1D020] =	vst v0;
	(pc) =	sbr.rel @p1 .LBB2_2-.Ltmp2, $4  }
0x43: {  	[tilespmem:s6+$0x1D030] =	vst v0  }
0x44: {  	[tilespmem:s6+$0x1D040] =	vst v0  }
0x45: {  	[tilespmem:s6+$0x1D050] =	vst v0  }
0x46: {  	[tilespmem:s6+$0x1D060] =	vst v0;
	s6 =	sshra.s32 s7, $0x2;
	s7 =	sadd.s32 $0x200, s7  }
0x47: {  	[tilespmem:s6+$0x1D070] =	vst v0  }
0x48: {  	[tilespmem:s6+$0x1D000] =	vst v0  }
0x49: {  	[tilespmem:s6+$0x1D010] =	vst v0  }
0x4a: {  	[tilespmem:s6+$0x1D020] =	vst v0  }
0x4b: {  	[tilespmem:s6+$0x1D030] =	vst v0  }
0x4c: {  	[tilespmem:s6+$0x1D040] =	vst v0  }
0x4d: {  	[tilespmem:s6+$0x1D050] =	vst v0  }
0x4e: {  	[tilespmem:s6+$0x1D060] =	vst v0;
	s19 =	sadd.s32 $0x0, s5  }
0x4f: {  	[spmem:s19] =	stream.linear.scatter [tilespmem:s16], [sflag:$0x7], $0x800, $0x38;
	[tilespmem:$0x1D800] =	vst v63  }
0x50: {  	s6 =	simm.s32 $0x2000;
	_ =	swait.ge [sflag:s17], $0x800  }
.LBB2_4:
0x51: {  	s7 =	sshra.s32 s6, $0x2;
	[sflag:s17] =	ssyncset.done $0x0;
	p1 =	sne.s32 s6, $0x4E000  }
.Ltmp3:
0x52: {  	s7 =	sadd.s32 s7, s5;
	[sflag:s17] =	ssyncadd.s32 $0xFFFFF800;
	(pc) =	sbr.rel @p1 .LBB2_4-.Ltmp3, $3  }
0x53: {  	[spmem:s7] =	stream.linear.scatter [tilespmem:s16], [sflag:$0x7], $0x800, $0x38;
	[tilespmem:$0x1D800] =	vst v63  }
0x54: {  	s6 =	sadd.s32 $0x2000, s6;
	_ =	sdelay $0x1  }
0x55: {  	_ =	swait.ge [sflag:s17], $0x800  }
0x56: {  	[sflag:s17] =	ssyncset.done $0x0  }
0x57: {  	[sflag:s17] =	ssyncadd.s32 $0xFFFFF800  }
0x58: {  	[bflag:$0x0] =	sbarrier.arrive $0xFFFF  }
0x59: {  	s19 =	simm.s32 $0x0;
	s6 =	rddreg [dreg:$0x4]  }
0x5a: {  	[tilespmem:s18], [sflag:$0x7] =	stream.linear.gather [hbm4b:s6+s19], $0x400, $0x38;
	[tilespmem:$0x1D800] =	vst v63  }
0x5b: {  	_ =	swait.ge [sflag:s17], $0x400  }
0x5c: {  	[sflag:s17] =	ssyncset.done $0x0  }
0x5d: {  	s7 =	simm.s32 $0x14800;
	s12 =	rddreg [dreg:$0x5];
	[sflag:s17] =	ssyncadd.s32 $0xFFFFFC00  }
0x5e: {  	[tilespmem:s7], [sflag:$0x7] =	stream.linear.gather [hbm4b:s12+s19], $0x400, $0x38;
	[tilespmem:$0x1D800] =	vst v63  }
0x5f: {  	_ =	swait.ge [sflag:s17], $0x400  }
0x60: {  	[sflag:s17] =	ssyncset.done $0x0  }
0x61: {  	s6 =	simm.s32 $0x1;
	s7 =	simm.s32 $0x0;
	[sflag:s17] =	ssyncadd.s32 $0xFFFFFC00  }
0x62: {  	[tilespmem:s21], [sflag:$0x1] =	stream.indirect.gather [hbm4b:s4+s20], $0x80, s18, s20, $0xb8;
	[tilespmem:$0x1D800] =	vst v63  }
.LBB2_6:
0x63: {  	_ =	swait.ge [sflag:s26], $0x4000  }
0x64: {  	p1 =	seq.s32 s19, $0x0;
	[sflag:s26] =	ssyncset.done $0x0  }
0x65: {  	s9 =	simm.s32 @!p1 $0x6;
	[sflag:s26] =	ssyncadd.s32 $0xFFFFC000  }
0x66: {  	s8 =	sshrl.u32 s7, $0x2;
	_ =	swait.ge @!p1 [sflag:s9], $0x4000  }
0x67: {  	s8 =	sand.u32 $0x400, s8;
	[sflag:s9] =	ssyncset.done @!p1 $0x0  }
0x68: {  	s11 =	sadd.s32 $0x14080, s8;
	[sflag:s9] =	ssyncadd.s32 @!p1 $0xFFFFC000  }
0x69: {  	[tilespmem:s28], [sflag:$0x2] =	stream.indirect.gather [hbm4b:s4+s20], $0x80, s11, s20, $0xb8;
	[tilespmem:$0x1D800] =	vst v63  }
0x6a: {  	s10 =	sshll.u32 s6, $0xA;
	s12 =	sor.u32 $0x14800, s8  }
0x6b: {  	[spmem:s1] =	stream.indirect.scatter.add.f32 [tilespmem:s21], [sflag:$0x5], $0x80, s12, s20, $0xb8;
	[tilespmem:$0x1D800] =	vst v63  }
0x6c: {  	s10 =	sand.u32 $0x400, s10;
	_ =	swait.ge [sflag:s29], $0x4000  }
0x6d: {  	s9 =	sor.u32 $0x14000, s10;
	p1 =	seq.s32 s19, $0x480;
	[sflag:s29] =	ssyncset.done $0x0  }
0x6e: {  	s11 =	sadd.s32 s19, s14;
	s12 =	simm.s32 @!p1 $0x0;
	[sflag:s29] =	ssyncadd.s32 $0xFFFFC000  }
0x6f: {  	[tilespmem:s9], [sflag:$0x3] =	stream.linear.gather @!p1 [hbm4b:s11+s12], $0x400, $0x38;
	[tilespmem:$0x1D800] =	vst v63  }
0x70: {  	s10 =	sor.u32 $0x14800, s10;
	s11 =	sadd.s32 s19, s15  }
0x71: {  	[tilespmem:s10], [sflag:$0x4] =	stream.linear.gather @!p1 [hbm4b:s11+s12], $0x400, $0x38;
	[tilespmem:$0x1D800] =	vst v63  }
0x72: {  	_ =	swait.ge [sflag:s30], $0x4000  }
0x73: {  	[sflag:s30] =	ssyncset.done $0x0  }
0x74: {  	s11 =	sadd.s32 $0x14100, s8;
	[sflag:s30] =	ssyncadd.s32 $0xFFFFC000  }
0x75: {  	[tilespmem:s21], [sflag:$0x1] =	stream.indirect.gather [hbm4b:s4+s20], $0x80, s11, s20, $0xb8;
	[tilespmem:$0x1D800] =	vst v63  }
0x76: {  	s12 =	sadd.s32 $0x14880, s8  }
0x77: {  	[spmem:s1] =	stream.indirect.scatter.add.f32 [tilespmem:s28], [sflag:$0x6], $0x80, s12, s20, $0xb8;
	[tilespmem:$0x1D800] =	vst v63  }
0x78: {  	_ =	swait.ge [sflag:s26], $0x4000  }
0x79: {  	[sflag:s26] =	ssyncset.done $0x0  }
0x7a: {  	[sflag:s26] =	ssyncadd.s32 $0xFFFFC000  }
0x7b: {  	_ =	swait.ge [sflag:s31], $0x4000  }
0x7c: {  	[sflag:s31] =	ssyncset.done $0x0  }
0x7d: {  	s11 =	sadd.s32 $0x14180, s8;
	[sflag:s31] =	ssyncadd.s32 $0xFFFFC000  }
0x7e: {  	[tilespmem:s28], [sflag:$0x2] =	stream.indirect.gather [hbm4b:s4+s20], $0x80, s11, s20, $0xb8;
	[tilespmem:$0x1D800] =	vst v63  }
0x7f: {  	s12 =	sadd.s32 $0x14900, s8  }
0x80: {  	[spmem:s1] =	stream.indirect.scatter.add.f32 [tilespmem:s21], [sflag:$0x5], $0x80, s12, s20, $0xb8;
	[tilespmem:$0x1D800] =	vst v63  }
0x81: {  	_ =	swait.ge [sflag:s29], $0x4000  }
0x82: {  	[sflag:s29] =	ssyncset.done $0x0  }
0x83: {  	[sflag:s29] =	ssyncadd.s32 $0xFFFFC000  }
0x84: {  	_ =	swait.ge [sflag:s30], $0x4000  }
0x85: {  	[sflag:s30] =	ssyncset.done $0x0  }
0x86: {  	s11 =	sadd.s32 $0x14200, s8;
	[sflag:s30] =	ssyncadd.s32 $0xFFFFC000  }
0x87: {  	[tilespmem:s21], [sflag:$0x1] =	stream.indirect.gather [hbm4b:s4+s20], $0x80, s11, s20, $0xb8;
	[tilespmem:$0x1D800] =	vst v63  }
0x88: {  	s12 =	sadd.s32 $0x14980, s8  }
0x89: {  	[spmem:s1] =	stream.indirect.scatter.add.f32 [tilespmem:s28], [sflag:$0x6], $0x80, s12, s20, $0xb8;
	[tilespmem:$0x1D800] =	vst v63  }
0x8a: {  	_ =	swait.ge [sflag:s26], $0x4000  }
0x8b: {  	[sflag:s26] =	ssyncset.done $0x0  }
0x8c: {  	[sflag:s26] =	ssyncadd.s32 $0xFFFFC000  }
0x8d: {  	_ =	swait.ge [sflag:s31], $0x4000  }
0x8e: {  	[sflag:s31] =	ssyncset.done $0x0  }
0x8f: {  	s11 =	sadd.s32 $0x14280, s8;
	[sflag:s31] =	ssyncadd.s32 $0xFFFFC000  }
0x90: {  	[tilespmem:s28], [sflag:$0x2] =	stream.indirect.gather [hbm4b:s4+s20], $0x80, s11, s20, $0xb8;
	[tilespmem:$0x1D800] =	vst v63  }
0x91: {  	s12 =	sadd.s32 $0x14A00, s8  }
0x92: {  	[spmem:s1] =	stream.indirect.scatter.add.f32 [tilespmem:s21], [sflag:$0x5], $0x80, s12, s20, $0xb8;
	[tilespmem:$0x1D800] =	vst v63  }
0x93: {  	_ =	swait.ge [sflag:s29], $0x4000  }
0x94: {  	[sflag:s29] =	ssyncset.done $0x0  }
0x95: {  	[sflag:s29] =	ssyncadd.s32 $0xFFFFC000  }
0x96: {  	_ =	swait.ge [sflag:s30], $0x4000  }
0x97: {  	[sflag:s30] =	ssyncset.done $0x0  }
0x98: {  	s11 =	sadd.s32 $0x14300, s8;
	[sflag:s30] =	ssyncadd.s32 $0xFFFFC000  }
0x99: {  	[tilespmem:s21], [sflag:$0x1] =	stream.indirect.gather [hbm4b:s4+s20], $0x80, s11, s20, $0xb8;
	[tilespmem:$0x1D800] =	vst v63  }
0x9a: {  	s12 =	sadd.s32 $0x14A80, s8  }
0x9b: {  	[spmem:s1] =	stream.indirect.scatter.add.f32 [tilespmem:s28], [sflag:$0x6], $0x80, s12, s20, $0xb8;
	[tilespmem:$0x1D800] =	vst v63  }
0x9c: {  	_ =	swait.ge [sflag:s26], $0x4000  }
0x9d: {  	[sflag:s26] =	ssyncset.done $0x0  }
0x9e: {  	[sflag:s26] =	ssyncadd.s32 $0xFFFFC000  }
0x9f: {  	_ =	swait.ge [sflag:s31], $0x4000  }
0xa0: {  	[sflag:s31] =	ssyncset.done $0x0  }
0xa1: {  	p1 =	sne.s32 s19, $0x480;
	s11 =	sadd.s32 $0x14380, s8;
	[sflag:s31] =	ssyncadd.s32 $0xFFFFC000  }
0xa2: {  	[tilespmem:s28], [sflag:$0x2] =	stream.indirect.gather [hbm4b:s4+s20], $0x80, s11, s20, $0xb8;
	[tilespmem:$0x1D800] =	vst v63  }
.Ltmp4:
0xa3: {  	s12 =	sadd.s32 $0x14B00, s8;
	(pc) =	sbr.rel @!p1 .LBB2_7-.Ltmp4, $4  }
0xa4: {  	[spmem:s1] =	stream.indirect.scatter.add.f32 [tilespmem:s21], [sflag:$0x5], $0x80, s12, s20, $0xb8;
	[tilespmem:$0x1D800] =	vst v63  }
0xa5: {  	_ =	swait.ge [sflag:s29], $0x4000  }
0xa6: {  	[sflag:s29] =	ssyncset.done $0x0  }
0xa7: {  	[sflag:s29] =	ssyncadd.s32 $0xFFFFC000  }
0xa8: {  	_ =	swait.ge [sflag:s30], $0x4000  }
0xa9: {  	[sflag:s30] =	ssyncset.done $0x0  }
0xaa: {  	[sflag:s30] =	ssyncadd.s32 $0xFFFFC000  }
0xab: {  	_ =	swait.ge [sflag:s0], $0x400  }
0xac: {  	[sflag:s0] =	ssyncset.done $0x0  }
0xad: {  	s19 =	sadd.s32 $0x80, s19;
	[sflag:s0] =	ssyncadd.s32 $0xFFFFFC00  }
0xae: {  	p1 =	sne.s32 s19, $0x500;
	_ =	swait.ge [sflag:s2], $0x400  }
.Ltmp5:
0xaf: {  	[sflag:s2] =	ssyncset.done $0x0;
	(pc) =	sbr.rel @p1 .LBB2_6-.Ltmp5, $4  }
.Ltmp6:
0xb0: {  	[sflag:s2] =	ssyncadd.s32 $0xFFFFFC00;
	(pc) =	sbr.rel @!p1 .LBB2_9-.Ltmp6, $4  }
0xb1: {  	[tilespmem:s21], [sflag:$0x1] =	stream.indirect.gather [hbm4b:s4+s20], $0x80, s9, s20, $0xb8;
	[tilespmem:$0x1D800] =	vst v63  }
0xb2: {  	s8 =	sadd.s32 $0x14B80, s8;
	s7 =	sadd.s32 $0x1000, s7;
	s6 =	sadd.s32 $0x1, s6  }
0xb3: {  	[spmem:s1] =	stream.indirect.scatter.add.f32 [tilespmem:s28], [sflag:$0x6], $0x80, s8, s20, $0xb8;
	[tilespmem:$0x1D800] =	vst v63  }
0xb4: {  	_ = 	snop  }
.LBB2_10:
0xb5: {  	_ =	sfence.sel $0x180000  }
0xb6: {  	[bflag:$0x0] =	sbarrier.arrive $0xFFFF  }
0xb7: {  	_ =	strace $0x90000050  }
0xb8: {  	s0 =	stileid.u32;
	[bflag:$0x2] =	sbarrier.arrive $0xFFFF  }
0xb9: {  	p0 =	sne.s32 s0, $0x0;
	s0 =	rddreg [dreg:$0x3]  }
0xba: {  	s0 =	sadd.s32 @!p0 $0x100000, s0  }
0xbb: {  	[sflag:s0] =	ssyncadd.tile.s32 @!p0 $0x1;
	_ =	shalt  }
.Lfunc_end2:
_tile_overlayer_lowered:
.L_overlay_start_2:
0xbc: {  	(tag) =	ssettag $0x2  }
0xbd: {  	s0 =	rddreg [dreg:$0x0];
	s2 =	stileid.u32  }
0xbe: {  	s1 =	rddreg [dreg:$0x1];
	p0 =	sne.s32 s2, $0x0  }
0xbf: {  	s3 =	rddreg [dreg:$0x2];
	[bflag:$0x3] =	sbarrier.arrive $0xFFFF;
	s2 =	simm.s32 @!p0 $0x1C07  }
0xc0: {  	[timem:s3], [sflag:s2] =	dma.local @!p0 [hbm:s0], s1  }
0xc1: {  	s0 =	simm.s32 @!p0 $0x7  }
0xc2: {  	_ =	swait.ge @!p0 [sflag:s0], s1  }
0xc3: {  	s1 =	ssub.s32 @!p0 $0x0, s1;
	[sflag:s0] =	ssyncset.done @!p0 $0x0  }
0xc4: {  	[sflag:s0] =	ssyncadd.s32 @!p0 s1  }
0xc5: {  	[bflag:$0x3] =	sbarrier.arrive $0xFFFF  }
0xc6: {  	_ =	shalt  }

// kernel: kernel.24.cloned.1.call-start
scs
__scs_entry_jumppad:
0x0: {  	(pc) =	sbr.rel $0x88, $3  }
0x1: {  	(tag) =	ssettag $0x0;
	lr =	simm.s32 $0x1  }
0x2: {  	[smem:$0x3F9B] =	sst lr;
	_ =	strace $0xD0000000  }
0x3: {  	_ = 	snop  }
0x4: {  	_ = 	snop  }
0x5: {  	_ = 	snop  }
0x6: {  	_ = 	snop  }
0x7: {  	_ = 	snop  }
__scs_overlays_trampoline_lowered:
0x8: {  	[smem:$0x3FAA] =	sst s0  }
0x9: {  	[smem:$0x3FAB] =	sst s1  }
0xa: {  	[smem:$0x3FAC] =	sst s2  }
0xb: {  	[smem:$0x3FAD] =	sst s3  }
0xc: {  	[smem:$0x3FAE] =	sst s4  }
0xd: {  	[smem:$0x3FAF] =	sst s5  }
0xe: {  	[smem:$0x3FB0] =	sst s6  }
0xf: {  	[smem:$0x3FB1] =	sst s7  }
0x10: {  	[smem:$0x3FB2] =	sst s8  }
0x11: {  	[smem:$0x3FB3] =	sst s9;
	s0 =	simm.s32 @!p0 $0x0  }
0x12: {  	s1 =	sld [smem:$0x3F99];
	s0 =	simm.s32 @p0 $0x1  }
0x13: {  	[smem:$0x3FB4] =	sst s0;
	s0 =	simm.s32 @!p1 $0x0  }
0x14: {  	s2 =	sld [smem:$0x3F98];
	s0 =	simm.s32 @p1 $0x1  }
0x15: {  	[smem:$0x3FB5] =	sst s0;
	s0 =	simm.s32 @!p2 $0x0  }
0x16: {  	s3 =	sld [smem:$0x3FDB];
	s0 =	simm.s32 @p2 $0x1  }
0x17: {  	s4 =	simm.s32 $0x1BF5;
	[smem:$0x3FB7] =	sst s0  }
0x18: {  	s0 =	sld [smem:$0x3F9A];
	_ =	swait.ge [sflag:s4], $0x0  }
0x19: {  	s7 =	sld [smem:$0x3F9B]  }
0x1a: {  	s8 =	sadd.s32 $0xFFFFE003, lr  }
0x1b: {  	s9 =	sadd.s32 $0xFFFFFEF7, lr;
	s5 =	simm.s32 $0xFFFFFFFF;
	p2 =	slt.u32 s8, $0xFFFFF086  }
0x1c: {  	p1 =	slt.u32 s9, $0xF7A;
	s5 =	simm.s32 @!p2 $0x0  }
0x1d: {  	s5 =	simm.s32 @p1 $0x1;
	p0 =	seq.s32 s7, s2  }
0x1e: {  	s7 =	smul.u32 @!p0 $0xF7A, s2;
	p2 =	seq.s32 @!p0 s5, $0x0  }
0x1f: {  	s9 =	smul.u32 $0xF7A, s1;
	s8 =	simm.s32 @!p0 $0x1BF5;
	p2 =	por !p2, p0  }
0x20: {  	[sflag:s8] =	ssyncset.s32 @!p0 $0xFFFFF086;
	s6 =	sadd.s32 @!p0 s3, s7;
	s7 =	simm.s32 @!p0 $0x108  }
0x21: {  	s3 =	sadd.s32 s3, s9;
	s6 =	sadd.s32 @!p0 $0x88, s6;
	s7 =	simm.s32 @p2 $0x1082  }
0x22: {  	[simem:s7], [sflag:s8] =	dma.local @!p0 [hbm:s6], $0xF7A  }
0x23: {  	s9 =	sor.u32 $0xD0000000, s2;
	s6 =	simm.s32 $0x108;
	_ =	swait.ge @!p0 [sflag:s8], $0x0  }
0x24: {  	s3 =	sadd.s32 $0x88, s3;
	s6 =	simm.s32 @!p1 $0x1082;
	[sflag:s4] =	ssyncset.s32 $0xFFFFF086  }
0x25: {  	[simem:s6], [sflag:s4] =	dma.local [hbm:s3], $0xF7A  }
0x26: {  	[smem:$0x3F9B] =	sst s1;
	(tag) =	ssettag s2;
	_ =	strace s9  }
0x27: {  	s1 =	sld [smem:$0x3FAB]  }
0x28: {  	s2 =	sld [smem:$0x3FAC]  }
0x29: {  	s4 =	sld [smem:$0x3FAE]  }
0x2a: {  	p0 =	seq.s32 s5, $0x0;
	s5 =	sld [smem:$0x3FAF]  }
0x2b: {  	s6 =	sld [smem:$0x3FB0]  }
0x2c: {  	s7 =	sld [smem:$0x3FB1]  }
0x2d: {  	s3 =	simm.s32 $0x108;
	s8 =	sld [smem:$0x3FB2]  }
0x2e: {  	s3 =	simm.s32 @!p0 $0x1082;
	s9 =	sld [smem:$0x3FB3]  }
0x2f: {  	lr =	sadd.s32 s0, s3;
	s0 =	sld [smem:$0x3FAA]  }
0x30: {  	s3 =	sld [smem:$0x3FAD]  }
0x31: {  	[smem:$0x3FB6] =	sst s10  }
0x32: {  	s10 =	sld [smem:$0x3FB4];
	_ =	sdelay $0x3  }
0x33: {  	p0 =	seq.s32 s10, $0x1;
	s10 =	sld [smem:$0x3FB6];
	_ =	sdelay $0x3  }
0x34: {  	[smem:$0x3FB6] =	sst s10  }
0x35: {  	s10 =	sld [smem:$0x3FB5];
	_ =	sdelay $0x3  }
0x36: {  	p1 =	seq.s32 s10, $0x1;
	s10 =	sld [smem:$0x3FB6];
	_ =	sdelay $0x3  }
0x37: {  	[smem:$0x3FB6] =	sst s10  }
0x38: {  	s10 =	sld [smem:$0x3FB7]  }
0x39: {  	_ = 	snop;
	(pc) =	sbr.ind lr, $3  }
0x3a: {  	_ = 	snop  }
0x3b: {  	_ = 	snop  }
0x3c: {  	p2 =	seq.s32 s10, $0x1;
	s10 =	sld [smem:$0x3FB6]  }
0x3d: {  	_ =	shalt  }
0x3e: {  	_ =	shalt  }
0x3f: {  	_ =	shalt  }
0x40: {  	_ =	shalt  }
0x41: {  	_ =	shalt  }
0x42: {  	_ =	shalt  }
0x43: {  	_ =	shalt  }
0x44: {  	_ =	shalt  }
0x45: {  	_ =	shalt  }
0x46: {  	_ =	shalt  }
0x47: {  	_ =	shalt  }
0x48: {  	_ =	shalt  }
0x49: {  	_ =	shalt  }
0x4a: {  	_ =	shalt  }
0x4b: {  	_ =	shalt  }
0x4c: {  	_ =	shalt  }
0x4d: {  	_ =	shalt  }
0x4e: {  	_ =	shalt  }
0x4f: {  	_ =	shalt  }
0x50: {  	_ =	shalt  }
0x51: {  	_ =	shalt  }
0x52: {  	_ =	shalt  }
0x53: {  	_ =	shalt  }
0x54: {  	_ =	shalt  }
0x55: {  	_ =	shalt  }
0x56: {  	_ =	shalt  }
0x57: {  	_ =	shalt  }
0x58: {  	_ =	shalt  }
0x59: {  	_ =	shalt  }
0x5a: {  	_ =	shalt  }
0x5b: {  	_ =	shalt  }
0x5c: {  	_ =	shalt  }
0x5d: {  	_ =	shalt  }
0x5e: {  	_ =	shalt  }
0x5f: {  	_ =	shalt  }
0x60: {  	_ =	shalt  }
0x61: {  	_ =	shalt  }
0x62: {  	_ =	shalt  }
0x63: {  	_ =	shalt  }
0x64: {  	_ =	shalt  }
0x65: {  	_ =	shalt  }
0x66: {  	_ =	shalt  }
0x67: {  	_ =	shalt  }
0x68: {  	_ =	shalt  }
0x69: {  	_ =	shalt  }
0x6a: {  	_ =	shalt  }
0x6b: {  	_ =	shalt  }
0x6c: {  	_ =	shalt  }
0x6d: {  	_ =	shalt  }
0x6e: {  	_ =	shalt  }
0x6f: {  	_ =	shalt  }
0x70: {  	_ =	shalt  }
0x71: {  	_ =	shalt  }
0x72: {  	_ =	shalt  }
0x73: {  	_ =	shalt  }
0x74: {  	_ =	shalt  }
0x75: {  	_ =	shalt  }
0x76: {  	_ =	shalt  }
0x77: {  	_ =	shalt  }
0x78: {  	_ =	shalt  }
0x79: {  	_ =	shalt  }
0x7a: {  	_ =	shalt  }
0x7b: {  	_ =	shalt  }
0x7c: {  	_ =	shalt  }
0x7d: {  	_ =	shalt  }
0x7e: {  	_ =	shalt  }
0x7f: {  	_ =	shalt  }
0x80: {  	_ =	shalt  }
0x81: {  	_ =	shalt  }
0x82: {  	_ =	shalt  }
0x83: {  	_ =	shalt  }
0x84: {  	_ =	shalt  }
0x85: {  	_ =	shalt  }
0x86: {  	_ =	shalt  }
0x87: {  	_ =	shalt  }
.Lfunc_end0:
.L_simem_size_0:
called_computation.4_lowered:
.L_overlay_start_0:
0x88: {  	s2 =	sld [smem:$0x3FD9]  }
0x89: {  	s3 =	sld [smem:$0x3FFE];
	_ =	sdelay $0x1  }
0x8a: {  	s1 =	srdreg.scid  }
0x8b: {  	s0 =	sand.u32 $0x1, s1  }
0x8c: {  	s17 =	sshll.u32 s0, $0xA;
	s2 =	sadd.s32 s3, s2  }
0x8d: {  	s2 =	sadd.s32 s2, s17  }
0x8e: {  	[smem:$0x3FC2] =	sst s2  }
0x8f: {  	_ = 	snop  }
0x90: {  	s2 =	sld [smem:$0x3FD0];
	(tm) =	ssettm $0x1  }
0x91: {  	s18 =	sld [smem:$0x3FFB];
	_ =	sdelay $0x3  }
0x92: {  	_ =	strace s18  }
0x93: {  	s3 =	sld [smem:$0x3FFC];
	_ =	sdelay $0x3  }
0x94: {  	_ =	strace s3  }
0x95: {  	s3 =	sld [smem:$0x3FFD];
	_ =	sdelay $0x3  }
0x96: {  	_ =	strace s3  }
0x97: {  	_ =	strace $0x8FFFFFFF  }
0x98: {  	s19 =	sld [smem:$0x3FDB];
	_ =	sdelay $0x1  }
0x99: {  	s4 =	simm.s32 $_scs_section_size  }
0x9a: {  	s5 =	simm.s32 $_size__tile_overlayer_lowered;
	s6 =	simm.s32 $_tile_overlayer_lowered  }
0x9b: {  	s22 =	simm.s32 $0x1BFF;
	s21 =	sshll.u32 s6, $0x1;
	s3 =	sadd.s32 s4, s19  }
0x9c: {  	s7 =	simm.s32 $0x0;
	s20 =	sshll.u32 s5, $0x1;
	s5 =	sadd.s32 s21, s3  }
0x9d: {  	[timem:s7], [sflag:s22] =	dma.local [hbm:s5], s20  }
0x9e: {  	_ =	swait.ge [sflag:s22], s20  }
0x9f: {  	s4 =	ssub.s32 $0x0, s20;
	[sflag:s22] =	ssyncset.done $0x0  }
0xa0: {  	[sflag:s22] =	ssyncadd.s32 s4;
	_ =	sdelay $0x1  }
0xa1: {  	s23 =	simm.s32 $0x1B8B  }
0xa2: {  	_ =	swait.ge [sflag:s23], $0x1  }
0xa3: {  	[sflag:s23] =	ssyncset.done $0x0  }
0xa4: {  	s25 =	simm.s32 $0x1B8E;
	s24 =	sld [smem:$0x3FFE];
	[sflag:s23] =	ssyncadd.s32 $0xFFFFFFFF  }
0xa5: {  	s26 =	simm.s32 $execute0_lowered;
	[smem:$0x3FD2] =	sst s25  }
0xa6: {  	s5 =	sshll.u32 s26, $0x1;
	_ =	strace $0x80000052;
	[dreg:$0x1] =	wrdreg $0xFFFFFFFF  }
0xa7: {  	s28 =	simm.s32 $_size_execute0_lowered;
	s3 =	sadd.s32 s3, s5;
	[dreg:$0x0] =	wrdreg $0x0  }
0xa8: {  	s5 =	sshll.u32 s28, $0x1;
	[dreg:$0x2] =	wrdreg s3  }
0xa9: {  	[dreg:$0x3] =	wrdreg s5  }
0xaa: {  	[dreg:$0x4] =	wrdreg $0xC0  }
0xab: {  	_ =	task [dreg:s7], $0x5FFFF  }
0xac: {  	[dreg:$0x1] =	wrdreg $0xFFFFFFFF  }
0xad: {  	[dreg:$0x0] =	wrdreg $0x60  }
0xae: {  	[dreg:$0x2] =	wrdreg s24  }
0xaf: {  	[dreg:$0x3] =	wrdreg s2  }
0xb0: {  	[dreg:$0x4] =	wrdreg $0x0  }
0xb1: {  	[dreg:$0x5] =	wrdreg $0x9  }
0xb2: {  	_ =	task.clear_ibuf [dreg:s7], $0x6FFFF;
	_ =	strace $0x90000052  }
0xb3: {  	s29 =	simm.s32 $0x9;
	_ =	strace $0x80000054  }
0xb4: {  	_ =	swait.ge [sflag:s29], $0x1  }
0xb5: {  	[sflag:s29] =	ssyncadd.s32 $0xFFFFFFFF  }
0xb6: {  	_ =	strace $0x90000054  }
0xb7: {  	_ =	sfence  }
0xb8: {  	s30 =	sld [smem:$0x0];
	_ =	sdelay $0x2  }
0xb9: {  	s31 =	sshll.u32 s1, $0xD;
	s1 =	sshrl.u32 s1, $0x2  }
0xba: {  	s3 =	sand.u32 $0x4000, s31;
	s1 =	sadd.s32 s1, s30  }
0xbb: {  	s0 =	sor.u32 s3, s0;
	s1 =	sshll.u32 s1, $0x11  }
0xbc: {  	s0 =	sor.u32 s1, s0  }
0xbd: {  	s0 =	sadd.s32 $0x8F2B, s0  }
0xbe: {  	[sflag:s0] =	ssyncadd.remote.s32 $0x1  }
0xbf: {  	_ =	sfence.sel $0xFFFF  }
0xc0: {  	[dreg:$0x0] =	wrdreg $0xFFFFFFFF;
	(pc) =	sbr.abs _section_cstart, $3  }
0xc1: {  	[dreg:$0x1] =	wrdreg $0xFFFFFFFF  }
0xc2: {  	_ =	task.clear_ibuf [dreg:s7], $0x2FFFF;
	_ =	strace $0x9FFFFFFF  }
0xc3: {  	(tm) =	ssettm $0x7FFFFFFF  }
tec
execute0_lowered:
.L_overlay_start_1:
0x0: {  	(tag) =	ssettag $0x1  }
0x1: {  	s0 =	rddreg [dreg:$0x0]  }
0x2: {  	s2 =	rddreg [dreg:$0x1]  }
0x3: {  	s1 =	rddreg [dreg:$0x2];
	s4 =	srdreg.scid  }
0x4: {  	s3 =	simm.s32 $0x0;
	s22 =	stileid.u32;
	s28 =	simm.s32 $0x19000  }
0x5: {  	s29 =	simm.s32 $0x2;
	s30 =	simm.s32 $0x5;
	s31 =	simm.s32 $0x6  }
0x6: {  	s6 =	sand.u32 $0x1, s4;
	[smem:$0x7FF] =	sst s3;
	s7 =	smul.u32 $0x50000, s22  }
0x7: {  	s8 =	sadd.s32 $0x3400, s0;
	s12 =	smul.u32 $0x14000, s22;
	p0 =	seq.s32 s22, $0xF  }
0x8: {  	s4 =	sshll.u32 s6, $0x4;
	_ =	strace $0x80000053;
	s11 =	smul.u32 $0x13C000, s6  }
0x9: {  	s20 =	ssub.s32 $0x2, s6;
	s6 =	smul.u32 $0xA0, s6;
	s5 =	sor.u32 s22, s4  }
0xa: {  	s4 =	sadd.s32 $0xD400, s0;
	s0 =	sadd.s32 $0x34C00, s0;
	s10 =	sshrl.u32 s20, $0x1  }
0xb: {  	s7 =	sshrl.u32 s7, $0x2;
	s25 =	sadd.s32 $0x4000, s12;
	s14 =	sadd.s32 $0x8000, s12  }
0xc: {  	s18 =	sadd.s32 $0xC000, s12;
	s9 =	smul.u32 $0x500, s5;
	s13 =	ssub.s32 s20, s10  }
0xd: {  	s5 =	sadd.s32 s7, s1;
	s24 =	sadd.s32 s12, s11;
	s26 =	sadd.s32 s11, s25  }
0xe: {  	s16 =	sadd.s32 s11, s14;
	s20 =	smul.u32 $0xA, s22;
	s19 =	sadd.s32 s14, s1  }
0xf: {  	s7 =	sshrl.u32 s24, $0x3;
	s15 =	sshrl.u32 s26, $0x3;
	s17 =	sshrl.u32 s16, $0x3  }
0x10: {  	s16 =	sadd.s32 $0x10000, s12;
	s13 =	smax.u32 s13, $0x1;
	s21 =	sadd.s32 s2, s9  }
0x11: {  	s23 =	sadd.s32 s8, s9;
	s7 =	sadd.s32 s0, s7;
	[dreg:$0x4] =	wrdreg s21  }
0x12: {  	s9 =	sadd.s32 s0, s17;
	s6 =	sadd.s32 s20, s6;
	[dreg:$0x5] =	wrdreg s23  }
0x13: {  	s17 =	simm.s32 $0x7;
	s20 =	simm.s32 $0x80;
	[dreg:$0x6] =	wrdreg s7  }
0x14: {  	s7 =	sadd.s32 s0, s15;
	[dreg:$0x8] =	wrdreg s9;
	s15 =	sadd.s32 s11, s18  }
0x15: {  	s23 =	sadd.s32 s11, s16;
	s9 =	sadd.s32 s18, s1;
	s26 =	sshll.u32 s6, $0x7  }
0x16: {  	s6 =	sadd.s32 s16, s1;
	s16 =	simm.s32 $0x1D000;
	s18 =	simm.s32 $0x14000  }
0x17: {  	[dreg:$0x7] =	wrdreg s7;
	s7 =	sadd.s32 s25, s1;
	s21 =	sshrl.u32 s15, $0x3  }
0x18: {  	s25 =	sshrl.u32 s23, $0x3;
	s2 =	sadd.s32 s26, s2;
	s23 =	sshrl.u32 s19, $0x3  }
.Ltmp0:
0x19: {  	s24 =	sadd.s32 s0, s21;
	s0 =	sadd.s32 s0, s25;
	(pc) =	sbr.rel .LBB2_1-.Ltmp0, $4  }
0x1a: {  	s14 =	sadd.s32 $0x80, s2;
	s21 =	simm.s32 $0x15000;
	s22 =	sshrl.u32 s7, $0x3  }
0x1b: {  	s25 =	sshrl.u32 @!p0 s6, $0x3;
	s2 =	simm.s32 $0x4;
	[dreg:$0x9] =	wrdreg s24  }
0x1c: {  	[dreg:$0xa] =	wrdreg s0;
	s0 =	sadd.s32 s26, s8;
	s24 =	sshrl.u32 s9, $0x3  }
0x1d: {  	v0 =	vimm.f32 $0.0e+00;
	s26 =	simm.s32 $0x1;
	s15 =	sadd.s32 $0x80, s0;
	s0 =	simm.s32 $0x3  }
.LBB2_7:
0x1e: {  	s6 =	sadd.s32 $0x14B80, s8  }
0x1f: {  	[spmem:s1] =	stream.indirect.scatter.add.f32 [tilespmem:s28], [sflag:$0x6], $0x80, s6, s20, $0xb8;
	[tilespmem:$0x1D800] =	vst v63  }
.LBB2_9:
0x20: {  	_ =	swait.ge [sflag:s30], $0x4000  }
0x21: {  	[sflag:s30] =	ssyncset.done $0x0  }
0x22: {  	[sflag:s30] =	ssyncadd.s32 $0xFFFFC000  }
0x23: {  	_ =	swait.ge [sflag:s31], $0x4000  }
0x24: {  	[sflag:s31] =	ssyncset.done $0x0  }
0x25: {  	s6 =	stileid.u32;
	[sflag:s31] =	ssyncadd.s32 $0xFFFFC000  }
0x26: {  	s6 =	sshll.u32 s6, $0x6;
	[bflag:$0x0] =	sbarrier.arrive $0xFFFF  }
0x27: {  	s7 =	sshrl.u32 s5, $0x3;
	s6 =	sor.u32 $0x1C07, s6;
	s8 =	rddreg [dreg:$0x6]  }
0x28: {  	[hbm:s8], [sflag:s6] =	dma.local [spmem:s7], $0x800  }
0x29: {  	_ =	swait.ge [sflag:s17], $0x800  }
0x2a: {  	[sflag:s17] =	ssyncset.done $0x0  }
0x2b: {  	s11 =	rddreg [dreg:$0x7];
	[sflag:s17] =	ssyncadd.s32 $0xFFFFF800  }
0x2c: {  	[hbm:s11], [sflag:s6] =	dma.local [spmem:s22], $0x800  }
0x2d: {  	_ =	swait.ge [sflag:s17], $0x800  }
0x2e: {  	[sflag:s17] =	ssyncset.done $0x0  }
0x2f: {  	s12 =	rddreg [dreg:$0x8];
	[sflag:s17] =	ssyncadd.s32 $0xFFFFF800  }
0x30: {  	[hbm:s12], [sflag:s6] =	dma.local [spmem:s23], $0x800  }
0x31: {  	_ =	swait.ge [sflag:s17], $0x800  }
0x32: {  	[sflag:s17] =	ssyncset.done $0x0  }
0x33: {  	s19 =	rddreg [dreg:$0x9];
	[sflag:s17] =	ssyncadd.s32 $0xFFFFF800  }
0x34: {  	[hbm:s19], [sflag:s6] =	dma.local [spmem:s24], $0x800  }
0x35: {  	_ =	swait.ge [sflag:s17], $0x800  }
0x36: {  	s3 =	sadd.s32 $0x1, s3;
	[sflag:s17] =	ssyncset.done $0x0  }
0x37: {  	p1 =	sne.s32 s3, s13;
	s7 =	rddreg [dreg:$0xa];
	[sflag:s17] =	ssyncadd.s32 $0xFFFFF800  }
0x38: {  	[hbm:s7], [sflag:s6] =	dma.local @!p0 [spmem:s25], $0x800  }
.Ltmp1:
0x39: {  	_ = 	snop;
	(pc) =	sbr.rel @!p1 .LBB2_10-.Ltmp1, $4  }
0x3a: {  	s6 =	simm.s32 @!p0 $0x7  }
0x3b: {  	_ =	swait.ge @!p0 [sflag:s6], $0x800  }
0x3c: {  	[sflag:s6] =	ssyncset.done @!p0 $0x0  }
0x3d: {  	[sflag:s6] =	ssyncadd.s32 @!p0 $0xFFFFF800  }
.LBB2_1:
0x3e: {  	s6 =	simm.s32 $0x0;
	s7 =	simm.s32 $0x200  }
.LBB2_2:
0x3f: {  	p1 =	sne.s32 s7, $0x1E00;
	[tilespmem:s6+$0x1D070] =	vst v0  }
0x40: {  	[tilespmem:s6+$0x1D000] =	vst v0  }
0x41: {  	[tilespmem:s6+$0x1D010] =	vst v0  }
.Ltmp2:
0x42: {  	[tilespmem:s6+$0x1D020] =	vst v0;
	(pc) =	sbr.rel @p1 .LBB2_2-.Ltmp2, $4  }
0x43: {  	[tilespmem:s6+$0x1D030] =	vst v0  }
0x44: {  	[tilespmem:s6+$0x1D040] =	vst v0  }
0x45: {  	[tilespmem:s6+$0x1D050] =	vst v0  }
0x46: {  	[tilespmem:s6+$0x1D060] =	vst v0;
	s6 =	sshra.s32 s7, $0x2;
	s7 =	sadd.s32 $0x200, s7  }
0x47: {  	[tilespmem:s6+$0x1D070] =	vst v0  }
0x48: {  	[tilespmem:s6+$0x1D000] =	vst v0  }
0x49: {  	[tilespmem:s6+$0x1D010] =	vst v0  }
0x4a: {  	[tilespmem:s6+$0x1D020] =	vst v0  }
0x4b: {  	[tilespmem:s6+$0x1D030] =	vst v0  }
0x4c: {  	[tilespmem:s6+$0x1D040] =	vst v0  }
0x4d: {  	[tilespmem:s6+$0x1D050] =	vst v0  }
0x4e: {  	[tilespmem:s6+$0x1D060] =	vst v0;
	s19 =	sadd.s32 $0x0, s5  }
0x4f: {  	[spmem:s19] =	stream.linear.scatter [tilespmem:s16], [sflag:$0x7], $0x800, $0x38;
	[tilespmem:$0x1D800] =	vst v63  }
0x50: {  	s6 =	simm.s32 $0x2000;
	_ =	swait.ge [sflag:s17], $0x800  }
.LBB2_4:
0x51: {  	s7 =	sshra.s32 s6, $0x2;
	[sflag:s17] =	ssyncset.done $0x0;
	p1 =	sne.s32 s6, $0x4E000  }
.Ltmp3:
0x52: {  	s7 =	sadd.s32 s7, s5;
	[sflag:s17] =	ssyncadd.s32 $0xFFFFF800;
	(pc) =	sbr.rel @p1 .LBB2_4-.Ltmp3, $3  }
0x53: {  	[spmem:s7] =	stream.linear.scatter [tilespmem:s16], [sflag:$0x7], $0x800, $0x38;
	[tilespmem:$0x1D800] =	vst v63  }
0x54: {  	s6 =	sadd.s32 $0x2000, s6;
	_ =	sdelay $0x1  }
0x55: {  	_ =	swait.ge [sflag:s17], $0x800  }
0x56: {  	[sflag:s17] =	ssyncset.done $0x0  }
0x57: {  	[sflag:s17] =	ssyncadd.s32 $0xFFFFF800  }
0x58: {  	[bflag:$0x0] =	sbarrier.arrive $0xFFFF  }
0x59: {  	s19 =	simm.s32 $0x0;
	s6 =	rddreg [dreg:$0x4]  }
0x5a: {  	[tilespmem:s18], [sflag:$0x7] =	stream.linear.gather [hbm4b:s6+s19], $0x400, $0x38;
	[tilespmem:$0x1D800] =	vst v63  }
0x5b: {  	_ =	swait.ge [sflag:s17], $0x400  }
0x5c: {  	[sflag:s17] =	ssyncset.done $0x0  }
0x5d: {  	s7 =	simm.s32 $0x14800;
	s12 =	rddreg [dreg:$0x5];
	[sflag:s17] =	ssyncadd.s32 $0xFFFFFC00  }
0x5e: {  	[tilespmem:s7], [sflag:$0x7] =	stream.linear.gather [hbm4b:s12+s19], $0x400, $0x38;
	[tilespmem:$0x1D800] =	vst v63  }
0x5f: {  	_ =	swait.ge [sflag:s17], $0x400  }
0x60: {  	[sflag:s17] =	ssyncset.done $0x0  }
0x61: {  	s6 =	simm.s32 $0x1;
	s7 =	simm.s32 $0x0;
	[sflag:s17] =	ssyncadd.s32 $0xFFFFFC00  }
0x62: {  	[tilespmem:s21], [sflag:$0x1] =	stream.indirect.gather [hbm4b:s4+s20], $0x80, s18, s20, $0xb8;
	[tilespmem:$0x1D800] =	vst v63  }
.LBB2_6:
0x63: {  	_ =	swait.ge [sflag:s26], $0x4000  }
0x64: {  	p1 =	seq.s32 s19, $0x0;
	[sflag:s26] =	ssyncset.done $0x0  }
0x65: {  	s9 =	simm.s32 @!p1 $0x6;
	[sflag:s26] =	ssyncadd.s32 $0xFFFFC000  }
0x66: {  	s8 =	sshrl.u32 s7, $0x2;
	_ =	swait.ge @!p1 [sflag:s9], $0x4000  }
0x67: {  	s8 =	sand.u32 $0x400, s8;
	[sflag:s9] =	ssyncset.done @!p1 $0x0  }
0x68: {  	s11 =	sadd.s32 $0x14080, s8;
	[sflag:s9] =	ssyncadd.s32 @!p1 $0xFFFFC000  }
0x69: {  	[tilespmem:s28], [sflag:$0x2] =	stream.indirect.gather [hbm4b:s4+s20], $0x80, s11, s20, $0xb8;
	[tilespmem:$0x1D800] =	vst v63  }
0x6a: {  	s10 =	sshll.u32 s6, $0xA;
	s12 =	sor.u32 $0x14800, s8  }
0x6b: {  	[spmem:s1] =	stream.indirect.scatter.add.f32 [tilespmem:s21], [sflag:$0x5], $0x80, s12, s20, $0xb8;
	[tilespmem:$0x1D800] =	vst v63  }
0x6c: {  	s10 =	sand.u32 $0x400, s10;
	_ =	swait.ge [sflag:s29], $0x4000  }
0x6d: {  	s9 =	sor.u32 $0x14000, s10;
	p1 =	seq.s32 s19, $0x480;
	[sflag:s29] =	ssyncset.done $0x0  }
0x6e: {  	s11 =	sadd.s32 s19, s14;
	s12 =	simm.s32 @!p1 $0x0;
	[sflag:s29] =	ssyncadd.s32 $0xFFFFC000  }
0x6f: {  	[tilespmem:s9], [sflag:$0x3] =	stream.linear.gather @!p1 [hbm4b:s11+s12], $0x400, $0x38;
	[tilespmem:$0x1D800] =	vst v63  }
0x70: {  	s10 =	sor.u32 $0x14800, s10;
	s11 =	sadd.s32 s19, s15  }
0x71: {  	[tilespmem:s10], [sflag:$0x4] =	stream.linear.gather @!p1 [hbm4b:s11+s12], $0x400, $0x38;
	[tilespmem:$0x1D800] =	vst v63  }
0x72: {  	_ =	swait.ge [sflag:s30], $0x4000  }
0x73: {  	[sflag:s30] =	ssyncset.done $0x0  }
0x74: {  	s11 =	sadd.s32 $0x14100, s8;
	[sflag:s30] =	ssyncadd.s32 $0xFFFFC000  }
0x75: {  	[tilespmem:s21], [sflag:$0x1] =	stream.indirect.gather [hbm4b:s4+s20], $0x80, s11, s20, $0xb8;
	[tilespmem:$0x1D800] =	vst v63  }
0x76: {  	s12 =	sadd.s32 $0x14880, s8  }
0x77: {  	[spmem:s1] =	stream.indirect.scatter.add.f32 [tilespmem:s28], [sflag:$0x6], $0x80, s12, s20, $0xb8;
	[tilespmem:$0x1D800] =	vst v63  }
0x78: {  	_ =	swait.ge [sflag:s26], $0x4000  }
0x79: {  	[sflag:s26] =	ssyncset.done $0x0  }
0x7a: {  	[sflag:s26] =	ssyncadd.s32 $0xFFFFC000  }
0x7b: {  	_ =	swait.ge [sflag:s31], $0x4000  }
0x7c: {  	[sflag:s31] =	ssyncset.done $0x0  }
0x7d: {  	s11 =	sadd.s32 $0x14180, s8;
	[sflag:s31] =	ssyncadd.s32 $0xFFFFC000  }
0x7e: {  	[tilespmem:s28], [sflag:$0x2] =	stream.indirect.gather [hbm4b:s4+s20], $0x80, s11, s20, $0xb8;
	[tilespmem:$0x1D800] =	vst v63  }
0x7f: {  	s12 =	sadd.s32 $0x14900, s8  }
0x80: {  	[spmem:s1] =	stream.indirect.scatter.add.f32 [tilespmem:s21], [sflag:$0x5], $0x80, s12, s20, $0xb8;
	[tilespmem:$0x1D800] =	vst v63  }
0x81: {  	_ =	swait.ge [sflag:s29], $0x4000  }
0x82: {  	[sflag:s29] =	ssyncset.done $0x0  }
0x83: {  	[sflag:s29] =	ssyncadd.s32 $0xFFFFC000  }
0x84: {  	_ =	swait.ge [sflag:s30], $0x4000  }
0x85: {  	[sflag:s30] =	ssyncset.done $0x0  }
0x86: {  	s11 =	sadd.s32 $0x14200, s8;
	[sflag:s30] =	ssyncadd.s32 $0xFFFFC000  }
0x87: {  	[tilespmem:s21], [sflag:$0x1] =	stream.indirect.gather [hbm4b:s4+s20], $0x80, s11, s20, $0xb8;
	[tilespmem:$0x1D800] =	vst v63  }
0x88: {  	s12 =	sadd.s32 $0x14980, s8  }
0x89: {  	[spmem:s1] =	stream.indirect.scatter.add.f32 [tilespmem:s28], [sflag:$0x6], $0x80, s12, s20, $0xb8;
	[tilespmem:$0x1D800] =	vst v63  }
0x8a: {  	_ =	swait.ge [sflag:s26], $0x4000  }
0x8b: {  	[sflag:s26] =	ssyncset.done $0x0  }
0x8c: {  	[sflag:s26] =	ssyncadd.s32 $0xFFFFC000  }
0x8d: {  	_ =	swait.ge [sflag:s31], $0x4000  }
0x8e: {  	[sflag:s31] =	ssyncset.done $0x0  }
0x8f: {  	s11 =	sadd.s32 $0x14280, s8;
	[sflag:s31] =	ssyncadd.s32 $0xFFFFC000  }
0x90: {  	[tilespmem:s28], [sflag:$0x2] =	stream.indirect.gather [hbm4b:s4+s20], $0x80, s11, s20, $0xb8;
	[tilespmem:$0x1D800] =	vst v63  }
0x91: {  	s12 =	sadd.s32 $0x14A00, s8  }
0x92: {  	[spmem:s1] =	stream.indirect.scatter.add.f32 [tilespmem:s21], [sflag:$0x5], $0x80, s12, s20, $0xb8;
	[tilespmem:$0x1D800] =	vst v63  }
0x93: {  	_ =	swait.ge [sflag:s29], $0x4000  }
0x94: {  	[sflag:s29] =	ssyncset.done $0x0  }
0x95: {  	[sflag:s29] =	ssyncadd.s32 $0xFFFFC000  }
0x96: {  	_ =	swait.ge [sflag:s30], $0x4000  }
0x97: {  	[sflag:s30] =	ssyncset.done $0x0  }
0x98: {  	s11 =	sadd.s32 $0x14300, s8;
	[sflag:s30] =	ssyncadd.s32 $0xFFFFC000  }
0x99: {  	[tilespmem:s21], [sflag:$0x1] =	stream.indirect.gather [hbm4b:s4+s20], $0x80, s11, s20, $0xb8;
	[tilespmem:$0x1D800] =	vst v63  }
0x9a: {  	s12 =	sadd.s32 $0x14A80, s8  }
0x9b: {  	[spmem:s1] =	stream.indirect.scatter.add.f32 [tilespmem:s28], [sflag:$0x6], $0x80, s12, s20, $0xb8;
	[tilespmem:$0x1D800] =	vst v63  }
0x9c: {  	_ =	swait.ge [sflag:s26], $0x4000  }
0x9d: {  	[sflag:s26] =	ssyncset.done $0x0  }
0x9e: {  	[sflag:s26] =	ssyncadd.s32 $0xFFFFC000  }
0x9f: {  	_ =	swait.ge [sflag:s31], $0x4000  }
0xa0: {  	[sflag:s31] =	ssyncset.done $0x0  }
0xa1: {  	p1 =	sne.s32 s19, $0x480;
	s11 =	sadd.s32 $0x14380, s8;
	[sflag:s31] =	ssyncadd.s32 $0xFFFFC000  }
0xa2: {  	[tilespmem:s28], [sflag:$0x2] =	stream.indirect.gather [hbm4b:s4+s20], $0x80, s11, s20, $0xb8;
	[tilespmem:$0x1D800] =	vst v63  }
.Ltmp4:
0xa3: {  	s12 =	sadd.s32 $0x14B00, s8;
	(pc) =	sbr.rel @!p1 .LBB2_7-.Ltmp4, $4  }
0xa4: {  	[spmem:s1] =	stream.indirect.scatter.add.f32 [tilespmem:s21], [sflag:$0x5], $0x80, s12, s20, $0xb8;
	[tilespmem:$0x1D800] =	vst v63  }
0xa5: {  	_ =	swait.ge [sflag:s29], $0x4000  }
0xa6: {  	[sflag:s29] =	ssyncset.done $0x0  }
0xa7: {  	[sflag:s29] =	ssyncadd.s32 $0xFFFFC000  }
0xa8: {  	_ =	swait.ge [sflag:s30], $0x4000  }
0xa9: {  	[sflag:s30] =	ssyncset.done $0x0  }
0xaa: {  	[sflag:s30] =	ssyncadd.s32 $0xFFFFC000  }
0xab: {  	_ =	swait.ge [sflag:s0], $0x400  }
0xac: {  	[sflag:s0] =	ssyncset.done $0x0  }
0xad: {  	s19 =	sadd.s32 $0x80, s19;
	[sflag:s0] =	ssyncadd.s32 $0xFFFFFC00  }
0xae: {  	p1 =	sne.s32 s19, $0x500;
	_ =	swait.ge [sflag:s2], $0x400  }
.Ltmp5:
0xaf: {  	[sflag:s2] =	ssyncset.done $0x0;
	(pc) =	sbr.rel @p1 .LBB2_6-.Ltmp5, $4  }
.Ltmp6:
0xb0: {  	[sflag:s2] =	ssyncadd.s32 $0xFFFFFC00;
	(pc) =	sbr.rel @!p1 .LBB2_9-.Ltmp6, $4  }
0xb1: {  	[tilespmem:s21], [sflag:$0x1] =	stream.indirect.gather [hbm4b:s4+s20], $0x80, s9, s20, $0xb8;
	[tilespmem:$0x1D800] =	vst v63  }
0xb2: {  	s8 =	sadd.s32 $0x14B80, s8;
	s7 =	sadd.s32 $0x1000, s7;
	s6 =	sadd.s32 $0x1, s6  }
0xb3: {  	[spmem:s1] =	stream.indirect.scatter.add.f32 [tilespmem:s28], [sflag:$0x6], $0x80, s8, s20, $0xb8;
	[tilespmem:$0x1D800] =	vst v63  }
0xb4: {  	_ = 	snop  }
.LBB2_10:
0xb5: {  	_ =	sfence.sel $0x180000  }
0xb6: {  	[bflag:$0x0] =	sbarrier.arrive $0xFFFF  }
0xb7: {  	_ =	strace $0x90000053  }
0xb8: {  	s0 =	stileid.u32;
	[bflag:$0x2] =	sbarrier.arrive $0xFFFF  }
0xb9: {  	p0 =	sne.s32 s0, $0x0;
	s0 =	rddreg [dreg:$0x3]  }
0xba: {  	s0 =	sadd.s32 @!p0 $0x100000, s0  }
0xbb: {  	[sflag:s0] =	ssyncadd.tile.s32 @!p0 $0x1;
	_ =	shalt  }
.Lfunc_end2:
_tile_overlayer_lowered:
.L_overlay_start_2:
0xbc: {  	(tag) =	ssettag $0x2  }
0xbd: {  	s0 =	rddreg [dreg:$0x0];
	s2 =	stileid.u32  }
0xbe: {  	s1 =	rddreg [dreg:$0x1];
	p0 =	sne.s32 s2, $0x0  }
0xbf: {  	s3 =	rddreg [dreg:$0x2];
	[bflag:$0x3] =	sbarrier.arrive $0xFFFF;
	s2 =	simm.s32 @!p0 $0x1C07  }
0xc0: {  	[timem:s3], [sflag:s2] =	dma.local @!p0 [hbm:s0], s1  }
0xc1: {  	s0 =	simm.s32 @!p0 $0x7  }
0xc2: {  	_ =	swait.ge @!p0 [sflag:s0], s1  }
0xc3: {  	s1 =	ssub.s32 @!p0 $0x0, s1;
	[sflag:s0] =	ssyncset.done @!p0 $0x0  }
0xc4: {  	[sflag:s0] =	ssyncadd.s32 @!p0 s1  }
0xc5: {  	[bflag:$0x3] =	sbarrier.arrive $0xFFFF  }
0xc6: {  	_ =	shalt  }

</sc_bundles>
